<compile_context>
chip_gen: v7x
topology: tpu7x:2x2x1
jax: 0.10.2.dev20260603
libtpu: 0.0.44.dev20260713+nightly
codegen_flags: <defaults>
</compile_context>

<pallas_src>
import functools

import jax
import jax.numpy as jnp
from jax import lax
from jax.experimental import pallas as pl
from jax.experimental.pallas import tpu as pltpu
from jax.experimental.pallas import tpu_sc as plsc

B = 16384
L = 200
DIM = 128
VOCAB = 10

B_SC = 4096
B_TC = B - B_SC
RB = 512

NC = 2
NS = 16
NW = NC * NS
ROWS_W = B_SC // NW
RCH = 64
NRCH = ROWS_W // RCH
LANES = 16
RUN = 2
OFFS = tuple(range(0, L - LANES + 1, LANES)) + (L - LANES,)


def _lookup16(iv, sv):
    b0 = (iv & 1) != 0
    b1 = (iv & 2) != 0
    b2 = (iv & 4) != 0
    b3 = (iv & 8) != 0
    t01 = jnp.where(b0, sv[1], sv[0])
    t23 = jnp.where(b0, sv[3], sv[2])
    t45 = jnp.where(b0, sv[5], sv[4])
    t67 = jnp.where(b0, sv[7], sv[6])
    t89 = jnp.where(b0, sv[9], sv[8])
    u0 = jnp.where(b1, t23, t01)
    u1 = jnp.where(b1, t67, t45)
    v0 = jnp.where(b2, u1, u0)
    return jnp.where(b3, t89, v0)


def _sc_body(idx_hbm, tabT_hbm, w_hbm, b_hbm, out_hbm,
             idx0_v, idx1_v, out0_v, out1_v, tabT_v, w_v, b_v,
             isem0, isem1, osem0, osem1):
    pltpu.sync_copy(tabT_hbm, tabT_v)
    pltpu.sync_copy(w_hbm, w_v)
    pltpu.sync_copy(b_hbm, b_v)

    scores = b_v[...]
    for c in range(DIM):
        scores = scores + tabT_v[c, :] * w_v[c, :]
    sv = [jnp.broadcast_to(scores[v], (LANES,)) for v in range(VOCAB)]

    wid = lax.axis_index("s") * NC + lax.axis_index("c")
    row0 = wid * ROWS_W

    ibuf = (idx0_v, idx1_v)
    obuf = (out0_v, out1_v)
    isem = (isem0, isem1)
    osem = (osem0, osem1)

    def start_in(ci, s):
        r0 = row0 + ci * RCH
        return pltpu.async_copy(idx_hbm.at[pl.ds(r0, RCH), :], ibuf[s], isem[s])

    def start_out(ci, s):
        r0 = row0 + ci * RCH
        return pltpu.async_copy(obuf[s], out_hbm.at[pl.ds(r0, RCH), :], osem[s])

    in_cp = {0: start_in(0, 0)}
    out_cp = {}
    for ci in range(NRCH):
        s = ci & 1
        in_cp[ci].wait()
        if ci + 1 < NRCH:
            in_cp[ci + 1] = start_in(ci + 1, 1 - s)
        if ci >= 2:
            out_cp[ci - 2].wait()
        idx_v, out_v = ibuf[s], obuf[s]

        def run_body(r2, c2, idx_v=idx_v, out_v=out_v):
            for rr in range(RUN):
                r = r2 * RUN + rr
                for off in OFFS:
                    iv = idx_v[r, pl.ds(off, LANES)]
                    out_v[r, pl.ds(off, LANES)] = _lookup16(iv, sv)
            return c2

        lax.fori_loop(0, RCH // RUN, run_body, 0)
        out_cp[ci] = start_out(ci, s)
    out_cp[NRCH - 2].wait()
    out_cp[NRCH - 1].wait()


_sc_call = functools.partial(
    pl.kernel,
    out_type=jax.ShapeDtypeStruct((B_SC, L), jnp.float32),
    compiler_params=pltpu.CompilerParams(use_tc_tiling_on_sc=True),
    mesh=plsc.VectorSubcoreMesh(core_axis_name="c", subcore_axis_name="s"),
    scratch_types=[
        pltpu.VMEM((RCH, L), jnp.int32),
        pltpu.VMEM((RCH, L), jnp.int32),
        pltpu.VMEM((RCH, L), jnp.float32),
        pltpu.VMEM((RCH, L), jnp.float32),
        pltpu.VMEM((DIM, LANES), jnp.float32),
        pltpu.VMEM((DIM, LANES), jnp.float32),
        pltpu.VMEM((LANES,), jnp.float32),
        pltpu.SemaphoreType.DMA,
        pltpu.SemaphoreType.DMA,
        pltpu.SemaphoreType.DMA,
        pltpu.SemaphoreType.DMA,
    ],
)(_sc_body)


def _tc_body(idx_ref, tab_ref, w_ref, b_ref, out_ref):
    scores = jnp.sum(tab_ref[...] * w_ref[...], axis=1) + b_ref[0, 0]
    sv = [scores[v] for v in range(VOCAB)]
    out_ref[...] = _lookup16(idx_ref[...], sv)


_tc_call = pl.pallas_call(
    _tc_body,
    grid=(B_TC // RB,),
    in_specs=[
        pl.BlockSpec((RB, L), lambda i: (i + B_SC // RB, 0)),
        pl.BlockSpec((VOCAB, DIM), lambda i: (0, 0)),
        pl.BlockSpec((1, DIM), lambda i: (0, 0)),
        pl.BlockSpec((1, 1), lambda i: (0, 0)),
    ],
    out_specs=pl.BlockSpec((RB, L), lambda i: (i + B_SC // RB, 0)),
    out_shape=jax.ShapeDtypeStruct((B, L), jnp.float32),
)


def kernel(input, table, W, b):
    idx = input.astype(jnp.int32)
    tabT = jnp.pad(table.T, ((0, 0), (0, LANES - VOCAB)))
    w16 = jnp.broadcast_to(W.reshape(DIM, 1), (DIM, LANES))
    b16 = jnp.broadcast_to(b, (LANES,))
    sc_out = _sc_call(idx, tabT, w16, b16)
    tc_out = _tc_call(idx, table, W, b.reshape(1, 1))
    out = lax.dynamic_update_slice(tc_out, sc_out, (0, 0))
    return out.reshape(B, L, 1)

# --- scband reference (transcript-rebuilt; emitter-appended) ---
"""Pipeline reference for scband-embedding-network1-55336358641843 (READ-ONLY COPY).

The authoritative reference and input builder live on the scoring server;
editing this copy changes nothing except your own understanding.
"""

import jax, jax.numpy as jnp
import numpy as np

VOCAB = 10
DIM = 128

def setup_inputs(seed: int = 0) -> dict:
    key = jax.random.key(seed)
    k1, k2, k3, k4 = jax.random.split(key, 4)
    idx = jax.random.randint(k1, (16384, 200), 0, VOCAB, dtype=jnp.int64)
    table = jax.random.normal(k2, (VOCAB, DIM), dtype=jnp.float32)
    # nn.Linear(dim, 1): weight [1, dim], bias [1]
    W = jax.random.normal(k3, (1, DIM), dtype=jnp.float32) * (1.0 / np.sqrt(DIM))
    b = jax.random.normal(k4, (1,), dtype=jnp.float32) * 0.01
    return {"input": idx, "table": table, "W": W, "b": b}

def reference(input, table, W, b):
    # seq = Sequential(Embedding(10, dim), Linear(dim, 1))
    emb = jnp.take(table, input, axis=0)          # [B, L, dim]
    out = emb @ W.T + b                            # [B, L, 1]
    return out

if __name__ == "__main__":
    import jax
    _d = setup_inputs()
    print(jax.jit(kernel)(*tuple(_d.values())))

</pallas_src>

<mosaic_0001>
#map = affine_map<(d0, d1) -> (0, 0)>
#map1 = affine_map<(d0, d1) -> (0)>
module attributes {stable_mosaic.version = 14 : i64} {
  func.func @_sc_body(%arg0: i32, %arg1: i32, %arg2: memref<16384x200xi32, #tpu.memory_space<hbm>>, %arg3: memref<128x16xf32, #tpu.memory_space<hbm>>, %arg4: memref<128x16xf32, #tpu.memory_space<hbm>>, %arg5: memref<16xf32, #tpu.memory_space<hbm>>, %arg6: memref<4096x200xf32, #tpu.memory_space<hbm>>, %arg7: memref<64x200xi32, #tpu.memory_space<vmem>>, %arg8: memref<64x200xi32, #tpu.memory_space<vmem>>, %arg9: memref<64x200xf32, #tpu.memory_space<vmem>>, %arg10: memref<64x200xf32, #tpu.memory_space<vmem>>, %arg11: memref<128x16xf32, #tpu.memory_space<vmem>>, %arg12: memref<128x16xf32, #tpu.memory_space<vmem>>, %arg13: memref<16xf32, #tpu.memory_space<vmem>>, %arg14: memref<!tpu.dma_semaphore, #tpu.memory_space<semaphore_mem>>, %arg15: memref<!tpu.dma_semaphore, #tpu.memory_space<semaphore_mem>>, %arg16: memref<!tpu.dma_semaphore, #tpu.memory_space<semaphore_mem>>, %arg17: memref<!tpu.dma_semaphore, #tpu.memory_space<semaphore_mem>>) attributes {dimension_semantics = [#tpu.dimension_semantics<core_parallel>, #tpu.dimension_semantics<subcore_parallel>], iteration_bounds = array<i64: 2, 16>, scalar_prefetch = 0 : i64, scratch_operands = 11 : i64, tpu.core_type = #tpu.core_type<sc_vector_subcore>, window_params = [{transform_indices = #map}, {transform_indices = #map}, {transform_indices = #map}, {transform_indices = #map1}, {transform_indices = #map}]} {
    "tpu.region"() ({
      %run_scoped3A = tpu.sem_alloc : memref<!tpu.dma_semaphore, #tpu.memory_space<semaphore_mem>>
      tpu.enqueue_dma source(%arg3 : memref<128x16xf32, #tpu.memory_space<hbm>>) target(%arg11 : memref<128x16xf32, #tpu.memory_space<vmem>>) target_semaphore(%run_scoped3A : memref<!tpu.dma_semaphore, #tpu.memory_space<semaphore_mem>>)
      tpu.wait_dma2 semaphore(%run_scoped3A : memref<!tpu.dma_semaphore, #tpu.memory_space<semaphore_mem>>) src(%arg3 : memref<128x16xf32, #tpu.memory_space<hbm>>) dst(%arg11 : memref<128x16xf32, #tpu.memory_space<vmem>>)
      tpu.yield
    }) : () -> ()
    "tpu.region"() ({
      %run_scoped3A = tpu.sem_alloc : memref<!tpu.dma_semaphore, #tpu.memory_space<semaphore_mem>>
      tpu.enqueue_dma source(%arg4 : memref<128x16xf32, #tpu.memory_space<hbm>>) target(%arg12 : memref<128x16xf32, #tpu.memory_space<vmem>>) target_semaphore(%run_scoped3A : memref<!tpu.dma_semaphore, #tpu.memory_space<semaphore_mem>>)
      tpu.wait_dma2 semaphore(%run_scoped3A : memref<!tpu.dma_semaphore, #tpu.memory_space<semaphore_mem>>) src(%arg4 : memref<128x16xf32, #tpu.memory_space<hbm>>) dst(%arg12 : memref<128x16xf32, #tpu.memory_space<vmem>>)
      tpu.yield
    }) : () -> ()
    "tpu.region"() ({
      %run_scoped3A = tpu.sem_alloc : memref<!tpu.dma_semaphore, #tpu.memory_space<semaphore_mem>>
      tpu.enqueue_dma source(%arg5 : memref<16xf32, #tpu.memory_space<hbm>>) target(%arg13 : memref<16xf32, #tpu.memory_space<vmem>>) target_semaphore(%run_scoped3A : memref<!tpu.dma_semaphore, #tpu.memory_space<semaphore_mem>>)
      tpu.wait_dma2 semaphore(%run_scoped3A : memref<!tpu.dma_semaphore, #tpu.memory_space<semaphore_mem>>) src(%arg5 : memref<16xf32, #tpu.memory_space<hbm>>) dst(%arg13 : memref<16xf32, #tpu.memory_space<vmem>>)
      tpu.yield
    }) : () -> ()
    %get3A = arith.constant 0 : index
    %get3A_0 = tpu.vector_load %arg13[%get3A] {strides = array<i32>} : memref<16xf32, #tpu.memory_space<vmem>>, vector<16xf32>,
    %get3A_1 = vector.shape_cast %get3A_0 : vector<16xf32> to vector<16xf32>
    %get3A_2 = arith.constant 0 : i32
    %get3A_3 = arith.index_cast %get3A_2 : i32 to index
    %get3A_4 = arith.constant 0 : index
    %get3A_5 = tpu.vector_load %arg11[%get3A_3, %get3A_4] {strides = array<i32>} : memref<128x16xf32, #tpu.memory_space<vmem>>, vector<1x16xf32>,
    %get3A_6 = vector.shape_cast %get3A_5 : vector<1x16xf32> to vector<16xf32>
    %get3A_7 = arith.constant 0 : i32
    %get3A_8 = arith.index_cast %get3A_7 : i32 to index
    %get3A_9 = arith.constant 0 : index
    %get3A_10 = tpu.vector_load %arg12[%get3A_8, %get3A_9] {strides = array<i32>} : memref<128x16xf32, #tpu.memory_space<vmem>>, vector<1x16xf32>,
    %get3A_11 = vector.shape_cast %get3A_10 : vector<1x16xf32> to vector<16xf32>
    %mul3A = arith.mulf %get3A_6, %get3A_11 : vector<16xf32>
    %add3A = arith.addf %get3A_1, %mul3A : vector<16xf32>
    %get3A_12 = arith.constant 1 : i32
    %get3A_13 = arith.index_cast %get3A_12 : i32 to index
    %get3A_14 = arith.constant 0 : index
    %get3A_15 = tpu.vector_load %arg11[%get3A_13, %get3A_14] {strides = array<i32>} : memref<128x16xf32, #tpu.memory_space<vmem>>, vector<1x16xf32>,
    %get3A_16 = vector.shape_cast %get3A_15 : vector<1x16xf32> to vector<16xf32>
    %get3A_17 = arith.constant 1 : i32
    %get3A_18 = arith.index_cast %get3A_17 : i32 to index
    %get3A_19 = arith.constant 0 : index
    %get3A_20 = tpu.vector_load %arg12[%get3A_18, %get3A_19] {strides = array<i32>} : memref<128x16xf32, #tpu.memory_space<vmem>>, vector<1x16xf32>,
    %get3A_21 = vector.shape_cast %get3A_20 : vector<1x16xf32> to vector<16xf32>
    %mul3A_22 = arith.mulf %get3A_16, %get3A_21 : vector<16xf32>
    %add3A_23 = arith.addf %add3A, %mul3A_22 : vector<16xf32>
    %get3A_24 = arith.constant 2 : i32
    %get3A_25 = arith.index_cast %get3A_24 : i32 to index
    %get3A_26 = arith.constant 0 : index
    %get3A_27 = tpu.vector_load %arg11[%get3A_25, %get3A_26] {strides = array<i32>} : memref<128x16xf32, #tpu.memory_space<vmem>>, vector<1x16xf32>,
    %get3A_28 = vector.shape_cast %get3A_27 : vector<1x16xf32> to vector<16xf32>
    %get3A_29 = arith.constant 2 : i32
    %get3A_30 = arith.index_cast %get3A_29 : i32 to index
    %get3A_31 = arith.constant 0 : index
    %get3A_32 = tpu.vector_load %arg12[%get3A_30, %get3A_31] {strides = array<i32>} : memref<128x16xf32, #tpu.memory_space<vmem>>, vector<1x16xf32>,
    %get3A_33 = vector.shape_cast %get3A_32 : vector<1x16xf32> to vector<16xf32>
    %mul3A_34 = arith.mulf %get3A_28, %get3A_33 : vector<16xf32>
    %add3A_35 = arith.addf %add3A_23, %mul3A_34 : vector<16xf32>
    %get3A_36 = arith.constant 3 : i32
    %get3A_37 = arith.index_cast %get3A_36 : i32 to index
    %get3A_38 = arith.constant 0 : index
    %get3A_39 = tpu.vector_load %arg11[%get3A_37, %get3A_38] {strides = array<i32>} : memref<128x16xf32, #tpu.memory_space<vmem>>, vector<1x16xf32>,
    %get3A_40 = vector.shape_cast %get3A_39 : vector<1x16xf32> to vector<16xf32>
    %get3A_41 = arith.constant 3 : i32
    %get3A_42 = arith.index_cast %get3A_41 : i32 to index
    %get3A_43 = arith.constant 0 : index
    %get3A_44 = tpu.vector_load %arg12[%get3A_42, %get3A_43] {strides = array<i32>} : memref<128x16xf32, #tpu.memory_space<vmem>>, vector<1x16xf32>,
    %get3A_45 = vector.shape_cast %get3A_44 : vector<1x16xf32> to vector<16xf32>
    %mul3A_46 = arith.mulf %get3A_40, %get3A_45 : vector<16xf32>
    %add3A_47 = arith.addf %add3A_35, %mul3A_46 : vector<16xf32>
    %get3A_48 = arith.constant 4 : i32
    %get3A_49 = arith.index_cast %get3A_48 : i32 to index
    %get3A_50 = arith.constant 0 : index
    %get3A_51 = tpu.vector_load %arg11[%get3A_49, %get3A_50] {strides = array<i32>} : memref<128x16xf32, #tpu.memory_space<vmem>>, vector<1x16xf32>,
    %get3A_52 = vector.shape_cast %get3A_51 : vector<1x16xf32> to vector<16xf32>
    %get3A_53 = arith.constant 4 : i32
    %get3A_54 = arith.index_cast %get3A_53 : i32 to index
    %get3A_55 = arith.constant 0 : index
    %get3A_56 = tpu.vector_load %arg12[%get3A_54, %get3A_55] {strides = array<i32>} : memref<128x16xf32, #tpu.memory_space<vmem>>, vector<1x16xf32>,
    %get3A_57 = vector.shape_cast %get3A_56 : vector<1x16xf32> to vector<16xf32>
    %mul3A_58 = arith.mulf %get3A_52, %get3A_57 : vector<16xf32>
    %add3A_59 = arith.addf %add3A_47, %mul3A_58 : vector<16xf32>
    %get3A_60 = arith.constant 5 : i32
    %get3A_61 = arith.index_cast %get3A_60 : i32 to index
    %get3A_62 = arith.constant 0 : index
    %get3A_63 = tpu.vector_load %arg11[%get3A_61, %get3A_62] {strides = array<i32>} : memref<128x16xf32, #tpu.memory_space<vmem>>, vector<1x16xf32>,
    %get3A_64 = vector.shape_cast %get3A_63 : vector<1x16xf32> to vector<16xf32>
    %get3A_65 = arith.constant 5 : i32
    %get3A_66 = arith.index_cast %get3A_65 : i32 to index
    %get3A_67 = arith.constant 0 : index
    %get3A_68 = tpu.vector_load %arg12[%get3A_66, %get3A_67] {strides = array<i32>} : memref<128x16xf32, #tpu.memory_space<vmem>>, vector<1x16xf32>,
    %get3A_69 = vector.shape_cast %get3A_68 : vector<1x16xf32> to vector<16xf32>
    %mul3A_70 = arith.mulf %get3A_64, %get3A_69 : vector<16xf32>
    %add3A_71 = arith.addf %add3A_59, %mul3A_70 : vector<16xf32>
    %get3A_72 = arith.constant 6 : i32
    %get3A_73 = arith.index_cast %get3A_72 : i32 to index
    %get3A_74 = arith.constant 0 : index
    %get3A_75 = tpu.vector_load %arg11[%get3A_73, %get3A_74] {strides = array<i32>} : memref<128x16xf32, #tpu.memory_space<vmem>>, vector<1x16xf32>,
    %get3A_76 = vector.shape_cast %get3A_75 : vector<1x16xf32> to vector<16xf32>
    %get3A_77 = arith.constant 6 : i32
    %get3A_78 = arith.index_cast %get3A_77 : i32 to index
    %get3A_79 = arith.constant 0 : index
    %get3A_80 = tpu.vector_load %arg12[%get3A_78, %get3A_79] {strides = array<i32>} : memref<128x16xf32, #tpu.memory_space<vmem>>, vector<1x16xf32>,
    %get3A_81 = vector.shape_cast %get3A_80 : vector<1x16xf32> to vector<16xf32>
    %mul3A_82 = arith.mulf %get3A_76, %get3A_81 : vector<16xf32>
    %add3A_83 = arith.addf %add3A_71, %mul3A_82 : vector<16xf32>
    %get3A_84 = arith.constant 7 : i32
    %get3A_85 = arith.index_cast %get3A_84 : i32 to index
    %get3A_86 = arith.constant 0 : index
    %get3A_87 = tpu.vector_load %arg11[%get3A_85, %get3A_86] {strides = array<i32>} : memref<128x16xf32, #tpu.memory_space<vmem>>, vector<1x16xf32>,
    %get3A_88 = vector.shape_cast %get3A_87 : vector<1x16xf32> to vector<16xf32>
    %get3A_89 = arith.constant 7 : i32
    %get3A_90 = arith.index_cast %get3A_89 : i32 to index
    %get3A_91 = arith.constant 0 : index
    %get3A_92 = tpu.vector_load %arg12[%get3A_90, %get3A_91] {strides = array<i32>} : memref<128x16xf32, #tpu.memory_space<vmem>>, vector<1x16xf32>,
    %get3A_93 = vector.shape_cast %get3A_92 : vector<1x16xf32> to vector<16xf32>
    %mul3A_94 = arith.mulf %get3A_88, %get3A_93 : vector<16xf32>
    %add3A_95 = arith.addf %add3A_83, %mul3A_94 : vector<16xf32>
    %get3A_96 = arith.constant 8 : i32
    %get3A_97 = arith.index_cast %get3A_96 : i32 to index
    %get3A_98 = arith.constant 0 : index
    %get3A_99 = tpu.vector_load %arg11[%get3A_97, %get3A_98] {strides = array<i32>} : memref<128x16xf32, #tpu.memory_space<vmem>>, vector<1x16xf32>,
    %get3A_100 = vector.shape_cast %get3A_99 : vector<1x16xf32> to vector<16xf32>
    %get3A_101 = arith.constant 8 : i32
    %get3A_102 = arith.index_cast %get3A_101 : i32 to index
    %get3A_103 = arith.constant 0 : index
    %get3A_104 = tpu.vector_load %arg12[%get3A_102, %get3A_103] {strides = array<i32>} : memref<128x16xf32, #tpu.memory_space<vmem>>, vector<1x16xf32>,
    %get3A_105 = vector.shape_cast %get3A_104 : vector<1x16xf32> to vector<16xf32>
    %mul3A_106 = arith.mulf %get3A_100, %get3A_105 : vector<16xf32>
    %add3A_107 = arith.addf %add3A_95, %mul3A_106 : vector<16xf32>
    %get3A_108 = arith.constant 9 : i32
    %get3A_109 = arith.index_cast %get3A_108 : i32 to index
    %get3A_110 = arith.constant 0 : index
    %get3A_111 = tpu.vector_load %arg11[%get3A_109, %get3A_110] {strides = array<i32>} : memref<128x16xf32, #tpu.memory_space<vmem>>, vector<1x16xf32>,
    %get3A_112 = vector.shape_cast %get3A_111 : vector<1x16xf32> to vector<16xf32>
    %get3A_113 = arith.constant 9 : i32
    %get3A_114 = arith.index_cast %get3A_113 : i32 to index
    %get3A_115 = arith.constant 0 : index
    %get3A_116 = tpu.vector_load %arg12[%get3A_114, %get3A_115] {strides = array<i32>} : memref<128x16xf32, #tpu.memory_space<vmem>>, vector<1x16xf32>,
    %get3A_117 = vector.shape_cast %get3A_116 : vector<1x16xf32> to vector<16xf32>
    %mul3A_118 = arith.mulf %get3A_112, %get3A_117 : vector<16xf32>
    %add3A_119 = arith.addf %add3A_107, %mul3A_118 : vector<16xf32>
    %get3A_120 = arith.constant 10 : i32
    %get3A_121 = arith.index_cast %get3A_120 : i32 to index
    %get3A_122 = arith.constant 0 : index
    %get3A_123 = tpu.vector_load %arg11[%get3A_121, %get3A_122] {strides = array<i32>} : memref<128x16xf32, #tpu.memory_space<vmem>>, vector<1x16xf32>,
    %get3A_124 = vector.shape_cast %get3A_123 : vector<1x16xf32> to vector<16xf32>
    %get3A_125 = arith.constant 10 : i32
    %get3A_126 = arith.index_cast %get3A_125 : i32 to index
    %get3A_127 = arith.constant 0 : index
    %get3A_128 = tpu.vector_load %arg12[%get3A_126, %get3A_127] {strides = array<i32>} : memref<128x16xf32, #tpu.memory_space<vmem>>, vector<1x16xf32>,
    %get3A_129 = vector.shape_cast %get3A_128 : vector<1x16xf32> to vector<16xf32>
    %mul3A_130 = arith.mulf %get3A_124, %get3A_129 : vector<16xf32>
    %add3A_131 = arith.addf %add3A_119, %mul3A_130 : vector<16xf32>
    %get3A_132 = arith.constant 11 : i32
    %get3A_133 = arith.index_cast %get3A_132 : i32 to index
    %get3A_134 = arith.constant 0 : index
    %get3A_135 = tpu.vector_load %arg11[%get3A_133, %get3A_134] {strides = array<i32>} : memref<128x16xf32, #tpu.memory_space<vmem>>, vector<1x16xf32>,
    %get3A_136 = vector.shape_cast %get3A_135 : vector<1x16xf32> to vector<16xf32>
    %get3A_137 = arith.constant 11 : i32
    %get3A_138 = arith.index_cast %get3A_137 : i32 to index
    %get3A_139 = arith.constant 0 : index
    %get3A_140 = tpu.vector_load %arg12[%get3A_138, %get3A_139] {strides = array<i32>} : memref<128x16xf32, #tpu.memory_space<vmem>>, vector<1x16xf32>,
    %get3A_141 = vector.shape_cast %get3A_140 : vector<1x16xf32> to vector<16xf32>
    %mul3A_142 = arith.mulf %get3A_136, %get3A_141 : vector<16xf32>
    %add3A_143 = arith.addf %add3A_131, %mul3A_142 : vector<16xf32>
    %get3A_144 = arith.constant 12 : i32
    %get3A_145 = arith.index_cast %get3A_144 : i32 to index
    %get3A_146 = arith.constant 0 : index
    %get3A_147 = tpu.vector_load %arg11[%get3A_145, %get3A_146] {strides = array<i32>} : memref<128x16xf32, #tpu.memory_space<vmem>>, vector<1x16xf32>,
    %get3A_148 = vector.shape_cast %get3A_147 : vector<1x16xf32> to vector<16xf32>
    %get3A_149 = arith.constant 12 : i32
    %get3A_150 = arith.index_cast %get3A_149 : i32 to index
    %get3A_151 = arith.constant 0 : index
    %get3A_152 = tpu.vector_load %arg12[%get3A_150, %get3A_151] {strides = array<i32>} : memref<128x16xf32, #tpu.memory_space<vmem>>, vector<1x16xf32>,
    %get3A_153 = vector.shape_cast %get3A_152 : vector<1x16xf32> to vector<16xf32>
    %mul3A_154 = arith.mulf %get3A_148, %get3A_153 : vector<16xf32>
    %add3A_155 = arith.addf %add3A_143, %mul3A_154 : vector<16xf32>
    %get3A_156 = arith.constant 13 : i32
    %get3A_157 = arith.index_cast %get3A_156 : i32 to index
    %get3A_158 = arith.constant 0 : index
    %get3A_159 = tpu.vector_load %arg11[%get3A_157, %get3A_158] {strides = array<i32>} : memref<128x16xf32, #tpu.memory_space<vmem>>, vector<1x16xf32>,
    %get3A_160 = vector.shape_cast %get3A_159 : vector<1x16xf32> to vector<16xf32>
    %get3A_161 = arith.constant 13 : i32
    %get3A_162 = arith.index_cast %get3A_161 : i32 to index
    %get3A_163 = arith.constant 0 : index
    %get3A_164 = tpu.vector_load %arg12[%get3A_162, %get3A_163] {strides = array<i32>} : memref<128x16xf32, #tpu.memory_space<vmem>>, vector<1x16xf32>,
    %get3A_165 = vector.shape_cast %get3A_164 : vector<1x16xf32> to vector<16xf32>
    %mul3A_166 = arith.mulf %get3A_160, %get3A_165 : vector<16xf32>
    %add3A_167 = arith.addf %add3A_155, %mul3A_166 : vector<16xf32>
    %get3A_168 = arith.constant 14 : i32
    %get3A_169 = arith.index_cast %get3A_168 : i32 to index
    %get3A_170 = arith.constant 0 : index
    %get3A_171 = tpu.vector_load %arg11[%get3A_169, %get3A_170] {strides = array<i32>} : memref<128x16xf32, #tpu.memory_space<vmem>>, vector<1x16xf32>,
    %get3A_172 = vector.shape_cast %get3A_171 : vector<1x16xf32> to vector<16xf32>
    %get3A_173 = arith.constant 14 : i32
    %get3A_174 = arith.index_cast %get3A_173 : i32 to index
    %get3A_175 = arith.constant 0 : index
    %get3A_176 = tpu.vector_load %arg12[%get3A_174, %get3A_175] {strides = array<i32>} : memref<128x16xf32, #tpu.memory_space<vmem>>, vector<1x16xf32>,
    %get3A_177 = vector.shape_cast %get3A_176 : vector<1x16xf32> to vector<16xf32>
    %mul3A_178 = arith.mulf %get3A_172, %get3A_177 : vector<16xf32>
    %add3A_179 = arith.addf %add3A_167, %mul3A_178 : vector<16xf32>
    %get3A_180 = arith.constant 15 : i32
    %get3A_181 = arith.index_cast %get3A_180 : i32 to index
    %get3A_182 = arith.constant 0 : index
    %get3A_183 = tpu.vector_load %arg11[%get3A_181, %get3A_182] {strides = array<i32>} : memref<128x16xf32, #tpu.memory_space<vmem>>, vector<1x16xf32>,
    %get3A_184 = vector.shape_cast %get3A_183 : vector<1x16xf32> to vector<16xf32>
    %get3A_185 = arith.constant 15 : i32
    %get3A_186 = arith.index_cast %get3A_185 : i32 to index
    %get3A_187 = arith.constant 0 : index
    %get3A_188 = tpu.vector_load %arg12[%get3A_186, %get3A_187] {strides = array<i32>} : memref<128x16xf32, #tpu.memory_space<vmem>>, vector<1x16xf32>,
    %get3A_189 = vector.shape_cast %get3A_188 : vector<1x16xf32> to vector<16xf32>
    %mul3A_190 = arith.mulf %get3A_184, %get3A_189 : vector<16xf32>
    %add3A_191 = arith.addf %add3A_179, %mul3A_190 : vector<16xf32>
    %get3A_192 = arith.constant 16 : i32
    %get3A_193 = arith.index_cast %get3A_192 : i32 to index
    %get3A_194 = arith.constant 0 : index
    %get3A_195 = tpu.vector_load %arg11[%get3A_193, %get3A_194] {strides = array<i32>} : memref<128x16xf32, #tpu.memory_space<vmem>>, vector<1x16xf32>,
    %get3A_196 = vector.shape_cast %get3A_195 : vector<1x16xf32> to vector<16xf32>
    %get3A_197 = arith.constant 16 : i32
    %get3A_198 = arith.index_cast %get3A_197 : i32 to index
    %get3A_199 = arith.constant 0 : index
    %get3A_200 = tpu.vector_load %arg12[%get3A_198, %get3A_199] {strides = array<i32>} : memref<128x16xf32, #tpu.memory_space<vmem>>, vector<1x16xf32>,
    %get3A_201 = vector.shape_cast %get3A_200 : vector<1x16xf32> to vector<16xf32>
    %mul3A_202 = arith.mulf %get3A_196, %get3A_201 : vector<16xf32>
    %add3A_203 = arith.addf %add3A_191, %mul3A_202 : vector<16xf32>
    %get3A_204 = arith.constant 17 : i32
    %get3A_205 = arith.index_cast %get3A_204 : i32 to index
    %get3A_206 = arith.constant 0 : index
    %get3A_207 = tpu.vector_load %arg11[%get3A_205, %get3A_206] {strides = array<i32>} : memref<128x16xf32, #tpu.memory_space<vmem>>, vector<1x16xf32>,
    %get3A_208 = vector.shape_cast %get3A_207 : vector<1x16xf32> to vector<16xf32>
    %get3A_209 = arith.constant 17 : i32
    %get3A_210 = arith.index_cast %get3A_209 : i32 to index
    %get3A_211 = arith.constant 0 : index
    %get3A_212 = tpu.vector_load %arg12[%get3A_210, %get3A_211] {strides = array<i32>} : memref<128x16xf32, #tpu.memory_space<vmem>>, vector<1x16xf32>,
    %get3A_213 = vector.shape_cast %get3A_212 : vector<1x16xf32> to vector<16xf32>
    %mul3A_214 = arith.mulf %get3A_208, %get3A_213 : vector<16xf32>
    %add3A_215 = arith.addf %add3A_203, %mul3A_214 : vector<16xf32>
    %get3A_216 = arith.constant 18 : i32
    %get3A_217 = arith.index_cast %get3A_216 : i32 to index
    %get3A_218 = arith.constant 0 : index
    %get3A_219 = tpu.vector_load %arg11[%get3A_217, %get3A_218] {strides = array<i32>} : memref<128x16xf32, #tpu.memory_space<vmem>>, vector<1x16xf32>,
    %get3A_220 = vector.shape_cast %get3A_219 : vector<1x16xf32> to vector<16xf32>
    %get3A_221 = arith.constant 18 : i32
    %get3A_222 = arith.index_cast %get3A_221 : i32 to index
    %get3A_223 = arith.constant 0 : index
    %get3A_224 = tpu.vector_load %arg12[%get3A_222, %get3A_223] {strides = array<i32>} : memref<128x16xf32, #tpu.memory_space<vmem>>, vector<1x16xf32>,
    %get3A_225 = vector.shape_cast %get3A_224 : vector<1x16xf32> to vector<16xf32>
    %mul3A_226 = arith.mulf %get3A_220, %get3A_225 : vector<16xf32>
    %add3A_227 = arith.addf %add3A_215, %mul3A_226 : vector<16xf32>
    %get3A_228 = arith.constant 19 : i32
    %get3A_229 = arith.index_cast %get3A_228 : i32 to index
    %get3A_230 = arith.constant 0 : index
    %get3A_231 = tpu.vector_load %arg11[%get3A_229, %get3A_230] {strides = array<i32>} : memref<128x16xf32, #tpu.memory_space<vmem>>, vector<1x16xf32>,
    %get3A_232 = vector.shape_cast %get3A_231 : vector<1x16xf32> to vector<16xf32>
    %get3A_233 = arith.constant 19 : i32
    %get3A_234 = arith.index_cast %get3A_233 : i32 to index
    %get3A_235 = arith.constant 0 : index
    %get3A_236 = tpu.vector_load %arg12[%get3A_234, %get3A_235] {strides = array<i32>} : memref<128x16xf32, #tpu.memory_space<vmem>>, vector<1x16xf32>,
    %get3A_237 = vector.shape_cast %get3A_236 : vector<1x16xf32> to vector<16xf32>
    %mul3A_238 = arith.mulf %get3A_232, %get3A_237 : vector<16xf32>
    %add3A_239 = arith.addf %add3A_227, %mul3A_238 : vector<16xf32>
    %get3A_240 = arith.constant 20 : i32
    %get3A_241 = arith.index_cast %get3A_240 : i32 to index
    %get3A_242 = arith.constant 0 : index
    %get3A_243 = tpu.vector_load %arg11[%get3A_241, %get3A_242] {strides = array<i32>} : memref<128x16xf32, #tpu.memory_space<vmem>>, vector<1x16xf32>,
    %get3A_244 = vector.shape_cast %get3A_243 : vector<1x16xf32> to vector<16xf32>
    %get3A_245 = arith.constant 20 : i32
    %get3A_246 = arith.index_cast %get3A_245 : i32 to index
    %get3A_247 = arith.constant 0 : index
    %get3A_248 = tpu.vector_load %arg12[%get3A_246, %get3A_247] {strides = array<i32>} : memref<128x16xf32, #tpu.memory_space<vmem>>, vector<1x16xf32>,
    %get3A_249 = vector.shape_cast %get3A_248 : vector<1x16xf32> to vector<16xf32>
    %mul3A_250 = arith.mulf %get3A_244, %get3A_249 : vector<16xf32>
    %add3A_251 = arith.addf %add3A_239, %mul3A_250 : vector<16xf32>
    %get3A_252 = arith.constant 21 : i32
    %get3A_253 = arith.index_cast %get3A_252 : i32 to index
    %get3A_254 = arith.constant 0 : index
    %get3A_255 = tpu.vector_load %arg11[%get3A_253, %get3A_254] {strides = array<i32>} : memref<128x16xf32, #tpu.memory_space<vmem>>, vector<1x16xf32>,
    %get3A_256 = vector.shape_cast %get3A_255 : vector<1x16xf32> to vector<16xf32>
    %get3A_257 = arith.constant 21 : i32
    %get3A_258 = arith.index_cast %get3A_257 : i32 to index
    %get3A_259 = arith.constant 0 : index
    %get3A_260 = tpu.vector_load %arg12[%get3A_258, %get3A_259] {strides = array<i32>} : memref<128x16xf32, #tpu.memory_space<vmem>>, vector<1x16xf32>,
    %get3A_261 = vector.shape_cast %get3A_260 : vector<1x16xf32> to vector<16xf32>
    %mul3A_262 = arith.mulf %get3A_256, %get3A_261 : vector<16xf32>
    %add3A_263 = arith.addf %add3A_251, %mul3A_262 : vector<16xf32>
    %get3A_264 = arith.constant 22 : i32
    %get3A_265 = arith.index_cast %get3A_264 : i32 to index
    %get3A_266 = arith.constant 0 : index
    %get3A_267 = tpu.vector_load %arg11[%get3A_265, %get3A_266] {strides = array<i32>} : memref<128x16xf32, #tpu.memory_space<vmem>>, vector<1x16xf32>,
    %get3A_268 = vector.shape_cast %get3A_267 : vector<1x16xf32> to vector<16xf32>
    %get3A_269 = arith.constant 22 : i32
    %get3A_270 = arith.index_cast %get3A_269 : i32 to index
    %get3A_271 = arith.constant 0 : index
    %get3A_272 = tpu.vector_load %arg12[%get3A_270, %get3A_271] {strides = array<i32>} : memref<128x16xf32, #tpu.memory_space<vmem>>, vector<1x16xf32>,
    %get3A_273 = vector.shape_cast %get3A_272 : vector<1x16xf32> to vector<16xf32>
    %mul3A_274 = arith.mulf %get3A_268, %get3A_273 : vector<16xf32>
    %add3A_275 = arith.addf %add3A_263, %mul3A_274 : vector<16xf32>
    %get3A_276 = arith.constant 23 : i32
    %get3A_277 = arith.index_cast %get3A_276 : i32 to index
    %get3A_278 = arith.constant 0 : index
    %get3A_279 = tpu.vector_load %arg11[%get3A_277, %get3A_278] {strides = array<i32>} : memref<128x16xf32, #tpu.memory_space<vmem>>, vector<1x16xf32>,
    %get3A_280 = vector.shape_cast %get3A_279 : vector<1x16xf32> to vector<16xf32>
    %get3A_281 = arith.constant 23 : i32
    %get3A_282 = arith.index_cast %get3A_281 : i32 to index
    %get3A_283 = arith.constant 0 : index
    %get3A_284 = tpu.vector_load %arg12[%get3A_282, %get3A_283] {strides = array<i32>} : memref<128x16xf32, #tpu.memory_space<vmem>>, vector<1x16xf32>,
    %get3A_285 = vector.shape_cast %get3A_284 : vector<1x16xf32> to vector<16xf32>
    %mul3A_286 = arith.mulf %get3A_280, %get3A_285 : vector<16xf32>
    %add3A_287 = arith.addf %add3A_275, %mul3A_286 : vector<16xf32>
    %get3A_288 = arith.constant 24 : i32
    %get3A_289 = arith.index_cast %get3A_288 : i32 to index
    %get3A_290 = arith.constant 0 : index
    %get3A_291 = tpu.vector_load %arg11[%get3A_289, %get3A_290] {strides = array<i32>} : memref<128x16xf32, #tpu.memory_space<vmem>>, vector<1x16xf32>,
    %get3A_292 = vector.shape_cast %get3A_291 : vector<1x16xf32> to vector<16xf32>
    %get3A_293 = arith.constant 24 : i32
    %get3A_294 = arith.index_cast %get3A_293 : i32 to index
    %get3A_295 = arith.constant 0 : index
    %get3A_296 = tpu.vector_load %arg12[%get3A_294, %get3A_295] {strides = array<i32>} : memref<128x16xf32, #tpu.memory_space<vmem>>, vector<1x16xf32>,
    %get3A_297 = vector.shape_cast %get3A_296 : vector<1x16xf32> to vector<16xf32>
    %mul3A_298 = arith.mulf %get3A_292, %get3A_297 : vector<16xf32>
    %add3A_299 = arith.addf %add3A_287, %mul3A_298 : vector<16xf32>
    %get3A_300 = arith.constant 25 : i32
    %get3A_301 = arith.index_cast %get3A_300 : i32 to index
    %get3A_302 = arith.constant 0 : index
    %get3A_303 = tpu.vector_load %arg11[%get3A_301, %get3A_302] {strides = array<i32>} : memref<128x16xf32, #tpu.memory_space<vmem>>, vector<1x16xf32>,
    %get3A_304 = vector.shape_cast %get3A_303 : vector<1x16xf32> to vector<16xf32>
    %get3A_305 = arith.constant 25 : i32
    %get3A_306 = arith.index_cast %get3A_305 : i32 to index
    %get3A_307 = arith.constant 0 : index
    %get3A_308 = tpu.vector_load %arg12[%get3A_306, %get3A_307] {strides = array<i32>} : memref<128x16xf32, #tpu.memory_space<vmem>>, vector<1x16xf32>,
    %get3A_309 = vector.shape_cast %get3A_308 : vector<1x16xf32> to vector<16xf32>
    %mul3A_310 = arith.mulf %get3A_304, %get3A_309 : vector<16xf32>
    %add3A_311 = arith.addf %add3A_299, %mul3A_310 : vector<16xf32>
    %get3A_312 = arith.constant 26 : i32
    %get3A_313 = arith.index_cast %get3A_312 : i32 to index
    %get3A_314 = arith.constant 0 : index
    %get3A_315 = tpu.vector_load %arg11[%get3A_313, %get3A_314] {strides = array<i32>} : memref<128x16xf32, #tpu.memory_space<vmem>>, vector<1x16xf32>,
    %get3A_316 = vector.shape_cast %get3A_315 : vector<1x16xf32> to vector<16xf32>
    %get3A_317 = arith.constant 26 : i32
    %get3A_318 = arith.index_cast %get3A_317 : i32 to index
    %get3A_319 = arith.constant 0 : index
    %get3A_320 = tpu.vector_load %arg12[%get3A_318, %get3A_319] {strides = array<i32>} : memref<128x16xf32, #tpu.memory_space<vmem>>, vector<1x16xf32>,
    %get3A_321 = vector.shape_cast %get3A_320 : vector<1x16xf32> to vector<16xf32>
    %mul3A_322 = arith.mulf %get3A_316, %get3A_321 : vector<16xf32>
    %add3A_323 = arith.addf %add3A_311, %mul3A_322 : vector<16xf32>
    %get3A_324 = arith.constant 27 : i32
    %get3A_325 = arith.index_cast %get3A_324 : i32 to index
    %get3A_326 = arith.constant 0 : index
    %get3A_327 = tpu.vector_load %arg11[%get3A_325, %get3A_326] {strides = array<i32>} : memref<128x16xf32, #tpu.memory_space<vmem>>, vector<1x16xf32>,
    %get3A_328 = vector.shape_cast %get3A_327 : vector<1x16xf32> to vector<16xf32>
    %get3A_329 = arith.constant 27 : i32
    %get3A_330 = arith.index_cast %get3A_329 : i32 to index
    %get3A_331 = arith.constant 0 : index
    %get3A_332 = tpu.vector_load %arg12[%get3A_330, %get3A_331] {strides = array<i32>} : memref<128x16xf32, #tpu.memory_space<vmem>>, vector<1x16xf32>,
    %get3A_333 = vector.shape_cast %get3A_332 : vector<1x16xf32> to vector<16xf32>
    %mul3A_334 = arith.mulf %get3A_328, %get3A_333 : vector<16xf32>
    %add3A_335 = arith.addf %add3A_323, %mul3A_334 : vector<16xf32>
    %get3A_336 = arith.constant 28 : i32
    %get3A_337 = arith.index_cast %get3A_336 : i32 to index
    %get3A_338 = arith.constant 0 : index
    %get3A_339 = tpu.vector_load %arg11[%get3A_337, %get3A_338] {strides = array<i32>} : memref<128x16xf32, #tpu.memory_space<vmem>>, vector<1x16xf32>,
    %get3A_340 = vector.shape_cast %get3A_339 : vector<1x16xf32> to vector<16xf32>
    %get3A_341 = arith.constant 28 : i32
    %get3A_342 = arith.index_cast %get3A_341 : i32 to index
    %get3A_343 = arith.constant 0 : index
    %get3A_344 = tpu.vector_load %arg12[%get3A_342, %get3A_343] {strides = array<i32>} : memref<128x16xf32, #tpu.memory_space<vmem>>, vector<1x16xf32>,
    %get3A_345 = vector.shape_cast %get3A_344 : vector<1x16xf32> to vector<16xf32>
    %mul3A_346 = arith.mulf %get3A_340, %get3A_345 : vector<16xf32>
    %add3A_347 = arith.addf %add3A_335, %mul3A_346 : vector<16xf32>
    %get3A_348 = arith.constant 29 : i32
    %get3A_349 = arith.index_cast %get3A_348 : i32 to index
    %get3A_350 = arith.constant 0 : index
    %get3A_351 = tpu.vector_load %arg11[%get3A_349, %get3A_350] {strides = array<i32>} : memref<128x16xf32, #tpu.memory_space<vmem>>, vector<1x16xf32>,
    %get3A_352 = vector.shape_cast %get3A_351 : vector<1x16xf32> to vector<16xf32>
    %get3A_353 = arith.constant 29 : i32
    %get3A_354 = arith.index_cast %get3A_353 : i32 to index
    %get3A_355 = arith.constant 0 : index
    %get3A_356 = tpu.vector_load %arg12[%get3A_354, %get3A_355] {strides = array<i32>} : memref<128x16xf32, #tpu.memory_space<vmem>>, vector<1x16xf32>,
    %get3A_357 = vector.shape_cast %get3A_356 : vector<1x16xf32> to vector<16xf32>
    %mul3A_358 = arith.mulf %get3A_352, %get3A_357 : vector<16xf32>
    %add3A_359 = arith.addf %add3A_347, %mul3A_358 : vector<16xf32>
    %get3A_360 = arith.constant 30 : i32
    %get3A_361 = arith.index_cast %get3A_360 : i32 to index
    %get3A_362 = arith.constant 0 : index
    %get3A_363 = tpu.vector_load %arg11[%get3A_361, %get3A_362] {strides = array<i32>} : memref<128x16xf32, #tpu.memory_space<vmem>>, vector<1x16xf32>,
    %get3A_364 = vector.shape_cast %get3A_363 : vector<1x16xf32> to vector<16xf32>
    %get3A_365 = arith.constant 30 : i32
    %get3A_366 = arith.index_cast %get3A_365 : i32 to index
    %get3A_367 = arith.constant 0 : index
    %get3A_368 = tpu.vector_load %arg12[%get3A_366, %get3A_367] {strides = array<i32>} : memref<128x16xf32, #tpu.memory_space<vmem>>, vector<1x16xf32>,
    %get3A_369 = vector.shape_cast %get3A_368 : vector<1x16xf32> to vector<16xf32>
    %mul3A_370 = arith.mulf %get3A_364, %get3A_369 : vector<16xf32>
    %add3A_371 = arith.addf %add3A_359, %mul3A_370 : vector<16xf32>
    %get3A_372 = arith.constant 31 : i32
    %get3A_373 = arith.index_cast %get3A_372 : i32 to index
    %get3A_374 = arith.constant 0 : index
    %get3A_375 = tpu.vector_load %arg11[%get3A_373, %get3A_374] {strides = array<i32>} : memref<128x16xf32, #tpu.memory_space<vmem>>, vector<1x16xf32>,
    %get3A_376 = vector.shape_cast %get3A_375 : vector<1x16xf32> to vector<16xf32>
    %get3A_377 = arith.constant 31 : i32
    %get3A_378 = arith.index_cast %get3A_377 : i32 to index
    %get3A_379 = arith.constant 0 : index
    %get3A_380 = tpu.vector_load %arg12[%get3A_378, %get3A_379] {strides = array<i32>} : memref<128x16xf32, #tpu.memory_space<vmem>>, vector<1x16xf32>,
    %get3A_381 = vector.shape_cast %get3A_380 : vector<1x16xf32> to vector<16xf32>
    %mul3A_382 = arith.mulf %get3A_376, %get3A_381 : vector<16xf32>
    %add3A_383 = arith.addf %add3A_371, %mul3A_382 : vector<16xf32>
    %get3A_384 = arith.constant 32 : i32
    %get3A_385 = arith.index_cast %get3A_384 : i32 to index
    %get3A_386 = arith.constant 0 : index
    %get3A_387 = tpu.vector_load %arg11[%get3A_385, %get3A_386] {strides = array<i32>} : memref<128x16xf32, #tpu.memory_space<vmem>>, vector<1x16xf32>,
    %get3A_388 = vector.shape_cast %get3A_387 : vector<1x16xf32> to vector<16xf32>
    %get3A_389 = arith.constant 32 : i32
    %get3A_390 = arith.index_cast %get3A_389 : i32 to index
    %get3A_391 = arith.constant 0 : index
    %get3A_392 = tpu.vector_load %arg12[%get3A_390, %get3A_391] {strides = array<i32>} : memref<128x16xf32, #tpu.memory_space<vmem>>, vector<1x16xf32>,
    %get3A_393 = vector.shape_cast %get3A_392 : vector<1x16xf32> to vector<16xf32>
    %mul3A_394 = arith.mulf %get3A_388, %get3A_393 : vector<16xf32>
    %add3A_395 = arith.addf %add3A_383, %mul3A_394 : vector<16xf32>
    %get3A_396 = arith.constant 33 : i32
    %get3A_397 = arith.index_cast %get3A_396 : i32 to index
    %get3A_398 = arith.constant 0 : index
    %get3A_399 = tpu.vector_load %arg11[%get3A_397, %get3A_398] {strides = array<i32>} : memref<128x16xf32, #tpu.memory_space<vmem>>, vector<1x16xf32>,
    %get3A_400 = vector.shape_cast %get3A_399 : vector<1x16xf32> to vector<16xf32>
    %get3A_401 = arith.constant 33 : i32
    %get3A_402 = arith.index_cast %get3A_401 : i32 to index
    %get3A_403 = arith.constant 0 : index
    %get3A_404 = tpu.vector_load %arg12[%get3A_402, %get3A_403] {strides = array<i32>} : memref<128x16xf32, #tpu.memory_space<vmem>>, vector<1x16xf32>,
    %get3A_405 = vector.shape_cast %get3A_404 : vector<1x16xf32> to vector<16xf32>
    %mul3A_406 = arith.mulf %get3A_400, %get3A_405 : vector<16xf32>
    %add3A_407 = arith.addf %add3A_395, %mul3A_406 : vector<16xf32>
    %get3A_408 = arith.constant 34 : i32
    %get3A_409 = arith.index_cast %get3A_408 : i32 to index
    %get3A_410 = arith.constant 0 : index
    %get3A_411 = tpu.vector_load %arg11[%get3A_409, %get3A_410] {strides = array<i32>} : memref<128x16xf32, #tpu.memory_space<vmem>>, vector<1x16xf32>,
    %get3A_412 = vector.shape_cast %get3A_411 : vector<1x16xf32> to vector<16xf32>
    %get3A_413 = arith.constant 34 : i32
    %get3A_414 = arith.index_cast %get3A_413 : i32 to index
    %get3A_415 = arith.constant 0 : index
    %get3A_416 = tpu.vector_load %arg12[%get3A_414, %get3A_415] {strides = array<i32>} : memref<128x16xf32, #tpu.memory_space<vmem>>, vector<1x16xf32>,
    %get3A_417 = vector.shape_cast %get3A_416 : vector<1x16xf32> to vector<16xf32>
    %mul3A_418 = arith.mulf %get3A_412, %get3A_417 : vector<16xf32>
    %add3A_419 = arith.addf %add3A_407, %mul3A_418 : vector<16xf32>
    %get3A_420 = arith.constant 35 : i32
    %get3A_421 = arith.index_cast %get3A_420 : i32 to index
    %get3A_422 = arith.constant 0 : index
    %get3A_423 = tpu.vector_load %arg11[%get3A_421, %get3A_422] {strides = array<i32>} : memref<128x16xf32, #tpu.memory_space<vmem>>, vector<1x16xf32>,
    %get3A_424 = vector.shape_cast %get3A_423 : vector<1x16xf32> to vector<16xf32>
    %get3A_425 = arith.constant 35 : i32
    %get3A_426 = arith.index_cast %get3A_425 : i32 to index
    %get3A_427 = arith.constant 0 : index
    %get3A_428 = tpu.vector_load %arg12[%get3A_426, %get3A_427] {strides = array<i32>} : memref<128x16xf32, #tpu.memory_space<vmem>>, vector<1x16xf32>,
    %get3A_429 = vector.shape_cast %get3A_428 : vector<1x16xf32> to vector<16xf32>
    %mul3A_430 = arith.mulf %get3A_424, %get3A_429 : vector<16xf32>
    %add3A_431 = arith.addf %add3A_419, %mul3A_430 : vector<16xf32>
    %get3A_432 = arith.constant 36 : i32
    %get3A_433 = arith.index_cast %get3A_432 : i32 to index
    %get3A_434 = arith.constant 0 : index
    %get3A_435 = tpu.vector_load %arg11[%get3A_433, %get3A_434] {strides = array<i32>} : memref<128x16xf32, #tpu.memory_space<vmem>>, vector<1x16xf32>,
    %get3A_436 = vector.shape_cast %get3A_435 : vector<1x16xf32> to vector<16xf32>
    %get3A_437 = arith.constant 36 : i32
    %get3A_438 = arith.index_cast %get3A_437 : i32 to index
    %get3A_439 = arith.constant 0 : index
    %get3A_440 = tpu.vector_load %arg12[%get3A_438, %get3A_439] {strides = array<i32>} : memref<128x16xf32, #tpu.memory_space<vmem>>, vector<1x16xf32>,
    %get3A_441 = vector.shape_cast %get3A_440 : vector<1x16xf32> to vector<16xf32>
    %mul3A_442 = arith.mulf %get3A_436, %get3A_441 : vector<16xf32>
    %add3A_443 = arith.addf %add3A_431, %mul3A_442 : vector<16xf32>
    %get3A_444 = arith.constant 37 : i32
    %get3A_445 = arith.index_cast %get3A_444 : i32 to index
    %get3A_446 = arith.constant 0 : index
    %get3A_447 = tpu.vector_load %arg11[%get3A_445, %get3A_446] {strides = array<i32>} : memref<128x16xf32, #tpu.memory_space<vmem>>, vector<1x16xf32>,
    %get3A_448 = vector.shape_cast %get3A_447 : vector<1x16xf32> to vector<16xf32>
    %get3A_449 = arith.constant 37 : i32
    %get3A_450 = arith.index_cast %get3A_449 : i32 to index
    %get3A_451 = arith.constant 0 : index
    %get3A_452 = tpu.vector_load %arg12[%get3A_450, %get3A_451] {strides = array<i32>} : memref<128x16xf32, #tpu.memory_space<vmem>>, vector<1x16xf32>,
    %get3A_453 = vector.shape_cast %get3A_452 : vector<1x16xf32> to vector<16xf32>
    %mul3A_454 = arith.mulf %get3A_448, %get3A_453 : vector<16xf32>
    %add3A_455 = arith.addf %add3A_443, %mul3A_454 : vector<16xf32>
    %get3A_456 = arith.constant 38 : i32
    %get3A_457 = arith.index_cast %get3A_456 : i32 to index
    %get3A_458 = arith.constant 0 : index
    %get3A_459 = tpu.vector_load %arg11[%get3A_457, %get3A_458] {strides = array<i32>} : memref<128x16xf32, #tpu.memory_space<vmem>>, vector<1x16xf32>,
    %get3A_460 = vector.shape_cast %get3A_459 : vector<1x16xf32> to vector<16xf32>
    %get3A_461 = arith.constant 38 : i32
    %get3A_462 = arith.index_cast %get3A_461 : i32 to index
    %get3A_463 = arith.constant 0 : index
    %get3A_464 = tpu.vector_load %arg12[%get3A_462, %get3A_463] {strides = array<i32>} : memref<128x16xf32, #tpu.memory_space<vmem>>, vector<1x16xf32>,
    %get3A_465 = vector.shape_cast %get3A_464 : vector<1x16xf32> to vector<16xf32>
    %mul3A_466 = arith.mulf %get3A_460, %get3A_465 : vector<16xf32>
    %add3A_467 = arith.addf %add3A_455, %mul3A_466 : vector<16xf32>
    %get3A_468 = arith.constant 39 : i32
    %get3A_469 = arith.index_cast %get3A_468 : i32 to index
    %get3A_470 = arith.constant 0 : index
    %get3A_471 = tpu.vector_load %arg11[%get3A_469, %get3A_470] {strides = array<i32>} : memref<128x16xf32, #tpu.memory_space<vmem>>, vector<1x16xf32>,
    %get3A_472 = vector.shape_cast %get3A_471 : vector<1x16xf32> to vector<16xf32>
    %get3A_473 = arith.constant 39 : i32
    %get3A_474 = arith.index_cast %get3A_473 : i32 to index
    %get3A_475 = arith.constant 0 : index
    %get3A_476 = tpu.vector_load %arg12[%get3A_474, %get3A_475] {strides = array<i32>} : memref<128x16xf32, #tpu.memory_space<vmem>>, vector<1x16xf32>,
    %get3A_477 = vector.shape_cast %get3A_476 : vector<1x16xf32> to vector<16xf32>
    %mul3A_478 = arith.mulf %get3A_472, %get3A_477 : vector<16xf32>
    %add3A_479 = arith.addf %add3A_467, %mul3A_478 : vector<16xf32>
    %get3A_480 = arith.constant 40 : i32
    %get3A_481 = arith.index_cast %get3A_480 : i32 to index
    %get3A_482 = arith.constant 0 : index
    %get3A_483 = tpu.vector_load %arg11[%get3A_481, %get3A_482] {strides = array<i32>} : memref<128x16xf32, #tpu.memory_space<vmem>>, vector<1x16xf32>,
    %get3A_484 = vector.shape_cast %get3A_483 : vector<1x16xf32> to vector<16xf32>
    %get3A_485 = arith.constant 40 : i32
    %get3A_486 = arith.index_cast %get3A_485 : i32 to index
    %get3A_487 = arith.constant 0 : index
    %get3A_488 = tpu.vector_load %arg12[%get3A_486, %get3A_487] {strides = array<i32>} : memref<128x16xf32, #tpu.memory_space<vmem>>, vector<1x16xf32>,
    %get3A_489 = vector.shape_cast %get3A_488 : vector<1x16xf32> to vector<16xf32>
    %mul3A_490 = arith.mulf %get3A_484, %get3A_489 : vector<16xf32>
    %add3A_491 = arith.addf %add3A_479, %mul3A_490 : vector<16xf32>
    %get3A_492 = arith.constant 41 : i32
    %get3A_493 = arith.index_cast %get3A_492 : i32 to index
    %get3A_494 = arith.constant 0 : index
    %get3A_495 = tpu.vector_load %arg11[%get3A_493, %get3A_494] {strides = array<i32>} : memref<128x16xf32, #tpu.memory_space<vmem>>, vector<1x16xf32>,
    %get3A_496 = vector.shape_cast %get3A_495 : vector<1x16xf32> to vector<16xf32>
    %get3A_497 = arith.constant 41 : i32
    %get3A_498 = arith.index_cast %get3A_497 : i32 to index
    %get3A_499 = arith.constant 0 : index
    %get3A_500 = tpu.vector_load %arg12[%get3A_498, %get3A_499] {strides = array<i32>} : memref<128x16xf32, #tpu.memory_space<vmem>>, vector<1x16xf32>,
    %get3A_501 = vector.shape_cast %get3A_500 : vector<1x16xf32> to vector<16xf32>
    %mul3A_502 = arith.mulf %get3A_496, %get3A_501 : vector<16xf32>
    %add3A_503 = arith.addf %add3A_491, %mul3A_502 : vector<16xf32>
    %get3A_504 = arith.constant 42 : i32
    %get3A_505 = arith.index_cast %get3A_504 : i32 to index
    %get3A_506 = arith.constant 0 : index
    %get3A_507 = tpu.vector_load %arg11[%get3A_505, %get3A_506] {strides = array<i32>} : memref<128x16xf32, #tpu.memory_space<vmem>>, vector<1x16xf32>,
    %get3A_508 = vector.shape_cast %get3A_507 : vector<1x16xf32> to vector<16xf32>
    %get3A_509 = arith.constant 42 : i32
    %get3A_510 = arith.index_cast %get3A_509 : i32 to index
    %get3A_511 = arith.constant 0 : index
    %get3A_512 = tpu.vector_load %arg12[%get3A_510, %get3A_511] {strides = array<i32>} : memref<128x16xf32, #tpu.memory_space<vmem>>, vector<1x16xf32>,
    %get3A_513 = vector.shape_cast %get3A_512 : vector<1x16xf32> to vector<16xf32>
    %mul3A_514 = arith.mulf %get3A_508, %get3A_513 : vector<16xf32>
    %add3A_515 = arith.addf %add3A_503, %mul3A_514 : vector<16xf32>
    %get3A_516 = arith.constant 43 : i32
    %get3A_517 = arith.index_cast %get3A_516 : i32 to index
    %get3A_518 = arith.constant 0 : index
    %get3A_519 = tpu.vector_load %arg11[%get3A_517, %get3A_518] {strides = array<i32>} : memref<128x16xf32, #tpu.memory_space<vmem>>, vector<1x16xf32>,
    %get3A_520 = vector.shape_cast %get3A_519 : vector<1x16xf32> to vector<16xf32>
    %get3A_521 = arith.constant 43 : i32
    %get3A_522 = arith.index_cast %get3A_521 : i32 to index
    %get3A_523 = arith.constant 0 : index
    %get3A_524 = tpu.vector_load %arg12[%get3A_522, %get3A_523] {strides = array<i32>} : memref<128x16xf32, #tpu.memory_space<vmem>>, vector<1x16xf32>,
    %get3A_525 = vector.shape_cast %get3A_524 : vector<1x16xf32> to vector<16xf32>
    %mul3A_526 = arith.mulf %get3A_520, %get3A_525 : vector<16xf32>
    %add3A_527 = arith.addf %add3A_515, %mul3A_526 : vector<16xf32>
    %get3A_528 = arith.constant 44 : i32
    %get3A_529 = arith.index_cast %get3A_528 : i32 to index
    %get3A_530 = arith.constant 0 : index
    %get3A_531 = tpu.vector_load %arg11[%get3A_529, %get3A_530] {strides = array<i32>} : memref<128x16xf32, #tpu.memory_space<vmem>>, vector<1x16xf32>,
    %get3A_532 = vector.shape_cast %get3A_531 : vector<1x16xf32> to vector<16xf32>
    %get3A_533 = arith.constant 44 : i32
    %get3A_534 = arith.index_cast %get3A_533 : i32 to index
    %get3A_535 = arith.constant 0 : index
    %get3A_536 = tpu.vector_load %arg12[%get3A_534, %get3A_535] {strides = array<i32>} : memref<128x16xf32, #tpu.memory_space<vmem>>, vector<1x16xf32>,
    %get3A_537 = vector.shape_cast %get3A_536 : vector<1x16xf32> to vector<16xf32>
    %mul3A_538 = arith.mulf %get3A_532, %get3A_537 : vector<16xf32>
    %add3A_539 = arith.addf %add3A_527, %mul3A_538 : vector<16xf32>
    %get3A_540 = arith.constant 45 : i32
    %get3A_541 = arith.index_cast %get3A_540 : i32 to index
    %get3A_542 = arith.constant 0 : index
    %get3A_543 = tpu.vector_load %arg11[%get3A_541, %get3A_542] {strides = array<i32>} : memref<128x16xf32, #tpu.memory_space<vmem>>, vector<1x16xf32>,
    %get3A_544 = vector.shape_cast %get3A_543 : vector<1x16xf32> to vector<16xf32>
    %get3A_545 = arith.constant 45 : i32
    %get3A_546 = arith.index_cast %get3A_545 : i32 to index
    %get3A_547 = arith.constant 0 : index
    %get3A_548 = tpu.vector_load %arg12[%get3A_546, %get3A_547] {strides = array<i32>} : memref<128x16xf32, #tpu.memory_space<vmem>>, vector<1x16xf32>,
    %get3A_549 = vector.shape_cast %get3A_548 : vector<1x16xf32> to vector<16xf32>
    %mul3A_550 = arith.mulf %get3A_544, %get3A_549 : vector<16xf32>
    %add3A_551 = arith.addf %add3A_539, %mul3A_550 : vector<16xf32>
    %get3A_552 = arith.constant 46 : i32
    %get3A_553 = arith.index_cast %get3A_552 : i32 to index
    %get3A_554 = arith.constant 0 : index
    %get3A_555 = tpu.vector_load %arg11[%get3A_553, %get3A_554] {strides = array<i32>} : memref<128x16xf32, #tpu.memory_space<vmem>>, vector<1x16xf32>,
    %get3A_556 = vector.shape_cast %get3A_555 : vector<1x16xf32> to vector<16xf32>
    %get3A_557 = arith.constant 46 : i32
    %get3A_558 = arith.index_cast %get3A_557 : i32 to index
    %get3A_559 = arith.constant 0 : index
    %get3A_560 = tpu.vector_load %arg12[%get3A_558, %get3A_559] {strides = array<i32>} : memref<128x16xf32, #tpu.memory_space<vmem>>, vector<1x16xf32>,
    %get3A_561 = vector.shape_cast %get3A_560 : vector<1x16xf32> to vector<16xf32>
    %mul3A_562 = arith.mulf %get3A_556, %get3A_561 : vector<16xf32>
    %add3A_563 = arith.addf %add3A_551, %mul3A_562 : vector<16xf32>
    %get3A_564 = arith.constant 47 : i32
    %get3A_565 = arith.index_cast %get3A_564 : i32 to index
    %get3A_566 = arith.constant 0 : index
    %get3A_567 = tpu.vector_load %arg11[%get3A_565, %get3A_566] {strides = array<i32>} : memref<128x16xf32, #tpu.memory_space<vmem>>, vector<1x16xf32>,
    %get3A_568 = vector.shape_cast %get3A_567 : vector<1x16xf32> to vector<16xf32>
    %get3A_569 = arith.constant 47 : i32
    %get3A_570 = arith.index_cast %get3A_569 : i32 to index
    %get3A_571 = arith.constant 0 : index
    %get3A_572 = tpu.vector_load %arg12[%get3A_570, %get3A_571] {strides = array<i32>} : memref<128x16xf32, #tpu.memory_space<vmem>>, vector<1x16xf32>,
    %get3A_573 = vector.shape_cast %get3A_572 : vector<1x16xf32> to vector<16xf32>
    %mul3A_574 = arith.mulf %get3A_568, %get3A_573 : vector<16xf32>
    %add3A_575 = arith.addf %add3A_563, %mul3A_574 : vector<16xf32>
    %get3A_576 = arith.constant 48 : i32
    %get3A_577 = arith.index_cast %get3A_576 : i32 to index
    %get3A_578 = arith.constant 0 : index
    %get3A_579 = tpu.vector_load %arg11[%get3A_577, %get3A_578] {strides = array<i32>} : memref<128x16xf32, #tpu.memory_space<vmem>>, vector<1x16xf32>,
    %get3A_580 = vector.shape_cast %get3A_579 : vector<1x16xf32> to vector<16xf32>
    %get3A_581 = arith.constant 48 : i32
    %get3A_582 = arith.index_cast %get3A_581 : i32 to index
    %get3A_583 = arith.constant 0 : index
    %get3A_584 = tpu.vector_load %arg12[%get3A_582, %get3A_583] {strides = array<i32>} : memref<128x16xf32, #tpu.memory_space<vmem>>, vector<1x16xf32>,
    %get3A_585 = vector.shape_cast %get3A_584 : vector<1x16xf32> to vector<16xf32>
    %mul3A_586 = arith.mulf %get3A_580, %get3A_585 : vector<16xf32>
    %add3A_587 = arith.addf %add3A_575, %mul3A_586 : vector<16xf32>
    %get3A_588 = arith.constant 49 : i32
    %get3A_589 = arith.index_cast %get3A_588 : i32 to index
    %get3A_590 = arith.constant 0 : index
    %get3A_591 = tpu.vector_load %arg11[%get3A_589, %get3A_590] {strides = array<i32>} : memref<128x16xf32, #tpu.memory_space<vmem>>, vector<1x16xf32>,
    %get3A_592 = vector.shape_cast %get3A_591 : vector<1x16xf32> to vector<16xf32>
    %get3A_593 = arith.constant 49 : i32
    %get3A_594 = arith.index_cast %get3A_593 : i32 to index
    %get3A_595 = arith.constant 0 : index
    %get3A_596 = tpu.vector_load %arg12[%get3A_594, %get3A_595] {strides = array<i32>} : memref<128x16xf32, #tpu.memory_space<vmem>>, vector<1x16xf32>,
    %get3A_597 = vector.shape_cast %get3A_596 : vector<1x16xf32> to vector<16xf32>
    %mul3A_598 = arith.mulf %get3A_592, %get3A_597 : vector<16xf32>
    %add3A_599 = arith.addf %add3A_587, %mul3A_598 : vector<16xf32>
    %get3A_600 = arith.constant 50 : i32
    %get3A_601 = arith.index_cast %get3A_600 : i32 to index
    %get3A_602 = arith.constant 0 : index
    %get3A_603 = tpu.vector_load %arg11[%get3A_601, %get3A_602] {strides = array<i32>} : memref<128x16xf32, #tpu.memory_space<vmem>>, vector<1x16xf32>,
    %get3A_604 = vector.shape_cast %get3A_603 : vector<1x16xf32> to vector<16xf32>
    %get3A_605 = arith.constant 50 : i32
    %get3A_606 = arith.index_cast %get3A_605 : i32 to index
    %get3A_607 = arith.constant 0 : index
    %get3A_608 = tpu.vector_load %arg12[%get3A_606, %get3A_607] {strides = array<i32>} : memref<128x16xf32, #tpu.memory_space<vmem>>, vector<1x16xf32>,
    %get3A_609 = vector.shape_cast %get3A_608 : vector<1x16xf32> to vector<16xf32>
    %mul3A_610 = arith.mulf %get3A_604, %get3A_609 : vector<16xf32>
    %add3A_611 = arith.addf %add3A_599, %mul3A_610 : vector<16xf32>
    %get3A_612 = arith.constant 51 : i32
    %get3A_613 = arith.index_cast %get3A_612 : i32 to index
    %get3A_614 = arith.constant 0 : index
    %get3A_615 = tpu.vector_load %arg11[%get3A_613, %get3A_614] {strides = array<i32>} : memref<128x16xf32, #tpu.memory_space<vmem>>, vector<1x16xf32>,
    %get3A_616 = vector.shape_cast %get3A_615 : vector<1x16xf32> to vector<16xf32>
    %get3A_617 = arith.constant 51 : i32
    %get3A_618 = arith.index_cast %get3A_617 : i32 to index
    %get3A_619 = arith.constant 0 : index
    %get3A_620 = tpu.vector_load %arg12[%get3A_618, %get3A_619] {strides = array<i32>} : memref<128x16xf32, #tpu.memory_space<vmem>>, vector<1x16xf32>,
    %get3A_621 = vector.shape_cast %get3A_620 : vector<1x16xf32> to vector<16xf32>
    %mul3A_622 = arith.mulf %get3A_616, %get3A_621 : vector<16xf32>
    %add3A_623 = arith.addf %add3A_611, %mul3A_622 : vector<16xf32>
    %get3A_624 = arith.constant 52 : i32
    %get3A_625 = arith.index_cast %get3A_624 : i32 to index
    %get3A_626 = arith.constant 0 : index
    %get3A_627 = tpu.vector_load %arg11[%get3A_625, %get3A_626] {strides = array<i32>} : memref<128x16xf32, #tpu.memory_space<vmem>>, vector<1x16xf32>,
    %get3A_628 = vector.shape_cast %get3A_627 : vector<1x16xf32> to vector<16xf32>
    %get3A_629 = arith.constant 52 : i32
    %get3A_630 = arith.index_cast %get3A_629 : i32 to index
    %get3A_631 = arith.constant 0 : index
    %get3A_632 = tpu.vector_load %arg12[%get3A_630, %get3A_631] {strides = array<i32>} : memref<128x16xf32, #tpu.memory_space<vmem>>, vector<1x16xf32>,
    %get3A_633 = vector.shape_cast %get3A_632 : vector<1x16xf32> to vector<16xf32>
    %mul3A_634 = arith.mulf %get3A_628, %get3A_633 : vector<16xf32>
    %add3A_635 = arith.addf %add3A_623, %mul3A_634 : vector<16xf32>
    %get3A_636 = arith.constant 53 : i32
    %get3A_637 = arith.index_cast %get3A_636 : i32 to index
    %get3A_638 = arith.constant 0 : index
    %get3A_639 = tpu.vector_load %arg11[%get3A_637, %get3A_638] {strides = array<i32>} : memref<128x16xf32, #tpu.memory_space<vmem>>, vector<1x16xf32>,
    %get3A_640 = vector.shape_cast %get3A_639 : vector<1x16xf32> to vector<16xf32>
    %get3A_641 = arith.constant 53 : i32
    %get3A_642 = arith.index_cast %get3A_641 : i32 to index
    %get3A_643 = arith.constant 0 : index
    %get3A_644 = tpu.vector_load %arg12[%get3A_642, %get3A_643] {strides = array<i32>} : memref<128x16xf32, #tpu.memory_space<vmem>>, vector<1x16xf32>,
    %get3A_645 = vector.shape_cast %get3A_644 : vector<1x16xf32> to vector<16xf32>
    %mul3A_646 = arith.mulf %get3A_640, %get3A_645 : vector<16xf32>
    %add3A_647 = arith.addf %add3A_635, %mul3A_646 : vector<16xf32>
    %get3A_648 = arith.constant 54 : i32
    %get3A_649 = arith.index_cast %get3A_648 : i32 to index
    %get3A_650 = arith.constant 0 : index
    %get3A_651 = tpu.vector_load %arg11[%get3A_649, %get3A_650] {strides = array<i32>} : memref<128x16xf32, #tpu.memory_space<vmem>>, vector<1x16xf32>,
    %get3A_652 = vector.shape_cast %get3A_651 : vector<1x16xf32> to vector<16xf32>
    %get3A_653 = arith.constant 54 : i32
    %get3A_654 = arith.index_cast %get3A_653 : i32 to index
    %get3A_655 = arith.constant 0 : index
    %get3A_656 = tpu.vector_load %arg12[%get3A_654, %get3A_655] {strides = array<i32>} : memref<128x16xf32, #tpu.memory_space<vmem>>, vector<1x16xf32>,
    %get3A_657 = vector.shape_cast %get3A_656 : vector<1x16xf32> to vector<16xf32>
    %mul3A_658 = arith.mulf %get3A_652, %get3A_657 : vector<16xf32>
    %add3A_659 = arith.addf %add3A_647, %mul3A_658 : vector<16xf32>
    %get3A_660 = arith.constant 55 : i32
    %get3A_661 = arith.index_cast %get3A_660 : i32 to index
    %get3A_662 = arith.constant 0 : index
    %get3A_663 = tpu.vector_load %arg11[%get3A_661, %get3A_662] {strides = array<i32>} : memref<128x16xf32, #tpu.memory_space<vmem>>, vector<1x16xf32>,
    %get3A_664 = vector.shape_cast %get3A_663 : vector<1x16xf32> to vector<16xf32>
    %get3A_665 = arith.constant 55 : i32
    %get3A_666 = arith.index_cast %get3A_665 : i32 to index
    %get3A_667 = arith.constant 0 : index
    %get3A_668 = tpu.vector_load %arg12[%get3A_666, %get3A_667] {strides = array<i32>} : memref<128x16xf32, #tpu.memory_space<vmem>>, vector<1x16xf32>,
    %get3A_669 = vector.shape_cast %get3A_668 : vector<1x16xf32> to vector<16xf32>
    %mul3A_670 = arith.mulf %get3A_664, %get3A_669 : vector<16xf32>
    %add3A_671 = arith.addf %add3A_659, %mul3A_670 : vector<16xf32>
    %get3A_672 = arith.constant 56 : i32
    %get3A_673 = arith.index_cast %get3A_672 : i32 to index
    %get3A_674 = arith.constant 0 : index
    %get3A_675 = tpu.vector_load %arg11[%get3A_673, %get3A_674] {strides = array<i32>} : memref<128x16xf32, #tpu.memory_space<vmem>>, vector<1x16xf32>,
    %get3A_676 = vector.shape_cast %get3A_675 : vector<1x16xf32> to vector<16xf32>
    %get3A_677 = arith.constant 56 : i32
    %get3A_678 = arith.index_cast %get3A_677 : i32 to index
    %get3A_679 = arith.constant 0 : index
    %get3A_680 = tpu.vector_load %arg12[%get3A_678, %get3A_679] {strides = array<i32>} : memref<128x16xf32, #tpu.memory_space<vmem>>, vector<1x16xf32>,
    %get3A_681 = vector.shape_cast %get3A_680 : vector<1x16xf32> to vector<16xf32>
    %mul3A_682 = arith.mulf %get3A_676, %get3A_681 : vector<16xf32>
    %add3A_683 = arith.addf %add3A_671, %mul3A_682 : vector<16xf32>
    %get3A_684 = arith.constant 57 : i32
    %get3A_685 = arith.index_cast %get3A_684 : i32 to index
    %get3A_686 = arith.constant 0 : index
    %get3A_687 = tpu.vector_load %arg11[%get3A_685, %get3A_686] {strides = array<i32>} : memref<128x16xf32, #tpu.memory_space<vmem>>, vector<1x16xf32>,
    %get3A_688 = vector.shape_cast %get3A_687 : vector<1x16xf32> to vector<16xf32>
    %get3A_689 = arith.constant 57 : i32
    %get3A_690 = arith.index_cast %get3A_689 : i32 to index
    %get3A_691 = arith.constant 0 : index
    %get3A_692 = tpu.vector_load %arg12[%get3A_690, %get3A_691] {strides = array<i32>} : memref<128x16xf32, #tpu.memory_space<vmem>>, vector<1x16xf32>,
    %get3A_693 = vector.shape_cast %get3A_692 : vector<1x16xf32> to vector<16xf32>
    %mul3A_694 = arith.mulf %get3A_688, %get3A_693 : vector<16xf32>
    %add3A_695 = arith.addf %add3A_683, %mul3A_694 : vector<16xf32>
    %get3A_696 = arith.constant 58 : i32
    %get3A_697 = arith.index_cast %get3A_696 : i32 to index
    %get3A_698 = arith.constant 0 : index
    %get3A_699 = tpu.vector_load %arg11[%get3A_697, %get3A_698] {strides = array<i32>} : memref<128x16xf32, #tpu.memory_space<vmem>>, vector<1x16xf32>,
    %get3A_700 = vector.shape_cast %get3A_699 : vector<1x16xf32> to vector<16xf32>
    %get3A_701 = arith.constant 58 : i32
    %get3A_702 = arith.index_cast %get3A_701 : i32 to index
    %get3A_703 = arith.constant 0 : index
    %get3A_704 = tpu.vector_load %arg12[%get3A_702, %get3A_703] {strides = array<i32>} : memref<128x16xf32, #tpu.memory_space<vmem>>, vector<1x16xf32>,
    %get3A_705 = vector.shape_cast %get3A_704 : vector<1x16xf32> to vector<16xf32>
    %mul3A_706 = arith.mulf %get3A_700, %get3A_705 : vector<16xf32>
    %add3A_707 = arith.addf %add3A_695, %mul3A_706 : vector<16xf32>
    %get3A_708 = arith.constant 59 : i32
    %get3A_709 = arith.index_cast %get3A_708 : i32 to index
    %get3A_710 = arith.constant 0 : index
    %get3A_711 = tpu.vector_load %arg11[%get3A_709, %get3A_710] {strides = array<i32>} : memref<128x16xf32, #tpu.memory_space<vmem>>, vector<1x16xf32>,
    %get3A_712 = vector.shape_cast %get3A_711 : vector<1x16xf32> to vector<16xf32>
    %get3A_713 = arith.constant 59 : i32
    %get3A_714 = arith.index_cast %get3A_713 : i32 to index
    %get3A_715 = arith.constant 0 : index
    %get3A_716 = tpu.vector_load %arg12[%get3A_714, %get3A_715] {strides = array<i32>} : memref<128x16xf32, #tpu.memory_space<vmem>>, vector<1x16xf32>,
    %get3A_717 = vector.shape_cast %get3A_716 : vector<1x16xf32> to vector<16xf32>
    %mul3A_718 = arith.mulf %get3A_712, %get3A_717 : vector<16xf32>
    %add3A_719 = arith.addf %add3A_707, %mul3A_718 : vector<16xf32>
    %get3A_720 = arith.constant 60 : i32
    %get3A_721 = arith.index_cast %get3A_720 : i32 to index
    %get3A_722 = arith.constant 0 : index
    %get3A_723 = tpu.vector_load %arg11[%get3A_721, %get3A_722] {strides = array<i32>} : memref<128x16xf32, #tpu.memory_space<vmem>>, vector<1x16xf32>,
    %get3A_724 = vector.shape_cast %get3A_723 : vector<1x16xf32> to vector<16xf32>
    %get3A_725 = arith.constant 60 : i32
    %get3A_726 = arith.index_cast %get3A_725 : i32 to index
    %get3A_727 = arith.constant 0 : index
    %get3A_728 = tpu.vector_load %arg12[%get3A_726, %get3A_727] {strides = array<i32>} : memref<128x16xf32, #tpu.memory_space<vmem>>, vector<1x16xf32>,
    %get3A_729 = vector.shape_cast %get3A_728 : vector<1x16xf32> to vector<16xf32>
    %mul3A_730 = arith.mulf %get3A_724, %get3A_729 : vector<16xf32>
    %add3A_731 = arith.addf %add3A_719, %mul3A_730 : vector<16xf32>
    %get3A_732 = arith.constant 61 : i32
    %get3A_733 = arith.index_cast %get3A_732 : i32 to index
    %get3A_734 = arith.constant 0 : index
    %get3A_735 = tpu.vector_load %arg11[%get3A_733, %get3A_734] {strides = array<i32>} : memref<128x16xf32, #tpu.memory_space<vmem>>, vector<1x16xf32>,
    %get3A_736 = vector.shape_cast %get3A_735 : vector<1x16xf32> to vector<16xf32>
    %get3A_737 = arith.constant 61 : i32
    %get3A_738 = arith.index_cast %get3A_737 : i32 to index
    %get3A_739 = arith.constant 0 : index
    %get3A_740 = tpu.vector_load %arg12[%get3A_738, %get3A_739] {strides = array<i32>} : memref<128x16xf32, #tpu.memory_space<vmem>>, vector<1x16xf32>,
    %get3A_741 = vector.shape_cast %get3A_740 : vector<1x16xf32> to vector<16xf32>
    %mul3A_742 = arith.mulf %get3A_736, %get3A_741 : vector<16xf32>
    %add3A_743 = arith.addf %add3A_731, %mul3A_742 : vector<16xf32>
    %get3A_744 = arith.constant 62 : i32
    %get3A_745 = arith.index_cast %get3A_744 : i32 to index
    %get3A_746 = arith.constant 0 : index
    %get3A_747 = tpu.vector_load %arg11[%get3A_745, %get3A_746] {strides = array<i32>} : memref<128x16xf32, #tpu.memory_space<vmem>>, vector<1x16xf32>,
    %get3A_748 = vector.shape_cast %get3A_747 : vector<1x16xf32> to vector<16xf32>
    %get3A_749 = arith.constant 62 : i32
    %get3A_750 = arith.index_cast %get3A_749 : i32 to index
    %get3A_751 = arith.constant 0 : index
    %get3A_752 = tpu.vector_load %arg12[%get3A_750, %get3A_751] {strides = array<i32>} : memref<128x16xf32, #tpu.memory_space<vmem>>, vector<1x16xf32>,
    %get3A_753 = vector.shape_cast %get3A_752 : vector<1x16xf32> to vector<16xf32>
    %mul3A_754 = arith.mulf %get3A_748, %get3A_753 : vector<16xf32>
    %add3A_755 = arith.addf %add3A_743, %mul3A_754 : vector<16xf32>
    %get3A_756 = arith.constant 63 : i32
    %get3A_757 = arith.index_cast %get3A_756 : i32 to index
    %get3A_758 = arith.constant 0 : index
    %get3A_759 = tpu.vector_load %arg11[%get3A_757, %get3A_758] {strides = array<i32>} : memref<128x16xf32, #tpu.memory_space<vmem>>, vector<1x16xf32>,
    %get3A_760 = vector.shape_cast %get3A_759 : vector<1x16xf32> to vector<16xf32>
    %get3A_761 = arith.constant 63 : i32
    %get3A_762 = arith.index_cast %get3A_761 : i32 to index
    %get3A_763 = arith.constant 0 : index
    %get3A_764 = tpu.vector_load %arg12[%get3A_762, %get3A_763] {strides = array<i32>} : memref<128x16xf32, #tpu.memory_space<vmem>>, vector<1x16xf32>,
    %get3A_765 = vector.shape_cast %get3A_764 : vector<1x16xf32> to vector<16xf32>
    %mul3A_766 = arith.mulf %get3A_760, %get3A_765 : vector<16xf32>
    %add3A_767 = arith.addf %add3A_755, %mul3A_766 : vector<16xf32>
    %get3A_768 = arith.constant 64 : i32
    %get3A_769 = arith.index_cast %get3A_768 : i32 to index
    %get3A_770 = arith.constant 0 : index
    %get3A_771 = tpu.vector_load %arg11[%get3A_769, %get3A_770] {strides = array<i32>} : memref<128x16xf32, #tpu.memory_space<vmem>>, vector<1x16xf32>,
    %get3A_772 = vector.shape_cast %get3A_771 : vector<1x16xf32> to vector<16xf32>
    %get3A_773 = arith.constant 64 : i32
    %get3A_774 = arith.index_cast %get3A_773 : i32 to index
    %get3A_775 = arith.constant 0 : index
    %get3A_776 = tpu.vector_load %arg12[%get3A_774, %get3A_775] {strides = array<i32>} : memref<128x16xf32, #tpu.memory_space<vmem>>, vector<1x16xf32>,
    %get3A_777 = vector.shape_cast %get3A_776 : vector<1x16xf32> to vector<16xf32>
    %mul3A_778 = arith.mulf %get3A_772, %get3A_777 : vector<16xf32>
    %add3A_779 = arith.addf %add3A_767, %mul3A_778 : vector<16xf32>
    %get3A_780 = arith.constant 65 : i32
    %get3A_781 = arith.index_cast %get3A_780 : i32 to index
    %get3A_782 = arith.constant 0 : index
    %get3A_783 = tpu.vector_load %arg11[%get3A_781, %get3A_782] {strides = array<i32>} : memref<128x16xf32, #tpu.memory_space<vmem>>, vector<1x16xf32>,
    %get3A_784 = vector.shape_cast %get3A_783 : vector<1x16xf32> to vector<16xf32>
    %get3A_785 = arith.constant 65 : i32
    %get3A_786 = arith.index_cast %get3A_785 : i32 to index
    %get3A_787 = arith.constant 0 : index
    %get3A_788 = tpu.vector_load %arg12[%get3A_786, %get3A_787] {strides = array<i32>} : memref<128x16xf32, #tpu.memory_space<vmem>>, vector<1x16xf32>,
    %get3A_789 = vector.shape_cast %get3A_788 : vector<1x16xf32> to vector<16xf32>
    %mul3A_790 = arith.mulf %get3A_784, %get3A_789 : vector<16xf32>
    %add3A_791 = arith.addf %add3A_779, %mul3A_790 : vector<16xf32>
    %get3A_792 = arith.constant 66 : i32
    %get3A_793 = arith.index_cast %get3A_792 : i32 to index
    %get3A_794 = arith.constant 0 : index
    %get3A_795 = tpu.vector_load %arg11[%get3A_793, %get3A_794] {strides = array<i32>} : memref<128x16xf32, #tpu.memory_space<vmem>>, vector<1x16xf32>,
    %get3A_796 = vector.shape_cast %get3A_795 : vector<1x16xf32> to vector<16xf32>
    %get3A_797 = arith.constant 66 : i32
    %get3A_798 = arith.index_cast %get3A_797 : i32 to index
    %get3A_799 = arith.constant 0 : index
    %get3A_800 = tpu.vector_load %arg12[%get3A_798, %get3A_799] {strides = array<i32>} : memref<128x16xf32, #tpu.memory_space<vmem>>, vector<1x16xf32>,
    %get3A_801 = vector.shape_cast %get3A_800 : vector<1x16xf32> to vector<16xf32>
    %mul3A_802 = arith.mulf %get3A_796, %get3A_801 : vector<16xf32>
    %add3A_803 = arith.addf %add3A_791, %mul3A_802 : vector<16xf32>
    %get3A_804 = arith.constant 67 : i32
    %get3A_805 = arith.index_cast %get3A_804 : i32 to index
    %get3A_806 = arith.constant 0 : index
    %get3A_807 = tpu.vector_load %arg11[%get3A_805, %get3A_806] {strides = array<i32>} : memref<128x16xf32, #tpu.memory_space<vmem>>, vector<1x16xf32>,
    %get3A_808 = vector.shape_cast %get3A_807 : vector<1x16xf32> to vector<16xf32>
    %get3A_809 = arith.constant 67 : i32
    %get3A_810 = arith.index_cast %get3A_809 : i32 to index
    %get3A_811 = arith.constant 0 : index
    %get3A_812 = tpu.vector_load %arg12[%get3A_810, %get3A_811] {strides = array<i32>} : memref<128x16xf32, #tpu.memory_space<vmem>>, vector<1x16xf32>,
    %get3A_813 = vector.shape_cast %get3A_812 : vector<1x16xf32> to vector<16xf32>
    %mul3A_814 = arith.mulf %get3A_808, %get3A_813 : vector<16xf32>
    %add3A_815 = arith.addf %add3A_803, %mul3A_814 : vector<16xf32>
    %get3A_816 = arith.constant 68 : i32
    %get3A_817 = arith.index_cast %get3A_816 : i32 to index
    %get3A_818 = arith.constant 0 : index
    %get3A_819 = tpu.vector_load %arg11[%get3A_817, %get3A_818] {strides = array<i32>} : memref<128x16xf32, #tpu.memory_space<vmem>>, vector<1x16xf32>,
    %get3A_820 = vector.shape_cast %get3A_819 : vector<1x16xf32> to vector<16xf32>
    %get3A_821 = arith.constant 68 : i32
    %get3A_822 = arith.index_cast %get3A_821 : i32 to index
    %get3A_823 = arith.constant 0 : index
    %get3A_824 = tpu.vector_load %arg12[%get3A_822, %get3A_823] {strides = array<i32>} : memref<128x16xf32, #tpu.memory_space<vmem>>, vector<1x16xf32>,
    %get3A_825 = vector.shape_cast %get3A_824 : vector<1x16xf32> to vector<16xf32>
    %mul3A_826 = arith.mulf %get3A_820, %get3A_825 : vector<16xf32>
    %add3A_827 = arith.addf %add3A_815, %mul3A_826 : vector<16xf32>
    %get3A_828 = arith.constant 69 : i32
    %get3A_829 = arith.index_cast %get3A_828 : i32 to index
    %get3A_830 = arith.constant 0 : index
    %get3A_831 = tpu.vector_load %arg11[%get3A_829, %get3A_830] {strides = array<i32>} : memref<128x16xf32, #tpu.memory_space<vmem>>, vector<1x16xf32>,
    %get3A_832 = vector.shape_cast %get3A_831 : vector<1x16xf32> to vector<16xf32>
    %get3A_833 = arith.constant 69 : i32
    %get3A_834 = arith.index_cast %get3A_833 : i32 to index
    %get3A_835 = arith.constant 0 : index
    %get3A_836 = tpu.vector_load %arg12[%get3A_834, %get3A_835] {strides = array<i32>} : memref<128x16xf32, #tpu.memory_space<vmem>>, vector<1x16xf32>,
    %get3A_837 = vector.shape_cast %get3A_836 : vector<1x16xf32> to vector<16xf32>
    %mul3A_838 = arith.mulf %get3A_832, %get3A_837 : vector<16xf32>
    %add3A_839 = arith.addf %add3A_827, %mul3A_838 : vector<16xf32>
    %get3A_840 = arith.constant 70 : i32
    %get3A_841 = arith.index_cast %get3A_840 : i32 to index
    %get3A_842 = arith.constant 0 : index
    %get3A_843 = tpu.vector_load %arg11[%get3A_841, %get3A_842] {strides = array<i32>} : memref<128x16xf32, #tpu.memory_space<vmem>>, vector<1x16xf32>,
    %get3A_844 = vector.shape_cast %get3A_843 : vector<1x16xf32> to vector<16xf32>
    %get3A_845 = arith.constant 70 : i32
    %get3A_846 = arith.index_cast %get3A_845 : i32 to index
    %get3A_847 = arith.constant 0 : index
    %get3A_848 = tpu.vector_load %arg12[%get3A_846, %get3A_847] {strides = array<i32>} : memref<128x16xf32, #tpu.memory_space<vmem>>, vector<1x16xf32>,
    %get3A_849 = vector.shape_cast %get3A_848 : vector<1x16xf32> to vector<16xf32>
    %mul3A_850 = arith.mulf %get3A_844, %get3A_849 : vector<16xf32>
    %add3A_851 = arith.addf %add3A_839, %mul3A_850 : vector<16xf32>
    %get3A_852 = arith.constant 71 : i32
    %get3A_853 = arith.index_cast %get3A_852 : i32 to index
    %get3A_854 = arith.constant 0 : index
    %get3A_855 = tpu.vector_load %arg11[%get3A_853, %get3A_854] {strides = array<i32>} : memref<128x16xf32, #tpu.memory_space<vmem>>, vector<1x16xf32>,
    %get3A_856 = vector.shape_cast %get3A_855 : vector<1x16xf32> to vector<16xf32>
    %get3A_857 = arith.constant 71 : i32
    %get3A_858 = arith.index_cast %get3A_857 : i32 to index
    %get3A_859 = arith.constant 0 : index
    %get3A_860 = tpu.vector_load %arg12[%get3A_858, %get3A_859] {strides = array<i32>} : memref<128x16xf32, #tpu.memory_space<vmem>>, vector<1x16xf32>,
    %get3A_861 = vector.shape_cast %get3A_860 : vector<1x16xf32> to vector<16xf32>
    %mul3A_862 = arith.mulf %get3A_856, %get3A_861 : vector<16xf32>
    %add3A_863 = arith.addf %add3A_851, %mul3A_862 : vector<16xf32>
    %get3A_864 = arith.constant 72 : i32
    %get3A_865 = arith.index_cast %get3A_864 : i32 to index
    %get3A_866 = arith.constant 0 : index
    %get3A_867 = tpu.vector_load %arg11[%get3A_865, %get3A_866] {strides = array<i32>} : memref<128x16xf32, #tpu.memory_space<vmem>>, vector<1x16xf32>,
    %get3A_868 = vector.shape_cast %get3A_867 : vector<1x16xf32> to vector<16xf32>
    %get3A_869 = arith.constant 72 : i32
    %get3A_870 = arith.index_cast %get3A_869 : i32 to index
    %get3A_871 = arith.constant 0 : index
    %get3A_872 = tpu.vector_load %arg12[%get3A_870, %get3A_871] {strides = array<i32>} : memref<128x16xf32, #tpu.memory_space<vmem>>, vector<1x16xf32>,
    %get3A_873 = vector.shape_cast %get3A_872 : vector<1x16xf32> to vector<16xf32>
    %mul3A_874 = arith.mulf %get3A_868, %get3A_873 : vector<16xf32>
    %add3A_875 = arith.addf %add3A_863, %mul3A_874 : vector<16xf32>
    %get3A_876 = arith.constant 73 : i32
    %get3A_877 = arith.index_cast %get3A_876 : i32 to index
    %get3A_878 = arith.constant 0 : index
    %get3A_879 = tpu.vector_load %arg11[%get3A_877, %get3A_878] {strides = array<i32>} : memref<128x16xf32, #tpu.memory_space<vmem>>, vector<1x16xf32>,
    %get3A_880 = vector.shape_cast %get3A_879 : vector<1x16xf32> to vector<16xf32>
    %get3A_881 = arith.constant 73 : i32
    %get3A_882 = arith.index_cast %get3A_881 : i32 to index
    %get3A_883 = arith.constant 0 : index
    %get3A_884 = tpu.vector_load %arg12[%get3A_882, %get3A_883] {strides = array<i32>} : memref<128x16xf32, #tpu.memory_space<vmem>>, vector<1x16xf32>,
    %get3A_885 = vector.shape_cast %get3A_884 : vector<1x16xf32> to vector<16xf32>
    %mul3A_886 = arith.mulf %get3A_880, %get3A_885 : vector<16xf32>
    %add3A_887 = arith.addf %add3A_875, %mul3A_886 : vector<16xf32>
    %get3A_888 = arith.constant 74 : i32
    %get3A_889 = arith.index_cast %get3A_888 : i32 to index
    %get3A_890 = arith.constant 0 : index
    %get3A_891 = tpu.vector_load %arg11[%get3A_889, %get3A_890] {strides = array<i32>} : memref<128x16xf32, #tpu.memory_space<vmem>>, vector<1x16xf32>,
    %get3A_892 = vector.shape_cast %get3A_891 : vector<1x16xf32> to vector<16xf32>
    %get3A_893 = arith.constant 74 : i32
    %get3A_894 = arith.index_cast %get3A_893 : i32 to index
    %get3A_895 = arith.constant 0 : index
    %get3A_896 = tpu.vector_load %arg12[%get3A_894, %get3A_895] {strides = array<i32>} : memref<128x16xf32, #tpu.memory_space<vmem>>, vector<1x16xf32>,
    %get3A_897 = vector.shape_cast %get3A_896 : vector<1x16xf32> to vector<16xf32>
    %mul3A_898 = arith.mulf %get3A_892, %get3A_897 : vector<16xf32>
    %add3A_899 = arith.addf %add3A_887, %mul3A_898 : vector<16xf32>
    %get3A_900 = arith.constant 75 : i32
    %get3A_901 = arith.index_cast %get3A_900 : i32 to index
    %get3A_902 = arith.constant 0 : index
    %get3A_903 = tpu.vector_load %arg11[%get3A_901, %get3A_902] {strides = array<i32>} : memref<128x16xf32, #tpu.memory_space<vmem>>, vector<1x16xf32>,
    %get3A_904 = vector.shape_cast %get3A_903 : vector<1x16xf32> to vector<16xf32>
    %get3A_905 = arith.constant 75 : i32
    %get3A_906 = arith.index_cast %get3A_905 : i32 to index
    %get3A_907 = arith.constant 0 : index
    %get3A_908 = tpu.vector_load %arg12[%get3A_906, %get3A_907] {strides = array<i32>} : memref<128x16xf32, #tpu.memory_space<vmem>>, vector<1x16xf32>,
    %get3A_909 = vector.shape_cast %get3A_908 : vector<1x16xf32> to vector<16xf32>
    %mul3A_910 = arith.mulf %get3A_904, %get3A_909 : vector<16xf32>
    %add3A_911 = arith.addf %add3A_899, %mul3A_910 : vector<16xf32>
    %get3A_912 = arith.constant 76 : i32
    %get3A_913 = arith.index_cast %get3A_912 : i32 to index
    %get3A_914 = arith.constant 0 : index
    %get3A_915 = tpu.vector_load %arg11[%get3A_913, %get3A_914] {strides = array<i32>} : memref<128x16xf32, #tpu.memory_space<vmem>>, vector<1x16xf32>,
    %get3A_916 = vector.shape_cast %get3A_915 : vector<1x16xf32> to vector<16xf32>
    %get3A_917 = arith.constant 76 : i32
    %get3A_918 = arith.index_cast %get3A_917 : i32 to index
    %get3A_919 = arith.constant 0 : index
    %get3A_920 = tpu.vector_load %arg12[%get3A_918, %get3A_919] {strides = array<i32>} : memref<128x16xf32, #tpu.memory_space<vmem>>, vector<1x16xf32>,
    %get3A_921 = vector.shape_cast %get3A_920 : vector<1x16xf32> to vector<16xf32>
    %mul3A_922 = arith.mulf %get3A_916, %get3A_921 : vector<16xf32>
    %add3A_923 = arith.addf %add3A_911, %mul3A_922 : vector<16xf32>
    %get3A_924 = arith.constant 77 : i32
    %get3A_925 = arith.index_cast %get3A_924 : i32 to index
    %get3A_926 = arith.constant 0 : index
    %get3A_927 = tpu.vector_load %arg11[%get3A_925, %get3A_926] {strides = array<i32>} : memref<128x16xf32, #tpu.memory_space<vmem>>, vector<1x16xf32>,
    %get3A_928 = vector.shape_cast %get3A_927 : vector<1x16xf32> to vector<16xf32>
    %get3A_929 = arith.constant 77 : i32
    %get3A_930 = arith.index_cast %get3A_929 : i32 to index
    %get3A_931 = arith.constant 0 : index
    %get3A_932 = tpu.vector_load %arg12[%get3A_930, %get3A_931] {strides = array<i32>} : memref<128x16xf32, #tpu.memory_space<vmem>>, vector<1x16xf32>,
    %get3A_933 = vector.shape_cast %get3A_932 : vector<1x16xf32> to vector<16xf32>
    %mul3A_934 = arith.mulf %get3A_928, %get3A_933 : vector<16xf32>
    %add3A_935 = arith.addf %add3A_923, %mul3A_934 : vector<16xf32>
    %get3A_936 = arith.constant 78 : i32
    %get3A_937 = arith.index_cast %get3A_936 : i32 to index
    %get3A_938 = arith.constant 0 : index
    %get3A_939 = tpu.vector_load %arg11[%get3A_937, %get3A_938] {strides = array<i32>} : memref<128x16xf32, #tpu.memory_space<vmem>>, vector<1x16xf32>,
    %get3A_940 = vector.shape_cast %get3A_939 : vector<1x16xf32> to vector<16xf32>
    %get3A_941 = arith.constant 78 : i32
    %get3A_942 = arith.index_cast %get3A_941 : i32 to index
    %get3A_943 = arith.constant 0 : index
    %get3A_944 = tpu.vector_load %arg12[%get3A_942, %get3A_943] {strides = array<i32>} : memref<128x16xf32, #tpu.memory_space<vmem>>, vector<1x16xf32>,
    %get3A_945 = vector.shape_cast %get3A_944 : vector<1x16xf32> to vector<16xf32>
    %mul3A_946 = arith.mulf %get3A_940, %get3A_945 : vector<16xf32>
    %add3A_947 = arith.addf %add3A_935, %mul3A_946 : vector<16xf32>
    %get3A_948 = arith.constant 79 : i32
    %get3A_949 = arith.index_cast %get3A_948 : i32 to index
    %get3A_950 = arith.constant 0 : index
    %get3A_951 = tpu.vector_load %arg11[%get3A_949, %get3A_950] {strides = array<i32>} : memref<128x16xf32, #tpu.memory_space<vmem>>, vector<1x16xf32>,
    %get3A_952 = vector.shape_cast %get3A_951 : vector<1x16xf32> to vector<16xf32>
    %get3A_953 = arith.constant 79 : i32
    %get3A_954 = arith.index_cast %get3A_953 : i32 to index
    %get3A_955 = arith.constant 0 : index
    %get3A_956 = tpu.vector_load %arg12[%get3A_954, %get3A_955] {strides = array<i32>} : memref<128x16xf32, #tpu.memory_space<vmem>>, vector<1x16xf32>,
    %get3A_957 = vector.shape_cast %get3A_956 : vector<1x16xf32> to vector<16xf32>
    %mul3A_958 = arith.mulf %get3A_952, %get3A_957 : vector<16xf32>
    %add3A_959 = arith.addf %add3A_947, %mul3A_958 : vector<16xf32>
    %get3A_960 = arith.constant 80 : i32
    %get3A_961 = arith.index_cast %get3A_960 : i32 to index
    %get3A_962 = arith.constant 0 : index
    %get3A_963 = tpu.vector_load %arg11[%get3A_961, %get3A_962] {strides = array<i32>} : memref<128x16xf32, #tpu.memory_space<vmem>>, vector<1x16xf32>,
    %get3A_964 = vector.shape_cast %get3A_963 : vector<1x16xf32> to vector<16xf32>
    %get3A_965 = arith.constant 80 : i32
    %get3A_966 = arith.index_cast %get3A_965 : i32 to index
    %get3A_967 = arith.constant 0 : index
    %get3A_968 = tpu.vector_load %arg12[%get3A_966, %get3A_967] {strides = array<i32>} : memref<128x16xf32, #tpu.memory_space<vmem>>, vector<1x16xf32>,
    %get3A_969 = vector.shape_cast %get3A_968 : vector<1x16xf32> to vector<16xf32>
    %mul3A_970 = arith.mulf %get3A_964, %get3A_969 : vector<16xf32>
    %add3A_971 = arith.addf %add3A_959, %mul3A_970 : vector<16xf32>
    %get3A_972 = arith.constant 81 : i32
    %get3A_973 = arith.index_cast %get3A_972 : i32 to index
    %get3A_974 = arith.constant 0 : index
    %get3A_975 = tpu.vector_load %arg11[%get3A_973, %get3A_974] {strides = array<i32>} : memref<128x16xf32, #tpu.memory_space<vmem>>, vector<1x16xf32>,
    %get3A_976 = vector.shape_cast %get3A_975 : vector<1x16xf32> to vector<16xf32>
    %get3A_977 = arith.constant 81 : i32
    %get3A_978 = arith.index_cast %get3A_977 : i32 to index
    %get3A_979 = arith.constant 0 : index
    %get3A_980 = tpu.vector_load %arg12[%get3A_978, %get3A_979] {strides = array<i32>} : memref<128x16xf32, #tpu.memory_space<vmem>>, vector<1x16xf32>,
    %get3A_981 = vector.shape_cast %get3A_980 : vector<1x16xf32> to vector<16xf32>
    %mul3A_982 = arith.mulf %get3A_976, %get3A_981 : vector<16xf32>
    %add3A_983 = arith.addf %add3A_971, %mul3A_982 : vector<16xf32>
    %get3A_984 = arith.constant 82 : i32
    %get3A_985 = arith.index_cast %get3A_984 : i32 to index
    %get3A_986 = arith.constant 0 : index
    %get3A_987 = tpu.vector_load %arg11[%get3A_985, %get3A_986] {strides = array<i32>} : memref<128x16xf32, #tpu.memory_space<vmem>>, vector<1x16xf32>,
    %get3A_988 = vector.shape_cast %get3A_987 : vector<1x16xf32> to vector<16xf32>
    %get3A_989 = arith.constant 82 : i32
    %get3A_990 = arith.index_cast %get3A_989 : i32 to index
    %get3A_991 = arith.constant 0 : index
    %get3A_992 = tpu.vector_load %arg12[%get3A_990, %get3A_991] {strides = array<i32>} : memref<128x16xf32, #tpu.memory_space<vmem>>, vector<1x16xf32>,
    %get3A_993 = vector.shape_cast %get3A_992 : vector<1x16xf32> to vector<16xf32>
    %mul3A_994 = arith.mulf %get3A_988, %get3A_993 : vector<16xf32>
    %add3A_995 = arith.addf %add3A_983, %mul3A_994 : vector<16xf32>
    %get3A_996 = arith.constant 83 : i32
    %get3A_997 = arith.index_cast %get3A_996 : i32 to index
    %get3A_998 = arith.constant 0 : index
    %get3A_999 = tpu.vector_load %arg11[%get3A_997, %get3A_998] {strides = array<i32>} : memref<128x16xf32, #tpu.memory_space<vmem>>, vector<1x16xf32>,
    %get3A_1000 = vector.shape_cast %get3A_999 : vector<1x16xf32> to vector<16xf32>
    %get3A_1001 = arith.constant 83 : i32
    %get3A_1002 = arith.index_cast %get3A_1001 : i32 to index
    %get3A_1003 = arith.constant 0 : index
    %get3A_1004 = tpu.vector_load %arg12[%get3A_1002, %get3A_1003] {strides = array<i32>} : memref<128x16xf32, #tpu.memory_space<vmem>>, vector<1x16xf32>,
    %get3A_1005 = vector.shape_cast %get3A_1004 : vector<1x16xf32> to vector<16xf32>
    %mul3A_1006 = arith.mulf %get3A_1000, %get3A_1005 : vector<16xf32>
    %add3A_1007 = arith.addf %add3A_995, %mul3A_1006 : vector<16xf32>
    %get3A_1008 = arith.constant 84 : i32
    %get3A_1009 = arith.index_cast %get3A_1008 : i32 to index
    %get3A_1010 = arith.constant 0 : index
    %get3A_1011 = tpu.vector_load %arg11[%get3A_1009, %get3A_1010] {strides = array<i32>} : memref<128x16xf32, #tpu.memory_space<vmem>>, vector<1x16xf32>,
    %get3A_1012 = vector.shape_cast %get3A_1011 : vector<1x16xf32> to vector<16xf32>
    %get3A_1013 = arith.constant 84 : i32
    %get3A_1014 = arith.index_cast %get3A_1013 : i32 to index
    %get3A_1015 = arith.constant 0 : index
    %get3A_1016 = tpu.vector_load %arg12[%get3A_1014, %get3A_1015] {strides = array<i32>} : memref<128x16xf32, #tpu.memory_space<vmem>>, vector<1x16xf32>,
    %get3A_1017 = vector.shape_cast %get3A_1016 : vector<1x16xf32> to vector<16xf32>
    %mul3A_1018 = arith.mulf %get3A_1012, %get3A_1017 : vector<16xf32>
    %add3A_1019 = arith.addf %add3A_1007, %mul3A_1018 : vector<16xf32>
    %get3A_1020 = arith.constant 85 : i32
    %get3A_1021 = arith.index_cast %get3A_1020 : i32 to index
    %get3A_1022 = arith.constant 0 : index
    %get3A_1023 = tpu.vector_load %arg11[%get3A_1021, %get3A_1022] {strides = array<i32>} : memref<128x16xf32, #tpu.memory_space<vmem>>, vector<1x16xf32>,
    %get3A_1024 = vector.shape_cast %get3A_1023 : vector<1x16xf32> to vector<16xf32>
    %get3A_1025 = arith.constant 85 : i32
    %get3A_1026 = arith.index_cast %get3A_1025 : i32 to index
    %get3A_1027 = arith.constant 0 : index
    %get3A_1028 = tpu.vector_load %arg12[%get3A_1026, %get3A_1027] {strides = array<i32>} : memref<128x16xf32, #tpu.memory_space<vmem>>, vector<1x16xf32>,
    %get3A_1029 = vector.shape_cast %get3A_1028 : vector<1x16xf32> to vector<16xf32>
    %mul3A_1030 = arith.mulf %get3A_1024, %get3A_1029 : vector<16xf32>
    %add3A_1031 = arith.addf %add3A_1019, %mul3A_1030 : vector<16xf32>
    %get3A_1032 = arith.constant 86 : i32
    %get3A_1033 = arith.index_cast %get3A_1032 : i32 to index
    %get3A_1034 = arith.constant 0 : index
    %get3A_1035 = tpu.vector_load %arg11[%get3A_1033, %get3A_1034] {strides = array<i32>} : memref<128x16xf32, #tpu.memory_space<vmem>>, vector<1x16xf32>,
    %get3A_1036 = vector.shape_cast %get3A_1035 : vector<1x16xf32> to vector<16xf32>
    %get3A_1037 = arith.constant 86 : i32
    %get3A_1038 = arith.index_cast %get3A_1037 : i32 to index
    %get3A_1039 = arith.constant 0 : index
    %get3A_1040 = tpu.vector_load %arg12[%get3A_1038, %get3A_1039] {strides = array<i32>} : memref<128x16xf32, #tpu.memory_space<vmem>>, vector<1x16xf32>,
    %get3A_1041 = vector.shape_cast %get3A_1040 : vector<1x16xf32> to vector<16xf32>
    %mul3A_1042 = arith.mulf %get3A_1036, %get3A_1041 : vector<16xf32>
    %add3A_1043 = arith.addf %add3A_1031, %mul3A_1042 : vector<16xf32>
    %get3A_1044 = arith.constant 87 : i32
    %get3A_1045 = arith.index_cast %get3A_1044 : i32 to index
    %get3A_1046 = arith.constant 0 : index
    %get3A_1047 = tpu.vector_load %arg11[%get3A_1045, %get3A_1046] {strides = array<i32>} : memref<128x16xf32, #tpu.memory_space<vmem>>, vector<1x16xf32>,
    %get3A_1048 = vector.shape_cast %get3A_1047 : vector<1x16xf32> to vector<16xf32>
    %get3A_1049 = arith.constant 87 : i32
    %get3A_1050 = arith.index_cast %get3A_1049 : i32 to index
    %get3A_1051 = arith.constant 0 : index
    %get3A_1052 = tpu.vector_load %arg12[%get3A_1050, %get3A_1051] {strides = array<i32>} : memref<128x16xf32, #tpu.memory_space<vmem>>, vector<1x16xf32>,
    %get3A_1053 = vector.shape_cast %get3A_1052 : vector<1x16xf32> to vector<16xf32>
    %mul3A_1054 = arith.mulf %get3A_1048, %get3A_1053 : vector<16xf32>
    %add3A_1055 = arith.addf %add3A_1043, %mul3A_1054 : vector<16xf32>
    %get3A_1056 = arith.constant 88 : i32
    %get3A_1057 = arith.index_cast %get3A_1056 : i32 to index
    %get3A_1058 = arith.constant 0 : index
    %get3A_1059 = tpu.vector_load %arg11[%get3A_1057, %get3A_1058] {strides = array<i32>} : memref<128x16xf32, #tpu.memory_space<vmem>>, vector<1x16xf32>,
    %get3A_1060 = vector.shape_cast %get3A_1059 : vector<1x16xf32> to vector<16xf32>
    %get3A_1061 = arith.constant 88 : i32
    %get3A_1062 = arith.index_cast %get3A_1061 : i32 to index
    %get3A_1063 = arith.constant 0 : index
    %get3A_1064 = tpu.vector_load %arg12[%get3A_1062, %get3A_1063] {strides = array<i32>} : memref<128x16xf32, #tpu.memory_space<vmem>>, vector<1x16xf32>,
    %get3A_1065 = vector.shape_cast %get3A_1064 : vector<1x16xf32> to vector<16xf32>
    %mul3A_1066 = arith.mulf %get3A_1060, %get3A_1065 : vector<16xf32>
    %add3A_1067 = arith.addf %add3A_1055, %mul3A_1066 : vector<16xf32>
    %get3A_1068 = arith.constant 89 : i32
    %get3A_1069 = arith.index_cast %get3A_1068 : i32 to index
    %get3A_1070 = arith.constant 0 : index
    %get3A_1071 = tpu.vector_load %arg11[%get3A_1069, %get3A_1070] {strides = array<i32>} : memref<128x16xf32, #tpu.memory_space<vmem>>, vector<1x16xf32>,
    %get3A_1072 = vector.shape_cast %get3A_1071 : vector<1x16xf32> to vector<16xf32>
    %get3A_1073 = arith.constant 89 : i32
    %get3A_1074 = arith.index_cast %get3A_1073 : i32 to index
    %get3A_1075 = arith.constant 0 : index
    %get3A_1076 = tpu.vector_load %arg12[%get3A_1074, %get3A_1075] {strides = array<i32>} : memref<128x16xf32, #tpu.memory_space<vmem>>, vector<1x16xf32>,
    %get3A_1077 = vector.shape_cast %get3A_1076 : vector<1x16xf32> to vector<16xf32>
    %mul3A_1078 = arith.mulf %get3A_1072, %get3A_1077 : vector<16xf32>
    %add3A_1079 = arith.addf %add3A_1067, %mul3A_1078 : vector<16xf32>
    %get3A_1080 = arith.constant 90 : i32
    %get3A_1081 = arith.index_cast %get3A_1080 : i32 to index
    %get3A_1082 = arith.constant 0 : index
    %get3A_1083 = tpu.vector_load %arg11[%get3A_1081, %get3A_1082] {strides = array<i32>} : memref<128x16xf32, #tpu.memory_space<vmem>>, vector<1x16xf32>,
    %get3A_1084 = vector.shape_cast %get3A_1083 : vector<1x16xf32> to vector<16xf32>
    %get3A_1085 = arith.constant 90 : i32
    %get3A_1086 = arith.index_cast %get3A_1085 : i32 to index
    %get3A_1087 = arith.constant 0 : index
    %get3A_1088 = tpu.vector_load %arg12[%get3A_1086, %get3A_1087] {strides = array<i32>} : memref<128x16xf32, #tpu.memory_space<vmem>>, vector<1x16xf32>,
    %get3A_1089 = vector.shape_cast %get3A_1088 : vector<1x16xf32> to vector<16xf32>
    %mul3A_1090 = arith.mulf %get3A_1084, %get3A_1089 : vector<16xf32>
    %add3A_1091 = arith.addf %add3A_1079, %mul3A_1090 : vector<16xf32>
    %get3A_1092 = arith.constant 91 : i32
    %get3A_1093 = arith.index_cast %get3A_1092 : i32 to index
    %get3A_1094 = arith.constant 0 : index
    %get3A_1095 = tpu.vector_load %arg11[%get3A_1093, %get3A_1094] {strides = array<i32>} : memref<128x16xf32, #tpu.memory_space<vmem>>, vector<1x16xf32>,
    %get3A_1096 = vector.shape_cast %get3A_1095 : vector<1x16xf32> to vector<16xf32>
    %get3A_1097 = arith.constant 91 : i32
    %get3A_1098 = arith.index_cast %get3A_1097 : i32 to index
    %get3A_1099 = arith.constant 0 : index
    %get3A_1100 = tpu.vector_load %arg12[%get3A_1098, %get3A_1099] {strides = array<i32>} : memref<128x16xf32, #tpu.memory_space<vmem>>, vector<1x16xf32>,
    %get3A_1101 = vector.shape_cast %get3A_1100 : vector<1x16xf32> to vector<16xf32>
    %mul3A_1102 = arith.mulf %get3A_1096, %get3A_1101 : vector<16xf32>
    %add3A_1103 = arith.addf %add3A_1091, %mul3A_1102 : vector<16xf32>
    %get3A_1104 = arith.constant 92 : i32
    %get3A_1105 = arith.index_cast %get3A_1104 : i32 to index
    %get3A_1106 = arith.constant 0 : index
    %get3A_1107 = tpu.vector_load %arg11[%get3A_1105, %get3A_1106] {strides = array<i32>} : memref<128x16xf32, #tpu.memory_space<vmem>>, vector<1x16xf32>,
    %get3A_1108 = vector.shape_cast %get3A_1107 : vector<1x16xf32> to vector<16xf32>
    %get3A_1109 = arith.constant 92 : i32
    %get3A_1110 = arith.index_cast %get3A_1109 : i32 to index
    %get3A_1111 = arith.constant 0 : index
    %get3A_1112 = tpu.vector_load %arg12[%get3A_1110, %get3A_1111] {strides = array<i32>} : memref<128x16xf32, #tpu.memory_space<vmem>>, vector<1x16xf32>,
    %get3A_1113 = vector.shape_cast %get3A_1112 : vector<1x16xf32> to vector<16xf32>
    %mul3A_1114 = arith.mulf %get3A_1108, %get3A_1113 : vector<16xf32>
    %add3A_1115 = arith.addf %add3A_1103, %mul3A_1114 : vector<16xf32>
    %get3A_1116 = arith.constant 93 : i32
    %get3A_1117 = arith.index_cast %get3A_1116 : i32 to index
    %get3A_1118 = arith.constant 0 : index
    %get3A_1119 = tpu.vector_load %arg11[%get3A_1117, %get3A_1118] {strides = array<i32>} : memref<128x16xf32, #tpu.memory_space<vmem>>, vector<1x16xf32>,
    %get3A_1120 = vector.shape_cast %get3A_1119 : vector<1x16xf32> to vector<16xf32>
    %get3A_1121 = arith.constant 93 : i32
    %get3A_1122 = arith.index_cast %get3A_1121 : i32 to index
    %get3A_1123 = arith.constant 0 : index
    %get3A_1124 = tpu.vector_load %arg12[%get3A_1122, %get3A_1123] {strides = array<i32>} : memref<128x16xf32, #tpu.memory_space<vmem>>, vector<1x16xf32>,
    %get3A_1125 = vector.shape_cast %get3A_1124 : vector<1x16xf32> to vector<16xf32>
    %mul3A_1126 = arith.mulf %get3A_1120, %get3A_1125 : vector<16xf32>
    %add3A_1127 = arith.addf %add3A_1115, %mul3A_1126 : vector<16xf32>
    %get3A_1128 = arith.constant 94 : i32
    %get3A_1129 = arith.index_cast %get3A_1128 : i32 to index
    %get3A_1130 = arith.constant 0 : index
    %get3A_1131 = tpu.vector_load %arg11[%get3A_1129, %get3A_1130] {strides = array<i32>} : memref<128x16xf32, #tpu.memory_space<vmem>>, vector<1x16xf32>,
    %get3A_1132 = vector.shape_cast %get3A_1131 : vector<1x16xf32> to vector<16xf32>
    %get3A_1133 = arith.constant 94 : i32
    %get3A_1134 = arith.index_cast %get3A_1133 : i32 to index
    %get3A_1135 = arith.constant 0 : index
    %get3A_1136 = tpu.vector_load %arg12[%get3A_1134, %get3A_1135] {strides = array<i32>} : memref<128x16xf32, #tpu.memory_space<vmem>>, vector<1x16xf32>,
    %get3A_1137 = vector.shape_cast %get3A_1136 : vector<1x16xf32> to vector<16xf32>
    %mul3A_1138 = arith.mulf %get3A_1132, %get3A_1137 : vector<16xf32>
    %add3A_1139 = arith.addf %add3A_1127, %mul3A_1138 : vector<16xf32>
    %get3A_1140 = arith.constant 95 : i32
    %get3A_1141 = arith.index_cast %get3A_1140 : i32 to index
    %get3A_1142 = arith.constant 0 : index
    %get3A_1143 = tpu.vector_load %arg11[%get3A_1141, %get3A_1142] {strides = array<i32>} : memref<128x16xf32, #tpu.memory_space<vmem>>, vector<1x16xf32>,
    %get3A_1144 = vector.shape_cast %get3A_1143 : vector<1x16xf32> to vector<16xf32>
    %get3A_1145 = arith.constant 95 : i32
    %get3A_1146 = arith.index_cast %get3A_1145 : i32 to index
    %get3A_1147 = arith.constant 0 : index
    %get3A_1148 = tpu.vector_load %arg12[%get3A_1146, %get3A_1147] {strides = array<i32>} : memref<128x16xf32, #tpu.memory_space<vmem>>, vector<1x16xf32>,
    %get3A_1149 = vector.shape_cast %get3A_1148 : vector<1x16xf32> to vector<16xf32>
    %mul3A_1150 = arith.mulf %get3A_1144, %get3A_1149 : vector<16xf32>
    %add3A_1151 = arith.addf %add3A_1139, %mul3A_1150 : vector<16xf32>
    %get3A_1152 = arith.constant 96 : i32
    %get3A_1153 = arith.index_cast %get3A_1152 : i32 to index
    %get3A_1154 = arith.constant 0 : index
    %get3A_1155 = tpu.vector_load %arg11[%get3A_1153, %get3A_1154] {strides = array<i32>} : memref<128x16xf32, #tpu.memory_space<vmem>>, vector<1x16xf32>,
    %get3A_1156 = vector.shape_cast %get3A_1155 : vector<1x16xf32> to vector<16xf32>
    %get3A_1157 = arith.constant 96 : i32
    %get3A_1158 = arith.index_cast %get3A_1157 : i32 to index
    %get3A_1159 = arith.constant 0 : index
    %get3A_1160 = tpu.vector_load %arg12[%get3A_1158, %get3A_1159] {strides = array<i32>} : memref<128x16xf32, #tpu.memory_space<vmem>>, vector<1x16xf32>,
    %get3A_1161 = vector.shape_cast %get3A_1160 : vector<1x16xf32> to vector<16xf32>
    %mul3A_1162 = arith.mulf %get3A_1156, %get3A_1161 : vector<16xf32>
    %add3A_1163 = arith.addf %add3A_1151, %mul3A_1162 : vector<16xf32>
    %get3A_1164 = arith.constant 97 : i32
    %get3A_1165 = arith.index_cast %get3A_1164 : i32 to index
    %get3A_1166 = arith.constant 0 : index
    %get3A_1167 = tpu.vector_load %arg11[%get3A_1165, %get3A_1166] {strides = array<i32>} : memref<128x16xf32, #tpu.memory_space<vmem>>, vector<1x16xf32>,
    %get3A_1168 = vector.shape_cast %get3A_1167 : vector<1x16xf32> to vector<16xf32>
    %get3A_1169 = arith.constant 97 : i32
    %get3A_1170 = arith.index_cast %get3A_1169 : i32 to index
    %get3A_1171 = arith.constant 0 : index
    %get3A_1172 = tpu.vector_load %arg12[%get3A_1170, %get3A_1171] {strides = array<i32>} : memref<128x16xf32, #tpu.memory_space<vmem>>, vector<1x16xf32>,
    %get3A_1173 = vector.shape_cast %get3A_1172 : vector<1x16xf32> to vector<16xf32>
    %mul3A_1174 = arith.mulf %get3A_1168, %get3A_1173 : vector<16xf32>
    %add3A_1175 = arith.addf %add3A_1163, %mul3A_1174 : vector<16xf32>
    %get3A_1176 = arith.constant 98 : i32
    %get3A_1177 = arith.index_cast %get3A_1176 : i32 to index
    %get3A_1178 = arith.constant 0 : index
    %get3A_1179 = tpu.vector_load %arg11[%get3A_1177, %get3A_1178] {strides = array<i32>} : memref<128x16xf32, #tpu.memory_space<vmem>>, vector<1x16xf32>,
    %get3A_1180 = vector.shape_cast %get3A_1179 : vector<1x16xf32> to vector<16xf32>
    %get3A_1181 = arith.constant 98 : i32
    %get3A_1182 = arith.index_cast %get3A_1181 : i32 to index
    %get3A_1183 = arith.constant 0 : index
    %get3A_1184 = tpu.vector_load %arg12[%get3A_1182, %get3A_1183] {strides = array<i32>} : memref<128x16xf32, #tpu.memory_space<vmem>>, vector<1x16xf32>,
    %get3A_1185 = vector.shape_cast %get3A_1184 : vector<1x16xf32> to vector<16xf32>
    %mul3A_1186 = arith.mulf %get3A_1180, %get3A_1185 : vector<16xf32>
    %add3A_1187 = arith.addf %add3A_1175, %mul3A_1186 : vector<16xf32>
    %get3A_1188 = arith.constant 99 : i32
    %get3A_1189 = arith.index_cast %get3A_1188 : i32 to index
    %get3A_1190 = arith.constant 0 : index
    %get3A_1191 = tpu.vector_load %arg11[%get3A_1189, %get3A_1190] {strides = array<i32>} : memref<128x16xf32, #tpu.memory_space<vmem>>, vector<1x16xf32>,
    %get3A_1192 = vector.shape_cast %get3A_1191 : vector<1x16xf32> to vector<16xf32>
    %get3A_1193 = arith.constant 99 : i32
    %get3A_1194 = arith.index_cast %get3A_1193 : i32 to index
    %get3A_1195 = arith.constant 0 : index
    %get3A_1196 = tpu.vector_load %arg12[%get3A_1194, %get3A_1195] {strides = array<i32>} : memref<128x16xf32, #tpu.memory_space<vmem>>, vector<1x16xf32>,
    %get3A_1197 = vector.shape_cast %get3A_1196 : vector<1x16xf32> to vector<16xf32>
    %mul3A_1198 = arith.mulf %get3A_1192, %get3A_1197 : vector<16xf32>
    %add3A_1199 = arith.addf %add3A_1187, %mul3A_1198 : vector<16xf32>
    %get3A_1200 = arith.constant 100 : i32
    %get3A_1201 = arith.index_cast %get3A_1200 : i32 to index
    %get3A_1202 = arith.constant 0 : index
    %get3A_1203 = tpu.vector_load %arg11[%get3A_1201, %get3A_1202] {strides = array<i32>} : memref<128x16xf32, #tpu.memory_space<vmem>>, vector<1x16xf32>,
    %get3A_1204 = vector.shape_cast %get3A_1203 : vector<1x16xf32> to vector<16xf32>
    %get3A_1205 = arith.constant 100 : i32
    %get3A_1206 = arith.index_cast %get3A_1205 : i32 to index
    %get3A_1207 = arith.constant 0 : index
    %get3A_1208 = tpu.vector_load %arg12[%get3A_1206, %get3A_1207] {strides = array<i32>} : memref<128x16xf32, #tpu.memory_space<vmem>>, vector<1x16xf32>,
    %get3A_1209 = vector.shape_cast %get3A_1208 : vector<1x16xf32> to vector<16xf32>
    %mul3A_1210 = arith.mulf %get3A_1204, %get3A_1209 : vector<16xf32>
    %add3A_1211 = arith.addf %add3A_1199, %mul3A_1210 : vector<16xf32>
    %get3A_1212 = arith.constant 101 : i32
    %get3A_1213 = arith.index_cast %get3A_1212 : i32 to index
    %get3A_1214 = arith.constant 0 : index
    %get3A_1215 = tpu.vector_load %arg11[%get3A_1213, %get3A_1214] {strides = array<i32>} : memref<128x16xf32, #tpu.memory_space<vmem>>, vector<1x16xf32>,
    %get3A_1216 = vector.shape_cast %get3A_1215 : vector<1x16xf32> to vector<16xf32>
    %get3A_1217 = arith.constant 101 : i32
    %get3A_1218 = arith.index_cast %get3A_1217 : i32 to index
    %get3A_1219 = arith.constant 0 : index
    %get3A_1220 = tpu.vector_load %arg12[%get3A_1218, %get3A_1219] {strides = array<i32>} : memref<128x16xf32, #tpu.memory_space<vmem>>, vector<1x16xf32>,
    %get3A_1221 = vector.shape_cast %get3A_1220 : vector<1x16xf32> to vector<16xf32>
    %mul3A_1222 = arith.mulf %get3A_1216, %get3A_1221 : vector<16xf32>
    %add3A_1223 = arith.addf %add3A_1211, %mul3A_1222 : vector<16xf32>
    %get3A_1224 = arith.constant 102 : i32
    %get3A_1225 = arith.index_cast %get3A_1224 : i32 to index
    %get3A_1226 = arith.constant 0 : index
    %get3A_1227 = tpu.vector_load %arg11[%get3A_1225, %get3A_1226] {strides = array<i32>} : memref<128x16xf32, #tpu.memory_space<vmem>>, vector<1x16xf32>,
    %get3A_1228 = vector.shape_cast %get3A_1227 : vector<1x16xf32> to vector<16xf32>
    %get3A_1229 = arith.constant 102 : i32
    %get3A_1230 = arith.index_cast %get3A_1229 : i32 to index
    %get3A_1231 = arith.constant 0 : index
    %get3A_1232 = tpu.vector_load %arg12[%get3A_1230, %get3A_1231] {strides = array<i32>} : memref<128x16xf32, #tpu.memory_space<vmem>>, vector<1x16xf32>,
    %get3A_1233 = vector.shape_cast %get3A_1232 : vector<1x16xf32> to vector<16xf32>
    %mul3A_1234 = arith.mulf %get3A_1228, %get3A_1233 : vector<16xf32>
    %add3A_1235 = arith.addf %add3A_1223, %mul3A_1234 : vector<16xf32>
    %get3A_1236 = arith.constant 103 : i32
    %get3A_1237 = arith.index_cast %get3A_1236 : i32 to index
    %get3A_1238 = arith.constant 0 : index
    %get3A_1239 = tpu.vector_load %arg11[%get3A_1237, %get3A_1238] {strides = array<i32>} : memref<128x16xf32, #tpu.memory_space<vmem>>, vector<1x16xf32>,
    %get3A_1240 = vector.shape_cast %get3A_1239 : vector<1x16xf32> to vector<16xf32>
    %get3A_1241 = arith.constant 103 : i32
    %get3A_1242 = arith.index_cast %get3A_1241 : i32 to index
    %get3A_1243 = arith.constant 0 : index
    %get3A_1244 = tpu.vector_load %arg12[%get3A_1242, %get3A_1243] {strides = array<i32>} : memref<128x16xf32, #tpu.memory_space<vmem>>, vector<1x16xf32>,
    %get3A_1245 = vector.shape_cast %get3A_1244 : vector<1x16xf32> to vector<16xf32>
    %mul3A_1246 = arith.mulf %get3A_1240, %get3A_1245 : vector<16xf32>
    %add3A_1247 = arith.addf %add3A_1235, %mul3A_1246 : vector<16xf32>
    %get3A_1248 = arith.constant 104 : i32
    %get3A_1249 = arith.index_cast %get3A_1248 : i32 to index
    %get3A_1250 = arith.constant 0 : index
    %get3A_1251 = tpu.vector_load %arg11[%get3A_1249, %get3A_1250] {strides = array<i32>} : memref<128x16xf32, #tpu.memory_space<vmem>>, vector<1x16xf32>,
    %get3A_1252 = vector.shape_cast %get3A_1251 : vector<1x16xf32> to vector<16xf32>
    %get3A_1253 = arith.constant 104 : i32
    %get3A_1254 = arith.index_cast %get3A_1253 : i32 to index
    %get3A_1255 = arith.constant 0 : index
    %get3A_1256 = tpu.vector_load %arg12[%get3A_1254, %get3A_1255] {strides = array<i32>} : memref<128x16xf32, #tpu.memory_space<vmem>>, vector<1x16xf32>,
    %get3A_1257 = vector.shape_cast %get3A_1256 : vector<1x16xf32> to vector<16xf32>
    %mul3A_1258 = arith.mulf %get3A_1252, %get3A_1257 : vector<16xf32>
    %add3A_1259 = arith.addf %add3A_1247, %mul3A_1258 : vector<16xf32>
    %get3A_1260 = arith.constant 105 : i32
    %get3A_1261 = arith.index_cast %get3A_1260 : i32 to index
    %get3A_1262 = arith.constant 0 : index
    %get3A_1263 = tpu.vector_load %arg11[%get3A_1261, %get3A_1262] {strides = array<i32>} : memref<128x16xf32, #tpu.memory_space<vmem>>, vector<1x16xf32>,
    %get3A_1264 = vector.shape_cast %get3A_1263 : vector<1x16xf32> to vector<16xf32>
    %get3A_1265 = arith.constant 105 : i32
    %get3A_1266 = arith.index_cast %get3A_1265 : i32 to index
    %get3A_1267 = arith.constant 0 : index
    %get3A_1268 = tpu.vector_load %arg12[%get3A_1266, %get3A_1267] {strides = array<i32>} : memref<128x16xf32, #tpu.memory_space<vmem>>, vector<1x16xf32>,
    %get3A_1269 = vector.shape_cast %get3A_1268 : vector<1x16xf32> to vector<16xf32>
    %mul3A_1270 = arith.mulf %get3A_1264, %get3A_1269 : vector<16xf32>
    %add3A_1271 = arith.addf %add3A_1259, %mul3A_1270 : vector<16xf32>
    %get3A_1272 = arith.constant 106 : i32
    %get3A_1273 = arith.index_cast %get3A_1272 : i32 to index
    %get3A_1274 = arith.constant 0 : index
    %get3A_1275 = tpu.vector_load %arg11[%get3A_1273, %get3A_1274] {strides = array<i32>} : memref<128x16xf32, #tpu.memory_space<vmem>>, vector<1x16xf32>,
    %get3A_1276 = vector.shape_cast %get3A_1275 : vector<1x16xf32> to vector<16xf32>
    %get3A_1277 = arith.constant 106 : i32
    %get3A_1278 = arith.index_cast %get3A_1277 : i32 to index
    %get3A_1279 = arith.constant 0 : index
    %get3A_1280 = tpu.vector_load %arg12[%get3A_1278, %get3A_1279] {strides = array<i32>} : memref<128x16xf32, #tpu.memory_space<vmem>>, vector<1x16xf32>,
    %get3A_1281 = vector.shape_cast %get3A_1280 : vector<1x16xf32> to vector<16xf32>
    %mul3A_1282 = arith.mulf %get3A_1276, %get3A_1281 : vector<16xf32>
    %add3A_1283 = arith.addf %add3A_1271, %mul3A_1282 : vector<16xf32>
    %get3A_1284 = arith.constant 107 : i32
    %get3A_1285 = arith.index_cast %get3A_1284 : i32 to index
    %get3A_1286 = arith.constant 0 : index
    %get3A_1287 = tpu.vector_load %arg11[%get3A_1285, %get3A_1286] {strides = array<i32>} : memref<128x16xf32, #tpu.memory_space<vmem>>, vector<1x16xf32>,
    %get3A_1288 = vector.shape_cast %get3A_1287 : vector<1x16xf32> to vector<16xf32>
    %get3A_1289 = arith.constant 107 : i32
    %get3A_1290 = arith.index_cast %get3A_1289 : i32 to index
    %get3A_1291 = arith.constant 0 : index
    %get3A_1292 = tpu.vector_load %arg12[%get3A_1290, %get3A_1291] {strides = array<i32>} : memref<128x16xf32, #tpu.memory_space<vmem>>, vector<1x16xf32>,
    %get3A_1293 = vector.shape_cast %get3A_1292 : vector<1x16xf32> to vector<16xf32>
    %mul3A_1294 = arith.mulf %get3A_1288, %get3A_1293 : vector<16xf32>
    %add3A_1295 = arith.addf %add3A_1283, %mul3A_1294 : vector<16xf32>
    %get3A_1296 = arith.constant 108 : i32
    %get3A_1297 = arith.index_cast %get3A_1296 : i32 to index
    %get3A_1298 = arith.constant 0 : index
    %get3A_1299 = tpu.vector_load %arg11[%get3A_1297, %get3A_1298] {strides = array<i32>} : memref<128x16xf32, #tpu.memory_space<vmem>>, vector<1x16xf32>,
    %get3A_1300 = vector.shape_cast %get3A_1299 : vector<1x16xf32> to vector<16xf32>
    %get3A_1301 = arith.constant 108 : i32
    %get3A_1302 = arith.index_cast %get3A_1301 : i32 to index
    %get3A_1303 = arith.constant 0 : index
    %get3A_1304 = tpu.vector_load %arg12[%get3A_1302, %get3A_1303] {strides = array<i32>} : memref<128x16xf32, #tpu.memory_space<vmem>>, vector<1x16xf32>,
    %get3A_1305 = vector.shape_cast %get3A_1304 : vector<1x16xf32> to vector<16xf32>
    %mul3A_1306 = arith.mulf %get3A_1300, %get3A_1305 : vector<16xf32>
    %add3A_1307 = arith.addf %add3A_1295, %mul3A_1306 : vector<16xf32>
    %get3A_1308 = arith.constant 109 : i32
    %get3A_1309 = arith.index_cast %get3A_1308 : i32 to index
    %get3A_1310 = arith.constant 0 : index
    %get3A_1311 = tpu.vector_load %arg11[%get3A_1309, %get3A_1310] {strides = array<i32>} : memref<128x16xf32, #tpu.memory_space<vmem>>, vector<1x16xf32>,
    %get3A_1312 = vector.shape_cast %get3A_1311 : vector<1x16xf32> to vector<16xf32>
    %get3A_1313 = arith.constant 109 : i32
    %get3A_1314 = arith.index_cast %get3A_1313 : i32 to index
    %get3A_1315 = arith.constant 0 : index
    %get3A_1316 = tpu.vector_load %arg12[%get3A_1314, %get3A_1315] {strides = array<i32>} : memref<128x16xf32, #tpu.memory_space<vmem>>, vector<1x16xf32>,
    %get3A_1317 = vector.shape_cast %get3A_1316 : vector<1x16xf32> to vector<16xf32>
    %mul3A_1318 = arith.mulf %get3A_1312, %get3A_1317 : vector<16xf32>
    %add3A_1319 = arith.addf %add3A_1307, %mul3A_1318 : vector<16xf32>
    %get3A_1320 = arith.constant 110 : i32
    %get3A_1321 = arith.index_cast %get3A_1320 : i32 to index
    %get3A_1322 = arith.constant 0 : index
    %get3A_1323 = tpu.vector_load %arg11[%get3A_1321, %get3A_1322] {strides = array<i32>} : memref<128x16xf32, #tpu.memory_space<vmem>>, vector<1x16xf32>,
    %get3A_1324 = vector.shape_cast %get3A_1323 : vector<1x16xf32> to vector<16xf32>
    %get3A_1325 = arith.constant 110 : i32
    %get3A_1326 = arith.index_cast %get3A_1325 : i32 to index
    %get3A_1327 = arith.constant 0 : index
    %get3A_1328 = tpu.vector_load %arg12[%get3A_1326, %get3A_1327] {strides = array<i32>} : memref<128x16xf32, #tpu.memory_space<vmem>>, vector<1x16xf32>,
    %get3A_1329 = vector.shape_cast %get3A_1328 : vector<1x16xf32> to vector<16xf32>
    %mul3A_1330 = arith.mulf %get3A_1324, %get3A_1329 : vector<16xf32>
    %add3A_1331 = arith.addf %add3A_1319, %mul3A_1330 : vector<16xf32>
    %get3A_1332 = arith.constant 111 : i32
    %get3A_1333 = arith.index_cast %get3A_1332 : i32 to index
    %get3A_1334 = arith.constant 0 : index
    %get3A_1335 = tpu.vector_load %arg11[%get3A_1333, %get3A_1334] {strides = array<i32>} : memref<128x16xf32, #tpu.memory_space<vmem>>, vector<1x16xf32>,
    %get3A_1336 = vector.shape_cast %get3A_1335 : vector<1x16xf32> to vector<16xf32>
    %get3A_1337 = arith.constant 111 : i32
    %get3A_1338 = arith.index_cast %get3A_1337 : i32 to index
    %get3A_1339 = arith.constant 0 : index
    %get3A_1340 = tpu.vector_load %arg12[%get3A_1338, %get3A_1339] {strides = array<i32>} : memref<128x16xf32, #tpu.memory_space<vmem>>, vector<1x16xf32>,
    %get3A_1341 = vector.shape_cast %get3A_1340 : vector<1x16xf32> to vector<16xf32>
    %mul3A_1342 = arith.mulf %get3A_1336, %get3A_1341 : vector<16xf32>
    %add3A_1343 = arith.addf %add3A_1331, %mul3A_1342 : vector<16xf32>
    %get3A_1344 = arith.constant 112 : i32
    %get3A_1345 = arith.index_cast %get3A_1344 : i32 to index
    %get3A_1346 = arith.constant 0 : index
    %get3A_1347 = tpu.vector_load %arg11[%get3A_1345, %get3A_1346] {strides = array<i32>} : memref<128x16xf32, #tpu.memory_space<vmem>>, vector<1x16xf32>,
    %get3A_1348 = vector.shape_cast %get3A_1347 : vector<1x16xf32> to vector<16xf32>
    %get3A_1349 = arith.constant 112 : i32
    %get3A_1350 = arith.index_cast %get3A_1349 : i32 to index
    %get3A_1351 = arith.constant 0 : index
    %get3A_1352 = tpu.vector_load %arg12[%get3A_1350, %get3A_1351] {strides = array<i32>} : memref<128x16xf32, #tpu.memory_space<vmem>>, vector<1x16xf32>,
    %get3A_1353 = vector.shape_cast %get3A_1352 : vector<1x16xf32> to vector<16xf32>
    %mul3A_1354 = arith.mulf %get3A_1348, %get3A_1353 : vector<16xf32>
    %add3A_1355 = arith.addf %add3A_1343, %mul3A_1354 : vector<16xf32>
    %get3A_1356 = arith.constant 113 : i32
    %get3A_1357 = arith.index_cast %get3A_1356 : i32 to index
    %get3A_1358 = arith.constant 0 : index
    %get3A_1359 = tpu.vector_load %arg11[%get3A_1357, %get3A_1358] {strides = array<i32>} : memref<128x16xf32, #tpu.memory_space<vmem>>, vector<1x16xf32>,
    %get3A_1360 = vector.shape_cast %get3A_1359 : vector<1x16xf32> to vector<16xf32>
    %get3A_1361 = arith.constant 113 : i32
    %get3A_1362 = arith.index_cast %get3A_1361 : i32 to index
    %get3A_1363 = arith.constant 0 : index
    %get3A_1364 = tpu.vector_load %arg12[%get3A_1362, %get3A_1363] {strides = array<i32>} : memref<128x16xf32, #tpu.memory_space<vmem>>, vector<1x16xf32>,
    %get3A_1365 = vector.shape_cast %get3A_1364 : vector<1x16xf32> to vector<16xf32>
    %mul3A_1366 = arith.mulf %get3A_1360, %get3A_1365 : vector<16xf32>
    %add3A_1367 = arith.addf %add3A_1355, %mul3A_1366 : vector<16xf32>
    %get3A_1368 = arith.constant 114 : i32
    %get3A_1369 = arith.index_cast %get3A_1368 : i32 to index
    %get3A_1370 = arith.constant 0 : index
    %get3A_1371 = tpu.vector_load %arg11[%get3A_1369, %get3A_1370] {strides = array<i32>} : memref<128x16xf32, #tpu.memory_space<vmem>>, vector<1x16xf32>,
    %get3A_1372 = vector.shape_cast %get3A_1371 : vector<1x16xf32> to vector<16xf32>
    %get3A_1373 = arith.constant 114 : i32
    %get3A_1374 = arith.index_cast %get3A_1373 : i32 to index
    %get3A_1375 = arith.constant 0 : index
    %get3A_1376 = tpu.vector_load %arg12[%get3A_1374, %get3A_1375] {strides = array<i32>} : memref<128x16xf32, #tpu.memory_space<vmem>>, vector<1x16xf32>,
    %get3A_1377 = vector.shape_cast %get3A_1376 : vector<1x16xf32> to vector<16xf32>
    %mul3A_1378 = arith.mulf %get3A_1372, %get3A_1377 : vector<16xf32>
    %add3A_1379 = arith.addf %add3A_1367, %mul3A_1378 : vector<16xf32>
    %get3A_1380 = arith.constant 115 : i32
    %get3A_1381 = arith.index_cast %get3A_1380 : i32 to index
    %get3A_1382 = arith.constant 0 : index
    %get3A_1383 = tpu.vector_load %arg11[%get3A_1381, %get3A_1382] {strides = array<i32>} : memref<128x16xf32, #tpu.memory_space<vmem>>, vector<1x16xf32>,
    %get3A_1384 = vector.shape_cast %get3A_1383 : vector<1x16xf32> to vector<16xf32>
    %get3A_1385 = arith.constant 115 : i32
    %get3A_1386 = arith.index_cast %get3A_1385 : i32 to index
    %get3A_1387 = arith.constant 0 : index
    %get3A_1388 = tpu.vector_load %arg12[%get3A_1386, %get3A_1387] {strides = array<i32>} : memref<128x16xf32, #tpu.memory_space<vmem>>, vector<1x16xf32>,
    %get3A_1389 = vector.shape_cast %get3A_1388 : vector<1x16xf32> to vector<16xf32>
    %mul3A_1390 = arith.mulf %get3A_1384, %get3A_1389 : vector<16xf32>
    %add3A_1391 = arith.addf %add3A_1379, %mul3A_1390 : vector<16xf32>
    %get3A_1392 = arith.constant 116 : i32
    %get3A_1393 = arith.index_cast %get3A_1392 : i32 to index
    %get3A_1394 = arith.constant 0 : index
    %get3A_1395 = tpu.vector_load %arg11[%get3A_1393, %get3A_1394] {strides = array<i32>} : memref<128x16xf32, #tpu.memory_space<vmem>>, vector<1x16xf32>,
    %get3A_1396 = vector.shape_cast %get3A_1395 : vector<1x16xf32> to vector<16xf32>
    %get3A_1397 = arith.constant 116 : i32
    %get3A_1398 = arith.index_cast %get3A_1397 : i32 to index
    %get3A_1399 = arith.constant 0 : index
    %get3A_1400 = tpu.vector_load %arg12[%get3A_1398, %get3A_1399] {strides = array<i32>} : memref<128x16xf32, #tpu.memory_space<vmem>>, vector<1x16xf32>,
    %get3A_1401 = vector.shape_cast %get3A_1400 : vector<1x16xf32> to vector<16xf32>
    %mul3A_1402 = arith.mulf %get3A_1396, %get3A_1401 : vector<16xf32>
    %add3A_1403 = arith.addf %add3A_1391, %mul3A_1402 : vector<16xf32>
    %get3A_1404 = arith.constant 117 : i32
    %get3A_1405 = arith.index_cast %get3A_1404 : i32 to index
    %get3A_1406 = arith.constant 0 : index
    %get3A_1407 = tpu.vector_load %arg11[%get3A_1405, %get3A_1406] {strides = array<i32>} : memref<128x16xf32, #tpu.memory_space<vmem>>, vector<1x16xf32>,
    %get3A_1408 = vector.shape_cast %get3A_1407 : vector<1x16xf32> to vector<16xf32>
    %get3A_1409 = arith.constant 117 : i32
    %get3A_1410 = arith.index_cast %get3A_1409 : i32 to index
    %get3A_1411 = arith.constant 0 : index
    %get3A_1412 = tpu.vector_load %arg12[%get3A_1410, %get3A_1411] {strides = array<i32>} : memref<128x16xf32, #tpu.memory_space<vmem>>, vector<1x16xf32>,
    %get3A_1413 = vector.shape_cast %get3A_1412 : vector<1x16xf32> to vector<16xf32>
    %mul3A_1414 = arith.mulf %get3A_1408, %get3A_1413 : vector<16xf32>
    %add3A_1415 = arith.addf %add3A_1403, %mul3A_1414 : vector<16xf32>
    %get3A_1416 = arith.constant 118 : i32
    %get3A_1417 = arith.index_cast %get3A_1416 : i32 to index
    %get3A_1418 = arith.constant 0 : index
    %get3A_1419 = tpu.vector_load %arg11[%get3A_1417, %get3A_1418] {strides = array<i32>} : memref<128x16xf32, #tpu.memory_space<vmem>>, vector<1x16xf32>,
    %get3A_1420 = vector.shape_cast %get3A_1419 : vector<1x16xf32> to vector<16xf32>
    %get3A_1421 = arith.constant 118 : i32
    %get3A_1422 = arith.index_cast %get3A_1421 : i32 to index
    %get3A_1423 = arith.constant 0 : index
    %get3A_1424 = tpu.vector_load %arg12[%get3A_1422, %get3A_1423] {strides = array<i32>} : memref<128x16xf32, #tpu.memory_space<vmem>>, vector<1x16xf32>,
    %get3A_1425 = vector.shape_cast %get3A_1424 : vector<1x16xf32> to vector<16xf32>
    %mul3A_1426 = arith.mulf %get3A_1420, %get3A_1425 : vector<16xf32>
    %add3A_1427 = arith.addf %add3A_1415, %mul3A_1426 : vector<16xf32>
    %get3A_1428 = arith.constant 119 : i32
    %get3A_1429 = arith.index_cast %get3A_1428 : i32 to index
    %get3A_1430 = arith.constant 0 : index
    %get3A_1431 = tpu.vector_load %arg11[%get3A_1429, %get3A_1430] {strides = array<i32>} : memref<128x16xf32, #tpu.memory_space<vmem>>, vector<1x16xf32>,
    %get3A_1432 = vector.shape_cast %get3A_1431 : vector<1x16xf32> to vector<16xf32>
    %get3A_1433 = arith.constant 119 : i32
    %get3A_1434 = arith.index_cast %get3A_1433 : i32 to index
    %get3A_1435 = arith.constant 0 : index
    %get3A_1436 = tpu.vector_load %arg12[%get3A_1434, %get3A_1435] {strides = array<i32>} : memref<128x16xf32, #tpu.memory_space<vmem>>, vector<1x16xf32>,
    %get3A_1437 = vector.shape_cast %get3A_1436 : vector<1x16xf32> to vector<16xf32>
    %mul3A_1438 = arith.mulf %get3A_1432, %get3A_1437 : vector<16xf32>
    %add3A_1439 = arith.addf %add3A_1427, %mul3A_1438 : vector<16xf32>
    %get3A_1440 = arith.constant 120 : i32
    %get3A_1441 = arith.index_cast %get3A_1440 : i32 to index
    %get3A_1442 = arith.constant 0 : index
    %get3A_1443 = tpu.vector_load %arg11[%get3A_1441, %get3A_1442] {strides = array<i32>} : memref<128x16xf32, #tpu.memory_space<vmem>>, vector<1x16xf32>,
    %get3A_1444 = vector.shape_cast %get3A_1443 : vector<1x16xf32> to vector<16xf32>
    %get3A_1445 = arith.constant 120 : i32
    %get3A_1446 = arith.index_cast %get3A_1445 : i32 to index
    %get3A_1447 = arith.constant 0 : index
    %get3A_1448 = tpu.vector_load %arg12[%get3A_1446, %get3A_1447] {strides = array<i32>} : memref<128x16xf32, #tpu.memory_space<vmem>>, vector<1x16xf32>,
    %get3A_1449 = vector.shape_cast %get3A_1448 : vector<1x16xf32> to vector<16xf32>
    %mul3A_1450 = arith.mulf %get3A_1444, %get3A_1449 : vector<16xf32>
    %add3A_1451 = arith.addf %add3A_1439, %mul3A_1450 : vector<16xf32>
    %get3A_1452 = arith.constant 121 : i32
    %get3A_1453 = arith.index_cast %get3A_1452 : i32 to index
    %get3A_1454 = arith.constant 0 : index
    %get3A_1455 = tpu.vector_load %arg11[%get3A_1453, %get3A_1454] {strides = array<i32>} : memref<128x16xf32, #tpu.memory_space<vmem>>, vector<1x16xf32>,
    %get3A_1456 = vector.shape_cast %get3A_1455 : vector<1x16xf32> to vector<16xf32>
    %get3A_1457 = arith.constant 121 : i32
    %get3A_1458 = arith.index_cast %get3A_1457 : i32 to index
    %get3A_1459 = arith.constant 0 : index
    %get3A_1460 = tpu.vector_load %arg12[%get3A_1458, %get3A_1459] {strides = array<i32>} : memref<128x16xf32, #tpu.memory_space<vmem>>, vector<1x16xf32>,
    %get3A_1461 = vector.shape_cast %get3A_1460 : vector<1x16xf32> to vector<16xf32>
    %mul3A_1462 = arith.mulf %get3A_1456, %get3A_1461 : vector<16xf32>
    %add3A_1463 = arith.addf %add3A_1451, %mul3A_1462 : vector<16xf32>
    %get3A_1464 = arith.constant 122 : i32
    %get3A_1465 = arith.index_cast %get3A_1464 : i32 to index
    %get3A_1466 = arith.constant 0 : index
    %get3A_1467 = tpu.vector_load %arg11[%get3A_1465, %get3A_1466] {strides = array<i32>} : memref<128x16xf32, #tpu.memory_space<vmem>>, vector<1x16xf32>,
    %get3A_1468 = vector.shape_cast %get3A_1467 : vector<1x16xf32> to vector<16xf32>
    %get3A_1469 = arith.constant 122 : i32
    %get3A_1470 = arith.index_cast %get3A_1469 : i32 to index
    %get3A_1471 = arith.constant 0 : index
    %get3A_1472 = tpu.vector_load %arg12[%get3A_1470, %get3A_1471] {strides = array<i32>} : memref<128x16xf32, #tpu.memory_space<vmem>>, vector<1x16xf32>,
    %get3A_1473 = vector.shape_cast %get3A_1472 : vector<1x16xf32> to vector<16xf32>
    %mul3A_1474 = arith.mulf %get3A_1468, %get3A_1473 : vector<16xf32>
    %add3A_1475 = arith.addf %add3A_1463, %mul3A_1474 : vector<16xf32>
    %get3A_1476 = arith.constant 123 : i32
    %get3A_1477 = arith.index_cast %get3A_1476 : i32 to index
    %get3A_1478 = arith.constant 0 : index
    %get3A_1479 = tpu.vector_load %arg11[%get3A_1477, %get3A_1478] {strides = array<i32>} : memref<128x16xf32, #tpu.memory_space<vmem>>, vector<1x16xf32>,
    %get3A_1480 = vector.shape_cast %get3A_1479 : vector<1x16xf32> to vector<16xf32>
    %get3A_1481 = arith.constant 123 : i32
    %get3A_1482 = arith.index_cast %get3A_1481 : i32 to index
    %get3A_1483 = arith.constant 0 : index
    %get3A_1484 = tpu.vector_load %arg12[%get3A_1482, %get3A_1483] {strides = array<i32>} : memref<128x16xf32, #tpu.memory_space<vmem>>, vector<1x16xf32>,
    %get3A_1485 = vector.shape_cast %get3A_1484 : vector<1x16xf32> to vector<16xf32>
    %mul3A_1486 = arith.mulf %get3A_1480, %get3A_1485 : vector<16xf32>
    %add3A_1487 = arith.addf %add3A_1475, %mul3A_1486 : vector<16xf32>
    %get3A_1488 = arith.constant 124 : i32
    %get3A_1489 = arith.index_cast %get3A_1488 : i32 to index
    %get3A_1490 = arith.constant 0 : index
    %get3A_1491 = tpu.vector_load %arg11[%get3A_1489, %get3A_1490] {strides = array<i32>} : memref<128x16xf32, #tpu.memory_space<vmem>>, vector<1x16xf32>,
    %get3A_1492 = vector.shape_cast %get3A_1491 : vector<1x16xf32> to vector<16xf32>
    %get3A_1493 = arith.constant 124 : i32
    %get3A_1494 = arith.index_cast %get3A_1493 : i32 to index
    %get3A_1495 = arith.constant 0 : index
    %get3A_1496 = tpu.vector_load %arg12[%get3A_1494, %get3A_1495] {strides = array<i32>} : memref<128x16xf32, #tpu.memory_space<vmem>>, vector<1x16xf32>,
    %get3A_1497 = vector.shape_cast %get3A_1496 : vector<1x16xf32> to vector<16xf32>
    %mul3A_1498 = arith.mulf %get3A_1492, %get3A_1497 : vector<16xf32>
    %add3A_1499 = arith.addf %add3A_1487, %mul3A_1498 : vector<16xf32>
    %get3A_1500 = arith.constant 125 : i32
    %get3A_1501 = arith.index_cast %get3A_1500 : i32 to index
    %get3A_1502 = arith.constant 0 : index
    %get3A_1503 = tpu.vector_load %arg11[%get3A_1501, %get3A_1502] {strides = array<i32>} : memref<128x16xf32, #tpu.memory_space<vmem>>, vector<1x16xf32>,
    %get3A_1504 = vector.shape_cast %get3A_1503 : vector<1x16xf32> to vector<16xf32>
    %get3A_1505 = arith.constant 125 : i32
    %get3A_1506 = arith.index_cast %get3A_1505 : i32 to index
    %get3A_1507 = arith.constant 0 : index
    %get3A_1508 = tpu.vector_load %arg12[%get3A_1506, %get3A_1507] {strides = array<i32>} : memref<128x16xf32, #tpu.memory_space<vmem>>, vector<1x16xf32>,
    %get3A_1509 = vector.shape_cast %get3A_1508 : vector<1x16xf32> to vector<16xf32>
    %mul3A_1510 = arith.mulf %get3A_1504, %get3A_1509 : vector<16xf32>
    %add3A_1511 = arith.addf %add3A_1499, %mul3A_1510 : vector<16xf32>
    %get3A_1512 = arith.constant 126 : i32
    %get3A_1513 = arith.index_cast %get3A_1512 : i32 to index
    %get3A_1514 = arith.constant 0 : index
    %get3A_1515 = tpu.vector_load %arg11[%get3A_1513, %get3A_1514] {strides = array<i32>} : memref<128x16xf32, #tpu.memory_space<vmem>>, vector<1x16xf32>,
    %get3A_1516 = vector.shape_cast %get3A_1515 : vector<1x16xf32> to vector<16xf32>
    %get3A_1517 = arith.constant 126 : i32
    %get3A_1518 = arith.index_cast %get3A_1517 : i32 to index
    %get3A_1519 = arith.constant 0 : index
    %get3A_1520 = tpu.vector_load %arg12[%get3A_1518, %get3A_1519] {strides = array<i32>} : memref<128x16xf32, #tpu.memory_space<vmem>>, vector<1x16xf32>,
    %get3A_1521 = vector.shape_cast %get3A_1520 : vector<1x16xf32> to vector<16xf32>
    %mul3A_1522 = arith.mulf %get3A_1516, %get3A_1521 : vector<16xf32>
    %add3A_1523 = arith.addf %add3A_1511, %mul3A_1522 : vector<16xf32>
    %get3A_1524 = arith.constant 127 : i32
    %get3A_1525 = arith.index_cast %get3A_1524 : i32 to index
    %get3A_1526 = arith.constant 0 : index
    %get3A_1527 = tpu.vector_load %arg11[%get3A_1525, %get3A_1526] {strides = array<i32>} : memref<128x16xf32, #tpu.memory_space<vmem>>, vector<1x16xf32>,
    %get3A_1528 = vector.shape_cast %get3A_1527 : vector<1x16xf32> to vector<16xf32>
    %get3A_1529 = arith.constant 127 : i32
    %get3A_1530 = arith.index_cast %get3A_1529 : i32 to index
    %get3A_1531 = arith.constant 0 : index
    %get3A_1532 = tpu.vector_load %arg12[%get3A_1530, %get3A_1531] {strides = array<i32>} : memref<128x16xf32, #tpu.memory_space<vmem>>, vector<1x16xf32>,
    %get3A_1533 = vector.shape_cast %get3A_1532 : vector<1x16xf32> to vector<16xf32>
    %mul3A_1534 = arith.mulf %get3A_1528, %get3A_1533 : vector<16xf32>
    %add3A_1535 = arith.addf %add3A_1523, %mul3A_1534 : vector<16xf32>
    %slice3A = vector.extract_strided_slice %add3A_1535 {offsets = [0], sizes = [1], strides = [1]} : vector<16xf32> to vector<1xf32>
    %squeeze3A = vector.extract %slice3A[0] : f32 from vector<1xf32>
    %broadcast_in_dim3A = vector.broadcast %squeeze3A : f32 to vector<16xf32>
    %slice3A_1536 = vector.extract_strided_slice %add3A_1535 {offsets = [1], sizes = [1], strides = [1]} : vector<16xf32> to vector<1xf32>
    %squeeze3A_1537 = vector.extract %slice3A_1536[0] : f32 from vector<1xf32>
    %broadcast_in_dim3A_1538 = vector.broadcast %squeeze3A_1537 : f32 to vector<16xf32>
    %slice3A_1539 = vector.extract_strided_slice %add3A_1535 {offsets = [2], sizes = [1], strides = [1]} : vector<16xf32> to vector<1xf32>
    %squeeze3A_1540 = vector.extract %slice3A_1539[0] : f32 from vector<1xf32>
    %broadcast_in_dim3A_1541 = vector.broadcast %squeeze3A_1540 : f32 to vector<16xf32>
    %slice3A_1542 = vector.extract_strided_slice %add3A_1535 {offsets = [3], sizes = [1], strides = [1]} : vector<16xf32> to vector<1xf32>
    %squeeze3A_1543 = vector.extract %slice3A_1542[0] : f32 from vector<1xf32>
    %broadcast_in_dim3A_1544 = vector.broadcast %squeeze3A_1543 : f32 to vector<16xf32>
    %slice3A_1545 = vector.extract_strided_slice %add3A_1535 {offsets = [4], sizes = [1], strides = [1]} : vector<16xf32> to vector<1xf32>
    %squeeze3A_1546 = vector.extract %slice3A_1545[0] : f32 from vector<1xf32>
    %broadcast_in_dim3A_1547 = vector.broadcast %squeeze3A_1546 : f32 to vector<16xf32>
    %slice3A_1548 = vector.extract_strided_slice %add3A_1535 {offsets = [5], sizes = [1], strides = [1]} : vector<16xf32> to vector<1xf32>
    %squeeze3A_1549 = vector.extract %slice3A_1548[0] : f32 from vector<1xf32>
    %broadcast_in_dim3A_1550 = vector.broadcast %squeeze3A_1549 : f32 to vector<16xf32>
    %slice3A_1551 = vector.extract_strided_slice %add3A_1535 {offsets = [6], sizes = [1], strides = [1]} : vector<16xf32> to vector<1xf32>
    %squeeze3A_1552 = vector.extract %slice3A_1551[0] : f32 from vector<1xf32>
    %broadcast_in_dim3A_1553 = vector.broadcast %squeeze3A_1552 : f32 to vector<16xf32>
    %slice3A_1554 = vector.extract_strided_slice %add3A_1535 {offsets = [7], sizes = [1], strides = [1]} : vector<16xf32> to vector<1xf32>
    %squeeze3A_1555 = vector.extract %slice3A_1554[0] : f32 from vector<1xf32>
    %broadcast_in_dim3A_1556 = vector.broadcast %squeeze3A_1555 : f32 to vector<16xf32>
    %slice3A_1557 = vector.extract_strided_slice %add3A_1535 {offsets = [8], sizes = [1], strides = [1]} : vector<16xf32> to vector<1xf32>
    %squeeze3A_1558 = vector.extract %slice3A_1557[0] : f32 from vector<1xf32>
    %broadcast_in_dim3A_1559 = vector.broadcast %squeeze3A_1558 : f32 to vector<16xf32>
    %slice3A_1560 = vector.extract_strided_slice %add3A_1535 {offsets = [9], sizes = [1], strides = [1]} : vector<16xf32> to vector<1xf32>
    %squeeze3A_1561 = vector.extract %slice3A_1560[0] : f32 from vector<1xf32>
    %broadcast_in_dim3A_1562 = vector.broadcast %squeeze3A_1561 : f32 to vector<16xf32>
    %mul3A_1563 = arith.constant 2 : i32
    %mul3A_1564 = arith.muli %arg1, %mul3A_1563 : i32
    %add3A_1565 = arith.addi %mul3A_1564, %arg0 : i32
    %mul3A_1566 = arith.constant 128 : i32
    %mul3A_1567 = arith.muli %add3A_1565, %mul3A_1566 : i32
    %add3A_1568 = arith.constant 0 : i32
    %add3A_1569 = arith.addi %mul3A_1567, %add3A_1568 : i32
    %dma_start3A = arith.constant 0 : i32
    %dma_start3A_1570 = tpu.memref_slice %arg2[%add3A_1569, %dma_start3A] : memref<16384x200xi32, #tpu.memory_space<hbm>> -> memref<64x200xi32, #tpu.memory_space<hbm>>
    %dma_start3A_1571 = arith.constant 0 : i32
    %dma_start3A_1572 = tpu.memref_slice %arg2[%add3A_1569, %dma_start3A_1571] : memref<16384x200xi32, #tpu.memory_space<hbm>> -> memref<64x200xi32, #tpu.memory_space<hbm>>
    tpu.enqueue_dma source(%dma_start3A_1572 : memref<64x200xi32, #tpu.memory_space<hbm>>) target(%arg7 : memref<64x200xi32, #tpu.memory_space<vmem>>) target_semaphore(%arg14 : memref<!tpu.dma_semaphore, #tpu.memory_space<semaphore_mem>>)
    %dma_wait3A = arith.constant 0 : i32
    %dma_wait3A_1573 = tpu.memref_slice %arg2[%add3A_1569, %dma_wait3A] : memref<16384x200xi32, #tpu.memory_space<hbm>> -> memref<64x200xi32, #tpu.memory_space<hbm>>
    %dma_wait3A_1574 = arith.constant 0 : i32
    %dma_wait3A_1575 = tpu.memref_slice %arg2[%add3A_1569, %dma_wait3A_1574] : memref<16384x200xi32, #tpu.memory_space<hbm>> -> memref<64x200xi32, #tpu.memory_space<hbm>>
    tpu.wait_dma2 semaphore(%arg14 : memref<!tpu.dma_semaphore, #tpu.memory_space<semaphore_mem>>) src(%dma_wait3A_1575 : memref<64x200xi32, #tpu.memory_space<hbm>>) dst(%arg7 : memref<64x200xi32, #tpu.memory_space<vmem>>)
    %add3A_1576 = arith.constant 64 : i32
    %add3A_1577 = arith.addi %mul3A_1567, %add3A_1576 : i32
    %dma_start3A_1578 = arith.constant 0 : i32
    %dma_start3A_1579 = tpu.memref_slice %arg2[%add3A_1577, %dma_start3A_1578] : memref<16384x200xi32, #tpu.memory_space<hbm>> -> memref<64x200xi32, #tpu.memory_space<hbm>>
    %dma_start3A_1580 = arith.constant 0 : i32
    %dma_start3A_1581 = tpu.memref_slice %arg2[%add3A_1577, %dma_start3A_1580] : memref<16384x200xi32, #tpu.memory_space<hbm>> -> memref<64x200xi32, #tpu.memory_space<hbm>>
    tpu.enqueue_dma source(%dma_start3A_1581 : memref<64x200xi32, #tpu.memory_space<hbm>>) target(%arg8 : memref<64x200xi32, #tpu.memory_space<vmem>>) target_semaphore(%arg15 : memref<!tpu.dma_semaphore, #tpu.memory_space<semaphore_mem>>)
    %scan3A = arith.constant 0 : i32
    %scan3A_1582 = arith.constant 0 : i32
    %scan3A_1583 = arith.constant 32 : i32
    %scan3A_1584 = arith.addi %scan3A_1582, %scan3A_1583 : i32
    %scan3A_1585 = arith.constant 1 : i32
    scf.for %scan3A_1617 = %scan3A_1582 to %scan3A_1584 step %scan3A_1585  : i32 {
      %mul3A_1618 = arith.constant 2 : i32
      %mul3A_1619 = arith.muli %scan3A_1617, %mul3A_1618 : i32
      %add3A_1620 = arith.constant 0 : i32
      %add3A_1621 = arith.addi %mul3A_1619, %add3A_1620 : i32
      %get3A_1622 = arith.index_cast %add3A_1621 : i32 to index
      %get3A_1623 = arith.constant 0 : index
      %get3A_1624 = tpu.vector_load %arg7[%get3A_1622, %get3A_1623] {strides = array<i32>} : memref<64x200xi32, #tpu.memory_space<vmem>>, vector<1x16xi32>,
      %get3A_1625 = vector.shape_cast %get3A_1624 : vector<1x16xi32> to vector<16xi32>
      %and3A = arith.constant 1 : i32
      %and3A_1626 = vector.broadcast %and3A : i32 to vector<16xi32>
      %and3A_1627 = arith.andi %get3A_1625, %and3A_1626 : vector<16xi32>
      %ne3A = arith.constant 0 : i32
      %ne3A_1628 = vector.broadcast %ne3A : i32 to vector<16xi32>
      %ne3A_1629 = arith.cmpi ne, %and3A_1627, %ne3A_1628 : vector<16xi32>
      %and3A_1630 = arith.constant 2 : i32
      %and3A_1631 = vector.broadcast %and3A_1630 : i32 to vector<16xi32>
      %and3A_1632 = arith.andi %get3A_1625, %and3A_1631 : vector<16xi32>
      %ne3A_1633 = arith.constant 0 : i32
      %ne3A_1634 = vector.broadcast %ne3A_1633 : i32 to vector<16xi32>
      %ne3A_1635 = arith.cmpi ne, %and3A_1632, %ne3A_1634 : vector<16xi32>
      %and3A_1636 = arith.constant 4 : i32
      %and3A_1637 = vector.broadcast %and3A_1636 : i32 to vector<16xi32>
      %and3A_1638 = arith.andi %get3A_1625, %and3A_1637 : vector<16xi32>
      %ne3A_1639 = arith.constant 0 : i32
      %ne3A_1640 = vector.broadcast %ne3A_1639 : i32 to vector<16xi32>
      %ne3A_1641 = arith.cmpi ne, %and3A_1638, %ne3A_1640 : vector<16xi32>
      %and3A_1642 = arith.constant 8 : i32
      %and3A_1643 = vector.broadcast %and3A_1642 : i32 to vector<16xi32>
      %and3A_1644 = arith.andi %get3A_1625, %and3A_1643 : vector<16xi32>
      %ne3A_1645 = arith.constant 0 : i32
      %ne3A_1646 = vector.broadcast %ne3A_1645 : i32 to vector<16xi32>
      %ne3A_1647 = arith.cmpi ne, %and3A_1644, %ne3A_1646 : vector<16xi32>
      %select_n3A = arith.select %ne3A_1629, %broadcast_in_dim3A_1538, %broadcast_in_dim3A : vector<16xi1>, vector<16xf32>
      %select_n3A_1648 = arith.select %ne3A_1629, %broadcast_in_dim3A_1544, %broadcast_in_dim3A_1541 : vector<16xi1>, vector<16xf32>
      %select_n3A_1649 = arith.select %ne3A_1629, %broadcast_in_dim3A_1550, %broadcast_in_dim3A_1547 : vector<16xi1>, vector<16xf32>
      %select_n3A_1650 = arith.select %ne3A_1629, %broadcast_in_dim3A_1556, %broadcast_in_dim3A_1553 : vector<16xi1>, vector<16xf32>
      %select_n3A_1651 = arith.select %ne3A_1629, %broadcast_in_dim3A_1562, %broadcast_in_dim3A_1559 : vector<16xi1>, vector<16xf32>
      %select_n3A_1652 = arith.select %ne3A_1635, %select_n3A_1648, %select_n3A : vector<16xi1>, vector<16xf32>
      %select_n3A_1653 = arith.select %ne3A_1635, %select_n3A_1650, %select_n3A_1649 : vector<16xi1>, vector<16xf32>
      %select_n3A_1654 = arith.select %ne3A_1641, %select_n3A_1653, %select_n3A_1652 : vector<16xi1>, vector<16xf32>
      %select_n3A_1655 = arith.select %ne3A_1647, %select_n3A_1651, %select_n3A_1654 : vector<16xi1>, vector<16xf32>
      %swap3A = arith.index_cast %add3A_1621 : i32 to index
      %swap3A_1656 = arith.constant 0 : index
      %swap3A_1657 = tpu.vector_load %arg9[%swap3A, %swap3A_1656] {strides = array<i32>} : memref<64x200xf32, #tpu.memory_space<vmem>>, vector<1x16xf32>,
      %swap3A_1658 = vector.shape_cast %swap3A_1657 : vector<1x16xf32> to vector<16xf32>
      %swap3A_1659 = vector.shape_cast %select_n3A_1655 : vector<16xf32> to vector<1x16xf32>
      tpu.vector_store %arg9[%swap3A, %swap3A_1656], %swap3A_1659 {strides = array<i32>} : memref<64x200xf32, #tpu.memory_space<vmem>>, vector<1x16xf32>,
      %get3A_1660 = arith.index_cast %add3A_1621 : i32 to index
      %get3A_1661 = arith.constant 16 : index
      %get3A_1662 = tpu.vector_load %arg7[%get3A_1660, %get3A_1661] {strides = array<i32>} : memref<64x200xi32, #tpu.memory_space<vmem>>, vector<1x16xi32>,
      %get3A_1663 = vector.shape_cast %get3A_1662 : vector<1x16xi32> to vector<16xi32>
      %and3A_1664 = arith.constant 1 : i32
      %and3A_1665 = vector.broadcast %and3A_1664 : i32 to vector<16xi32>
      %and3A_1666 = arith.andi %get3A_1663, %and3A_1665 : vector<16xi32>
      %ne3A_1667 = arith.constant 0 : i32
      %ne3A_1668 = vector.broadcast %ne3A_1667 : i32 to vector<16xi32>
      %ne3A_1669 = arith.cmpi ne, %and3A_1666, %ne3A_1668 : vector<16xi32>
      %and3A_1670 = arith.constant 2 : i32
      %and3A_1671 = vector.broadcast %and3A_1670 : i32 to vector<16xi32>
      %and3A_1672 = arith.andi %get3A_1663, %and3A_1671 : vector<16xi32>
      %ne3A_1673 = arith.constant 0 : i32
      %ne3A_1674 = vector.broadcast %ne3A_1673 : i32 to vector<16xi32>
      %ne3A_1675 = arith.cmpi ne, %and3A_1672, %ne3A_1674 : vector<16xi32>
      %and3A_1676 = arith.constant 4 : i32
      %and3A_1677 = vector.broadcast %and3A_1676 : i32 to vector<16xi32>
      %and3A_1678 = arith.andi %get3A_1663, %and3A_1677 : vector<16xi32>
      %ne3A_1679 = arith.constant 0 : i32
      %ne3A_1680 = vector.broadcast %ne3A_1679 : i32 to vector<16xi32>
      %ne3A_1681 = arith.cmpi ne, %and3A_1678, %ne3A_1680 : vector<16xi32>
      %and3A_1682 = arith.constant 8 : i32
      %and3A_1683 = vector.broadcast %and3A_1682 : i32 to vector<16xi32>
      %and3A_1684 = arith.andi %get3A_1663, %and3A_1683 : vector<16xi32>
      %ne3A_1685 = arith.constant 0 : i32
      %ne3A_1686 = vector.broadcast %ne3A_1685 : i32 to vector<16xi32>
      %ne3A_1687 = arith.cmpi ne, %and3A_1684, %ne3A_1686 : vector<16xi32>
      %select_n3A_1688 = arith.select %ne3A_1669, %broadcast_in_dim3A_1538, %broadcast_in_dim3A : vector<16xi1>, vector<16xf32>
      %select_n3A_1689 = arith.select %ne3A_1669, %broadcast_in_dim3A_1544, %broadcast_in_dim3A_1541 : vector<16xi1>, vector<16xf32>
      %select_n3A_1690 = arith.select %ne3A_1669, %broadcast_in_dim3A_1550, %broadcast_in_dim3A_1547 : vector<16xi1>, vector<16xf32>
      %select_n3A_1691 = arith.select %ne3A_1669, %broadcast_in_dim3A_1556, %broadcast_in_dim3A_1553 : vector<16xi1>, vector<16xf32>
      %select_n3A_1692 = arith.select %ne3A_1669, %broadcast_in_dim3A_1562, %broadcast_in_dim3A_1559 : vector<16xi1>, vector<16xf32>
      %select_n3A_1693 = arith.select %ne3A_1675, %select_n3A_1689, %select_n3A_1688 : vector<16xi1>, vector<16xf32>
      %select_n3A_1694 = arith.select %ne3A_1675, %select_n3A_1691, %select_n3A_1690 : vector<16xi1>, vector<16xf32>
      %select_n3A_1695 = arith.select %ne3A_1681, %select_n3A_1694, %select_n3A_1693 : vector<16xi1>, vector<16xf32>
      %select_n3A_1696 = arith.select %ne3A_1687, %select_n3A_1692, %select_n3A_1695 : vector<16xi1>, vector<16xf32>
      %swap3A_1697 = arith.index_cast %add3A_1621 : i32 to index
      %swap3A_1698 = arith.constant 16 : index
      %swap3A_1699 = tpu.vector_load %arg9[%swap3A_1697, %swap3A_1698] {strides = array<i32>} : memref<64x200xf32, #tpu.memory_space<vmem>>, vector<1x16xf32>,
      %swap3A_1700 = vector.shape_cast %swap3A_1699 : vector<1x16xf32> to vector<16xf32>
      %swap3A_1701 = vector.shape_cast %select_n3A_1696 : vector<16xf32> to vector<1x16xf32>
      tpu.vector_store %arg9[%swap3A_1697, %swap3A_1698], %swap3A_1701 {strides = array<i32>} : memref<64x200xf32, #tpu.memory_space<vmem>>, vector<1x16xf32>,
      %get3A_1702 = arith.index_cast %add3A_1621 : i32 to index
      %get3A_1703 = arith.constant 32 : index
      %get3A_1704 = tpu.vector_load %arg7[%get3A_1702, %get3A_1703] {strides = array<i32>} : memref<64x200xi32, #tpu.memory_space<vmem>>, vector<1x16xi32>,
      %get3A_1705 = vector.shape_cast %get3A_1704 : vector<1x16xi32> to vector<16xi32>
      %and3A_1706 = arith.constant 1 : i32
      %and3A_1707 = vector.broadcast %and3A_1706 : i32 to vector<16xi32>
      %and3A_1708 = arith.andi %get3A_1705, %and3A_1707 : vector<16xi32>
      %ne3A_1709 = arith.constant 0 : i32
      %ne3A_1710 = vector.broadcast %ne3A_1709 : i32 to vector<16xi32>
      %ne3A_1711 = arith.cmpi ne, %and3A_1708, %ne3A_1710 : vector<16xi32>
      %and3A_1712 = arith.constant 2 : i32
      %and3A_1713 = vector.broadcast %and3A_1712 : i32 to vector<16xi32>
      %and3A_1714 = arith.andi %get3A_1705, %and3A_1713 : vector<16xi32>
      %ne3A_1715 = arith.constant 0 : i32
      %ne3A_1716 = vector.broadcast %ne3A_1715 : i32 to vector<16xi32>
      %ne3A_1717 = arith.cmpi ne, %and3A_1714, %ne3A_1716 : vector<16xi32>
      %and3A_1718 = arith.constant 4 : i32
      %and3A_1719 = vector.broadcast %and3A_1718 : i32 to vector<16xi32>
      %and3A_1720 = arith.andi %get3A_1705, %and3A_1719 : vector<16xi32>
      %ne3A_1721 = arith.constant 0 : i32
      %ne3A_1722 = vector.broadcast %ne3A_1721 : i32 to vector<16xi32>
      %ne3A_1723 = arith.cmpi ne, %and3A_1720, %ne3A_1722 : vector<16xi32>
      %and3A_1724 = arith.constant 8 : i32
      %and3A_1725 = vector.broadcast %and3A_1724 : i32 to vector<16xi32>
      %and3A_1726 = arith.andi %get3A_1705, %and3A_1725 : vector<16xi32>
      %ne3A_1727 = arith.constant 0 : i32
      %ne3A_1728 = vector.broadcast %ne3A_1727 : i32 to vector<16xi32>
      %ne3A_1729 = arith.cmpi ne, %and3A_1726, %ne3A_1728 : vector<16xi32>
      %select_n3A_1730 = arith.select %ne3A_1711, %broadcast_in_dim3A_1538, %broadcast_in_dim3A : vector<16xi1>, vector<16xf32>
      %select_n3A_1731 = arith.select %ne3A_1711, %broadcast_in_dim3A_1544, %broadcast_in_dim3A_1541 : vector<16xi1>, vector<16xf32>
      %select_n3A_1732 = arith.select %ne3A_1711, %broadcast_in_dim3A_1550, %broadcast_in_dim3A_1547 : vector<16xi1>, vector<16xf32>
      %select_n3A_1733 = arith.select %ne3A_1711, %broadcast_in_dim3A_1556, %broadcast_in_dim3A_1553 : vector<16xi1>, vector<16xf32>
      %select_n3A_1734 = arith.select %ne3A_1711, %broadcast_in_dim3A_1562, %broadcast_in_dim3A_1559 : vector<16xi1>, vector<16xf32>
      %select_n3A_1735 = arith.select %ne3A_1717, %select_n3A_1731, %select_n3A_1730 : vector<16xi1>, vector<16xf32>
      %select_n3A_1736 = arith.select %ne3A_1717, %select_n3A_1733, %select_n3A_1732 : vector<16xi1>, vector<16xf32>
      %select_n3A_1737 = arith.select %ne3A_1723, %select_n3A_1736, %select_n3A_1735 : vector<16xi1>, vector<16xf32>
      %select_n3A_1738 = arith.select %ne3A_1729, %select_n3A_1734, %select_n3A_1737 : vector<16xi1>, vector<16xf32>
      %swap3A_1739 = arith.index_cast %add3A_1621 : i32 to index
      %swap3A_1740 = arith.constant 32 : index
      %swap3A_1741 = tpu.vector_load %arg9[%swap3A_1739, %swap3A_1740] {strides = array<i32>} : memref<64x200xf32, #tpu.memory_space<vmem>>, vector<1x16xf32>,
      %swap3A_1742 = vector.shape_cast %swap3A_1741 : vector<1x16xf32> to vector<16xf32>
      %swap3A_1743 = vector.shape_cast %select_n3A_1738 : vector<16xf32> to vector<1x16xf32>
      tpu.vector_store %arg9[%swap3A_1739, %swap3A_1740], %swap3A_1743 {strides = array<i32>} : memref<64x200xf32, #tpu.memory_space<vmem>>, vector<1x16xf32>,
      %get3A_1744 = arith.index_cast %add3A_1621 : i32 to index
      %get3A_1745 = arith.constant 48 : index
      %get3A_1746 = tpu.vector_load %arg7[%get3A_1744, %get3A_1745] {strides = array<i32>} : memref<64x200xi32, #tpu.memory_space<vmem>>, vector<1x16xi32>,
      %get3A_1747 = vector.shape_cast %get3A_1746 : vector<1x16xi32> to vector<16xi32>
      %and3A_1748 = arith.constant 1 : i32
      %and3A_1749 = vector.broadcast %and3A_1748 : i32 to vector<16xi32>
      %and3A_1750 = arith.andi %get3A_1747, %and3A_1749 : vector<16xi32>
      %ne3A_1751 = arith.constant 0 : i32
      %ne3A_1752 = vector.broadcast %ne3A_1751 : i32 to vector<16xi32>
      %ne3A_1753 = arith.cmpi ne, %and3A_1750, %ne3A_1752 : vector<16xi32>
      %and3A_1754 = arith.constant 2 : i32
      %and3A_1755 = vector.broadcast %and3A_1754 : i32 to vector<16xi32>
      %and3A_1756 = arith.andi %get3A_1747, %and3A_1755 : vector<16xi32>
      %ne3A_1757 = arith.constant 0 : i32
      %ne3A_1758 = vector.broadcast %ne3A_1757 : i32 to vector<16xi32>
      %ne3A_1759 = arith.cmpi ne, %and3A_1756, %ne3A_1758 : vector<16xi32>
      %and3A_1760 = arith.constant 4 : i32
      %and3A_1761 = vector.broadcast %and3A_1760 : i32 to vector<16xi32>
      %and3A_1762 = arith.andi %get3A_1747, %and3A_1761 : vector<16xi32>
      %ne3A_1763 = arith.constant 0 : i32
      %ne3A_1764 = vector.broadcast %ne3A_1763 : i32 to vector<16xi32>
      %ne3A_1765 = arith.cmpi ne, %and3A_1762, %ne3A_1764 : vector<16xi32>
      %and3A_1766 = arith.constant 8 : i32
      %and3A_1767 = vector.broadcast %and3A_1766 : i32 to vector<16xi32>
      %and3A_1768 = arith.andi %get3A_1747, %and3A_1767 : vector<16xi32>
      %ne3A_1769 = arith.constant 0 : i32
      %ne3A_1770 = vector.broadcast %ne3A_1769 : i32 to vector<16xi32>
      %ne3A_1771 = arith.cmpi ne, %and3A_1768, %ne3A_1770 : vector<16xi32>
      %select_n3A_1772 = arith.select %ne3A_1753, %broadcast_in_dim3A_1538, %broadcast_in_dim3A : vector<16xi1>, vector<16xf32>
      %select_n3A_1773 = arith.select %ne3A_1753, %broadcast_in_dim3A_1544, %broadcast_in_dim3A_1541 : vector<16xi1>, vector<16xf32>
      %select_n3A_1774 = arith.select %ne3A_1753, %broadcast_in_dim3A_1550, %broadcast_in_dim3A_1547 : vector<16xi1>, vector<16xf32>
      %select_n3A_1775 = arith.select %ne3A_1753, %broadcast_in_dim3A_1556, %broadcast_in_dim3A_1553 : vector<16xi1>, vector<16xf32>
      %select_n3A_1776 = arith.select %ne3A_1753, %broadcast_in_dim3A_1562, %broadcast_in_dim3A_1559 : vector<16xi1>, vector<16xf32>
      %select_n3A_1777 = arith.select %ne3A_1759, %select_n3A_1773, %select_n3A_1772 : vector<16xi1>, vector<16xf32>
      %select_n3A_1778 = arith.select %ne3A_1759, %select_n3A_1775, %select_n3A_1774 : vector<16xi1>, vector<16xf32>
      %select_n3A_1779 = arith.select %ne3A_1765, %select_n3A_1778, %select_n3A_1777 : vector<16xi1>, vector<16xf32>
      %select_n3A_1780 = arith.select %ne3A_1771, %select_n3A_1776, %select_n3A_1779 : vector<16xi1>, vector<16xf32>
      %swap3A_1781 = arith.index_cast %add3A_1621 : i32 to index
      %swap3A_1782 = arith.constant 48 : index
      %swap3A_1783 = tpu.vector_load %arg9[%swap3A_1781, %swap3A_1782] {strides = array<i32>} : memref<64x200xf32, #tpu.memory_space<vmem>>, vector<1x16xf32>,
      %swap3A_1784 = vector.shape_cast %swap3A_1783 : vector<1x16xf32> to vector<16xf32>
      %swap3A_1785 = vector.shape_cast %select_n3A_1780 : vector<16xf32> to vector<1x16xf32>
      tpu.vector_store %arg9[%swap3A_1781, %swap3A_1782], %swap3A_1785 {strides = array<i32>} : memref<64x200xf32, #tpu.memory_space<vmem>>, vector<1x16xf32>,
      %get3A_1786 = arith.index_cast %add3A_1621 : i32 to index
      %get3A_1787 = arith.constant 64 : index
      %get3A_1788 = tpu.vector_load %arg7[%get3A_1786, %get3A_1787] {strides = array<i32>} : memref<64x200xi32, #tpu.memory_space<vmem>>, vector<1x16xi32>,
      %get3A_1789 = vector.shape_cast %get3A_1788 : vector<1x16xi32> to vector<16xi32>
      %and3A_1790 = arith.constant 1 : i32
      %and3A_1791 = vector.broadcast %and3A_1790 : i32 to vector<16xi32>
      %and3A_1792 = arith.andi %get3A_1789, %and3A_1791 : vector<16xi32>
      %ne3A_1793 = arith.constant 0 : i32
      %ne3A_1794 = vector.broadcast %ne3A_1793 : i32 to vector<16xi32>
      %ne3A_1795 = arith.cmpi ne, %and3A_1792, %ne3A_1794 : vector<16xi32>
      %and3A_1796 = arith.constant 2 : i32
      %and3A_1797 = vector.broadcast %and3A_1796 : i32 to vector<16xi32>
      %and3A_1798 = arith.andi %get3A_1789, %and3A_1797 : vector<16xi32>
      %ne3A_1799 = arith.constant 0 : i32
      %ne3A_1800 = vector.broadcast %ne3A_1799 : i32 to vector<16xi32>
      %ne3A_1801 = arith.cmpi ne, %and3A_1798, %ne3A_1800 : vector<16xi32>
      %and3A_1802 = arith.constant 4 : i32
      %and3A_1803 = vector.broadcast %and3A_1802 : i32 to vector<16xi32>
      %and3A_1804 = arith.andi %get3A_1789, %and3A_1803 : vector<16xi32>
      %ne3A_1805 = arith.constant 0 : i32
      %ne3A_1806 = vector.broadcast %ne3A_1805 : i32 to vector<16xi32>
      %ne3A_1807 = arith.cmpi ne, %and3A_1804, %ne3A_1806 : vector<16xi32>
      %and3A_1808 = arith.constant 8 : i32
      %and3A_1809 = vector.broadcast %and3A_1808 : i32 to vector<16xi32>
      %and3A_1810 = arith.andi %get3A_1789, %and3A_1809 : vector<16xi32>
      %ne3A_1811 = arith.constant 0 : i32
      %ne3A_1812 = vector.broadcast %ne3A_1811 : i32 to vector<16xi32>
      %ne3A_1813 = arith.cmpi ne, %and3A_1810, %ne3A_1812 : vector<16xi32>
      %select_n3A_1814 = arith.select %ne3A_1795, %broadcast_in_dim3A_1538, %broadcast_in_dim3A : vector<16xi1>, vector<16xf32>
      %select_n3A_1815 = arith.select %ne3A_1795, %broadcast_in_dim3A_1544, %broadcast_in_dim3A_1541 : vector<16xi1>, vector<16xf32>
      %select_n3A_1816 = arith.select %ne3A_1795, %broadcast_in_dim3A_1550, %broadcast_in_dim3A_1547 : vector<16xi1>, vector<16xf32>
      %select_n3A_1817 = arith.select %ne3A_1795, %broadcast_in_dim3A_1556, %broadcast_in_dim3A_1553 : vector<16xi1>, vector<16xf32>
      %select_n3A_1818 = arith.select %ne3A_1795, %broadcast_in_dim3A_1562, %broadcast_in_dim3A_1559 : vector<16xi1>, vector<16xf32>
      %select_n3A_1819 = arith.select %ne3A_1801, %select_n3A_1815, %select_n3A_1814 : vector<16xi1>, vector<16xf32>
      %select_n3A_1820 = arith.select %ne3A_1801, %select_n3A_1817, %select_n3A_1816 : vector<16xi1>, vector<16xf32>
      %select_n3A_1821 = arith.select %ne3A_1807, %select_n3A_1820, %select_n3A_1819 : vector<16xi1>, vector<16xf32>
      %select_n3A_1822 = arith.select %ne3A_1813, %select_n3A_1818, %select_n3A_1821 : vector<16xi1>, vector<16xf32>
      %swap3A_1823 = arith.index_cast %add3A_1621 : i32 to index
      %swap3A_1824 = arith.constant 64 : index
      %swap3A_1825 = tpu.vector_load %arg9[%swap3A_1823, %swap3A_1824] {strides = array<i32>} : memref<64x200xf32, #tpu.memory_space<vmem>>, vector<1x16xf32>,
      %swap3A_1826 = vector.shape_cast %swap3A_1825 : vector<1x16xf32> to vector<16xf32>
      %swap3A_1827 = vector.shape_cast %select_n3A_1822 : vector<16xf32> to vector<1x16xf32>
      tpu.vector_store %arg9[%swap3A_1823, %swap3A_1824], %swap3A_1827 {strides = array<i32>} : memref<64x200xf32, #tpu.memory_space<vmem>>, vector<1x16xf32>,
      %get3A_1828 = arith.index_cast %add3A_1621 : i32 to index
      %get3A_1829 = arith.constant 80 : index
      %get3A_1830 = tpu.vector_load %arg7[%get3A_1828, %get3A_1829] {strides = array<i32>} : memref<64x200xi32, #tpu.memory_space<vmem>>, vector<1x16xi32>,
      %get3A_1831 = vector.shape_cast %get3A_1830 : vector<1x16xi32> to vector<16xi32>
      %and3A_1832 = arith.constant 1 : i32
      %and3A_1833 = vector.broadcast %and3A_1832 : i32 to vector<16xi32>
      %and3A_1834 = arith.andi %get3A_1831, %and3A_1833 : vector<16xi32>
      %ne3A_1835 = arith.constant 0 : i32
      %ne3A_1836 = vector.broadcast %ne3A_1835 : i32 to vector<16xi32>
      %ne3A_1837 = arith.cmpi ne, %and3A_1834, %ne3A_1836 : vector<16xi32>
      %and3A_1838 = arith.constant 2 : i32
      %and3A_1839 = vector.broadcast %and3A_1838 : i32 to vector<16xi32>
      %and3A_1840 = arith.andi %get3A_1831, %and3A_1839 : vector<16xi32>
      %ne3A_1841 = arith.constant 0 : i32
      %ne3A_1842 = vector.broadcast %ne3A_1841 : i32 to vector<16xi32>
      %ne3A_1843 = arith.cmpi ne, %and3A_1840, %ne3A_1842 : vector<16xi32>
      %and3A_1844 = arith.constant 4 : i32
      %and3A_1845 = vector.broadcast %and3A_1844 : i32 to vector<16xi32>
      %and3A_1846 = arith.andi %get3A_1831, %and3A_1845 : vector<16xi32>
      %ne3A_1847 = arith.constant 0 : i32
      %ne3A_1848 = vector.broadcast %ne3A_1847 : i32 to vector<16xi32>
      %ne3A_1849 = arith.cmpi ne, %and3A_1846, %ne3A_1848 : vector<16xi32>
      %and3A_1850 = arith.constant 8 : i32
      %and3A_1851 = vector.broadcast %and3A_1850 : i32 to vector<16xi32>
      %and3A_1852 = arith.andi %get3A_1831, %and3A_1851 : vector<16xi32>
      %ne3A_1853 = arith.constant 0 : i32
      %ne3A_1854 = vector.broadcast %ne3A_1853 : i32 to vector<16xi32>
      %ne3A_1855 = arith.cmpi ne, %and3A_1852, %ne3A_1854 : vector<16xi32>
      %select_n3A_1856 = arith.select %ne3A_1837, %broadcast_in_dim3A_1538, %broadcast_in_dim3A : vector<16xi1>, vector<16xf32>
      %select_n3A_1857 = arith.select %ne3A_1837, %broadcast_in_dim3A_1544, %broadcast_in_dim3A_1541 : vector<16xi1>, vector<16xf32>
      %select_n3A_1858 = arith.select %ne3A_1837, %broadcast_in_dim3A_1550, %broadcast_in_dim3A_1547 : vector<16xi1>, vector<16xf32>
      %select_n3A_1859 = arith.select %ne3A_1837, %broadcast_in_dim3A_1556, %broadcast_in_dim3A_1553 : vector<16xi1>, vector<16xf32>
      %select_n3A_1860 = arith.select %ne3A_1837, %broadcast_in_dim3A_1562, %broadcast_in_dim3A_1559 : vector<16xi1>, vector<16xf32>
      %select_n3A_1861 = arith.select %ne3A_1843, %select_n3A_1857, %select_n3A_1856 : vector<16xi1>, vector<16xf32>
      %select_n3A_1862 = arith.select %ne3A_1843, %select_n3A_1859, %select_n3A_1858 : vector<16xi1>, vector<16xf32>
      %select_n3A_1863 = arith.select %ne3A_1849, %select_n3A_1862, %select_n3A_1861 : vector<16xi1>, vector<16xf32>
      %select_n3A_1864 = arith.select %ne3A_1855, %select_n3A_1860, %select_n3A_1863 : vector<16xi1>, vector<16xf32>
      %swap3A_1865 = arith.index_cast %add3A_1621 : i32 to index
      %swap3A_1866 = arith.constant 80 : index
      %swap3A_1867 = tpu.vector_load %arg9[%swap3A_1865, %swap3A_1866] {strides = array<i32>} : memref<64x200xf32, #tpu.memory_space<vmem>>, vector<1x16xf32>,
      %swap3A_1868 = vector.shape_cast %swap3A_1867 : vector<1x16xf32> to vector<16xf32>
      %swap3A_1869 = vector.shape_cast %select_n3A_1864 : vector<16xf32> to vector<1x16xf32>
      tpu.vector_store %arg9[%swap3A_1865, %swap3A_1866], %swap3A_1869 {strides = array<i32>} : memref<64x200xf32, #tpu.memory_space<vmem>>, vector<1x16xf32>,
      %get3A_1870 = arith.index_cast %add3A_1621 : i32 to index
      %get3A_1871 = arith.constant 96 : index
      %get3A_1872 = tpu.vector_load %arg7[%get3A_1870, %get3A_1871] {strides = array<i32>} : memref<64x200xi32, #tpu.memory_space<vmem>>, vector<1x16xi32>,
      %get3A_1873 = vector.shape_cast %get3A_1872 : vector<1x16xi32> to vector<16xi32>
      %and3A_1874 = arith.constant 1 : i32
      %and3A_1875 = vector.broadcast %and3A_1874 : i32 to vector<16xi32>
      %and3A_1876 = arith.andi %get3A_1873, %and3A_1875 : vector<16xi32>
      %ne3A_1877 = arith.constant 0 : i32
      %ne3A_1878 = vector.broadcast %ne3A_1877 : i32 to vector<16xi32>
      %ne3A_1879 = arith.cmpi ne, %and3A_1876, %ne3A_1878 : vector<16xi32>
      %and3A_1880 = arith.constant 2 : i32
      %and3A_1881 = vector.broadcast %and3A_1880 : i32 to vector<16xi32>
      %and3A_1882 = arith.andi %get3A_1873, %and3A_1881 : vector<16xi32>
      %ne3A_1883 = arith.constant 0 : i32
      %ne3A_1884 = vector.broadcast %ne3A_1883 : i32 to vector<16xi32>
      %ne3A_1885 = arith.cmpi ne, %and3A_1882, %ne3A_1884 : vector<16xi32>
      %and3A_1886 = arith.constant 4 : i32
      %and3A_1887 = vector.broadcast %and3A_1886 : i32 to vector<16xi32>
      %and3A_1888 = arith.andi %get3A_1873, %and3A_1887 : vector<16xi32>
      %ne3A_1889 = arith.constant 0 : i32
      %ne3A_1890 = vector.broadcast %ne3A_1889 : i32 to vector<16xi32>
      %ne3A_1891 = arith.cmpi ne, %and3A_1888, %ne3A_1890 : vector<16xi32>
      %and3A_1892 = arith.constant 8 : i32
      %and3A_1893 = vector.broadcast %and3A_1892 : i32 to vector<16xi32>
      %and3A_1894 = arith.andi %get3A_1873, %and3A_1893 : vector<16xi32>
      %ne3A_1895 = arith.constant 0 : i32
      %ne3A_1896 = vector.broadcast %ne3A_1895 : i32 to vector<16xi32>
      %ne3A_1897 = arith.cmpi ne, %and3A_1894, %ne3A_1896 : vector<16xi32>
      %select_n3A_1898 = arith.select %ne3A_1879, %broadcast_in_dim3A_1538, %broadcast_in_dim3A : vector<16xi1>, vector<16xf32>
      %select_n3A_1899 = arith.select %ne3A_1879, %broadcast_in_dim3A_1544, %broadcast_in_dim3A_1541 : vector<16xi1>, vector<16xf32>
      %select_n3A_1900 = arith.select %ne3A_1879, %broadcast_in_dim3A_1550, %broadcast_in_dim3A_1547 : vector<16xi1>, vector<16xf32>
      %select_n3A_1901 = arith.select %ne3A_1879, %broadcast_in_dim3A_1556, %broadcast_in_dim3A_1553 : vector<16xi1>, vector<16xf32>
      %select_n3A_1902 = arith.select %ne3A_1879, %broadcast_in_dim3A_1562, %broadcast_in_dim3A_1559 : vector<16xi1>, vector<16xf32>
      %select_n3A_1903 = arith.select %ne3A_1885, %select_n3A_1899, %select_n3A_1898 : vector<16xi1>, vector<16xf32>
      %select_n3A_1904 = arith.select %ne3A_1885, %select_n3A_1901, %select_n3A_1900 : vector<16xi1>, vector<16xf32>
      %select_n3A_1905 = arith.select %ne3A_1891, %select_n3A_1904, %select_n3A_1903 : vector<16xi1>, vector<16xf32>
      %select_n3A_1906 = arith.select %ne3A_1897, %select_n3A_1902, %select_n3A_1905 : vector<16xi1>, vector<16xf32>
      %swap3A_1907 = arith.index_cast %add3A_1621 : i32 to index
      %swap3A_1908 = arith.constant 96 : index
      %swap3A_1909 = tpu.vector_load %arg9[%swap3A_1907, %swap3A_1908] {strides = array<i32>} : memref<64x200xf32, #tpu.memory_space<vmem>>, vector<1x16xf32>,
      %swap3A_1910 = vector.shape_cast %swap3A_1909 : vector<1x16xf32> to vector<16xf32>
      %swap3A_1911 = vector.shape_cast %select_n3A_1906 : vector<16xf32> to vector<1x16xf32>
      tpu.vector_store %arg9[%swap3A_1907, %swap3A_1908], %swap3A_1911 {strides = array<i32>} : memref<64x200xf32, #tpu.memory_space<vmem>>, vector<1x16xf32>,
      %get3A_1912 = arith.index_cast %add3A_1621 : i32 to index
      %get3A_1913 = arith.constant 112 : index
      %get3A_1914 = tpu.vector_load %arg7[%get3A_1912, %get3A_1913] {strides = array<i32>} : memref<64x200xi32, #tpu.memory_space<vmem>>, vector<1x16xi32>,
      %get3A_1915 = vector.shape_cast %get3A_1914 : vector<1x16xi32> to vector<16xi32>
      %and3A_1916 = arith.constant 1 : i32
      %and3A_1917 = vector.broadcast %and3A_1916 : i32 to vector<16xi32>
      %and3A_1918 = arith.andi %get3A_1915, %and3A_1917 : vector<16xi32>
      %ne3A_1919 = arith.constant 0 : i32
      %ne3A_1920 = vector.broadcast %ne3A_1919 : i32 to vector<16xi32>
      %ne3A_1921 = arith.cmpi ne, %and3A_1918, %ne3A_1920 : vector<16xi32>
      %and3A_1922 = arith.constant 2 : i32
      %and3A_1923 = vector.broadcast %and3A_1922 : i32 to vector<16xi32>
      %and3A_1924 = arith.andi %get3A_1915, %and3A_1923 : vector<16xi32>
      %ne3A_1925 = arith.constant 0 : i32
      %ne3A_1926 = vector.broadcast %ne3A_1925 : i32 to vector<16xi32>
      %ne3A_1927 = arith.cmpi ne, %and3A_1924, %ne3A_1926 : vector<16xi32>
      %and3A_1928 = arith.constant 4 : i32
      %and3A_1929 = vector.broadcast %and3A_1928 : i32 to vector<16xi32>
      %and3A_1930 = arith.andi %get3A_1915, %and3A_1929 : vector<16xi32>
      %ne3A_1931 = arith.constant 0 : i32
      %ne3A_1932 = vector.broadcast %ne3A_1931 : i32 to vector<16xi32>
      %ne3A_1933 = arith.cmpi ne, %and3A_1930, %ne3A_1932 : vector<16xi32>
      %and3A_1934 = arith.constant 8 : i32
      %and3A_1935 = vector.broadcast %and3A_1934 : i32 to vector<16xi32>
      %and3A_1936 = arith.andi %get3A_1915, %and3A_1935 : vector<16xi32>
      %ne3A_1937 = arith.constant 0 : i32
      %ne3A_1938 = vector.broadcast %ne3A_1937 : i32 to vector<16xi32>
      %ne3A_1939 = arith.cmpi ne, %and3A_1936, %ne3A_1938 : vector<16xi32>
      %select_n3A_1940 = arith.select %ne3A_1921, %broadcast_in_dim3A_1538, %broadcast_in_dim3A : vector<16xi1>, vector<16xf32>
      %select_n3A_1941 = arith.select %ne3A_1921, %broadcast_in_dim3A_1544, %broadcast_in_dim3A_1541 : vector<16xi1>, vector<16xf32>
      %select_n3A_1942 = arith.select %ne3A_1921, %broadcast_in_dim3A_1550, %broadcast_in_dim3A_1547 : vector<16xi1>, vector<16xf32>
      %select_n3A_1943 = arith.select %ne3A_1921, %broadcast_in_dim3A_1556, %broadcast_in_dim3A_1553 : vector<16xi1>, vector<16xf32>
      %select_n3A_1944 = arith.select %ne3A_1921, %broadcast_in_dim3A_1562, %broadcast_in_dim3A_1559 : vector<16xi1>, vector<16xf32>
      %select_n3A_1945 = arith.select %ne3A_1927, %select_n3A_1941, %select_n3A_1940 : vector<16xi1>, vector<16xf32>
      %select_n3A_1946 = arith.select %ne3A_1927, %select_n3A_1943, %select_n3A_1942 : vector<16xi1>, vector<16xf32>
      %select_n3A_1947 = arith.select %ne3A_1933, %select_n3A_1946, %select_n3A_1945 : vector<16xi1>, vector<16xf32>
      %select_n3A_1948 = arith.select %ne3A_1939, %select_n3A_1944, %select_n3A_1947 : vector<16xi1>, vector<16xf32>
      %swap3A_1949 = arith.index_cast %add3A_1621 : i32 to index
      %swap3A_1950 = arith.constant 112 : index
      %swap3A_1951 = tpu.vector_load %arg9[%swap3A_1949, %swap3A_1950] {strides = array<i32>} : memref<64x200xf32, #tpu.memory_space<vmem>>, vector<1x16xf32>,
      %swap3A_1952 = vector.shape_cast %swap3A_1951 : vector<1x16xf32> to vector<16xf32>
      %swap3A_1953 = vector.shape_cast %select_n3A_1948 : vector<16xf32> to vector<1x16xf32>
      tpu.vector_store %arg9[%swap3A_1949, %swap3A_1950], %swap3A_1953 {strides = array<i32>} : memref<64x200xf32, #tpu.memory_space<vmem>>, vector<1x16xf32>,
      %get3A_1954 = arith.index_cast %add3A_1621 : i32 to index
      %get3A_1955 = arith.constant 128 : index
      %get3A_1956 = tpu.vector_load %arg7[%get3A_1954, %get3A_1955] {strides = array<i32>} : memref<64x200xi32, #tpu.memory_space<vmem>>, vector<1x16xi32>,
      %get3A_1957 = vector.shape_cast %get3A_1956 : vector<1x16xi32> to vector<16xi32>
      %and3A_1958 = arith.constant 1 : i32
      %and3A_1959 = vector.broadcast %and3A_1958 : i32 to vector<16xi32>
      %and3A_1960 = arith.andi %get3A_1957, %and3A_1959 : vector<16xi32>
      %ne3A_1961 = arith.constant 0 : i32
      %ne3A_1962 = vector.broadcast %ne3A_1961 : i32 to vector<16xi32>
      %ne3A_1963 = arith.cmpi ne, %and3A_1960, %ne3A_1962 : vector<16xi32>
      %and3A_1964 = arith.constant 2 : i32
      %and3A_1965 = vector.broadcast %and3A_1964 : i32 to vector<16xi32>
      %and3A_1966 = arith.andi %get3A_1957, %and3A_1965 : vector<16xi32>
      %ne3A_1967 = arith.constant 0 : i32
      %ne3A_1968 = vector.broadcast %ne3A_1967 : i32 to vector<16xi32>
      %ne3A_1969 = arith.cmpi ne, %and3A_1966, %ne3A_1968 : vector<16xi32>
      %and3A_1970 = arith.constant 4 : i32
      %and3A_1971 = vector.broadcast %and3A_1970 : i32 to vector<16xi32>
      %and3A_1972 = arith.andi %get3A_1957, %and3A_1971 : vector<16xi32>
      %ne3A_1973 = arith.constant 0 : i32
      %ne3A_1974 = vector.broadcast %ne3A_1973 : i32 to vector<16xi32>
      %ne3A_1975 = arith.cmpi ne, %and3A_1972, %ne3A_1974 : vector<16xi32>
      %and3A_1976 = arith.constant 8 : i32
      %and3A_1977 = vector.broadcast %and3A_1976 : i32 to vector<16xi32>
      %and3A_1978 = arith.andi %get3A_1957, %and3A_1977 : vector<16xi32>
      %ne3A_1979 = arith.constant 0 : i32
      %ne3A_1980 = vector.broadcast %ne3A_1979 : i32 to vector<16xi32>
      %ne3A_1981 = arith.cmpi ne, %and3A_1978, %ne3A_1980 : vector<16xi32>
      %select_n3A_1982 = arith.select %ne3A_1963, %broadcast_in_dim3A_1538, %broadcast_in_dim3A : vector<16xi1>, vector<16xf32>
      %select_n3A_1983 = arith.select %ne3A_1963, %broadcast_in_dim3A_1544, %broadcast_in_dim3A_1541 : vector<16xi1>, vector<16xf32>
      %select_n3A_1984 = arith.select %ne3A_1963, %broadcast_in_dim3A_1550, %broadcast_in_dim3A_1547 : vector<16xi1>, vector<16xf32>
      %select_n3A_1985 = arith.select %ne3A_1963, %broadcast_in_dim3A_1556, %broadcast_in_dim3A_1553 : vector<16xi1>, vector<16xf32>
      %select_n3A_1986 = arith.select %ne3A_1963, %broadcast_in_dim3A_1562, %broadcast_in_dim3A_1559 : vector<16xi1>, vector<16xf32>
      %select_n3A_1987 = arith.select %ne3A_1969, %select_n3A_1983, %select_n3A_1982 : vector<16xi1>, vector<16xf32>
      %select_n3A_1988 = arith.select %ne3A_1969, %select_n3A_1985, %select_n3A_1984 : vector<16xi1>, vector<16xf32>
      %select_n3A_1989 = arith.select %ne3A_1975, %select_n3A_1988, %select_n3A_1987 : vector<16xi1>, vector<16xf32>
      %select_n3A_1990 = arith.select %ne3A_1981, %select_n3A_1986, %select_n3A_1989 : vector<16xi1>, vector<16xf32>
      %swap3A_1991 = arith.index_cast %add3A_1621 : i32 to index
      %swap3A_1992 = arith.constant 128 : index
      %swap3A_1993 = tpu.vector_load %arg9[%swap3A_1991, %swap3A_1992] {strides = array<i32>} : memref<64x200xf32, #tpu.memory_space<vmem>>, vector<1x16xf32>,
      %swap3A_1994 = vector.shape_cast %swap3A_1993 : vector<1x16xf32> to vector<16xf32>
      %swap3A_1995 = vector.shape_cast %select_n3A_1990 : vector<16xf32> to vector<1x16xf32>
      tpu.vector_store %arg9[%swap3A_1991, %swap3A_1992], %swap3A_1995 {strides = array<i32>} : memref<64x200xf32, #tpu.memory_space<vmem>>, vector<1x16xf32>,
      %get3A_1996 = arith.index_cast %add3A_1621 : i32 to index
      %get3A_1997 = arith.constant 144 : index
      %get3A_1998 = tpu.vector_load %arg7[%get3A_1996, %get3A_1997] {strides = array<i32>} : memref<64x200xi32, #tpu.memory_space<vmem>>, vector<1x16xi32>,
      %get3A_1999 = vector.shape_cast %get3A_1998 : vector<1x16xi32> to vector<16xi32>
      %and3A_2000 = arith.constant 1 : i32
      %and3A_2001 = vector.broadcast %and3A_2000 : i32 to vector<16xi32>
      %and3A_2002 = arith.andi %get3A_1999, %and3A_2001 : vector<16xi32>
      %ne3A_2003 = arith.constant 0 : i32
      %ne3A_2004 = vector.broadcast %ne3A_2003 : i32 to vector<16xi32>
      %ne3A_2005 = arith.cmpi ne, %and3A_2002, %ne3A_2004 : vector<16xi32>
      %and3A_2006 = arith.constant 2 : i32
      %and3A_2007 = vector.broadcast %and3A_2006 : i32 to vector<16xi32>
      %and3A_2008 = arith.andi %get3A_1999, %and3A_2007 : vector<16xi32>
      %ne3A_2009 = arith.constant 0 : i32
      %ne3A_2010 = vector.broadcast %ne3A_2009 : i32 to vector<16xi32>
      %ne3A_2011 = arith.cmpi ne, %and3A_2008, %ne3A_2010 : vector<16xi32>
      %and3A_2012 = arith.constant 4 : i32
      %and3A_2013 = vector.broadcast %and3A_2012 : i32 to vector<16xi32>
      %and3A_2014 = arith.andi %get3A_1999, %and3A_2013 : vector<16xi32>
      %ne3A_2015 = arith.constant 0 : i32
      %ne3A_2016 = vector.broadcast %ne3A_2015 : i32 to vector<16xi32>
      %ne3A_2017 = arith.cmpi ne, %and3A_2014, %ne3A_2016 : vector<16xi32>
      %and3A_2018 = arith.constant 8 : i32
      %and3A_2019 = vector.broadcast %and3A_2018 : i32 to vector<16xi32>
      %and3A_2020 = arith.andi %get3A_1999, %and3A_2019 : vector<16xi32>
      %ne3A_2021 = arith.constant 0 : i32
      %ne3A_2022 = vector.broadcast %ne3A_2021 : i32 to vector<16xi32>
      %ne3A_2023 = arith.cmpi ne, %and3A_2020, %ne3A_2022 : vector<16xi32>
      %select_n3A_2024 = arith.select %ne3A_2005, %broadcast_in_dim3A_1538, %broadcast_in_dim3A : vector<16xi1>, vector<16xf32>
      %select_n3A_2025 = arith.select %ne3A_2005, %broadcast_in_dim3A_1544, %broadcast_in_dim3A_1541 : vector<16xi1>, vector<16xf32>
      %select_n3A_2026 = arith.select %ne3A_2005, %broadcast_in_dim3A_1550, %broadcast_in_dim3A_1547 : vector<16xi1>, vector<16xf32>
      %select_n3A_2027 = arith.select %ne3A_2005, %broadcast_in_dim3A_1556, %broadcast_in_dim3A_1553 : vector<16xi1>, vector<16xf32>
      %select_n3A_2028 = arith.select %ne3A_2005, %broadcast_in_dim3A_1562, %broadcast_in_dim3A_1559 : vector<16xi1>, vector<16xf32>
      %select_n3A_2029 = arith.select %ne3A_2011, %select_n3A_2025, %select_n3A_2024 : vector<16xi1>, vector<16xf32>
      %select_n3A_2030 = arith.select %ne3A_2011, %select_n3A_2027, %select_n3A_2026 : vector<16xi1>, vector<16xf32>
      %select_n3A_2031 = arith.select %ne3A_2017, %select_n3A_2030, %select_n3A_2029 : vector<16xi1>, vector<16xf32>
      %select_n3A_2032 = arith.select %ne3A_2023, %select_n3A_2028, %select_n3A_2031 : vector<16xi1>, vector<16xf32>
      %swap3A_2033 = arith.index_cast %add3A_1621 : i32 to index
      %swap3A_2034 = arith.constant 144 : index
      %swap3A_2035 = tpu.vector_load %arg9[%swap3A_2033, %swap3A_2034] {strides = array<i32>} : memref<64x200xf32, #tpu.memory_space<vmem>>, vector<1x16xf32>,
      %swap3A_2036 = vector.shape_cast %swap3A_2035 : vector<1x16xf32> to vector<16xf32>
      %swap3A_2037 = vector.shape_cast %select_n3A_2032 : vector<16xf32> to vector<1x16xf32>
      tpu.vector_store %arg9[%swap3A_2033, %swap3A_2034], %swap3A_2037 {strides = array<i32>} : memref<64x200xf32, #tpu.memory_space<vmem>>, vector<1x16xf32>,
      %get3A_2038 = arith.index_cast %add3A_1621 : i32 to index
      %get3A_2039 = arith.constant 160 : index
      %get3A_2040 = tpu.vector_load %arg7[%get3A_2038, %get3A_2039] {strides = array<i32>} : memref<64x200xi32, #tpu.memory_space<vmem>>, vector<1x16xi32>,
      %get3A_2041 = vector.shape_cast %get3A_2040 : vector<1x16xi32> to vector<16xi32>
      %and3A_2042 = arith.constant 1 : i32
      %and3A_2043 = vector.broadcast %and3A_2042 : i32 to vector<16xi32>
      %and3A_2044 = arith.andi %get3A_2041, %and3A_2043 : vector<16xi32>
      %ne3A_2045 = arith.constant 0 : i32
      %ne3A_2046 = vector.broadcast %ne3A_2045 : i32 to vector<16xi32>
      %ne3A_2047 = arith.cmpi ne, %and3A_2044, %ne3A_2046 : vector<16xi32>
      %and3A_2048 = arith.constant 2 : i32
      %and3A_2049 = vector.broadcast %and3A_2048 : i32 to vector<16xi32>
      %and3A_2050 = arith.andi %get3A_2041, %and3A_2049 : vector<16xi32>
      %ne3A_2051 = arith.constant 0 : i32
      %ne3A_2052 = vector.broadcast %ne3A_2051 : i32 to vector<16xi32>
      %ne3A_2053 = arith.cmpi ne, %and3A_2050, %ne3A_2052 : vector<16xi32>
      %and3A_2054 = arith.constant 4 : i32
      %and3A_2055 = vector.broadcast %and3A_2054 : i32 to vector<16xi32>
      %and3A_2056 = arith.andi %get3A_2041, %and3A_2055 : vector<16xi32>
      %ne3A_2057 = arith.constant 0 : i32
      %ne3A_2058 = vector.broadcast %ne3A_2057 : i32 to vector<16xi32>
      %ne3A_2059 = arith.cmpi ne, %and3A_2056, %ne3A_2058 : vector<16xi32>
      %and3A_2060 = arith.constant 8 : i32
      %and3A_2061 = vector.broadcast %and3A_2060 : i32 to vector<16xi32>
      %and3A_2062 = arith.andi %get3A_2041, %and3A_2061 : vector<16xi32>
      %ne3A_2063 = arith.constant 0 : i32
      %ne3A_2064 = vector.broadcast %ne3A_2063 : i32 to vector<16xi32>
      %ne3A_2065 = arith.cmpi ne, %and3A_2062, %ne3A_2064 : vector<16xi32>
      %select_n3A_2066 = arith.select %ne3A_2047, %broadcast_in_dim3A_1538, %broadcast_in_dim3A : vector<16xi1>, vector<16xf32>
      %select_n3A_2067 = arith.select %ne3A_2047, %broadcast_in_dim3A_1544, %broadcast_in_dim3A_1541 : vector<16xi1>, vector<16xf32>
      %select_n3A_2068 = arith.select %ne3A_2047, %broadcast_in_dim3A_1550, %broadcast_in_dim3A_1547 : vector<16xi1>, vector<16xf32>
      %select_n3A_2069 = arith.select %ne3A_2047, %broadcast_in_dim3A_1556, %broadcast_in_dim3A_1553 : vector<16xi1>, vector<16xf32>
      %select_n3A_2070 = arith.select %ne3A_2047, %broadcast_in_dim3A_1562, %broadcast_in_dim3A_1559 : vector<16xi1>, vector<16xf32>
      %select_n3A_2071 = arith.select %ne3A_2053, %select_n3A_2067, %select_n3A_2066 : vector<16xi1>, vector<16xf32>
      %select_n3A_2072 = arith.select %ne3A_2053, %select_n3A_2069, %select_n3A_2068 : vector<16xi1>, vector<16xf32>
      %select_n3A_2073 = arith.select %ne3A_2059, %select_n3A_2072, %select_n3A_2071 : vector<16xi1>, vector<16xf32>
      %select_n3A_2074 = arith.select %ne3A_2065, %select_n3A_2070, %select_n3A_2073 : vector<16xi1>, vector<16xf32>
      %swap3A_2075 = arith.index_cast %add3A_1621 : i32 to index
      %swap3A_2076 = arith.constant 160 : index
      %swap3A_2077 = tpu.vector_load %arg9[%swap3A_2075, %swap3A_2076] {strides = array<i32>} : memref<64x200xf32, #tpu.memory_space<vmem>>, vector<1x16xf32>,
      %swap3A_2078 = vector.shape_cast %swap3A_2077 : vector<1x16xf32> to vector<16xf32>
      %swap3A_2079 = vector.shape_cast %select_n3A_2074 : vector<16xf32> to vector<1x16xf32>
      tpu.vector_store %arg9[%swap3A_2075, %swap3A_2076], %swap3A_2079 {strides = array<i32>} : memref<64x200xf32, #tpu.memory_space<vmem>>, vector<1x16xf32>,
      %get3A_2080 = arith.index_cast %add3A_1621 : i32 to index
      %get3A_2081 = arith.constant 176 : index
      %get3A_2082 = tpu.vector_load %arg7[%get3A_2080, %get3A_2081] {strides = array<i32>} : memref<64x200xi32, #tpu.memory_space<vmem>>, vector<1x16xi32>,
      %get3A_2083 = vector.shape_cast %get3A_2082 : vector<1x16xi32> to vector<16xi32>
      %and3A_2084 = arith.constant 1 : i32
      %and3A_2085 = vector.broadcast %and3A_2084 : i32 to vector<16xi32>
      %and3A_2086 = arith.andi %get3A_2083, %and3A_2085 : vector<16xi32>
      %ne3A_2087 = arith.constant 0 : i32
      %ne3A_2088 = vector.broadcast %ne3A_2087 : i32 to vector<16xi32>
      %ne3A_2089 = arith.cmpi ne, %and3A_2086, %ne3A_2088 : vector<16xi32>
      %and3A_2090 = arith.constant 2 : i32
      %and3A_2091 = vector.broadcast %and3A_2090 : i32 to vector<16xi32>
      %and3A_2092 = arith.andi %get3A_2083, %and3A_2091 : vector<16xi32>
      %ne3A_2093 = arith.constant 0 : i32
      %ne3A_2094 = vector.broadcast %ne3A_2093 : i32 to vector<16xi32>
      %ne3A_2095 = arith.cmpi ne, %and3A_2092, %ne3A_2094 : vector<16xi32>
      %and3A_2096 = arith.constant 4 : i32
      %and3A_2097 = vector.broadcast %and3A_2096 : i32 to vector<16xi32>
      %and3A_2098 = arith.andi %get3A_2083, %and3A_2097 : vector<16xi32>
      %ne3A_2099 = arith.constant 0 : i32
      %ne3A_2100 = vector.broadcast %ne3A_2099 : i32 to vector<16xi32>
      %ne3A_2101 = arith.cmpi ne, %and3A_2098, %ne3A_2100 : vector<16xi32>
      %and3A_2102 = arith.constant 8 : i32
      %and3A_2103 = vector.broadcast %and3A_2102 : i32 to vector<16xi32>
      %and3A_2104 = arith.andi %get3A_2083, %and3A_2103 : vector<16xi32>
      %ne3A_2105 = arith.constant 0 : i32
      %ne3A_2106 = vector.broadcast %ne3A_2105 : i32 to vector<16xi32>
      %ne3A_2107 = arith.cmpi ne, %and3A_2104, %ne3A_2106 : vector<16xi32>
      %select_n3A_2108 = arith.select %ne3A_2089, %broadcast_in_dim3A_1538, %broadcast_in_dim3A : vector<16xi1>, vector<16xf32>
      %select_n3A_2109 = arith.select %ne3A_2089, %broadcast_in_dim3A_1544, %broadcast_in_dim3A_1541 : vector<16xi1>, vector<16xf32>
      %select_n3A_2110 = arith.select %ne3A_2089, %broadcast_in_dim3A_1550, %broadcast_in_dim3A_1547 : vector<16xi1>, vector<16xf32>
      %select_n3A_2111 = arith.select %ne3A_2089, %broadcast_in_dim3A_1556, %broadcast_in_dim3A_1553 : vector<16xi1>, vector<16xf32>
      %select_n3A_2112 = arith.select %ne3A_2089, %broadcast_in_dim3A_1562, %broadcast_in_dim3A_1559 : vector<16xi1>, vector<16xf32>
      %select_n3A_2113 = arith.select %ne3A_2095, %select_n3A_2109, %select_n3A_2108 : vector<16xi1>, vector<16xf32>
      %select_n3A_2114 = arith.select %ne3A_2095, %select_n3A_2111, %select_n3A_2110 : vector<16xi1>, vector<16xf32>
      %select_n3A_2115 = arith.select %ne3A_2101, %select_n3A_2114, %select_n3A_2113 : vector<16xi1>, vector<16xf32>
      %select_n3A_2116 = arith.select %ne3A_2107, %select_n3A_2112, %select_n3A_2115 : vector<16xi1>, vector<16xf32>
      %swap3A_2117 = arith.index_cast %add3A_1621 : i32 to index
      %swap3A_2118 = arith.constant 176 : index
      %swap3A_2119 = tpu.vector_load %arg9[%swap3A_2117, %swap3A_2118] {strides = array<i32>} : memref<64x200xf32, #tpu.memory_space<vmem>>, vector<1x16xf32>,
      %swap3A_2120 = vector.shape_cast %swap3A_2119 : vector<1x16xf32> to vector<16xf32>
      %swap3A_2121 = vector.shape_cast %select_n3A_2116 : vector<16xf32> to vector<1x16xf32>
      tpu.vector_store %arg9[%swap3A_2117, %swap3A_2118], %swap3A_2121 {strides = array<i32>} : memref<64x200xf32, #tpu.memory_space<vmem>>, vector<1x16xf32>,
      %get3A_2122 = arith.index_cast %add3A_1621 : i32 to index
      %get3A_2123 = arith.constant 184 : index
      %get3A_2124 = tpu.vector_load %arg7[%get3A_2122, %get3A_2123] {strides = array<i32>} : memref<64x200xi32, #tpu.memory_space<vmem>>, vector<1x16xi32>,
      %get3A_2125 = vector.shape_cast %get3A_2124 : vector<1x16xi32> to vector<16xi32>
      %and3A_2126 = arith.constant 1 : i32
      %and3A_2127 = vector.broadcast %and3A_2126 : i32 to vector<16xi32>
      %and3A_2128 = arith.andi %get3A_2125, %and3A_2127 : vector<16xi32>
      %ne3A_2129 = arith.constant 0 : i32
      %ne3A_2130 = vector.broadcast %ne3A_2129 : i32 to vector<16xi32>
      %ne3A_2131 = arith.cmpi ne, %and3A_2128, %ne3A_2130 : vector<16xi32>
      %and3A_2132 = arith.constant 2 : i32
      %and3A_2133 = vector.broadcast %and3A_2132 : i32 to vector<16xi32>
      %and3A_2134 = arith.andi %get3A_2125, %and3A_2133 : vector<16xi32>
      %ne3A_2135 = arith.constant 0 : i32
      %ne3A_2136 = vector.broadcast %ne3A_2135 : i32 to vector<16xi32>
      %ne3A_2137 = arith.cmpi ne, %and3A_2134, %ne3A_2136 : vector<16xi32>
      %and3A_2138 = arith.constant 4 : i32
      %and3A_2139 = vector.broadcast %and3A_2138 : i32 to vector<16xi32>
      %and3A_2140 = arith.andi %get3A_2125, %and3A_2139 : vector<16xi32>
      %ne3A_2141 = arith.constant 0 : i32
      %ne3A_2142 = vector.broadcast %ne3A_2141 : i32 to vector<16xi32>
      %ne3A_2143 = arith.cmpi ne, %and3A_2140, %ne3A_2142 : vector<16xi32>
      %and3A_2144 = arith.constant 8 : i32
      %and3A_2145 = vector.broadcast %and3A_2144 : i32 to vector<16xi32>
      %and3A_2146 = arith.andi %get3A_2125, %and3A_2145 : vector<16xi32>
      %ne3A_2147 = arith.constant 0 : i32
      %ne3A_2148 = vector.broadcast %ne3A_2147 : i32 to vector<16xi32>
      %ne3A_2149 = arith.cmpi ne, %and3A_2146, %ne3A_2148 : vector<16xi32>
      %select_n3A_2150 = arith.select %ne3A_2131, %broadcast_in_dim3A_1538, %broadcast_in_dim3A : vector<16xi1>, vector<16xf32>
      %select_n3A_2151 = arith.select %ne3A_2131, %broadcast_in_dim3A_1544, %broadcast_in_dim3A_1541 : vector<16xi1>, vector<16xf32>
      %select_n3A_2152 = arith.select %ne3A_2131, %broadcast_in_dim3A_1550, %broadcast_in_dim3A_1547 : vector<16xi1>, vector<16xf32>
      %select_n3A_2153 = arith.select %ne3A_2131, %broadcast_in_dim3A_1556, %broadcast_in_dim3A_1553 : vector<16xi1>, vector<16xf32>
      %select_n3A_2154 = arith.select %ne3A_2131, %broadcast_in_dim3A_1562, %broadcast_in_dim3A_1559 : vector<16xi1>, vector<16xf32>
      %select_n3A_2155 = arith.select %ne3A_2137, %select_n3A_2151, %select_n3A_2150 : vector<16xi1>, vector<16xf32>
      %select_n3A_2156 = arith.select %ne3A_2137, %select_n3A_2153, %select_n3A_2152 : vector<16xi1>, vector<16xf32>
      %select_n3A_2157 = arith.select %ne3A_2143, %select_n3A_2156, %select_n3A_2155 : vector<16xi1>, vector<16xf32>
      %select_n3A_2158 = arith.select %ne3A_2149, %select_n3A_2154, %select_n3A_2157 : vector<16xi1>, vector<16xf32>
      %swap3A_2159 = arith.index_cast %add3A_1621 : i32 to index
      %swap3A_2160 = arith.constant 184 : index
      %swap3A_2161 = tpu.vector_load %arg9[%swap3A_2159, %swap3A_2160] {strides = array<i32>} : memref<64x200xf32, #tpu.memory_space<vmem>>, vector<1x16xf32>,
      %swap3A_2162 = vector.shape_cast %swap3A_2161 : vector<1x16xf32> to vector<16xf32>
      %swap3A_2163 = vector.shape_cast %select_n3A_2158 : vector<16xf32> to vector<1x16xf32>
      tpu.vector_store %arg9[%swap3A_2159, %swap3A_2160], %swap3A_2163 {strides = array<i32>} : memref<64x200xf32, #tpu.memory_space<vmem>>, vector<1x16xf32>,
      %mul3A_2164 = arith.constant 2 : i32
      %mul3A_2165 = arith.muli %scan3A_1617, %mul3A_2164 : i32
      %add3A_2166 = arith.constant 1 : i32
      %add3A_2167 = arith.addi %mul3A_2165, %add3A_2166 : i32
      %get3A_2168 = arith.index_cast %add3A_2167 : i32 to index
      %get3A_2169 = arith.constant 0 : index
      %get3A_2170 = tpu.vector_load %arg7[%get3A_2168, %get3A_2169] {strides = array<i32>} : memref<64x200xi32, #tpu.memory_space<vmem>>, vector<1x16xi32>,
      %get3A_2171 = vector.shape_cast %get3A_2170 : vector<1x16xi32> to vector<16xi32>
      %and3A_2172 = arith.constant 1 : i32
      %and3A_2173 = vector.broadcast %and3A_2172 : i32 to vector<16xi32>
      %and3A_2174 = arith.andi %get3A_2171, %and3A_2173 : vector<16xi32>
      %ne3A_2175 = arith.constant 0 : i32
      %ne3A_2176 = vector.broadcast %ne3A_2175 : i32 to vector<16xi32>
      %ne3A_2177 = arith.cmpi ne, %and3A_2174, %ne3A_2176 : vector<16xi32>
      %and3A_2178 = arith.constant 2 : i32
      %and3A_2179 = vector.broadcast %and3A_2178 : i32 to vector<16xi32>
      %and3A_2180 = arith.andi %get3A_2171, %and3A_2179 : vector<16xi32>
      %ne3A_2181 = arith.constant 0 : i32
      %ne3A_2182 = vector.broadcast %ne3A_2181 : i32 to vector<16xi32>
      %ne3A_2183 = arith.cmpi ne, %and3A_2180, %ne3A_2182 : vector<16xi32>
      %and3A_2184 = arith.constant 4 : i32
      %and3A_2185 = vector.broadcast %and3A_2184 : i32 to vector<16xi32>
      %and3A_2186 = arith.andi %get3A_2171, %and3A_2185 : vector<16xi32>
      %ne3A_2187 = arith.constant 0 : i32
      %ne3A_2188 = vector.broadcast %ne3A_2187 : i32 to vector<16xi32>
      %ne3A_2189 = arith.cmpi ne, %and3A_2186, %ne3A_2188 : vector<16xi32>
      %and3A_2190 = arith.constant 8 : i32
      %and3A_2191 = vector.broadcast %and3A_2190 : i32 to vector<16xi32>
      %and3A_2192 = arith.andi %get3A_2171, %and3A_2191 : vector<16xi32>
      %ne3A_2193 = arith.constant 0 : i32
      %ne3A_2194 = vector.broadcast %ne3A_2193 : i32 to vector<16xi32>
      %ne3A_2195 = arith.cmpi ne, %and3A_2192, %ne3A_2194 : vector<16xi32>
      %select_n3A_2196 = arith.select %ne3A_2177, %broadcast_in_dim3A_1538, %broadcast_in_dim3A : vector<16xi1>, vector<16xf32>
      %select_n3A_2197 = arith.select %ne3A_2177, %broadcast_in_dim3A_1544, %broadcast_in_dim3A_1541 : vector<16xi1>, vector<16xf32>
      %select_n3A_2198 = arith.select %ne3A_2177, %broadcast_in_dim3A_1550, %broadcast_in_dim3A_1547 : vector<16xi1>, vector<16xf32>
      %select_n3A_2199 = arith.select %ne3A_2177, %broadcast_in_dim3A_1556, %broadcast_in_dim3A_1553 : vector<16xi1>, vector<16xf32>
      %select_n3A_2200 = arith.select %ne3A_2177, %broadcast_in_dim3A_1562, %broadcast_in_dim3A_1559 : vector<16xi1>, vector<16xf32>
      %select_n3A_2201 = arith.select %ne3A_2183, %select_n3A_2197, %select_n3A_2196 : vector<16xi1>, vector<16xf32>
      %select_n3A_2202 = arith.select %ne3A_2183, %select_n3A_2199, %select_n3A_2198 : vector<16xi1>, vector<16xf32>
      %select_n3A_2203 = arith.select %ne3A_2189, %select_n3A_2202, %select_n3A_2201 : vector<16xi1>, vector<16xf32>
      %select_n3A_2204 = arith.select %ne3A_2195, %select_n3A_2200, %select_n3A_2203 : vector<16xi1>, vector<16xf32>
      %swap3A_2205 = arith.index_cast %add3A_2167 : i32 to index
      %swap3A_2206 = arith.constant 0 : index
      %swap3A_2207 = tpu.vector_load %arg9[%swap3A_2205, %swap3A_2206] {strides = array<i32>} : memref<64x200xf32, #tpu.memory_space<vmem>>, vector<1x16xf32>,
      %swap3A_2208 = vector.shape_cast %swap3A_2207 : vector<1x16xf32> to vector<16xf32>
      %swap3A_2209 = vector.shape_cast %select_n3A_2204 : vector<16xf32> to vector<1x16xf32>
      tpu.vector_store %arg9[%swap3A_2205, %swap3A_2206], %swap3A_2209 {strides = array<i32>} : memref<64x200xf32, #tpu.memory_space<vmem>>, vector<1x16xf32>,
      %get3A_2210 = arith.index_cast %add3A_2167 : i32 to index
      %get3A_2211 = arith.constant 16 : index
      %get3A_2212 = tpu.vector_load %arg7[%get3A_2210, %get3A_2211] {strides = array<i32>} : memref<64x200xi32, #tpu.memory_space<vmem>>, vector<1x16xi32>,
      %get3A_2213 = vector.shape_cast %get3A_2212 : vector<1x16xi32> to vector<16xi32>
      %and3A_2214 = arith.constant 1 : i32
      %and3A_2215 = vector.broadcast %and3A_2214 : i32 to vector<16xi32>
      %and3A_2216 = arith.andi %get3A_2213, %and3A_2215 : vector<16xi32>
      %ne3A_2217 = arith.constant 0 : i32
      %ne3A_2218 = vector.broadcast %ne3A_2217 : i32 to vector<16xi32>
      %ne3A_2219 = arith.cmpi ne, %and3A_2216, %ne3A_2218 : vector<16xi32>
      %and3A_2220 = arith.constant 2 : i32
      %and3A_2221 = vector.broadcast %and3A_2220 : i32 to vector<16xi32>
      %and3A_2222 = arith.andi %get3A_2213, %and3A_2221 : vector<16xi32>
      %ne3A_2223 = arith.constant 0 : i32
      %ne3A_2224 = vector.broadcast %ne3A_2223 : i32 to vector<16xi32>
      %ne3A_2225 = arith.cmpi ne, %and3A_2222, %ne3A_2224 : vector<16xi32>
      %and3A_2226 = arith.constant 4 : i32
      %and3A_2227 = vector.broadcast %and3A_2226 : i32 to vector<16xi32>
      %and3A_2228 = arith.andi %get3A_2213, %and3A_2227 : vector<16xi32>
      %ne3A_2229 = arith.constant 0 : i32
      %ne3A_2230 = vector.broadcast %ne3A_2229 : i32 to vector<16xi32>
      %ne3A_2231 = arith.cmpi ne, %and3A_2228, %ne3A_2230 : vector<16xi32>
      %and3A_2232 = arith.constant 8 : i32
      %and3A_2233 = vector.broadcast %and3A_2232 : i32 to vector<16xi32>
      %and3A_2234 = arith.andi %get3A_2213, %and3A_2233 : vector<16xi32>
      %ne3A_2235 = arith.constant 0 : i32
      %ne3A_2236 = vector.broadcast %ne3A_2235 : i32 to vector<16xi32>
      %ne3A_2237 = arith.cmpi ne, %and3A_2234, %ne3A_2236 : vector<16xi32>
      %select_n3A_2238 = arith.select %ne3A_2219, %broadcast_in_dim3A_1538, %broadcast_in_dim3A : vector<16xi1>, vector<16xf32>
      %select_n3A_2239 = arith.select %ne3A_2219, %broadcast_in_dim3A_1544, %broadcast_in_dim3A_1541 : vector<16xi1>, vector<16xf32>
      %select_n3A_2240 = arith.select %ne3A_2219, %broadcast_in_dim3A_1550, %broadcast_in_dim3A_1547 : vector<16xi1>, vector<16xf32>
      %select_n3A_2241 = arith.select %ne3A_2219, %broadcast_in_dim3A_1556, %broadcast_in_dim3A_1553 : vector<16xi1>, vector<16xf32>
      %select_n3A_2242 = arith.select %ne3A_2219, %broadcast_in_dim3A_1562, %broadcast_in_dim3A_1559 : vector<16xi1>, vector<16xf32>
      %select_n3A_2243 = arith.select %ne3A_2225, %select_n3A_2239, %select_n3A_2238 : vector<16xi1>, vector<16xf32>
      %select_n3A_2244 = arith.select %ne3A_2225, %select_n3A_2241, %select_n3A_2240 : vector<16xi1>, vector<16xf32>
      %select_n3A_2245 = arith.select %ne3A_2231, %select_n3A_2244, %select_n3A_2243 : vector<16xi1>, vector<16xf32>
      %select_n3A_2246 = arith.select %ne3A_2237, %select_n3A_2242, %select_n3A_2245 : vector<16xi1>, vector<16xf32>
      %swap3A_2247 = arith.index_cast %add3A_2167 : i32 to index
      %swap3A_2248 = arith.constant 16 : index
      %swap3A_2249 = tpu.vector_load %arg9[%swap3A_2247, %swap3A_2248] {strides = array<i32>} : memref<64x200xf32, #tpu.memory_space<vmem>>, vector<1x16xf32>,
      %swap3A_2250 = vector.shape_cast %swap3A_2249 : vector<1x16xf32> to vector<16xf32>
      %swap3A_2251 = vector.shape_cast %select_n3A_2246 : vector<16xf32> to vector<1x16xf32>
      tpu.vector_store %arg9[%swap3A_2247, %swap3A_2248], %swap3A_2251 {strides = array<i32>} : memref<64x200xf32, #tpu.memory_space<vmem>>, vector<1x16xf32>,
      %get3A_2252 = arith.index_cast %add3A_2167 : i32 to index
      %get3A_2253 = arith.constant 32 : index
      %get3A_2254 = tpu.vector_load %arg7[%get3A_2252, %get3A_2253] {strides = array<i32>} : memref<64x200xi32, #tpu.memory_space<vmem>>, vector<1x16xi32>,
      %get3A_2255 = vector.shape_cast %get3A_2254 : vector<1x16xi32> to vector<16xi32>
      %and3A_2256 = arith.constant 1 : i32
      %and3A_2257 = vector.broadcast %and3A_2256 : i32 to vector<16xi32>
      %and3A_2258 = arith.andi %get3A_2255, %and3A_2257 : vector<16xi32>
      %ne3A_2259 = arith.constant 0 : i32
      %ne3A_2260 = vector.broadcast %ne3A_2259 : i32 to vector<16xi32>
      %ne3A_2261 = arith.cmpi ne, %and3A_2258, %ne3A_2260 : vector<16xi32>
      %and3A_2262 = arith.constant 2 : i32
      %and3A_2263 = vector.broadcast %and3A_2262 : i32 to vector<16xi32>
      %and3A_2264 = arith.andi %get3A_2255, %and3A_2263 : vector<16xi32>
      %ne3A_2265 = arith.constant 0 : i32
      %ne3A_2266 = vector.broadcast %ne3A_2265 : i32 to vector<16xi32>
      %ne3A_2267 = arith.cmpi ne, %and3A_2264, %ne3A_2266 : vector<16xi32>
      %and3A_2268 = arith.constant 4 : i32
      %and3A_2269 = vector.broadcast %and3A_2268 : i32 to vector<16xi32>
      %and3A_2270 = arith.andi %get3A_2255, %and3A_2269 : vector<16xi32>
      %ne3A_2271 = arith.constant 0 : i32
      %ne3A_2272 = vector.broadcast %ne3A_2271 : i32 to vector<16xi32>
      %ne3A_2273 = arith.cmpi ne, %and3A_2270, %ne3A_2272 : vector<16xi32>
      %and3A_2274 = arith.constant 8 : i32
      %and3A_2275 = vector.broadcast %and3A_2274 : i32 to vector<16xi32>
      %and3A_2276 = arith.andi %get3A_2255, %and3A_2275 : vector<16xi32>
      %ne3A_2277 = arith.constant 0 : i32
      %ne3A_2278 = vector.broadcast %ne3A_2277 : i32 to vector<16xi32>
      %ne3A_2279 = arith.cmpi ne, %and3A_2276, %ne3A_2278 : vector<16xi32>
      %select_n3A_2280 = arith.select %ne3A_2261, %broadcast_in_dim3A_1538, %broadcast_in_dim3A : vector<16xi1>, vector<16xf32>
      %select_n3A_2281 = arith.select %ne3A_2261, %broadcast_in_dim3A_1544, %broadcast_in_dim3A_1541 : vector<16xi1>, vector<16xf32>
      %select_n3A_2282 = arith.select %ne3A_2261, %broadcast_in_dim3A_1550, %broadcast_in_dim3A_1547 : vector<16xi1>, vector<16xf32>
      %select_n3A_2283 = arith.select %ne3A_2261, %broadcast_in_dim3A_1556, %broadcast_in_dim3A_1553 : vector<16xi1>, vector<16xf32>
      %select_n3A_2284 = arith.select %ne3A_2261, %broadcast_in_dim3A_1562, %broadcast_in_dim3A_1559 : vector<16xi1>, vector<16xf32>
      %select_n3A_2285 = arith.select %ne3A_2267, %select_n3A_2281, %select_n3A_2280 : vector<16xi1>, vector<16xf32>
      %select_n3A_2286 = arith.select %ne3A_2267, %select_n3A_2283, %select_n3A_2282 : vector<16xi1>, vector<16xf32>
      %select_n3A_2287 = arith.select %ne3A_2273, %select_n3A_2286, %select_n3A_2285 : vector<16xi1>, vector<16xf32>
      %select_n3A_2288 = arith.select %ne3A_2279, %select_n3A_2284, %select_n3A_2287 : vector<16xi1>, vector<16xf32>
      %swap3A_2289 = arith.index_cast %add3A_2167 : i32 to index
      %swap3A_2290 = arith.constant 32 : index
      %swap3A_2291 = tpu.vector_load %arg9[%swap3A_2289, %swap3A_2290] {strides = array<i32>} : memref<64x200xf32, #tpu.memory_space<vmem>>, vector<1x16xf32>,
      %swap3A_2292 = vector.shape_cast %swap3A_2291 : vector<1x16xf32> to vector<16xf32>
      %swap3A_2293 = vector.shape_cast %select_n3A_2288 : vector<16xf32> to vector<1x16xf32>
      tpu.vector_store %arg9[%swap3A_2289, %swap3A_2290], %swap3A_2293 {strides = array<i32>} : memref<64x200xf32, #tpu.memory_space<vmem>>, vector<1x16xf32>,
      %get3A_2294 = arith.index_cast %add3A_2167 : i32 to index
      %get3A_2295 = arith.constant 48 : index
      %get3A_2296 = tpu.vector_load %arg7[%get3A_2294, %get3A_2295] {strides = array<i32>} : memref<64x200xi32, #tpu.memory_space<vmem>>, vector<1x16xi32>,
      %get3A_2297 = vector.shape_cast %get3A_2296 : vector<1x16xi32> to vector<16xi32>
      %and3A_2298 = arith.constant 1 : i32
      %and3A_2299 = vector.broadcast %and3A_2298 : i32 to vector<16xi32>
      %and3A_2300 = arith.andi %get3A_2297, %and3A_2299 : vector<16xi32>
      %ne3A_2301 = arith.constant 0 : i32
      %ne3A_2302 = vector.broadcast %ne3A_2301 : i32 to vector<16xi32>
      %ne3A_2303 = arith.cmpi ne, %and3A_2300, %ne3A_2302 : vector<16xi32>
      %and3A_2304 = arith.constant 2 : i32
      %and3A_2305 = vector.broadcast %and3A_2304 : i32 to vector<16xi32>
      %and3A_2306 = arith.andi %get3A_2297, %and3A_2305 : vector<16xi32>
      %ne3A_2307 = arith.constant 0 : i32
      %ne3A_2308 = vector.broadcast %ne3A_2307 : i32 to vector<16xi32>
      %ne3A_2309 = arith.cmpi ne, %and3A_2306, %ne3A_2308 : vector<16xi32>
      %and3A_2310 = arith.constant 4 : i32
      %and3A_2311 = vector.broadcast %and3A_2310 : i32 to vector<16xi32>
      %and3A_2312 = arith.andi %get3A_2297, %and3A_2311 : vector<16xi32>
      %ne3A_2313 = arith.constant 0 : i32
      %ne3A_2314 = vector.broadcast %ne3A_2313 : i32 to vector<16xi32>
      %ne3A_2315 = arith.cmpi ne, %and3A_2312, %ne3A_2314 : vector<16xi32>
      %and3A_2316 = arith.constant 8 : i32
      %and3A_2317 = vector.broadcast %and3A_2316 : i32 to vector<16xi32>
      %and3A_2318 = arith.andi %get3A_2297, %and3A_2317 : vector<16xi32>
      %ne3A_2319 = arith.constant 0 : i32
      %ne3A_2320 = vector.broadcast %ne3A_2319 : i32 to vector<16xi32>
      %ne3A_2321 = arith.cmpi ne, %and3A_2318, %ne3A_2320 : vector<16xi32>
      %select_n3A_2322 = arith.select %ne3A_2303, %broadcast_in_dim3A_1538, %broadcast_in_dim3A : vector<16xi1>, vector<16xf32>
      %select_n3A_2323 = arith.select %ne3A_2303, %broadcast_in_dim3A_1544, %broadcast_in_dim3A_1541 : vector<16xi1>, vector<16xf32>
      %select_n3A_2324 = arith.select %ne3A_2303, %broadcast_in_dim3A_1550, %broadcast_in_dim3A_1547 : vector<16xi1>, vector<16xf32>
      %select_n3A_2325 = arith.select %ne3A_2303, %broadcast_in_dim3A_1556, %broadcast_in_dim3A_1553 : vector<16xi1>, vector<16xf32>
      %select_n3A_2326 = arith.select %ne3A_2303, %broadcast_in_dim3A_1562, %broadcast_in_dim3A_1559 : vector<16xi1>, vector<16xf32>
      %select_n3A_2327 = arith.select %ne3A_2309, %select_n3A_2323, %select_n3A_2322 : vector<16xi1>, vector<16xf32>
      %select_n3A_2328 = arith.select %ne3A_2309, %select_n3A_2325, %select_n3A_2324 : vector<16xi1>, vector<16xf32>
      %select_n3A_2329 = arith.select %ne3A_2315, %select_n3A_2328, %select_n3A_2327 : vector<16xi1>, vector<16xf32>
      %select_n3A_2330 = arith.select %ne3A_2321, %select_n3A_2326, %select_n3A_2329 : vector<16xi1>, vector<16xf32>
      %swap3A_2331 = arith.index_cast %add3A_2167 : i32 to index
      %swap3A_2332 = arith.constant 48 : index
      %swap3A_2333 = tpu.vector_load %arg9[%swap3A_2331, %swap3A_2332] {strides = array<i32>} : memref<64x200xf32, #tpu.memory_space<vmem>>, vector<1x16xf32>,
      %swap3A_2334 = vector.shape_cast %swap3A_2333 : vector<1x16xf32> to vector<16xf32>
      %swap3A_2335 = vector.shape_cast %select_n3A_2330 : vector<16xf32> to vector<1x16xf32>
      tpu.vector_store %arg9[%swap3A_2331, %swap3A_2332], %swap3A_2335 {strides = array<i32>} : memref<64x200xf32, #tpu.memory_space<vmem>>, vector<1x16xf32>,
      %get3A_2336 = arith.index_cast %add3A_2167 : i32 to index
      %get3A_2337 = arith.constant 64 : index
      %get3A_2338 = tpu.vector_load %arg7[%get3A_2336, %get3A_2337] {strides = array<i32>} : memref<64x200xi32, #tpu.memory_space<vmem>>, vector<1x16xi32>,
      %get3A_2339 = vector.shape_cast %get3A_2338 : vector<1x16xi32> to vector<16xi32>
      %and3A_2340 = arith.constant 1 : i32
      %and3A_2341 = vector.broadcast %and3A_2340 : i32 to vector<16xi32>
      %and3A_2342 = arith.andi %get3A_2339, %and3A_2341 : vector<16xi32>
      %ne3A_2343 = arith.constant 0 : i32
      %ne3A_2344 = vector.broadcast %ne3A_2343 : i32 to vector<16xi32>
      %ne3A_2345 = arith.cmpi ne, %and3A_2342, %ne3A_2344 : vector<16xi32>
      %and3A_2346 = arith.constant 2 : i32
      %and3A_2347 = vector.broadcast %and3A_2346 : i32 to vector<16xi32>
      %and3A_2348 = arith.andi %get3A_2339, %and3A_2347 : vector<16xi32>
      %ne3A_2349 = arith.constant 0 : i32
      %ne3A_2350 = vector.broadcast %ne3A_2349 : i32 to vector<16xi32>
      %ne3A_2351 = arith.cmpi ne, %and3A_2348, %ne3A_2350 : vector<16xi32>
      %and3A_2352 = arith.constant 4 : i32
      %and3A_2353 = vector.broadcast %and3A_2352 : i32 to vector<16xi32>
      %and3A_2354 = arith.andi %get3A_2339, %and3A_2353 : vector<16xi32>
      %ne3A_2355 = arith.constant 0 : i32
      %ne3A_2356 = vector.broadcast %ne3A_2355 : i32 to vector<16xi32>
      %ne3A_2357 = arith.cmpi ne, %and3A_2354, %ne3A_2356 : vector<16xi32>
      %and3A_2358 = arith.constant 8 : i32
      %and3A_2359 = vector.broadcast %and3A_2358 : i32 to vector<16xi32>
      %and3A_2360 = arith.andi %get3A_2339, %and3A_2359 : vector<16xi32>
      %ne3A_2361 = arith.constant 0 : i32
      %ne3A_2362 = vector.broadcast %ne3A_2361 : i32 to vector<16xi32>
      %ne3A_2363 = arith.cmpi ne, %and3A_2360, %ne3A_2362 : vector<16xi32>
      %select_n3A_2364 = arith.select %ne3A_2345, %broadcast_in_dim3A_1538, %broadcast_in_dim3A : vector<16xi1>, vector<16xf32>
      %select_n3A_2365 = arith.select %ne3A_2345, %broadcast_in_dim3A_1544, %broadcast_in_dim3A_1541 : vector<16xi1>, vector<16xf32>
      %select_n3A_2366 = arith.select %ne3A_2345, %broadcast_in_dim3A_1550, %broadcast_in_dim3A_1547 : vector<16xi1>, vector<16xf32>
      %select_n3A_2367 = arith.select %ne3A_2345, %broadcast_in_dim3A_1556, %broadcast_in_dim3A_1553 : vector<16xi1>, vector<16xf32>
      %select_n3A_2368 = arith.select %ne3A_2345, %broadcast_in_dim3A_1562, %broadcast_in_dim3A_1559 : vector<16xi1>, vector<16xf32>
      %select_n3A_2369 = arith.select %ne3A_2351, %select_n3A_2365, %select_n3A_2364 : vector<16xi1>, vector<16xf32>
      %select_n3A_2370 = arith.select %ne3A_2351, %select_n3A_2367, %select_n3A_2366 : vector<16xi1>, vector<16xf32>
      %select_n3A_2371 = arith.select %ne3A_2357, %select_n3A_2370, %select_n3A_2369 : vector<16xi1>, vector<16xf32>
      %select_n3A_2372 = arith.select %ne3A_2363, %select_n3A_2368, %select_n3A_2371 : vector<16xi1>, vector<16xf32>
      %swap3A_2373 = arith.index_cast %add3A_2167 : i32 to index
      %swap3A_2374 = arith.constant 64 : index
      %swap3A_2375 = tpu.vector_load %arg9[%swap3A_2373, %swap3A_2374] {strides = array<i32>} : memref<64x200xf32, #tpu.memory_space<vmem>>, vector<1x16xf32>,
      %swap3A_2376 = vector.shape_cast %swap3A_2375 : vector<1x16xf32> to vector<16xf32>
      %swap3A_2377 = vector.shape_cast %select_n3A_2372 : vector<16xf32> to vector<1x16xf32>
      tpu.vector_store %arg9[%swap3A_2373, %swap3A_2374], %swap3A_2377 {strides = array<i32>} : memref<64x200xf32, #tpu.memory_space<vmem>>, vector<1x16xf32>,
      %get3A_2378 = arith.index_cast %add3A_2167 : i32 to index
      %get3A_2379 = arith.constant 80 : index
      %get3A_2380 = tpu.vector_load %arg7[%get3A_2378, %get3A_2379] {strides = array<i32>} : memref<64x200xi32, #tpu.memory_space<vmem>>, vector<1x16xi32>,
      %get3A_2381 = vector.shape_cast %get3A_2380 : vector<1x16xi32> to vector<16xi32>
      %and3A_2382 = arith.constant 1 : i32
      %and3A_2383 = vector.broadcast %and3A_2382 : i32 to vector<16xi32>
      %and3A_2384 = arith.andi %get3A_2381, %and3A_2383 : vector<16xi32>
      %ne3A_2385 = arith.constant 0 : i32
      %ne3A_2386 = vector.broadcast %ne3A_2385 : i32 to vector<16xi32>
      %ne3A_2387 = arith.cmpi ne, %and3A_2384, %ne3A_2386 : vector<16xi32>
      %and3A_2388 = arith.constant 2 : i32
      %and3A_2389 = vector.broadcast %and3A_2388 : i32 to vector<16xi32>
      %and3A_2390 = arith.andi %get3A_2381, %and3A_2389 : vector<16xi32>
      %ne3A_2391 = arith.constant 0 : i32
      %ne3A_2392 = vector.broadcast %ne3A_2391 : i32 to vector<16xi32>
      %ne3A_2393 = arith.cmpi ne, %and3A_2390, %ne3A_2392 : vector<16xi32>
      %and3A_2394 = arith.constant 4 : i32
      %and3A_2395 = vector.broadcast %and3A_2394 : i32 to vector<16xi32>
      %and3A_2396 = arith.andi %get3A_2381, %and3A_2395 : vector<16xi32>
      %ne3A_2397 = arith.constant 0 : i32
      %ne3A_2398 = vector.broadcast %ne3A_2397 : i32 to vector<16xi32>
      %ne3A_2399 = arith.cmpi ne, %and3A_2396, %ne3A_2398 : vector<16xi32>
      %and3A_2400 = arith.constant 8 : i32
      %and3A_2401 = vector.broadcast %and3A_2400 : i32 to vector<16xi32>
      %and3A_2402 = arith.andi %get3A_2381, %and3A_2401 : vector<16xi32>
      %ne3A_2403 = arith.constant 0 : i32
      %ne3A_2404 = vector.broadcast %ne3A_2403 : i32 to vector<16xi32>
      %ne3A_2405 = arith.cmpi ne, %and3A_2402, %ne3A_2404 : vector<16xi32>
      %select_n3A_2406 = arith.select %ne3A_2387, %broadcast_in_dim3A_1538, %broadcast_in_dim3A : vector<16xi1>, vector<16xf32>
      %select_n3A_2407 = arith.select %ne3A_2387, %broadcast_in_dim3A_1544, %broadcast_in_dim3A_1541 : vector<16xi1>, vector<16xf32>
      %select_n3A_2408 = arith.select %ne3A_2387, %broadcast_in_dim3A_1550, %broadcast_in_dim3A_1547 : vector<16xi1>, vector<16xf32>
      %select_n3A_2409 = arith.select %ne3A_2387, %broadcast_in_dim3A_1556, %broadcast_in_dim3A_1553 : vector<16xi1>, vector<16xf32>
      %select_n3A_2410 = arith.select %ne3A_2387, %broadcast_in_dim3A_1562, %broadcast_in_dim3A_1559 : vector<16xi1>, vector<16xf32>
      %select_n3A_2411 = arith.select %ne3A_2393, %select_n3A_2407, %select_n3A_2406 : vector<16xi1>, vector<16xf32>
      %select_n3A_2412 = arith.select %ne3A_2393, %select_n3A_2409, %select_n3A_2408 : vector<16xi1>, vector<16xf32>
      %select_n3A_2413 = arith.select %ne3A_2399, %select_n3A_2412, %select_n3A_2411 : vector<16xi1>, vector<16xf32>
      %select_n3A_2414 = arith.select %ne3A_2405, %select_n3A_2410, %select_n3A_2413 : vector<16xi1>, vector<16xf32>
      %swap3A_2415 = arith.index_cast %add3A_2167 : i32 to index
      %swap3A_2416 = arith.constant 80 : index
      %swap3A_2417 = tpu.vector_load %arg9[%swap3A_2415, %swap3A_2416] {strides = array<i32>} : memref<64x200xf32, #tpu.memory_space<vmem>>, vector<1x16xf32>,
      %swap3A_2418 = vector.shape_cast %swap3A_2417 : vector<1x16xf32> to vector<16xf32>
      %swap3A_2419 = vector.shape_cast %select_n3A_2414 : vector<16xf32> to vector<1x16xf32>
      tpu.vector_store %arg9[%swap3A_2415, %swap3A_2416], %swap3A_2419 {strides = array<i32>} : memref<64x200xf32, #tpu.memory_space<vmem>>, vector<1x16xf32>,
      %get3A_2420 = arith.index_cast %add3A_2167 : i32 to index
      %get3A_2421 = arith.constant 96 : index
      %get3A_2422 = tpu.vector_load %arg7[%get3A_2420, %get3A_2421] {strides = array<i32>} : memref<64x200xi32, #tpu.memory_space<vmem>>, vector<1x16xi32>,
      %get3A_2423 = vector.shape_cast %get3A_2422 : vector<1x16xi32> to vector<16xi32>
      %and3A_2424 = arith.constant 1 : i32
      %and3A_2425 = vector.broadcast %and3A_2424 : i32 to vector<16xi32>
      %and3A_2426 = arith.andi %get3A_2423, %and3A_2425 : vector<16xi32>
      %ne3A_2427 = arith.constant 0 : i32
      %ne3A_2428 = vector.broadcast %ne3A_2427 : i32 to vector<16xi32>
      %ne3A_2429 = arith.cmpi ne, %and3A_2426, %ne3A_2428 : vector<16xi32>
      %and3A_2430 = arith.constant 2 : i32
      %and3A_2431 = vector.broadcast %and3A_2430 : i32 to vector<16xi32>
      %and3A_2432 = arith.andi %get3A_2423, %and3A_2431 : vector<16xi32>
      %ne3A_2433 = arith.constant 0 : i32
      %ne3A_2434 = vector.broadcast %ne3A_2433 : i32 to vector<16xi32>
      %ne3A_2435 = arith.cmpi ne, %and3A_2432, %ne3A_2434 : vector<16xi32>
      %and3A_2436 = arith.constant 4 : i32
      %and3A_2437 = vector.broadcast %and3A_2436 : i32 to vector<16xi32>
      %and3A_2438 = arith.andi %get3A_2423, %and3A_2437 : vector<16xi32>
      %ne3A_2439 = arith.constant 0 : i32
      %ne3A_2440 = vector.broadcast %ne3A_2439 : i32 to vector<16xi32>
      %ne3A_2441 = arith.cmpi ne, %and3A_2438, %ne3A_2440 : vector<16xi32>
      %and3A_2442 = arith.constant 8 : i32
      %and3A_2443 = vector.broadcast %and3A_2442 : i32 to vector<16xi32>
      %and3A_2444 = arith.andi %get3A_2423, %and3A_2443 : vector<16xi32>
      %ne3A_2445 = arith.constant 0 : i32
      %ne3A_2446 = vector.broadcast %ne3A_2445 : i32 to vector<16xi32>
      %ne3A_2447 = arith.cmpi ne, %and3A_2444, %ne3A_2446 : vector<16xi32>
      %select_n3A_2448 = arith.select %ne3A_2429, %broadcast_in_dim3A_1538, %broadcast_in_dim3A : vector<16xi1>, vector<16xf32>
      %select_n3A_2449 = arith.select %ne3A_2429, %broadcast_in_dim3A_1544, %broadcast_in_dim3A_1541 : vector<16xi1>, vector<16xf32>
      %select_n3A_2450 = arith.select %ne3A_2429, %broadcast_in_dim3A_1550, %broadcast_in_dim3A_1547 : vector<16xi1>, vector<16xf32>
      %select_n3A_2451 = arith.select %ne3A_2429, %broadcast_in_dim3A_1556, %broadcast_in_dim3A_1553 : vector<16xi1>, vector<16xf32>
      %select_n3A_2452 = arith.select %ne3A_2429, %broadcast_in_dim3A_1562, %broadcast_in_dim3A_1559 : vector<16xi1>, vector<16xf32>
      %select_n3A_2453 = arith.select %ne3A_2435, %select_n3A_2449, %select_n3A_2448 : vector<16xi1>, vector<16xf32>
      %select_n3A_2454 = arith.select %ne3A_2435, %select_n3A_2451, %select_n3A_2450 : vector<16xi1>, vector<16xf32>
      %select_n3A_2455 = arith.select %ne3A_2441, %select_n3A_2454, %select_n3A_2453 : vector<16xi1>, vector<16xf32>
      %select_n3A_2456 = arith.select %ne3A_2447, %select_n3A_2452, %select_n3A_2455 : vector<16xi1>, vector<16xf32>
      %swap3A_2457 = arith.index_cast %add3A_2167 : i32 to index
      %swap3A_2458 = arith.constant 96 : index
      %swap3A_2459 = tpu.vector_load %arg9[%swap3A_2457, %swap3A_2458] {strides = array<i32>} : memref<64x200xf32, #tpu.memory_space<vmem>>, vector<1x16xf32>,
      %swap3A_2460 = vector.shape_cast %swap3A_2459 : vector<1x16xf32> to vector<16xf32>
      %swap3A_2461 = vector.shape_cast %select_n3A_2456 : vector<16xf32> to vector<1x16xf32>
      tpu.vector_store %arg9[%swap3A_2457, %swap3A_2458], %swap3A_2461 {strides = array<i32>} : memref<64x200xf32, #tpu.memory_space<vmem>>, vector<1x16xf32>,
      %get3A_2462 = arith.index_cast %add3A_2167 : i32 to index
      %get3A_2463 = arith.constant 112 : index
      %get3A_2464 = tpu.vector_load %arg7[%get3A_2462, %get3A_2463] {strides = array<i32>} : memref<64x200xi32, #tpu.memory_space<vmem>>, vector<1x16xi32>,
      %get3A_2465 = vector.shape_cast %get3A_2464 : vector<1x16xi32> to vector<16xi32>
      %and3A_2466 = arith.constant 1 : i32
      %and3A_2467 = vector.broadcast %and3A_2466 : i32 to vector<16xi32>
      %and3A_2468 = arith.andi %get3A_2465, %and3A_2467 : vector<16xi32>
      %ne3A_2469 = arith.constant 0 : i32
      %ne3A_2470 = vector.broadcast %ne3A_2469 : i32 to vector<16xi32>
      %ne3A_2471 = arith.cmpi ne, %and3A_2468, %ne3A_2470 : vector<16xi32>
      %and3A_2472 = arith.constant 2 : i32
      %and3A_2473 = vector.broadcast %and3A_2472 : i32 to vector<16xi32>
      %and3A_2474 = arith.andi %get3A_2465, %and3A_2473 : vector<16xi32>
      %ne3A_2475 = arith.constant 0 : i32
      %ne3A_2476 = vector.broadcast %ne3A_2475 : i32 to vector<16xi32>
      %ne3A_2477 = arith.cmpi ne, %and3A_2474, %ne3A_2476 : vector<16xi32>
      %and3A_2478 = arith.constant 4 : i32
      %and3A_2479 = vector.broadcast %and3A_2478 : i32 to vector<16xi32>
      %and3A_2480 = arith.andi %get3A_2465, %and3A_2479 : vector<16xi32>
      %ne3A_2481 = arith.constant 0 : i32
      %ne3A_2482 = vector.broadcast %ne3A_2481 : i32 to vector<16xi32>
      %ne3A_2483 = arith.cmpi ne, %and3A_2480, %ne3A_2482 : vector<16xi32>
      %and3A_2484 = arith.constant 8 : i32
      %and3A_2485 = vector.broadcast %and3A_2484 : i32 to vector<16xi32>
      %and3A_2486 = arith.andi %get3A_2465, %and3A_2485 : vector<16xi32>
      %ne3A_2487 = arith.constant 0 : i32
      %ne3A_2488 = vector.broadcast %ne3A_2487 : i32 to vector<16xi32>
      %ne3A_2489 = arith.cmpi ne, %and3A_2486, %ne3A_2488 : vector<16xi32>
      %select_n3A_2490 = arith.select %ne3A_2471, %broadcast_in_dim3A_1538, %broadcast_in_dim3A : vector<16xi1>, vector<16xf32>
      %select_n3A_2491 = arith.select %ne3A_2471, %broadcast_in_dim3A_1544, %broadcast_in_dim3A_1541 : vector<16xi1>, vector<16xf32>
      %select_n3A_2492 = arith.select %ne3A_2471, %broadcast_in_dim3A_1550, %broadcast_in_dim3A_1547 : vector<16xi1>, vector<16xf32>
      %select_n3A_2493 = arith.select %ne3A_2471, %broadcast_in_dim3A_1556, %broadcast_in_dim3A_1553 : vector<16xi1>, vector<16xf32>
      %select_n3A_2494 = arith.select %ne3A_2471, %broadcast_in_dim3A_1562, %broadcast_in_dim3A_1559 : vector<16xi1>, vector<16xf32>
      %select_n3A_2495 = arith.select %ne3A_2477, %select_n3A_2491, %select_n3A_2490 : vector<16xi1>, vector<16xf32>
      %select_n3A_2496 = arith.select %ne3A_2477, %select_n3A_2493, %select_n3A_2492 : vector<16xi1>, vector<16xf32>
      %select_n3A_2497 = arith.select %ne3A_2483, %select_n3A_2496, %select_n3A_2495 : vector<16xi1>, vector<16xf32>
      %select_n3A_2498 = arith.select %ne3A_2489, %select_n3A_2494, %select_n3A_2497 : vector<16xi1>, vector<16xf32>
      %swap3A_2499 = arith.index_cast %add3A_2167 : i32 to index
      %swap3A_2500 = arith.constant 112 : index
      %swap3A_2501 = tpu.vector_load %arg9[%swap3A_2499, %swap3A_2500] {strides = array<i32>} : memref<64x200xf32, #tpu.memory_space<vmem>>, vector<1x16xf32>,
      %swap3A_2502 = vector.shape_cast %swap3A_2501 : vector<1x16xf32> to vector<16xf32>
      %swap3A_2503 = vector.shape_cast %select_n3A_2498 : vector<16xf32> to vector<1x16xf32>
      tpu.vector_store %arg9[%swap3A_2499, %swap3A_2500], %swap3A_2503 {strides = array<i32>} : memref<64x200xf32, #tpu.memory_space<vmem>>, vector<1x16xf32>,
      %get3A_2504 = arith.index_cast %add3A_2167 : i32 to index
      %get3A_2505 = arith.constant 128 : index
      %get3A_2506 = tpu.vector_load %arg7[%get3A_2504, %get3A_2505] {strides = array<i32>} : memref<64x200xi32, #tpu.memory_space<vmem>>, vector<1x16xi32>,
      %get3A_2507 = vector.shape_cast %get3A_2506 : vector<1x16xi32> to vector<16xi32>
      %and3A_2508 = arith.constant 1 : i32
      %and3A_2509 = vector.broadcast %and3A_2508 : i32 to vector<16xi32>
      %and3A_2510 = arith.andi %get3A_2507, %and3A_2509 : vector<16xi32>
      %ne3A_2511 = arith.constant 0 : i32
      %ne3A_2512 = vector.broadcast %ne3A_2511 : i32 to vector<16xi32>
      %ne3A_2513 = arith.cmpi ne, %and3A_2510, %ne3A_2512 : vector<16xi32>
      %and3A_2514 = arith.constant 2 : i32
      %and3A_2515 = vector.broadcast %and3A_2514 : i32 to vector<16xi32>
      %and3A_2516 = arith.andi %get3A_2507, %and3A_2515 : vector<16xi32>
      %ne3A_2517 = arith.constant 0 : i32
      %ne3A_2518 = vector.broadcast %ne3A_2517 : i32 to vector<16xi32>
      %ne3A_2519 = arith.cmpi ne, %and3A_2516, %ne3A_2518 : vector<16xi32>
      %and3A_2520 = arith.constant 4 : i32
      %and3A_2521 = vector.broadcast %and3A_2520 : i32 to vector<16xi32>
      %and3A_2522 = arith.andi %get3A_2507, %and3A_2521 : vector<16xi32>
      %ne3A_2523 = arith.constant 0 : i32
      %ne3A_2524 = vector.broadcast %ne3A_2523 : i32 to vector<16xi32>
      %ne3A_2525 = arith.cmpi ne, %and3A_2522, %ne3A_2524 : vector<16xi32>
      %and3A_2526 = arith.constant 8 : i32
      %and3A_2527 = vector.broadcast %and3A_2526 : i32 to vector<16xi32>
      %and3A_2528 = arith.andi %get3A_2507, %and3A_2527 : vector<16xi32>
      %ne3A_2529 = arith.constant 0 : i32
      %ne3A_2530 = vector.broadcast %ne3A_2529 : i32 to vector<16xi32>
      %ne3A_2531 = arith.cmpi ne, %and3A_2528, %ne3A_2530 : vector<16xi32>
      %select_n3A_2532 = arith.select %ne3A_2513, %broadcast_in_dim3A_1538, %broadcast_in_dim3A : vector<16xi1>, vector<16xf32>
      %select_n3A_2533 = arith.select %ne3A_2513, %broadcast_in_dim3A_1544, %broadcast_in_dim3A_1541 : vector<16xi1>, vector<16xf32>
      %select_n3A_2534 = arith.select %ne3A_2513, %broadcast_in_dim3A_1550, %broadcast_in_dim3A_1547 : vector<16xi1>, vector<16xf32>
      %select_n3A_2535 = arith.select %ne3A_2513, %broadcast_in_dim3A_1556, %broadcast_in_dim3A_1553 : vector<16xi1>, vector<16xf32>
      %select_n3A_2536 = arith.select %ne3A_2513, %broadcast_in_dim3A_1562, %broadcast_in_dim3A_1559 : vector<16xi1>, vector<16xf32>
      %select_n3A_2537 = arith.select %ne3A_2519, %select_n3A_2533, %select_n3A_2532 : vector<16xi1>, vector<16xf32>
      %select_n3A_2538 = arith.select %ne3A_2519, %select_n3A_2535, %select_n3A_2534 : vector<16xi1>, vector<16xf32>
      %select_n3A_2539 = arith.select %ne3A_2525, %select_n3A_2538, %select_n3A_2537 : vector<16xi1>, vector<16xf32>
      %select_n3A_2540 = arith.select %ne3A_2531, %select_n3A_2536, %select_n3A_2539 : vector<16xi1>, vector<16xf32>
      %swap3A_2541 = arith.index_cast %add3A_2167 : i32 to index
      %swap3A_2542 = arith.constant 128 : index
      %swap3A_2543 = tpu.vector_load %arg9[%swap3A_2541, %swap3A_2542] {strides = array<i32>} : memref<64x200xf32, #tpu.memory_space<vmem>>, vector<1x16xf32>,
      %swap3A_2544 = vector.shape_cast %swap3A_2543 : vector<1x16xf32> to vector<16xf32>
      %swap3A_2545 = vector.shape_cast %select_n3A_2540 : vector<16xf32> to vector<1x16xf32>
      tpu.vector_store %arg9[%swap3A_2541, %swap3A_2542], %swap3A_2545 {strides = array<i32>} : memref<64x200xf32, #tpu.memory_space<vmem>>, vector<1x16xf32>,
      %get3A_2546 = arith.index_cast %add3A_2167 : i32 to index
      %get3A_2547 = arith.constant 144 : index
      %get3A_2548 = tpu.vector_load %arg7[%get3A_2546, %get3A_2547] {strides = array<i32>} : memref<64x200xi32, #tpu.memory_space<vmem>>, vector<1x16xi32>,
      %get3A_2549 = vector.shape_cast %get3A_2548 : vector<1x16xi32> to vector<16xi32>
      %and3A_2550 = arith.constant 1 : i32
      %and3A_2551 = vector.broadcast %and3A_2550 : i32 to vector<16xi32>
      %and3A_2552 = arith.andi %get3A_2549, %and3A_2551 : vector<16xi32>
      %ne3A_2553 = arith.constant 0 : i32
      %ne3A_2554 = vector.broadcast %ne3A_2553 : i32 to vector<16xi32>
      %ne3A_2555 = arith.cmpi ne, %and3A_2552, %ne3A_2554 : vector<16xi32>
      %and3A_2556 = arith.constant 2 : i32
      %and3A_2557 = vector.broadcast %and3A_2556 : i32 to vector<16xi32>
      %and3A_2558 = arith.andi %get3A_2549, %and3A_2557 : vector<16xi32>
      %ne3A_2559 = arith.constant 0 : i32
      %ne3A_2560 = vector.broadcast %ne3A_2559 : i32 to vector<16xi32>
      %ne3A_2561 = arith.cmpi ne, %and3A_2558, %ne3A_2560 : vector<16xi32>
      %and3A_2562 = arith.constant 4 : i32
      %and3A_2563 = vector.broadcast %and3A_2562 : i32 to vector<16xi32>
      %and3A_2564 = arith.andi %get3A_2549, %and3A_2563 : vector<16xi32>
      %ne3A_2565 = arith.constant 0 : i32
      %ne3A_2566 = vector.broadcast %ne3A_2565 : i32 to vector<16xi32>
      %ne3A_2567 = arith.cmpi ne, %and3A_2564, %ne3A_2566 : vector<16xi32>
      %and3A_2568 = arith.constant 8 : i32
      %and3A_2569 = vector.broadcast %and3A_2568 : i32 to vector<16xi32>
      %and3A_2570 = arith.andi %get3A_2549, %and3A_2569 : vector<16xi32>
      %ne3A_2571 = arith.constant 0 : i32
      %ne3A_2572 = vector.broadcast %ne3A_2571 : i32 to vector<16xi32>
      %ne3A_2573 = arith.cmpi ne, %and3A_2570, %ne3A_2572 : vector<16xi32>
      %select_n3A_2574 = arith.select %ne3A_2555, %broadcast_in_dim3A_1538, %broadcast_in_dim3A : vector<16xi1>, vector<16xf32>
      %select_n3A_2575 = arith.select %ne3A_2555, %broadcast_in_dim3A_1544, %broadcast_in_dim3A_1541 : vector<16xi1>, vector<16xf32>
      %select_n3A_2576 = arith.select %ne3A_2555, %broadcast_in_dim3A_1550, %broadcast_in_dim3A_1547 : vector<16xi1>, vector<16xf32>
      %select_n3A_2577 = arith.select %ne3A_2555, %broadcast_in_dim3A_1556, %broadcast_in_dim3A_1553 : vector<16xi1>, vector<16xf32>
      %select_n3A_2578 = arith.select %ne3A_2555, %broadcast_in_dim3A_1562, %broadcast_in_dim3A_1559 : vector<16xi1>, vector<16xf32>
      %select_n3A_2579 = arith.select %ne3A_2561, %select_n3A_2575, %select_n3A_2574 : vector<16xi1>, vector<16xf32>
      %select_n3A_2580 = arith.select %ne3A_2561, %select_n3A_2577, %select_n3A_2576 : vector<16xi1>, vector<16xf32>
      %select_n3A_2581 = arith.select %ne3A_2567, %select_n3A_2580, %select_n3A_2579 : vector<16xi1>, vector<16xf32>
      %select_n3A_2582 = arith.select %ne3A_2573, %select_n3A_2578, %select_n3A_2581 : vector<16xi1>, vector<16xf32>
      %swap3A_2583 = arith.index_cast %add3A_2167 : i32 to index
      %swap3A_2584 = arith.constant 144 : index
      %swap3A_2585 = tpu.vector_load %arg9[%swap3A_2583, %swap3A_2584] {strides = array<i32>} : memref<64x200xf32, #tpu.memory_space<vmem>>, vector<1x16xf32>,
      %swap3A_2586 = vector.shape_cast %swap3A_2585 : vector<1x16xf32> to vector<16xf32>
      %swap3A_2587 = vector.shape_cast %select_n3A_2582 : vector<16xf32> to vector<1x16xf32>
      tpu.vector_store %arg9[%swap3A_2583, %swap3A_2584], %swap3A_2587 {strides = array<i32>} : memref<64x200xf32, #tpu.memory_space<vmem>>, vector<1x16xf32>,
      %get3A_2588 = arith.index_cast %add3A_2167 : i32 to index
      %get3A_2589 = arith.constant 160 : index
      %get3A_2590 = tpu.vector_load %arg7[%get3A_2588, %get3A_2589] {strides = array<i32>} : memref<64x200xi32, #tpu.memory_space<vmem>>, vector<1x16xi32>,
      %get3A_2591 = vector.shape_cast %get3A_2590 : vector<1x16xi32> to vector<16xi32>
      %and3A_2592 = arith.constant 1 : i32
      %and3A_2593 = vector.broadcast %and3A_2592 : i32 to vector<16xi32>
      %and3A_2594 = arith.andi %get3A_2591, %and3A_2593 : vector<16xi32>
      %ne3A_2595 = arith.constant 0 : i32
      %ne3A_2596 = vector.broadcast %ne3A_2595 : i32 to vector<16xi32>
      %ne3A_2597 = arith.cmpi ne, %and3A_2594, %ne3A_2596 : vector<16xi32>
      %and3A_2598 = arith.constant 2 : i32
      %and3A_2599 = vector.broadcast %and3A_2598 : i32 to vector<16xi32>
      %and3A_2600 = arith.andi %get3A_2591, %and3A_2599 : vector<16xi32>
      %ne3A_2601 = arith.constant 0 : i32
      %ne3A_2602 = vector.broadcast %ne3A_2601 : i32 to vector<16xi32>
      %ne3A_2603 = arith.cmpi ne, %and3A_2600, %ne3A_2602 : vector<16xi32>
      %and3A_2604 = arith.constant 4 : i32
      %and3A_2605 = vector.broadcast %and3A_2604 : i32 to vector<16xi32>
      %and3A_2606 = arith.andi %get3A_2591, %and3A_2605 : vector<16xi32>
      %ne3A_2607 = arith.constant 0 : i32
      %ne3A_2608 = vector.broadcast %ne3A_2607 : i32 to vector<16xi32>
      %ne3A_2609 = arith.cmpi ne, %and3A_2606, %ne3A_2608 : vector<16xi32>
      %and3A_2610 = arith.constant 8 : i32
      %and3A_2611 = vector.broadcast %and3A_2610 : i32 to vector<16xi32>
      %and3A_2612 = arith.andi %get3A_2591, %and3A_2611 : vector<16xi32>
      %ne3A_2613 = arith.constant 0 : i32
      %ne3A_2614 = vector.broadcast %ne3A_2613 : i32 to vector<16xi32>
      %ne3A_2615 = arith.cmpi ne, %and3A_2612, %ne3A_2614 : vector<16xi32>
      %select_n3A_2616 = arith.select %ne3A_2597, %broadcast_in_dim3A_1538, %broadcast_in_dim3A : vector<16xi1>, vector<16xf32>
      %select_n3A_2617 = arith.select %ne3A_2597, %broadcast_in_dim3A_1544, %broadcast_in_dim3A_1541 : vector<16xi1>, vector<16xf32>
      %select_n3A_2618 = arith.select %ne3A_2597, %broadcast_in_dim3A_1550, %broadcast_in_dim3A_1547 : vector<16xi1>, vector<16xf32>
      %select_n3A_2619 = arith.select %ne3A_2597, %broadcast_in_dim3A_1556, %broadcast_in_dim3A_1553 : vector<16xi1>, vector<16xf32>
      %select_n3A_2620 = arith.select %ne3A_2597, %broadcast_in_dim3A_1562, %broadcast_in_dim3A_1559 : vector<16xi1>, vector<16xf32>
      %select_n3A_2621 = arith.select %ne3A_2603, %select_n3A_2617, %select_n3A_2616 : vector<16xi1>, vector<16xf32>
      %select_n3A_2622 = arith.select %ne3A_2603, %select_n3A_2619, %select_n3A_2618 : vector<16xi1>, vector<16xf32>
      %select_n3A_2623 = arith.select %ne3A_2609, %select_n3A_2622, %select_n3A_2621 : vector<16xi1>, vector<16xf32>
      %select_n3A_2624 = arith.select %ne3A_2615, %select_n3A_2620, %select_n3A_2623 : vector<16xi1>, vector<16xf32>
      %swap3A_2625 = arith.index_cast %add3A_2167 : i32 to index
      %swap3A_2626 = arith.constant 160 : index
      %swap3A_2627 = tpu.vector_load %arg9[%swap3A_2625, %swap3A_2626] {strides = array<i32>} : memref<64x200xf32, #tpu.memory_space<vmem>>, vector<1x16xf32>,
      %swap3A_2628 = vector.shape_cast %swap3A_2627 : vector<1x16xf32> to vector<16xf32>
      %swap3A_2629 = vector.shape_cast %select_n3A_2624 : vector<16xf32> to vector<1x16xf32>
      tpu.vector_store %arg9[%swap3A_2625, %swap3A_2626], %swap3A_2629 {strides = array<i32>} : memref<64x200xf32, #tpu.memory_space<vmem>>, vector<1x16xf32>,
      %get3A_2630 = arith.index_cast %add3A_2167 : i32 to index
      %get3A_2631 = arith.constant 176 : index
      %get3A_2632 = tpu.vector_load %arg7[%get3A_2630, %get3A_2631] {strides = array<i32>} : memref<64x200xi32, #tpu.memory_space<vmem>>, vector<1x16xi32>,
      %get3A_2633 = vector.shape_cast %get3A_2632 : vector<1x16xi32> to vector<16xi32>
      %and3A_2634 = arith.constant 1 : i32
      %and3A_2635 = vector.broadcast %and3A_2634 : i32 to vector<16xi32>
      %and3A_2636 = arith.andi %get3A_2633, %and3A_2635 : vector<16xi32>
      %ne3A_2637 = arith.constant 0 : i32
      %ne3A_2638 = vector.broadcast %ne3A_2637 : i32 to vector<16xi32>
      %ne3A_2639 = arith.cmpi ne, %and3A_2636, %ne3A_2638 : vector<16xi32>
      %and3A_2640 = arith.constant 2 : i32
      %and3A_2641 = vector.broadcast %and3A_2640 : i32 to vector<16xi32>
      %and3A_2642 = arith.andi %get3A_2633, %and3A_2641 : vector<16xi32>
      %ne3A_2643 = arith.constant 0 : i32
      %ne3A_2644 = vector.broadcast %ne3A_2643 : i32 to vector<16xi32>
      %ne3A_2645 = arith.cmpi ne, %and3A_2642, %ne3A_2644 : vector<16xi32>
      %and3A_2646 = arith.constant 4 : i32
      %and3A_2647 = vector.broadcast %and3A_2646 : i32 to vector<16xi32>
      %and3A_2648 = arith.andi %get3A_2633, %and3A_2647 : vector<16xi32>
      %ne3A_2649 = arith.constant 0 : i32
      %ne3A_2650 = vector.broadcast %ne3A_2649 : i32 to vector<16xi32>
      %ne3A_2651 = arith.cmpi ne, %and3A_2648, %ne3A_2650 : vector<16xi32>
      %and3A_2652 = arith.constant 8 : i32
      %and3A_2653 = vector.broadcast %and3A_2652 : i32 to vector<16xi32>
      %and3A_2654 = arith.andi %get3A_2633, %and3A_2653 : vector<16xi32>
      %ne3A_2655 = arith.constant 0 : i32
      %ne3A_2656 = vector.broadcast %ne3A_2655 : i32 to vector<16xi32>
      %ne3A_2657 = arith.cmpi ne, %and3A_2654, %ne3A_2656 : vector<16xi32>
      %select_n3A_2658 = arith.select %ne3A_2639, %broadcast_in_dim3A_1538, %broadcast_in_dim3A : vector<16xi1>, vector<16xf32>
      %select_n3A_2659 = arith.select %ne3A_2639, %broadcast_in_dim3A_1544, %broadcast_in_dim3A_1541 : vector<16xi1>, vector<16xf32>
      %select_n3A_2660 = arith.select %ne3A_2639, %broadcast_in_dim3A_1550, %broadcast_in_dim3A_1547 : vector<16xi1>, vector<16xf32>
      %select_n3A_2661 = arith.select %ne3A_2639, %broadcast_in_dim3A_1556, %broadcast_in_dim3A_1553 : vector<16xi1>, vector<16xf32>
      %select_n3A_2662 = arith.select %ne3A_2639, %broadcast_in_dim3A_1562, %broadcast_in_dim3A_1559 : vector<16xi1>, vector<16xf32>
      %select_n3A_2663 = arith.select %ne3A_2645, %select_n3A_2659, %select_n3A_2658 : vector<16xi1>, vector<16xf32>
      %select_n3A_2664 = arith.select %ne3A_2645, %select_n3A_2661, %select_n3A_2660 : vector<16xi1>, vector<16xf32>
      %select_n3A_2665 = arith.select %ne3A_2651, %select_n3A_2664, %select_n3A_2663 : vector<16xi1>, vector<16xf32>
      %select_n3A_2666 = arith.select %ne3A_2657, %select_n3A_2662, %select_n3A_2665 : vector<16xi1>, vector<16xf32>
      %swap3A_2667 = arith.index_cast %add3A_2167 : i32 to index
      %swap3A_2668 = arith.constant 176 : index
      %swap3A_2669 = tpu.vector_load %arg9[%swap3A_2667, %swap3A_2668] {strides = array<i32>} : memref<64x200xf32, #tpu.memory_space<vmem>>, vector<1x16xf32>,
      %swap3A_2670 = vector.shape_cast %swap3A_2669 : vector<1x16xf32> to vector<16xf32>
      %swap3A_2671 = vector.shape_cast %select_n3A_2666 : vector<16xf32> to vector<1x16xf32>
      tpu.vector_store %arg9[%swap3A_2667, %swap3A_2668], %swap3A_2671 {strides = array<i32>} : memref<64x200xf32, #tpu.memory_space<vmem>>, vector<1x16xf32>,
      %get3A_2672 = arith.index_cast %add3A_2167 : i32 to index
      %get3A_2673 = arith.constant 184 : index
      %get3A_2674 = tpu.vector_load %arg7[%get3A_2672, %get3A_2673] {strides = array<i32>} : memref<64x200xi32, #tpu.memory_space<vmem>>, vector<1x16xi32>,
      %get3A_2675 = vector.shape_cast %get3A_2674 : vector<1x16xi32> to vector<16xi32>
      %and3A_2676 = arith.constant 1 : i32
      %and3A_2677 = vector.broadcast %and3A_2676 : i32 to vector<16xi32>
      %and3A_2678 = arith.andi %get3A_2675, %and3A_2677 : vector<16xi32>
      %ne3A_2679 = arith.constant 0 : i32
      %ne3A_2680 = vector.broadcast %ne3A_2679 : i32 to vector<16xi32>
      %ne3A_2681 = arith.cmpi ne, %and3A_2678, %ne3A_2680 : vector<16xi32>
      %and3A_2682 = arith.constant 2 : i32
      %and3A_2683 = vector.broadcast %and3A_2682 : i32 to vector<16xi32>
      %and3A_2684 = arith.andi %get3A_2675, %and3A_2683 : vector<16xi32>
      %ne3A_2685 = arith.constant 0 : i32
      %ne3A_2686 = vector.broadcast %ne3A_2685 : i32 to vector<16xi32>
      %ne3A_2687 = arith.cmpi ne, %and3A_2684, %ne3A_2686 : vector<16xi32>
      %and3A_2688 = arith.constant 4 : i32
      %and3A_2689 = vector.broadcast %and3A_2688 : i32 to vector<16xi32>
      %and3A_2690 = arith.andi %get3A_2675, %and3A_2689 : vector<16xi32>
      %ne3A_2691 = arith.constant 0 : i32
      %ne3A_2692 = vector.broadcast %ne3A_2691 : i32 to vector<16xi32>
      %ne3A_2693 = arith.cmpi ne, %and3A_2690, %ne3A_2692 : vector<16xi32>
      %and3A_2694 = arith.constant 8 : i32
      %and3A_2695 = vector.broadcast %and3A_2694 : i32 to vector<16xi32>
      %and3A_2696 = arith.andi %get3A_2675, %and3A_2695 : vector<16xi32>
      %ne3A_2697 = arith.constant 0 : i32
      %ne3A_2698 = vector.broadcast %ne3A_2697 : i32 to vector<16xi32>
      %ne3A_2699 = arith.cmpi ne, %and3A_2696, %ne3A_2698 : vector<16xi32>
      %select_n3A_2700 = arith.select %ne3A_2681, %broadcast_in_dim3A_1538, %broadcast_in_dim3A : vector<16xi1>, vector<16xf32>
      %select_n3A_2701 = arith.select %ne3A_2681, %broadcast_in_dim3A_1544, %broadcast_in_dim3A_1541 : vector<16xi1>, vector<16xf32>
      %select_n3A_2702 = arith.select %ne3A_2681, %broadcast_in_dim3A_1550, %broadcast_in_dim3A_1547 : vector<16xi1>, vector<16xf32>
      %select_n3A_2703 = arith.select %ne3A_2681, %broadcast_in_dim3A_1556, %broadcast_in_dim3A_1553 : vector<16xi1>, vector<16xf32>
      %select_n3A_2704 = arith.select %ne3A_2681, %broadcast_in_dim3A_1562, %broadcast_in_dim3A_1559 : vector<16xi1>, vector<16xf32>
      %select_n3A_2705 = arith.select %ne3A_2687, %select_n3A_2701, %select_n3A_2700 : vector<16xi1>, vector<16xf32>
      %select_n3A_2706 = arith.select %ne3A_2687, %select_n3A_2703, %select_n3A_2702 : vector<16xi1>, vector<16xf32>
      %select_n3A_2707 = arith.select %ne3A_2693, %select_n3A_2706, %select_n3A_2705 : vector<16xi1>, vector<16xf32>
      %select_n3A_2708 = arith.select %ne3A_2699, %select_n3A_2704, %select_n3A_2707 : vector<16xi1>, vector<16xf32>
      %swap3A_2709 = arith.index_cast %add3A_2167 : i32 to index
      %swap3A_2710 = arith.constant 184 : index
      %swap3A_2711 = tpu.vector_load %arg9[%swap3A_2709, %swap3A_2710] {strides = array<i32>} : memref<64x200xf32, #tpu.memory_space<vmem>>, vector<1x16xf32>,
      %swap3A_2712 = vector.shape_cast %swap3A_2711 : vector<1x16xf32> to vector<16xf32>
      %swap3A_2713 = vector.shape_cast %select_n3A_2708 : vector<16xf32> to vector<1x16xf32>
      tpu.vector_store %arg9[%swap3A_2709, %swap3A_2710], %swap3A_2713 {strides = array<i32>} : memref<64x200xf32, #tpu.memory_space<vmem>>, vector<1x16xf32>,
    }
    %scan3A_1586 = arith.constant 32 : i32
    %add3A_1587 = arith.constant 0 : i32
    %add3A_1588 = arith.addi %mul3A_1567, %add3A_1587 : i32
    %dma_start3A_1589 = arith.constant 0 : i32
    %dma_start3A_1590 = tpu.memref_slice %arg6[%add3A_1588, %dma_start3A_1589] : memref<4096x200xf32, #tpu.memory_space<hbm>> -> memref<64x200xf32, #tpu.memory_space<hbm>>
    %dma_start3A_1591 = arith.constant 0 : i32
    %dma_start3A_1592 = tpu.memref_slice %arg6[%add3A_1588, %dma_start3A_1591] : memref<4096x200xf32, #tpu.memory_space<hbm>> -> memref<64x200xf32, #tpu.memory_space<hbm>>
    tpu.enqueue_dma source(%arg9 : memref<64x200xf32, #tpu.memory_space<vmem>>) target(%dma_start3A_1592 : memref<64x200xf32, #tpu.memory_space<hbm>>) target_semaphore(%arg16 : memref<!tpu.dma_semaphore, #tpu.memory_space<semaphore_mem>>)
    %dma_wait3A_1593 = arith.constant 0 : i32
    %dma_wait3A_1594 = tpu.memref_slice %arg2[%add3A_1577, %dma_wait3A_1593] : memref<16384x200xi32, #tpu.memory_space<hbm>> -> memref<64x200xi32, #tpu.memory_space<hbm>>
    %dma_wait3A_1595 = arith.constant 0 : i32
    %dma_wait3A_1596 = tpu.memref_slice %arg2[%add3A_1577, %dma_wait3A_1595] : memref<16384x200xi32, #tpu.memory_space<hbm>> -> memref<64x200xi32, #tpu.memory_space<hbm>>
    tpu.wait_dma2 semaphore(%arg15 : memref<!tpu.dma_semaphore, #tpu.memory_space<semaphore_mem>>) src(%dma_wait3A_1596 : memref<64x200xi32, #tpu.memory_space<hbm>>) dst(%arg8 : memref<64x200xi32, #tpu.memory_space<vmem>>)
    %scan3A_1597 = arith.constant 0 : i32
    %scan3A_1598 = arith.constant 0 : i32
    %scan3A_1599 = arith.constant 32 : i32
    %scan3A_1600 = arith.addi %scan3A_1598, %scan3A_1599 : i32
    %scan3A_1601 = arith.constant 1 : i32
    scf.for %scan3A_1617 = %scan3A_1598 to %scan3A_1600 step %scan3A_1601  : i32 {
      %mul3A_1618 = arith.constant 2 : i32
      %mul3A_1619 = arith.muli %scan3A_1617, %mul3A_1618 : i32
      %add3A_1620 = arith.constant 0 : i32
      %add3A_1621 = arith.addi %mul3A_1619, %add3A_1620 : i32
      %get3A_1622 = arith.index_cast %add3A_1621 : i32 to index
      %get3A_1623 = arith.constant 0 : index
      %get3A_1624 = tpu.vector_load %arg8[%get3A_1622, %get3A_1623] {strides = array<i32>} : memref<64x200xi32, #tpu.memory_space<vmem>>, vector<1x16xi32>,
      %get3A_1625 = vector.shape_cast %get3A_1624 : vector<1x16xi32> to vector<16xi32>
      %and3A = arith.constant 1 : i32
      %and3A_1626 = vector.broadcast %and3A : i32 to vector<16xi32>
      %and3A_1627 = arith.andi %get3A_1625, %and3A_1626 : vector<16xi32>
      %ne3A = arith.constant 0 : i32
      %ne3A_1628 = vector.broadcast %ne3A : i32 to vector<16xi32>
      %ne3A_1629 = arith.cmpi ne, %and3A_1627, %ne3A_1628 : vector<16xi32>
      %and3A_1630 = arith.constant 2 : i32
      %and3A_1631 = vector.broadcast %and3A_1630 : i32 to vector<16xi32>
      %and3A_1632 = arith.andi %get3A_1625, %and3A_1631 : vector<16xi32>
      %ne3A_1633 = arith.constant 0 : i32
      %ne3A_1634 = vector.broadcast %ne3A_1633 : i32 to vector<16xi32>
      %ne3A_1635 = arith.cmpi ne, %and3A_1632, %ne3A_1634 : vector<16xi32>
      %and3A_1636 = arith.constant 4 : i32
      %and3A_1637 = vector.broadcast %and3A_1636 : i32 to vector<16xi32>
      %and3A_1638 = arith.andi %get3A_1625, %and3A_1637 : vector<16xi32>
      %ne3A_1639 = arith.constant 0 : i32
      %ne3A_1640 = vector.broadcast %ne3A_1639 : i32 to vector<16xi32>
      %ne3A_1641 = arith.cmpi ne, %and3A_1638, %ne3A_1640 : vector<16xi32>
      %and3A_1642 = arith.constant 8 : i32
      %and3A_1643 = vector.broadcast %and3A_1642 : i32 to vector<16xi32>
      %and3A_1644 = arith.andi %get3A_1625, %and3A_1643 : vector<16xi32>
      %ne3A_1645 = arith.constant 0 : i32
      %ne3A_1646 = vector.broadcast %ne3A_1645 : i32 to vector<16xi32>
      %ne3A_1647 = arith.cmpi ne, %and3A_1644, %ne3A_1646 : vector<16xi32>
      %select_n3A = arith.select %ne3A_1629, %broadcast_in_dim3A_1538, %broadcast_in_dim3A : vector<16xi1>, vector<16xf32>
      %select_n3A_1648 = arith.select %ne3A_1629, %broadcast_in_dim3A_1544, %broadcast_in_dim3A_1541 : vector<16xi1>, vector<16xf32>
      %select_n3A_1649 = arith.select %ne3A_1629, %broadcast_in_dim3A_1550, %broadcast_in_dim3A_1547 : vector<16xi1>, vector<16xf32>
      %select_n3A_1650 = arith.select %ne3A_1629, %broadcast_in_dim3A_1556, %broadcast_in_dim3A_1553 : vector<16xi1>, vector<16xf32>
      %select_n3A_1651 = arith.select %ne3A_1629, %broadcast_in_dim3A_1562, %broadcast_in_dim3A_1559 : vector<16xi1>, vector<16xf32>
      %select_n3A_1652 = arith.select %ne3A_1635, %select_n3A_1648, %select_n3A : vector<16xi1>, vector<16xf32>
      %select_n3A_1653 = arith.select %ne3A_1635, %select_n3A_1650, %select_n3A_1649 : vector<16xi1>, vector<16xf32>
      %select_n3A_1654 = arith.select %ne3A_1641, %select_n3A_1653, %select_n3A_1652 : vector<16xi1>, vector<16xf32>
      %select_n3A_1655 = arith.select %ne3A_1647, %select_n3A_1651, %select_n3A_1654 : vector<16xi1>, vector<16xf32>
      %swap3A = arith.index_cast %add3A_1621 : i32 to index
      %swap3A_1656 = arith.constant 0 : index
      %swap3A_1657 = tpu.vector_load %arg10[%swap3A, %swap3A_1656] {strides = array<i32>} : memref<64x200xf32, #tpu.memory_space<vmem>>, vector<1x16xf32>,
      %swap3A_1658 = vector.shape_cast %swap3A_1657 : vector<1x16xf32> to vector<16xf32>
      %swap3A_1659 = vector.shape_cast %select_n3A_1655 : vector<16xf32> to vector<1x16xf32>
      tpu.vector_store %arg10[%swap3A, %swap3A_1656], %swap3A_1659 {strides = array<i32>} : memref<64x200xf32, #tpu.memory_space<vmem>>, vector<1x16xf32>,
      %get3A_1660 = arith.index_cast %add3A_1621 : i32 to index
      %get3A_1661 = arith.constant 16 : index
      %get3A_1662 = tpu.vector_load %arg8[%get3A_1660, %get3A_1661] {strides = array<i32>} : memref<64x200xi32, #tpu.memory_space<vmem>>, vector<1x16xi32>,
      %get3A_1663 = vector.shape_cast %get3A_1662 : vector<1x16xi32> to vector<16xi32>
      %and3A_1664 = arith.constant 1 : i32
      %and3A_1665 = vector.broadcast %and3A_1664 : i32 to vector<16xi32>
      %and3A_1666 = arith.andi %get3A_1663, %and3A_1665 : vector<16xi32>
      %ne3A_1667 = arith.constant 0 : i32
      %ne3A_1668 = vector.broadcast %ne3A_1667 : i32 to vector<16xi32>
      %ne3A_1669 = arith.cmpi ne, %and3A_1666, %ne3A_1668 : vector<16xi32>
      %and3A_1670 = arith.constant 2 : i32
      %and3A_1671 = vector.broadcast %and3A_1670 : i32 to vector<16xi32>
      %and3A_1672 = arith.andi %get3A_1663, %and3A_1671 : vector<16xi32>
      %ne3A_1673 = arith.constant 0 : i32
      %ne3A_1674 = vector.broadcast %ne3A_1673 : i32 to vector<16xi32>
      %ne3A_1675 = arith.cmpi ne, %and3A_1672, %ne3A_1674 : vector<16xi32>
      %and3A_1676 = arith.constant 4 : i32
      %and3A_1677 = vector.broadcast %and3A_1676 : i32 to vector<16xi32>
      %and3A_1678 = arith.andi %get3A_1663, %and3A_1677 : vector<16xi32>
      %ne3A_1679 = arith.constant 0 : i32
      %ne3A_1680 = vector.broadcast %ne3A_1679 : i32 to vector<16xi32>
      %ne3A_1681 = arith.cmpi ne, %and3A_1678, %ne3A_1680 : vector<16xi32>
      %and3A_1682 = arith.constant 8 : i32
      %and3A_1683 = vector.broadcast %and3A_1682 : i32 to vector<16xi32>
      %and3A_1684 = arith.andi %get3A_1663, %and3A_1683 : vector<16xi32>
      %ne3A_1685 = arith.constant 0 : i32
      %ne3A_1686 = vector.broadcast %ne3A_1685 : i32 to vector<16xi32>
      %ne3A_1687 = arith.cmpi ne, %and3A_1684, %ne3A_1686 : vector<16xi32>
      %select_n3A_1688 = arith.select %ne3A_1669, %broadcast_in_dim3A_1538, %broadcast_in_dim3A : vector<16xi1>, vector<16xf32>
      %select_n3A_1689 = arith.select %ne3A_1669, %broadcast_in_dim3A_1544, %broadcast_in_dim3A_1541 : vector<16xi1>, vector<16xf32>
      %select_n3A_1690 = arith.select %ne3A_1669, %broadcast_in_dim3A_1550, %broadcast_in_dim3A_1547 : vector<16xi1>, vector<16xf32>
      %select_n3A_1691 = arith.select %ne3A_1669, %broadcast_in_dim3A_1556, %broadcast_in_dim3A_1553 : vector<16xi1>, vector<16xf32>
      %select_n3A_1692 = arith.select %ne3A_1669, %broadcast_in_dim3A_1562, %broadcast_in_dim3A_1559 : vector<16xi1>, vector<16xf32>
      %select_n3A_1693 = arith.select %ne3A_1675, %select_n3A_1689, %select_n3A_1688 : vector<16xi1>, vector<16xf32>
      %select_n3A_1694 = arith.select %ne3A_1675, %select_n3A_1691, %select_n3A_1690 : vector<16xi1>, vector<16xf32>
      %select_n3A_1695 = arith.select %ne3A_1681, %select_n3A_1694, %select_n3A_1693 : vector<16xi1>, vector<16xf32>
      %select_n3A_1696 = arith.select %ne3A_1687, %select_n3A_1692, %select_n3A_1695 : vector<16xi1>, vector<16xf32>
      %swap3A_1697 = arith.index_cast %add3A_1621 : i32 to index
      %swap3A_1698 = arith.constant 16 : index
      %swap3A_1699 = tpu.vector_load %arg10[%swap3A_1697, %swap3A_1698] {strides = array<i32>} : memref<64x200xf32, #tpu.memory_space<vmem>>, vector<1x16xf32>,
      %swap3A_1700 = vector.shape_cast %swap3A_1699 : vector<1x16xf32> to vector<16xf32>
      %swap3A_1701 = vector.shape_cast %select_n3A_1696 : vector<16xf32> to vector<1x16xf32>
      tpu.vector_store %arg10[%swap3A_1697, %swap3A_1698], %swap3A_1701 {strides = array<i32>} : memref<64x200xf32, #tpu.memory_space<vmem>>, vector<1x16xf32>,
      %get3A_1702 = arith.index_cast %add3A_1621 : i32 to index
      %get3A_1703 = arith.constant 32 : index
      %get3A_1704 = tpu.vector_load %arg8[%get3A_1702, %get3A_1703] {strides = array<i32>} : memref<64x200xi32, #tpu.memory_space<vmem>>, vector<1x16xi32>,
      %get3A_1705 = vector.shape_cast %get3A_1704 : vector<1x16xi32> to vector<16xi32>
      %and3A_1706 = arith.constant 1 : i32
      %and3A_1707 = vector.broadcast %and3A_1706 : i32 to vector<16xi32>
      %and3A_1708 = arith.andi %get3A_1705, %and3A_1707 : vector<16xi32>
      %ne3A_1709 = arith.constant 0 : i32
      %ne3A_1710 = vector.broadcast %ne3A_1709 : i32 to vector<16xi32>
      %ne3A_1711 = arith.cmpi ne, %and3A_1708, %ne3A_1710 : vector<16xi32>
      %and3A_1712 = arith.constant 2 : i32
      %and3A_1713 = vector.broadcast %and3A_1712 : i32 to vector<16xi32>
      %and3A_1714 = arith.andi %get3A_1705, %and3A_1713 : vector<16xi32>
      %ne3A_1715 = arith.constant 0 : i32
      %ne3A_1716 = vector.broadcast %ne3A_1715 : i32 to vector<16xi32>
      %ne3A_1717 = arith.cmpi ne, %and3A_1714, %ne3A_1716 : vector<16xi32>
      %and3A_1718 = arith.constant 4 : i32
      %and3A_1719 = vector.broadcast %and3A_1718 : i32 to vector<16xi32>
      %and3A_1720 = arith.andi %get3A_1705, %and3A_1719 : vector<16xi32>
      %ne3A_1721 = arith.constant 0 : i32
      %ne3A_1722 = vector.broadcast %ne3A_1721 : i32 to vector<16xi32>
      %ne3A_1723 = arith.cmpi ne, %and3A_1720, %ne3A_1722 : vector<16xi32>
      %and3A_1724 = arith.constant 8 : i32
      %and3A_1725 = vector.broadcast %and3A_1724 : i32 to vector<16xi32>
      %and3A_1726 = arith.andi %get3A_1705, %and3A_1725 : vector<16xi32>
      %ne3A_1727 = arith.constant 0 : i32
      %ne3A_1728 = vector.broadcast %ne3A_1727 : i32 to vector<16xi32>
      %ne3A_1729 = arith.cmpi ne, %and3A_1726, %ne3A_1728 : vector<16xi32>
      %select_n3A_1730 = arith.select %ne3A_1711, %broadcast_in_dim3A_1538, %broadcast_in_dim3A : vector<16xi1>, vector<16xf32>
      %select_n3A_1731 = arith.select %ne3A_1711, %broadcast_in_dim3A_1544, %broadcast_in_dim3A_1541 : vector<16xi1>, vector<16xf32>
      %select_n3A_1732 = arith.select %ne3A_1711, %broadcast_in_dim3A_1550, %broadcast_in_dim3A_1547 : vector<16xi1>, vector<16xf32>
      %select_n3A_1733 = arith.select %ne3A_1711, %broadcast_in_dim3A_1556, %broadcast_in_dim3A_1553 : vector<16xi1>, vector<16xf32>
      %select_n3A_1734 = arith.select %ne3A_1711, %broadcast_in_dim3A_1562, %broadcast_in_dim3A_1559 : vector<16xi1>, vector<16xf32>
      %select_n3A_1735 = arith.select %ne3A_1717, %select_n3A_1731, %select_n3A_1730 : vector<16xi1>, vector<16xf32>
      %select_n3A_1736 = arith.select %ne3A_1717, %select_n3A_1733, %select_n3A_1732 : vector<16xi1>, vector<16xf32>
      %select_n3A_1737 = arith.select %ne3A_1723, %select_n3A_1736, %select_n3A_1735 : vector<16xi1>, vector<16xf32>
      %select_n3A_1738 = arith.select %ne3A_1729, %select_n3A_1734, %select_n3A_1737 : vector<16xi1>, vector<16xf32>
      %swap3A_1739 = arith.index_cast %add3A_1621 : i32 to index
      %swap3A_1740 = arith.constant 32 : index
      %swap3A_1741 = tpu.vector_load %arg10[%swap3A_1739, %swap3A_1740] {strides = array<i32>} : memref<64x200xf32, #tpu.memory_space<vmem>>, vector<1x16xf32>,
      %swap3A_1742 = vector.shape_cast %swap3A_1741 : vector<1x16xf32> to vector<16xf32>
      %swap3A_1743 = vector.shape_cast %select_n3A_1738 : vector<16xf32> to vector<1x16xf32>
      tpu.vector_store %arg10[%swap3A_1739, %swap3A_1740], %swap3A_1743 {strides = array<i32>} : memref<64x200xf32, #tpu.memory_space<vmem>>, vector<1x16xf32>,
      %get3A_1744 = arith.index_cast %add3A_1621 : i32 to index
      %get3A_1745 = arith.constant 48 : index
      %get3A_1746 = tpu.vector_load %arg8[%get3A_1744, %get3A_1745] {strides = array<i32>} : memref<64x200xi32, #tpu.memory_space<vmem>>, vector<1x16xi32>,
      %get3A_1747 = vector.shape_cast %get3A_1746 : vector<1x16xi32> to vector<16xi32>
      %and3A_1748 = arith.constant 1 : i32
      %and3A_1749 = vector.broadcast %and3A_1748 : i32 to vector<16xi32>
      %and3A_1750 = arith.andi %get3A_1747, %and3A_1749 : vector<16xi32>
      %ne3A_1751 = arith.constant 0 : i32
      %ne3A_1752 = vector.broadcast %ne3A_1751 : i32 to vector<16xi32>
      %ne3A_1753 = arith.cmpi ne, %and3A_1750, %ne3A_1752 : vector<16xi32>
      %and3A_1754 = arith.constant 2 : i32
      %and3A_1755 = vector.broadcast %and3A_1754 : i32 to vector<16xi32>
      %and3A_1756 = arith.andi %get3A_1747, %and3A_1755 : vector<16xi32>
      %ne3A_1757 = arith.constant 0 : i32
      %ne3A_1758 = vector.broadcast %ne3A_1757 : i32 to vector<16xi32>
      %ne3A_1759 = arith.cmpi ne, %and3A_1756, %ne3A_1758 : vector<16xi32>
      %and3A_1760 = arith.constant 4 : i32
      %and3A_1761 = vector.broadcast %and3A_1760 : i32 to vector<16xi32>
      %and3A_1762 = arith.andi %get3A_1747, %and3A_1761 : vector<16xi32>
      %ne3A_1763 = arith.constant 0 : i32
      %ne3A_1764 = vector.broadcast %ne3A_1763 : i32 to vector<16xi32>
      %ne3A_1765 = arith.cmpi ne, %and3A_1762, %ne3A_1764 : vector<16xi32>
      %and3A_1766 = arith.constant 8 : i32
      %and3A_1767 = vector.broadcast %and3A_1766 : i32 to vector<16xi32>
      %and3A_1768 = arith.andi %get3A_1747, %and3A_1767 : vector<16xi32>
      %ne3A_1769 = arith.constant 0 : i32
      %ne3A_1770 = vector.broadcast %ne3A_1769 : i32 to vector<16xi32>
      %ne3A_1771 = arith.cmpi ne, %and3A_1768, %ne3A_1770 : vector<16xi32>
      %select_n3A_1772 = arith.select %ne3A_1753, %broadcast_in_dim3A_1538, %broadcast_in_dim3A : vector<16xi1>, vector<16xf32>
      %select_n3A_1773 = arith.select %ne3A_1753, %broadcast_in_dim3A_1544, %broadcast_in_dim3A_1541 : vector<16xi1>, vector<16xf32>
      %select_n3A_1774 = arith.select %ne3A_1753, %broadcast_in_dim3A_1550, %broadcast_in_dim3A_1547 : vector<16xi1>, vector<16xf32>
      %select_n3A_1775 = arith.select %ne3A_1753, %broadcast_in_dim3A_1556, %broadcast_in_dim3A_1553 : vector<16xi1>, vector<16xf32>
      %select_n3A_1776 = arith.select %ne3A_1753, %broadcast_in_dim3A_1562, %broadcast_in_dim3A_1559 : vector<16xi1>, vector<16xf32>
      %select_n3A_1777 = arith.select %ne3A_1759, %select_n3A_1773, %select_n3A_1772 : vector<16xi1>, vector<16xf32>
      %select_n3A_1778 = arith.select %ne3A_1759, %select_n3A_1775, %select_n3A_1774 : vector<16xi1>, vector<16xf32>
      %select_n3A_1779 = arith.select %ne3A_1765, %select_n3A_1778, %select_n3A_1777 : vector<16xi1>, vector<16xf32>
      %select_n3A_1780 = arith.select %ne3A_1771, %select_n3A_1776, %select_n3A_1779 : vector<16xi1>, vector<16xf32>
      %swap3A_1781 = arith.index_cast %add3A_1621 : i32 to index
      %swap3A_1782 = arith.constant 48 : index
      %swap3A_1783 = tpu.vector_load %arg10[%swap3A_1781, %swap3A_1782] {strides = array<i32>} : memref<64x200xf32, #tpu.memory_space<vmem>>, vector<1x16xf32>,
      %swap3A_1784 = vector.shape_cast %swap3A_1783 : vector<1x16xf32> to vector<16xf32>
      %swap3A_1785 = vector.shape_cast %select_n3A_1780 : vector<16xf32> to vector<1x16xf32>
      tpu.vector_store %arg10[%swap3A_1781, %swap3A_1782], %swap3A_1785 {strides = array<i32>} : memref<64x200xf32, #tpu.memory_space<vmem>>, vector<1x16xf32>,
      %get3A_1786 = arith.index_cast %add3A_1621 : i32 to index
      %get3A_1787 = arith.constant 64 : index
      %get3A_1788 = tpu.vector_load %arg8[%get3A_1786, %get3A_1787] {strides = array<i32>} : memref<64x200xi32, #tpu.memory_space<vmem>>, vector<1x16xi32>,
      %get3A_1789 = vector.shape_cast %get3A_1788 : vector<1x16xi32> to vector<16xi32>
      %and3A_1790 = arith.constant 1 : i32
      %and3A_1791 = vector.broadcast %and3A_1790 : i32 to vector<16xi32>
      %and3A_1792 = arith.andi %get3A_1789, %and3A_1791 : vector<16xi32>
      %ne3A_1793 = arith.constant 0 : i32
      %ne3A_1794 = vector.broadcast %ne3A_1793 : i32 to vector<16xi32>
      %ne3A_1795 = arith.cmpi ne, %and3A_1792, %ne3A_1794 : vector<16xi32>
      %and3A_1796 = arith.constant 2 : i32
      %and3A_1797 = vector.broadcast %and3A_1796 : i32 to vector<16xi32>
      %and3A_1798 = arith.andi %get3A_1789, %and3A_1797 : vector<16xi32>
      %ne3A_1799 = arith.constant 0 : i32
      %ne3A_1800 = vector.broadcast %ne3A_1799 : i32 to vector<16xi32>
      %ne3A_1801 = arith.cmpi ne, %and3A_1798, %ne3A_1800 : vector<16xi32>
      %and3A_1802 = arith.constant 4 : i32
      %and3A_1803 = vector.broadcast %and3A_1802 : i32 to vector<16xi32>
      %and3A_1804 = arith.andi %get3A_1789, %and3A_1803 : vector<16xi32>
      %ne3A_1805 = arith.constant 0 : i32
      %ne3A_1806 = vector.broadcast %ne3A_1805 : i32 to vector<16xi32>
      %ne3A_1807 = arith.cmpi ne, %and3A_1804, %ne3A_1806 : vector<16xi32>
      %and3A_1808 = arith.constant 8 : i32
      %and3A_1809 = vector.broadcast %and3A_1808 : i32 to vector<16xi32>
      %and3A_1810 = arith.andi %get3A_1789, %and3A_1809 : vector<16xi32>
      %ne3A_1811 = arith.constant 0 : i32
      %ne3A_1812 = vector.broadcast %ne3A_1811 : i32 to vector<16xi32>
      %ne3A_1813 = arith.cmpi ne, %and3A_1810, %ne3A_1812 : vector<16xi32>
      %select_n3A_1814 = arith.select %ne3A_1795, %broadcast_in_dim3A_1538, %broadcast_in_dim3A : vector<16xi1>, vector<16xf32>
      %select_n3A_1815 = arith.select %ne3A_1795, %broadcast_in_dim3A_1544, %broadcast_in_dim3A_1541 : vector<16xi1>, vector<16xf32>
      %select_n3A_1816 = arith.select %ne3A_1795, %broadcast_in_dim3A_1550, %broadcast_in_dim3A_1547 : vector<16xi1>, vector<16xf32>
      %select_n3A_1817 = arith.select %ne3A_1795, %broadcast_in_dim3A_1556, %broadcast_in_dim3A_1553 : vector<16xi1>, vector<16xf32>
      %select_n3A_1818 = arith.select %ne3A_1795, %broadcast_in_dim3A_1562, %broadcast_in_dim3A_1559 : vector<16xi1>, vector<16xf32>
      %select_n3A_1819 = arith.select %ne3A_1801, %select_n3A_1815, %select_n3A_1814 : vector<16xi1>, vector<16xf32>
      %select_n3A_1820 = arith.select %ne3A_1801, %select_n3A_1817, %select_n3A_1816 : vector<16xi1>, vector<16xf32>
      %select_n3A_1821 = arith.select %ne3A_1807, %select_n3A_1820, %select_n3A_1819 : vector<16xi1>, vector<16xf32>
      %select_n3A_1822 = arith.select %ne3A_1813, %select_n3A_1818, %select_n3A_1821 : vector<16xi1>, vector<16xf32>
      %swap3A_1823 = arith.index_cast %add3A_1621 : i32 to index
      %swap3A_1824 = arith.constant 64 : index
      %swap3A_1825 = tpu.vector_load %arg10[%swap3A_1823, %swap3A_1824] {strides = array<i32>} : memref<64x200xf32, #tpu.memory_space<vmem>>, vector<1x16xf32>,
      %swap3A_1826 = vector.shape_cast %swap3A_1825 : vector<1x16xf32> to vector<16xf32>
      %swap3A_1827 = vector.shape_cast %select_n3A_1822 : vector<16xf32> to vector<1x16xf32>
      tpu.vector_store %arg10[%swap3A_1823, %swap3A_1824], %swap3A_1827 {strides = array<i32>} : memref<64x200xf32, #tpu.memory_space<vmem>>, vector<1x16xf32>,
      %get3A_1828 = arith.index_cast %add3A_1621 : i32 to index
      %get3A_1829 = arith.constant 80 : index
      %get3A_1830 = tpu.vector_load %arg8[%get3A_1828, %get3A_1829] {strides = array<i32>} : memref<64x200xi32, #tpu.memory_space<vmem>>, vector<1x16xi32>,
      %get3A_1831 = vector.shape_cast %get3A_1830 : vector<1x16xi32> to vector<16xi32>
      %and3A_1832 = arith.constant 1 : i32
      %and3A_1833 = vector.broadcast %and3A_1832 : i32 to vector<16xi32>
      %and3A_1834 = arith.andi %get3A_1831, %and3A_1833 : vector<16xi32>
      %ne3A_1835 = arith.constant 0 : i32
      %ne3A_1836 = vector.broadcast %ne3A_1835 : i32 to vector<16xi32>
      %ne3A_1837 = arith.cmpi ne, %and3A_1834, %ne3A_1836 : vector<16xi32>
      %and3A_1838 = arith.constant 2 : i32
      %and3A_1839 = vector.broadcast %and3A_1838 : i32 to vector<16xi32>
      %and3A_1840 = arith.andi %get3A_1831, %and3A_1839 : vector<16xi32>
      %ne3A_1841 = arith.constant 0 : i32
      %ne3A_1842 = vector.broadcast %ne3A_1841 : i32 to vector<16xi32>
      %ne3A_1843 = arith.cmpi ne, %and3A_1840, %ne3A_1842 : vector<16xi32>
      %and3A_1844 = arith.constant 4 : i32
      %and3A_1845 = vector.broadcast %and3A_1844 : i32 to vector<16xi32>
      %and3A_1846 = arith.andi %get3A_1831, %and3A_1845 : vector<16xi32>
      %ne3A_1847 = arith.constant 0 : i32
      %ne3A_1848 = vector.broadcast %ne3A_1847 : i32 to vector<16xi32>
      %ne3A_1849 = arith.cmpi ne, %and3A_1846, %ne3A_1848 : vector<16xi32>
      %and3A_1850 = arith.constant 8 : i32
      %and3A_1851 = vector.broadcast %and3A_1850 : i32 to vector<16xi32>
      %and3A_1852 = arith.andi %get3A_1831, %and3A_1851 : vector<16xi32>
      %ne3A_1853 = arith.constant 0 : i32
      %ne3A_1854 = vector.broadcast %ne3A_1853 : i32 to vector<16xi32>
      %ne3A_1855 = arith.cmpi ne, %and3A_1852, %ne3A_1854 : vector<16xi32>
      %select_n3A_1856 = arith.select %ne3A_1837, %broadcast_in_dim3A_1538, %broadcast_in_dim3A : vector<16xi1>, vector<16xf32>
      %select_n3A_1857 = arith.select %ne3A_1837, %broadcast_in_dim3A_1544, %broadcast_in_dim3A_1541 : vector<16xi1>, vector<16xf32>
      %select_n3A_1858 = arith.select %ne3A_1837, %broadcast_in_dim3A_1550, %broadcast_in_dim3A_1547 : vector<16xi1>, vector<16xf32>
      %select_n3A_1859 = arith.select %ne3A_1837, %broadcast_in_dim3A_1556, %broadcast_in_dim3A_1553 : vector<16xi1>, vector<16xf32>
      %select_n3A_1860 = arith.select %ne3A_1837, %broadcast_in_dim3A_1562, %broadcast_in_dim3A_1559 : vector<16xi1>, vector<16xf32>
      %select_n3A_1861 = arith.select %ne3A_1843, %select_n3A_1857, %select_n3A_1856 : vector<16xi1>, vector<16xf32>
      %select_n3A_1862 = arith.select %ne3A_1843, %select_n3A_1859, %select_n3A_1858 : vector<16xi1>, vector<16xf32>
      %select_n3A_1863 = arith.select %ne3A_1849, %select_n3A_1862, %select_n3A_1861 : vector<16xi1>, vector<16xf32>
      %select_n3A_1864 = arith.select %ne3A_1855, %select_n3A_1860, %select_n3A_1863 : vector<16xi1>, vector<16xf32>
      %swap3A_1865 = arith.index_cast %add3A_1621 : i32 to index
      %swap3A_1866 = arith.constant 80 : index
      %swap3A_1867 = tpu.vector_load %arg10[%swap3A_1865, %swap3A_1866] {strides = array<i32>} : memref<64x200xf32, #tpu.memory_space<vmem>>, vector<1x16xf32>,
      %swap3A_1868 = vector.shape_cast %swap3A_1867 : vector<1x16xf32> to vector<16xf32>
      %swap3A_1869 = vector.shape_cast %select_n3A_1864 : vector<16xf32> to vector<1x16xf32>
      tpu.vector_store %arg10[%swap3A_1865, %swap3A_1866], %swap3A_1869 {strides = array<i32>} : memref<64x200xf32, #tpu.memory_space<vmem>>, vector<1x16xf32>,
      %get3A_1870 = arith.index_cast %add3A_1621 : i32 to index
      %get3A_1871 = arith.constant 96 : index
      %get3A_1872 = tpu.vector_load %arg8[%get3A_1870, %get3A_1871] {strides = array<i32>} : memref<64x200xi32, #tpu.memory_space<vmem>>, vector<1x16xi32>,
      %get3A_1873 = vector.shape_cast %get3A_1872 : vector<1x16xi32> to vector<16xi32>
      %and3A_1874 = arith.constant 1 : i32
      %and3A_1875 = vector.broadcast %and3A_1874 : i32 to vector<16xi32>
      %and3A_1876 = arith.andi %get3A_1873, %and3A_1875 : vector<16xi32>
      %ne3A_1877 = arith.constant 0 : i32
      %ne3A_1878 = vector.broadcast %ne3A_1877 : i32 to vector<16xi32>
      %ne3A_1879 = arith.cmpi ne, %and3A_1876, %ne3A_1878 : vector<16xi32>
      %and3A_1880 = arith.constant 2 : i32
      %and3A_1881 = vector.broadcast %and3A_1880 : i32 to vector<16xi32>
      %and3A_1882 = arith.andi %get3A_1873, %and3A_1881 : vector<16xi32>
      %ne3A_1883 = arith.constant 0 : i32
      %ne3A_1884 = vector.broadcast %ne3A_1883 : i32 to vector<16xi32>
      %ne3A_1885 = arith.cmpi ne, %and3A_1882, %ne3A_1884 : vector<16xi32>
      %and3A_1886 = arith.constant 4 : i32
      %and3A_1887 = vector.broadcast %and3A_1886 : i32 to vector<16xi32>
      %and3A_1888 = arith.andi %get3A_1873, %and3A_1887 : vector<16xi32>
      %ne3A_1889 = arith.constant 0 : i32
      %ne3A_1890 = vector.broadcast %ne3A_1889 : i32 to vector<16xi32>
      %ne3A_1891 = arith.cmpi ne, %and3A_1888, %ne3A_1890 : vector<16xi32>
      %and3A_1892 = arith.constant 8 : i32
      %and3A_1893 = vector.broadcast %and3A_1892 : i32 to vector<16xi32>
      %and3A_1894 = arith.andi %get3A_1873, %and3A_1893 : vector<16xi32>
      %ne3A_1895 = arith.constant 0 : i32
      %ne3A_1896 = vector.broadcast %ne3A_1895 : i32 to vector<16xi32>
      %ne3A_1897 = arith.cmpi ne, %and3A_1894, %ne3A_1896 : vector<16xi32>
      %select_n3A_1898 = arith.select %ne3A_1879, %broadcast_in_dim3A_1538, %broadcast_in_dim3A : vector<16xi1>, vector<16xf32>
      %select_n3A_1899 = arith.select %ne3A_1879, %broadcast_in_dim3A_1544, %broadcast_in_dim3A_1541 : vector<16xi1>, vector<16xf32>
      %select_n3A_1900 = arith.select %ne3A_1879, %broadcast_in_dim3A_1550, %broadcast_in_dim3A_1547 : vector<16xi1>, vector<16xf32>
      %select_n3A_1901 = arith.select %ne3A_1879, %broadcast_in_dim3A_1556, %broadcast_in_dim3A_1553 : vector<16xi1>, vector<16xf32>
      %select_n3A_1902 = arith.select %ne3A_1879, %broadcast_in_dim3A_1562, %broadcast_in_dim3A_1559 : vector<16xi1>, vector<16xf32>
      %select_n3A_1903 = arith.select %ne3A_1885, %select_n3A_1899, %select_n3A_1898 : vector<16xi1>, vector<16xf32>
      %select_n3A_1904 = arith.select %ne3A_1885, %select_n3A_1901, %select_n3A_1900 : vector<16xi1>, vector<16xf32>
      %select_n3A_1905 = arith.select %ne3A_1891, %select_n3A_1904, %select_n3A_1903 : vector<16xi1>, vector<16xf32>
      %select_n3A_1906 = arith.select %ne3A_1897, %select_n3A_1902, %select_n3A_1905 : vector<16xi1>, vector<16xf32>
      %swap3A_1907 = arith.index_cast %add3A_1621 : i32 to index
      %swap3A_1908 = arith.constant 96 : index
      %swap3A_1909 = tpu.vector_load %arg10[%swap3A_1907, %swap3A_1908] {strides = array<i32>} : memref<64x200xf32, #tpu.memory_space<vmem>>, vector<1x16xf32>,
      %swap3A_1910 = vector.shape_cast %swap3A_1909 : vector<1x16xf32> to vector<16xf32>
      %swap3A_1911 = vector.shape_cast %select_n3A_1906 : vector<16xf32> to vector<1x16xf32>
      tpu.vector_store %arg10[%swap3A_1907, %swap3A_1908], %swap3A_1911 {strides = array<i32>} : memref<64x200xf32, #tpu.memory_space<vmem>>, vector<1x16xf32>,
      %get3A_1912 = arith.index_cast %add3A_1621 : i32 to index
      %get3A_1913 = arith.constant 112 : index
      %get3A_1914 = tpu.vector_load %arg8[%get3A_1912, %get3A_1913] {strides = array<i32>} : memref<64x200xi32, #tpu.memory_space<vmem>>, vector<1x16xi32>,
      %get3A_1915 = vector.shape_cast %get3A_1914 : vector<1x16xi32> to vector<16xi32>
      %and3A_1916 = arith.constant 1 : i32
      %and3A_1917 = vector.broadcast %and3A_1916 : i32 to vector<16xi32>
      %and3A_1918 = arith.andi %get3A_1915, %and3A_1917 : vector<16xi32>
      %ne3A_1919 = arith.constant 0 : i32
      %ne3A_1920 = vector.broadcast %ne3A_1919 : i32 to vector<16xi32>
      %ne3A_1921 = arith.cmpi ne, %and3A_1918, %ne3A_1920 : vector<16xi32>
      %and3A_1922 = arith.constant 2 : i32
      %and3A_1923 = vector.broadcast %and3A_1922 : i32 to vector<16xi32>
      %and3A_1924 = arith.andi %get3A_1915, %and3A_1923 : vector<16xi32>
      %ne3A_1925 = arith.constant 0 : i32
      %ne3A_1926 = vector.broadcast %ne3A_1925 : i32 to vector<16xi32>
      %ne3A_1927 = arith.cmpi ne, %and3A_1924, %ne3A_1926 : vector<16xi32>
      %and3A_1928 = arith.constant 4 : i32
      %and3A_1929 = vector.broadcast %and3A_1928 : i32 to vector<16xi32>
      %and3A_1930 = arith.andi %get3A_1915, %and3A_1929 : vector<16xi32>
      %ne3A_1931 = arith.constant 0 : i32
      %ne3A_1932 = vector.broadcast %ne3A_1931 : i32 to vector<16xi32>
      %ne3A_1933 = arith.cmpi ne, %and3A_1930, %ne3A_1932 : vector<16xi32>
      %and3A_1934 = arith.constant 8 : i32
      %and3A_1935 = vector.broadcast %and3A_1934 : i32 to vector<16xi32>
      %and3A_1936 = arith.andi %get3A_1915, %and3A_1935 : vector<16xi32>
      %ne3A_1937 = arith.constant 0 : i32
      %ne3A_1938 = vector.broadcast %ne3A_1937 : i32 to vector<16xi32>
      %ne3A_1939 = arith.cmpi ne, %and3A_1936, %ne3A_1938 : vector<16xi32>
      %select_n3A_1940 = arith.select %ne3A_1921, %broadcast_in_dim3A_1538, %broadcast_in_dim3A : vector<16xi1>, vector<16xf32>
      %select_n3A_1941 = arith.select %ne3A_1921, %broadcast_in_dim3A_1544, %broadcast_in_dim3A_1541 : vector<16xi1>, vector<16xf32>
      %select_n3A_1942 = arith.select %ne3A_1921, %broadcast_in_dim3A_1550, %broadcast_in_dim3A_1547 : vector<16xi1>, vector<16xf32>
      %select_n3A_1943 = arith.select %ne3A_1921, %broadcast_in_dim3A_1556, %broadcast_in_dim3A_1553 : vector<16xi1>, vector<16xf32>
      %select_n3A_1944 = arith.select %ne3A_1921, %broadcast_in_dim3A_1562, %broadcast_in_dim3A_1559 : vector<16xi1>, vector<16xf32>
      %select_n3A_1945 = arith.select %ne3A_1927, %select_n3A_1941, %select_n3A_1940 : vector<16xi1>, vector<16xf32>
      %select_n3A_1946 = arith.select %ne3A_1927, %select_n3A_1943, %select_n3A_1942 : vector<16xi1>, vector<16xf32>
      %select_n3A_1947 = arith.select %ne3A_1933, %select_n3A_1946, %select_n3A_1945 : vector<16xi1>, vector<16xf32>
      %select_n3A_1948 = arith.select %ne3A_1939, %select_n3A_1944, %select_n3A_1947 : vector<16xi1>, vector<16xf32>
      %swap3A_1949 = arith.index_cast %add3A_1621 : i32 to index
      %swap3A_1950 = arith.constant 112 : index
      %swap3A_1951 = tpu.vector_load %arg10[%swap3A_1949, %swap3A_1950] {strides = array<i32>} : memref<64x200xf32, #tpu.memory_space<vmem>>, vector<1x16xf32>,
      %swap3A_1952 = vector.shape_cast %swap3A_1951 : vector<1x16xf32> to vector<16xf32>
      %swap3A_1953 = vector.shape_cast %select_n3A_1948 : vector<16xf32> to vector<1x16xf32>
      tpu.vector_store %arg10[%swap3A_1949, %swap3A_1950], %swap3A_1953 {strides = array<i32>} : memref<64x200xf32, #tpu.memory_space<vmem>>, vector<1x16xf32>,
      %get3A_1954 = arith.index_cast %add3A_1621 : i32 to index
      %get3A_1955 = arith.constant 128 : index
      %get3A_1956 = tpu.vector_load %arg8[%get3A_1954, %get3A_1955] {strides = array<i32>} : memref<64x200xi32, #tpu.memory_space<vmem>>, vector<1x16xi32>,
      %get3A_1957 = vector.shape_cast %get3A_1956 : vector<1x16xi32> to vector<16xi32>
      %and3A_1958 = arith.constant 1 : i32
      %and3A_1959 = vector.broadcast %and3A_1958 : i32 to vector<16xi32>
      %and3A_1960 = arith.andi %get3A_1957, %and3A_1959 : vector<16xi32>
      %ne3A_1961 = arith.constant 0 : i32
      %ne3A_1962 = vector.broadcast %ne3A_1961 : i32 to vector<16xi32>
      %ne3A_1963 = arith.cmpi ne, %and3A_1960, %ne3A_1962 : vector<16xi32>
      %and3A_1964 = arith.constant 2 : i32
      %and3A_1965 = vector.broadcast %and3A_1964 : i32 to vector<16xi32>
      %and3A_1966 = arith.andi %get3A_1957, %and3A_1965 : vector<16xi32>
      %ne3A_1967 = arith.constant 0 : i32
      %ne3A_1968 = vector.broadcast %ne3A_1967 : i32 to vector<16xi32>
      %ne3A_1969 = arith.cmpi ne, %and3A_1966, %ne3A_1968 : vector<16xi32>
      %and3A_1970 = arith.constant 4 : i32
      %and3A_1971 = vector.broadcast %and3A_1970 : i32 to vector<16xi32>
      %and3A_1972 = arith.andi %get3A_1957, %and3A_1971 : vector<16xi32>
      %ne3A_1973 = arith.constant 0 : i32
      %ne3A_1974 = vector.broadcast %ne3A_1973 : i32 to vector<16xi32>
      %ne3A_1975 = arith.cmpi ne, %and3A_1972, %ne3A_1974 : vector<16xi32>
      %and3A_1976 = arith.constant 8 : i32
      %and3A_1977 = vector.broadcast %and3A_1976 : i32 to vector<16xi32>
      %and3A_1978 = arith.andi %get3A_1957, %and3A_1977 : vector<16xi32>
      %ne3A_1979 = arith.constant 0 : i32
      %ne3A_1980 = vector.broadcast %ne3A_1979 : i32 to vector<16xi32>
      %ne3A_1981 = arith.cmpi ne, %and3A_1978, %ne3A_1980 : vector<16xi32>
      %select_n3A_1982 = arith.select %ne3A_1963, %broadcast_in_dim3A_1538, %broadcast_in_dim3A : vector<16xi1>, vector<16xf32>
      %select_n3A_1983 = arith.select %ne3A_1963, %broadcast_in_dim3A_1544, %broadcast_in_dim3A_1541 : vector<16xi1>, vector<16xf32>
      %select_n3A_1984 = arith.select %ne3A_1963, %broadcast_in_dim3A_1550, %broadcast_in_dim3A_1547 : vector<16xi1>, vector<16xf32>
      %select_n3A_1985 = arith.select %ne3A_1963, %broadcast_in_dim3A_1556, %broadcast_in_dim3A_1553 : vector<16xi1>, vector<16xf32>
      %select_n3A_1986 = arith.select %ne3A_1963, %broadcast_in_dim3A_1562, %broadcast_in_dim3A_1559 : vector<16xi1>, vector<16xf32>
      %select_n3A_1987 = arith.select %ne3A_1969, %select_n3A_1983, %select_n3A_1982 : vector<16xi1>, vector<16xf32>
      %select_n3A_1988 = arith.select %ne3A_1969, %select_n3A_1985, %select_n3A_1984 : vector<16xi1>, vector<16xf32>
      %select_n3A_1989 = arith.select %ne3A_1975, %select_n3A_1988, %select_n3A_1987 : vector<16xi1>, vector<16xf32>
      %select_n3A_1990 = arith.select %ne3A_1981, %select_n3A_1986, %select_n3A_1989 : vector<16xi1>, vector<16xf32>
      %swap3A_1991 = arith.index_cast %add3A_1621 : i32 to index
      %swap3A_1992 = arith.constant 128 : index
      %swap3A_1993 = tpu.vector_load %arg10[%swap3A_1991, %swap3A_1992] {strides = array<i32>} : memref<64x200xf32, #tpu.memory_space<vmem>>, vector<1x16xf32>,
      %swap3A_1994 = vector.shape_cast %swap3A_1993 : vector<1x16xf32> to vector<16xf32>
      %swap3A_1995 = vector.shape_cast %select_n3A_1990 : vector<16xf32> to vector<1x16xf32>
      tpu.vector_store %arg10[%swap3A_1991, %swap3A_1992], %swap3A_1995 {strides = array<i32>} : memref<64x200xf32, #tpu.memory_space<vmem>>, vector<1x16xf32>,
      %get3A_1996 = arith.index_cast %add3A_1621 : i32 to index
      %get3A_1997 = arith.constant 144 : index
      %get3A_1998 = tpu.vector_load %arg8[%get3A_1996, %get3A_1997] {strides = array<i32>} : memref<64x200xi32, #tpu.memory_space<vmem>>, vector<1x16xi32>,
      %get3A_1999 = vector.shape_cast %get3A_1998 : vector<1x16xi32> to vector<16xi32>
      %and3A_2000 = arith.constant 1 : i32
      %and3A_2001 = vector.broadcast %and3A_2000 : i32 to vector<16xi32>
      %and3A_2002 = arith.andi %get3A_1999, %and3A_2001 : vector<16xi32>
      %ne3A_2003 = arith.constant 0 : i32
      %ne3A_2004 = vector.broadcast %ne3A_2003 : i32 to vector<16xi32>
      %ne3A_2005 = arith.cmpi ne, %and3A_2002, %ne3A_2004 : vector<16xi32>
      %and3A_2006 = arith.constant 2 : i32
      %and3A_2007 = vector.broadcast %and3A_2006 : i32 to vector<16xi32>
      %and3A_2008 = arith.andi %get3A_1999, %and3A_2007 : vector<16xi32>
      %ne3A_2009 = arith.constant 0 : i32
      %ne3A_2010 = vector.broadcast %ne3A_2009 : i32 to vector<16xi32>
      %ne3A_2011 = arith.cmpi ne, %and3A_2008, %ne3A_2010 : vector<16xi32>
      %and3A_2012 = arith.constant 4 : i32
      %and3A_2013 = vector.broadcast %and3A_2012 : i32 to vector<16xi32>
      %and3A_2014 = arith.andi %get3A_1999, %and3A_2013 : vector<16xi32>
      %ne3A_2015 = arith.constant 0 : i32
      %ne3A_2016 = vector.broadcast %ne3A_2015 : i32 to vector<16xi32>
      %ne3A_2017 = arith.cmpi ne, %and3A_2014, %ne3A_2016 : vector<16xi32>
      %and3A_2018 = arith.constant 8 : i32
      %and3A_2019 = vector.broadcast %and3A_2018 : i32 to vector<16xi32>
      %and3A_2020 = arith.andi %get3A_1999, %and3A_2019 : vector<16xi32>
      %ne3A_2021 = arith.constant 0 : i32
      %ne3A_2022 = vector.broadcast %ne3A_2021 : i32 to vector<16xi32>
      %ne3A_2023 = arith.cmpi ne, %and3A_2020, %ne3A_2022 : vector<16xi32>
      %select_n3A_2024 = arith.select %ne3A_2005, %broadcast_in_dim3A_1538, %broadcast_in_dim3A : vector<16xi1>, vector<16xf32>
      %select_n3A_2025 = arith.select %ne3A_2005, %broadcast_in_dim3A_1544, %broadcast_in_dim3A_1541 : vector<16xi1>, vector<16xf32>
      %select_n3A_2026 = arith.select %ne3A_2005, %broadcast_in_dim3A_1550, %broadcast_in_dim3A_1547 : vector<16xi1>, vector<16xf32>
      %select_n3A_2027 = arith.select %ne3A_2005, %broadcast_in_dim3A_1556, %broadcast_in_dim3A_1553 : vector<16xi1>, vector<16xf32>
      %select_n3A_2028 = arith.select %ne3A_2005, %broadcast_in_dim3A_1562, %broadcast_in_dim3A_1559 : vector<16xi1>, vector<16xf32>
      %select_n3A_2029 = arith.select %ne3A_2011, %select_n3A_2025, %select_n3A_2024 : vector<16xi1>, vector<16xf32>
      %select_n3A_2030 = arith.select %ne3A_2011, %select_n3A_2027, %select_n3A_2026 : vector<16xi1>, vector<16xf32>
      %select_n3A_2031 = arith.select %ne3A_2017, %select_n3A_2030, %select_n3A_2029 : vector<16xi1>, vector<16xf32>
      %select_n3A_2032 = arith.select %ne3A_2023, %select_n3A_2028, %select_n3A_2031 : vector<16xi1>, vector<16xf32>
      %swap3A_2033 = arith.index_cast %add3A_1621 : i32 to index
      %swap3A_2034 = arith.constant 144 : index
      %swap3A_2035 = tpu.vector_load %arg10[%swap3A_2033, %swap3A_2034] {strides = array<i32>} : memref<64x200xf32, #tpu.memory_space<vmem>>, vector<1x16xf32>,
      %swap3A_2036 = vector.shape_cast %swap3A_2035 : vector<1x16xf32> to vector<16xf32>
      %swap3A_2037 = vector.shape_cast %select_n3A_2032 : vector<16xf32> to vector<1x16xf32>
      tpu.vector_store %arg10[%swap3A_2033, %swap3A_2034], %swap3A_2037 {strides = array<i32>} : memref<64x200xf32, #tpu.memory_space<vmem>>, vector<1x16xf32>,
      %get3A_2038 = arith.index_cast %add3A_1621 : i32 to index
      %get3A_2039 = arith.constant 160 : index
      %get3A_2040 = tpu.vector_load %arg8[%get3A_2038, %get3A_2039] {strides = array<i32>} : memref<64x200xi32, #tpu.memory_space<vmem>>, vector<1x16xi32>,
      %get3A_2041 = vector.shape_cast %get3A_2040 : vector<1x16xi32> to vector<16xi32>
      %and3A_2042 = arith.constant 1 : i32
      %and3A_2043 = vector.broadcast %and3A_2042 : i32 to vector<16xi32>
      %and3A_2044 = arith.andi %get3A_2041, %and3A_2043 : vector<16xi32>
      %ne3A_2045 = arith.constant 0 : i32
      %ne3A_2046 = vector.broadcast %ne3A_2045 : i32 to vector<16xi32>
      %ne3A_2047 = arith.cmpi ne, %and3A_2044, %ne3A_2046 : vector<16xi32>
      %and3A_2048 = arith.constant 2 : i32
      %and3A_2049 = vector.broadcast %and3A_2048 : i32 to vector<16xi32>
      %and3A_2050 = arith.andi %get3A_2041, %and3A_2049 : vector<16xi32>
      %ne3A_2051 = arith.constant 0 : i32
      %ne3A_2052 = vector.broadcast %ne3A_2051 : i32 to vector<16xi32>
      %ne3A_2053 = arith.cmpi ne, %and3A_2050, %ne3A_2052 : vector<16xi32>
      %and3A_2054 = arith.constant 4 : i32
      %and3A_2055 = vector.broadcast %and3A_2054 : i32 to vector<16xi32>
      %and3A_2056 = arith.andi %get3A_2041, %and3A_2055 : vector<16xi32>
      %ne3A_2057 = arith.constant 0 : i32
      %ne3A_2058 = vector.broadcast %ne3A_2057 : i32 to vector<16xi32>
      %ne3A_2059 = arith.cmpi ne, %and3A_2056, %ne3A_2058 : vector<16xi32>
      %and3A_2060 = arith.constant 8 : i32
      %and3A_2061 = vector.broadcast %and3A_2060 : i32 to vector<16xi32>
      %and3A_2062 = arith.andi %get3A_2041, %and3A_2061 : vector<16xi32>
      %ne3A_2063 = arith.constant 0 : i32
      %ne3A_2064 = vector.broadcast %ne3A_2063 : i32 to vector<16xi32>
      %ne3A_2065 = arith.cmpi ne, %and3A_2062, %ne3A_2064 : vector<16xi32>
      %select_n3A_2066 = arith.select %ne3A_2047, %broadcast_in_dim3A_1538, %broadcast_in_dim3A : vector<16xi1>, vector<16xf32>
      %select_n3A_2067 = arith.select %ne3A_2047, %broadcast_in_dim3A_1544, %broadcast_in_dim3A_1541 : vector<16xi1>, vector<16xf32>
      %select_n3A_2068 = arith.select %ne3A_2047, %broadcast_in_dim3A_1550, %broadcast_in_dim3A_1547 : vector<16xi1>, vector<16xf32>
      %select_n3A_2069 = arith.select %ne3A_2047, %broadcast_in_dim3A_1556, %broadcast_in_dim3A_1553 : vector<16xi1>, vector<16xf32>
      %select_n3A_2070 = arith.select %ne3A_2047, %broadcast_in_dim3A_1562, %broadcast_in_dim3A_1559 : vector<16xi1>, vector<16xf32>
      %select_n3A_2071 = arith.select %ne3A_2053, %select_n3A_2067, %select_n3A_2066 : vector<16xi1>, vector<16xf32>
      %select_n3A_2072 = arith.select %ne3A_2053, %select_n3A_2069, %select_n3A_2068 : vector<16xi1>, vector<16xf32>
      %select_n3A_2073 = arith.select %ne3A_2059, %select_n3A_2072, %select_n3A_2071 : vector<16xi1>, vector<16xf32>
      %select_n3A_2074 = arith.select %ne3A_2065, %select_n3A_2070, %select_n3A_2073 : vector<16xi1>, vector<16xf32>
      %swap3A_2075 = arith.index_cast %add3A_1621 : i32 to index
      %swap3A_2076 = arith.constant 160 : index
      %swap3A_2077 = tpu.vector_load %arg10[%swap3A_2075, %swap3A_2076] {strides = array<i32>} : memref<64x200xf32, #tpu.memory_space<vmem>>, vector<1x16xf32>,
      %swap3A_2078 = vector.shape_cast %swap3A_2077 : vector<1x16xf32> to vector<16xf32>
      %swap3A_2079 = vector.shape_cast %select_n3A_2074 : vector<16xf32> to vector<1x16xf32>
      tpu.vector_store %arg10[%swap3A_2075, %swap3A_2076], %swap3A_2079 {strides = array<i32>} : memref<64x200xf32, #tpu.memory_space<vmem>>, vector<1x16xf32>,
      %get3A_2080 = arith.index_cast %add3A_1621 : i32 to index
      %get3A_2081 = arith.constant 176 : index
      %get3A_2082 = tpu.vector_load %arg8[%get3A_2080, %get3A_2081] {strides = array<i32>} : memref<64x200xi32, #tpu.memory_space<vmem>>, vector<1x16xi32>,
      %get3A_2083 = vector.shape_cast %get3A_2082 : vector<1x16xi32> to vector<16xi32>
      %and3A_2084 = arith.constant 1 : i32
      %and3A_2085 = vector.broadcast %and3A_2084 : i32 to vector<16xi32>
      %and3A_2086 = arith.andi %get3A_2083, %and3A_2085 : vector<16xi32>
      %ne3A_2087 = arith.constant 0 : i32
      %ne3A_2088 = vector.broadcast %ne3A_2087 : i32 to vector<16xi32>
      %ne3A_2089 = arith.cmpi ne, %and3A_2086, %ne3A_2088 : vector<16xi32>
      %and3A_2090 = arith.constant 2 : i32
      %and3A_2091 = vector.broadcast %and3A_2090 : i32 to vector<16xi32>
      %and3A_2092 = arith.andi %get3A_2083, %and3A_2091 : vector<16xi32>
      %ne3A_2093 = arith.constant 0 : i32
      %ne3A_2094 = vector.broadcast %ne3A_2093 : i32 to vector<16xi32>
      %ne3A_2095 = arith.cmpi ne, %and3A_2092, %ne3A_2094 : vector<16xi32>
      %and3A_2096 = arith.constant 4 : i32
      %and3A_2097 = vector.broadcast %and3A_2096 : i32 to vector<16xi32>
      %and3A_2098 = arith.andi %get3A_2083, %and3A_2097 : vector<16xi32>
      %ne3A_2099 = arith.constant 0 : i32
      %ne3A_2100 = vector.broadcast %ne3A_2099 : i32 to vector<16xi32>
      %ne3A_2101 = arith.cmpi ne, %and3A_2098, %ne3A_2100 : vector<16xi32>
      %and3A_2102 = arith.constant 8 : i32
      %and3A_2103 = vector.broadcast %and3A_2102 : i32 to vector<16xi32>
      %and3A_2104 = arith.andi %get3A_2083, %and3A_2103 : vector<16xi32>
      %ne3A_2105 = arith.constant 0 : i32
      %ne3A_2106 = vector.broadcast %ne3A_2105 : i32 to vector<16xi32>
      %ne3A_2107 = arith.cmpi ne, %and3A_2104, %ne3A_2106 : vector<16xi32>
      %select_n3A_2108 = arith.select %ne3A_2089, %broadcast_in_dim3A_1538, %broadcast_in_dim3A : vector<16xi1>, vector<16xf32>
      %select_n3A_2109 = arith.select %ne3A_2089, %broadcast_in_dim3A_1544, %broadcast_in_dim3A_1541 : vector<16xi1>, vector<16xf32>
      %select_n3A_2110 = arith.select %ne3A_2089, %broadcast_in_dim3A_1550, %broadcast_in_dim3A_1547 : vector<16xi1>, vector<16xf32>
      %select_n3A_2111 = arith.select %ne3A_2089, %broadcast_in_dim3A_1556, %broadcast_in_dim3A_1553 : vector<16xi1>, vector<16xf32>
      %select_n3A_2112 = arith.select %ne3A_2089, %broadcast_in_dim3A_1562, %broadcast_in_dim3A_1559 : vector<16xi1>, vector<16xf32>
      %select_n3A_2113 = arith.select %ne3A_2095, %select_n3A_2109, %select_n3A_2108 : vector<16xi1>, vector<16xf32>
      %select_n3A_2114 = arith.select %ne3A_2095, %select_n3A_2111, %select_n3A_2110 : vector<16xi1>, vector<16xf32>
      %select_n3A_2115 = arith.select %ne3A_2101, %select_n3A_2114, %select_n3A_2113 : vector<16xi1>, vector<16xf32>
      %select_n3A_2116 = arith.select %ne3A_2107, %select_n3A_2112, %select_n3A_2115 : vector<16xi1>, vector<16xf32>
      %swap3A_2117 = arith.index_cast %add3A_1621 : i32 to index
      %swap3A_2118 = arith.constant 176 : index
      %swap3A_2119 = tpu.vector_load %arg10[%swap3A_2117, %swap3A_2118] {strides = array<i32>} : memref<64x200xf32, #tpu.memory_space<vmem>>, vector<1x16xf32>,
      %swap3A_2120 = vector.shape_cast %swap3A_2119 : vector<1x16xf32> to vector<16xf32>
      %swap3A_2121 = vector.shape_cast %select_n3A_2116 : vector<16xf32> to vector<1x16xf32>
      tpu.vector_store %arg10[%swap3A_2117, %swap3A_2118], %swap3A_2121 {strides = array<i32>} : memref<64x200xf32, #tpu.memory_space<vmem>>, vector<1x16xf32>,
      %get3A_2122 = arith.index_cast %add3A_1621 : i32 to index
      %get3A_2123 = arith.constant 184 : index
      %get3A_2124 = tpu.vector_load %arg8[%get3A_2122, %get3A_2123] {strides = array<i32>} : memref<64x200xi32, #tpu.memory_space<vmem>>, vector<1x16xi32>,
      %get3A_2125 = vector.shape_cast %get3A_2124 : vector<1x16xi32> to vector<16xi32>
      %and3A_2126 = arith.constant 1 : i32
      %and3A_2127 = vector.broadcast %and3A_2126 : i32 to vector<16xi32>
      %and3A_2128 = arith.andi %get3A_2125, %and3A_2127 : vector<16xi32>
      %ne3A_2129 = arith.constant 0 : i32
      %ne3A_2130 = vector.broadcast %ne3A_2129 : i32 to vector<16xi32>
      %ne3A_2131 = arith.cmpi ne, %and3A_2128, %ne3A_2130 : vector<16xi32>
      %and3A_2132 = arith.constant 2 : i32
      %and3A_2133 = vector.broadcast %and3A_2132 : i32 to vector<16xi32>
      %and3A_2134 = arith.andi %get3A_2125, %and3A_2133 : vector<16xi32>
      %ne3A_2135 = arith.constant 0 : i32
      %ne3A_2136 = vector.broadcast %ne3A_2135 : i32 to vector<16xi32>
      %ne3A_2137 = arith.cmpi ne, %and3A_2134, %ne3A_2136 : vector<16xi32>
      %and3A_2138 = arith.constant 4 : i32
      %and3A_2139 = vector.broadcast %and3A_2138 : i32 to vector<16xi32>
      %and3A_2140 = arith.andi %get3A_2125, %and3A_2139 : vector<16xi32>
      %ne3A_2141 = arith.constant 0 : i32
      %ne3A_2142 = vector.broadcast %ne3A_2141 : i32 to vector<16xi32>
      %ne3A_2143 = arith.cmpi ne, %and3A_2140, %ne3A_2142 : vector<16xi32>
      %and3A_2144 = arith.constant 8 : i32
      %and3A_2145 = vector.broadcast %and3A_2144 : i32 to vector<16xi32>
      %and3A_2146 = arith.andi %get3A_2125, %and3A_2145 : vector<16xi32>
      %ne3A_2147 = arith.constant 0 : i32
      %ne3A_2148 = vector.broadcast %ne3A_2147 : i32 to vector<16xi32>
      %ne3A_2149 = arith.cmpi ne, %and3A_2146, %ne3A_2148 : vector<16xi32>
      %select_n3A_2150 = arith.select %ne3A_2131, %broadcast_in_dim3A_1538, %broadcast_in_dim3A : vector<16xi1>, vector<16xf32>
      %select_n3A_2151 = arith.select %ne3A_2131, %broadcast_in_dim3A_1544, %broadcast_in_dim3A_1541 : vector<16xi1>, vector<16xf32>
      %select_n3A_2152 = arith.select %ne3A_2131, %broadcast_in_dim3A_1550, %broadcast_in_dim3A_1547 : vector<16xi1>, vector<16xf32>
      %select_n3A_2153 = arith.select %ne3A_2131, %broadcast_in_dim3A_1556, %broadcast_in_dim3A_1553 : vector<16xi1>, vector<16xf32>
      %select_n3A_2154 = arith.select %ne3A_2131, %broadcast_in_dim3A_1562, %broadcast_in_dim3A_1559 : vector<16xi1>, vector<16xf32>
      %select_n3A_2155 = arith.select %ne3A_2137, %select_n3A_2151, %select_n3A_2150 : vector<16xi1>, vector<16xf32>
      %select_n3A_2156 = arith.select %ne3A_2137, %select_n3A_2153, %select_n3A_2152 : vector<16xi1>, vector<16xf32>
      %select_n3A_2157 = arith.select %ne3A_2143, %select_n3A_2156, %select_n3A_2155 : vector<16xi1>, vector<16xf32>
      %select_n3A_2158 = arith.select %ne3A_2149, %select_n3A_2154, %select_n3A_2157 : vector<16xi1>, vector<16xf32>
      %swap3A_2159 = arith.index_cast %add3A_1621 : i32 to index
      %swap3A_2160 = arith.constant 184 : index
      %swap3A_2161 = tpu.vector_load %arg10[%swap3A_2159, %swap3A_2160] {strides = array<i32>} : memref<64x200xf32, #tpu.memory_space<vmem>>, vector<1x16xf32>,
      %swap3A_2162 = vector.shape_cast %swap3A_2161 : vector<1x16xf32> to vector<16xf32>
      %swap3A_2163 = vector.shape_cast %select_n3A_2158 : vector<16xf32> to vector<1x16xf32>
      tpu.vector_store %arg10[%swap3A_2159, %swap3A_2160], %swap3A_2163 {strides = array<i32>} : memref<64x200xf32, #tpu.memory_space<vmem>>, vector<1x16xf32>,
      %mul3A_2164 = arith.constant 2 : i32
      %mul3A_2165 = arith.muli %scan3A_1617, %mul3A_2164 : i32
      %add3A_2166 = arith.constant 1 : i32
      %add3A_2167 = arith.addi %mul3A_2165, %add3A_2166 : i32
      %get3A_2168 = arith.index_cast %add3A_2167 : i32 to index
      %get3A_2169 = arith.constant 0 : index
      %get3A_2170 = tpu.vector_load %arg8[%get3A_2168, %get3A_2169] {strides = array<i32>} : memref<64x200xi32, #tpu.memory_space<vmem>>, vector<1x16xi32>,
      %get3A_2171 = vector.shape_cast %get3A_2170 : vector<1x16xi32> to vector<16xi32>
      %and3A_2172 = arith.constant 1 : i32
      %and3A_2173 = vector.broadcast %and3A_2172 : i32 to vector<16xi32>
      %and3A_2174 = arith.andi %get3A_2171, %and3A_2173 : vector<16xi32>
      %ne3A_2175 = arith.constant 0 : i32
      %ne3A_2176 = vector.broadcast %ne3A_2175 : i32 to vector<16xi32>
      %ne3A_2177 = arith.cmpi ne, %and3A_2174, %ne3A_2176 : vector<16xi32>
      %and3A_2178 = arith.constant 2 : i32
      %and3A_2179 = vector.broadcast %and3A_2178 : i32 to vector<16xi32>
      %and3A_2180 = arith.andi %get3A_2171, %and3A_2179 : vector<16xi32>
      %ne3A_2181 = arith.constant 0 : i32
      %ne3A_2182 = vector.broadcast %ne3A_2181 : i32 to vector<16xi32>
      %ne3A_2183 = arith.cmpi ne, %and3A_2180, %ne3A_2182 : vector<16xi32>
      %and3A_2184 = arith.constant 4 : i32
      %and3A_2185 = vector.broadcast %and3A_2184 : i32 to vector<16xi32>
      %and3A_2186 = arith.andi %get3A_2171, %and3A_2185 : vector<16xi32>
      %ne3A_2187 = arith.constant 0 : i32
      %ne3A_2188 = vector.broadcast %ne3A_2187 : i32 to vector<16xi32>
      %ne3A_2189 = arith.cmpi ne, %and3A_2186, %ne3A_2188 : vector<16xi32>
      %and3A_2190 = arith.constant 8 : i32
      %and3A_2191 = vector.broadcast %and3A_2190 : i32 to vector<16xi32>
      %and3A_2192 = arith.andi %get3A_2171, %and3A_2191 : vector<16xi32>
      %ne3A_2193 = arith.constant 0 : i32
      %ne3A_2194 = vector.broadcast %ne3A_2193 : i32 to vector<16xi32>
      %ne3A_2195 = arith.cmpi ne, %and3A_2192, %ne3A_2194 : vector<16xi32>
      %select_n3A_2196 = arith.select %ne3A_2177, %broadcast_in_dim3A_1538, %broadcast_in_dim3A : vector<16xi1>, vector<16xf32>
      %select_n3A_2197 = arith.select %ne3A_2177, %broadcast_in_dim3A_1544, %broadcast_in_dim3A_1541 : vector<16xi1>, vector<16xf32>
      %select_n3A_2198 = arith.select %ne3A_2177, %broadcast_in_dim3A_1550, %broadcast_in_dim3A_1547 : vector<16xi1>, vector<16xf32>
      %select_n3A_2199 = arith.select %ne3A_2177, %broadcast_in_dim3A_1556, %broadcast_in_dim3A_1553 : vector<16xi1>, vector<16xf32>
      %select_n3A_2200 = arith.select %ne3A_2177, %broadcast_in_dim3A_1562, %broadcast_in_dim3A_1559 : vector<16xi1>, vector<16xf32>
      %select_n3A_2201 = arith.select %ne3A_2183, %select_n3A_2197, %select_n3A_2196 : vector<16xi1>, vector<16xf32>
      %select_n3A_2202 = arith.select %ne3A_2183, %select_n3A_2199, %select_n3A_2198 : vector<16xi1>, vector<16xf32>
      %select_n3A_2203 = arith.select %ne3A_2189, %select_n3A_2202, %select_n3A_2201 : vector<16xi1>, vector<16xf32>
      %select_n3A_2204 = arith.select %ne3A_2195, %select_n3A_2200, %select_n3A_2203 : vector<16xi1>, vector<16xf32>
      %swap3A_2205 = arith.index_cast %add3A_2167 : i32 to index
      %swap3A_2206 = arith.constant 0 : index
      %swap3A_2207 = tpu.vector_load %arg10[%swap3A_2205, %swap3A_2206] {strides = array<i32>} : memref<64x200xf32, #tpu.memory_space<vmem>>, vector<1x16xf32>,
      %swap3A_2208 = vector.shape_cast %swap3A_2207 : vector<1x16xf32> to vector<16xf32>
      %swap3A_2209 = vector.shape_cast %select_n3A_2204 : vector<16xf32> to vector<1x16xf32>
      tpu.vector_store %arg10[%swap3A_2205, %swap3A_2206], %swap3A_2209 {strides = array<i32>} : memref<64x200xf32, #tpu.memory_space<vmem>>, vector<1x16xf32>,
      %get3A_2210 = arith.index_cast %add3A_2167 : i32 to index
      %get3A_2211 = arith.constant 16 : index
      %get3A_2212 = tpu.vector_load %arg8[%get3A_2210, %get3A_2211] {strides = array<i32>} : memref<64x200xi32, #tpu.memory_space<vmem>>, vector<1x16xi32>,
      %get3A_2213 = vector.shape_cast %get3A_2212 : vector<1x16xi32> to vector<16xi32>
      %and3A_2214 = arith.constant 1 : i32
      %and3A_2215 = vector.broadcast %and3A_2214 : i32 to vector<16xi32>
      %and3A_2216 = arith.andi %get3A_2213, %and3A_2215 : vector<16xi32>
      %ne3A_2217 = arith.constant 0 : i32
      %ne3A_2218 = vector.broadcast %ne3A_2217 : i32 to vector<16xi32>
      %ne3A_2219 = arith.cmpi ne, %and3A_2216, %ne3A_2218 : vector<16xi32>
      %and3A_2220 = arith.constant 2 : i32
      %and3A_2221 = vector.broadcast %and3A_2220 : i32 to vector<16xi32>
      %and3A_2222 = arith.andi %get3A_2213, %and3A_2221 : vector<16xi32>
      %ne3A_2223 = arith.constant 0 : i32
      %ne3A_2224 = vector.broadcast %ne3A_2223 : i32 to vector<16xi32>
      %ne3A_2225 = arith.cmpi ne, %and3A_2222, %ne3A_2224 : vector<16xi32>
      %and3A_2226 = arith.constant 4 : i32
      %and3A_2227 = vector.broadcast %and3A_2226 : i32 to vector<16xi32>
      %and3A_2228 = arith.andi %get3A_2213, %and3A_2227 : vector<16xi32>
      %ne3A_2229 = arith.constant 0 : i32
      %ne3A_2230 = vector.broadcast %ne3A_2229 : i32 to vector<16xi32>
      %ne3A_2231 = arith.cmpi ne, %and3A_2228, %ne3A_2230 : vector<16xi32>
      %and3A_2232 = arith.constant 8 : i32
      %and3A_2233 = vector.broadcast %and3A_2232 : i32 to vector<16xi32>
      %and3A_2234 = arith.andi %get3A_2213, %and3A_2233 : vector<16xi32>
      %ne3A_2235 = arith.constant 0 : i32
      %ne3A_2236 = vector.broadcast %ne3A_2235 : i32 to vector<16xi32>
      %ne3A_2237 = arith.cmpi ne, %and3A_2234, %ne3A_2236 : vector<16xi32>
      %select_n3A_2238 = arith.select %ne3A_2219, %broadcast_in_dim3A_1538, %broadcast_in_dim3A : vector<16xi1>, vector<16xf32>
      %select_n3A_2239 = arith.select %ne3A_2219, %broadcast_in_dim3A_1544, %broadcast_in_dim3A_1541 : vector<16xi1>, vector<16xf32>
      %select_n3A_2240 = arith.select %ne3A_2219, %broadcast_in_dim3A_1550, %broadcast_in_dim3A_1547 : vector<16xi1>, vector<16xf32>
      %select_n3A_2241 = arith.select %ne3A_2219, %broadcast_in_dim3A_1556, %broadcast_in_dim3A_1553 : vector<16xi1>, vector<16xf32>
      %select_n3A_2242 = arith.select %ne3A_2219, %broadcast_in_dim3A_1562, %broadcast_in_dim3A_1559 : vector<16xi1>, vector<16xf32>
      %select_n3A_2243 = arith.select %ne3A_2225, %select_n3A_2239, %select_n3A_2238 : vector<16xi1>, vector<16xf32>
      %select_n3A_2244 = arith.select %ne3A_2225, %select_n3A_2241, %select_n3A_2240 : vector<16xi1>, vector<16xf32>
      %select_n3A_2245 = arith.select %ne3A_2231, %select_n3A_2244, %select_n3A_2243 : vector<16xi1>, vector<16xf32>
      %select_n3A_2246 = arith.select %ne3A_2237, %select_n3A_2242, %select_n3A_2245 : vector<16xi1>, vector<16xf32>
      %swap3A_2247 = arith.index_cast %add3A_2167 : i32 to index
      %swap3A_2248 = arith.constant 16 : index
      %swap3A_2249 = tpu.vector_load %arg10[%swap3A_2247, %swap3A_2248] {strides = array<i32>} : memref<64x200xf32, #tpu.memory_space<vmem>>, vector<1x16xf32>,
      %swap3A_2250 = vector.shape_cast %swap3A_2249 : vector<1x16xf32> to vector<16xf32>
      %swap3A_2251 = vector.shape_cast %select_n3A_2246 : vector<16xf32> to vector<1x16xf32>
      tpu.vector_store %arg10[%swap3A_2247, %swap3A_2248], %swap3A_2251 {strides = array<i32>} : memref<64x200xf32, #tpu.memory_space<vmem>>, vector<1x16xf32>,
      %get3A_2252 = arith.index_cast %add3A_2167 : i32 to index
      %get3A_2253 = arith.constant 32 : index
      %get3A_2254 = tpu.vector_load %arg8[%get3A_2252, %get3A_2253] {strides = array<i32>} : memref<64x200xi32, #tpu.memory_space<vmem>>, vector<1x16xi32>,
      %get3A_2255 = vector.shape_cast %get3A_2254 : vector<1x16xi32> to vector<16xi32>
      %and3A_2256 = arith.constant 1 : i32
      %and3A_2257 = vector.broadcast %and3A_2256 : i32 to vector<16xi32>
      %and3A_2258 = arith.andi %get3A_2255, %and3A_2257 : vector<16xi32>
      %ne3A_2259 = arith.constant 0 : i32
      %ne3A_2260 = vector.broadcast %ne3A_2259 : i32 to vector<16xi32>
      %ne3A_2261 = arith.cmpi ne, %and3A_2258, %ne3A_2260 : vector<16xi32>
      %and3A_2262 = arith.constant 2 : i32
      %and3A_2263 = vector.broadcast %and3A_2262 : i32 to vector<16xi32>
      %and3A_2264 = arith.andi %get3A_2255, %and3A_2263 : vector<16xi32>
      %ne3A_2265 = arith.constant 0 : i32
      %ne3A_2266 = vector.broadcast %ne3A_2265 : i32 to vector<16xi32>
      %ne3A_2267 = arith.cmpi ne, %and3A_2264, %ne3A_2266 : vector<16xi32>
      %and3A_2268 = arith.constant 4 : i32
      %and3A_2269 = vector.broadcast %and3A_2268 : i32 to vector<16xi32>
      %and3A_2270 = arith.andi %get3A_2255, %and3A_2269 : vector<16xi32>
      %ne3A_2271 = arith.constant 0 : i32
      %ne3A_2272 = vector.broadcast %ne3A_2271 : i32 to vector<16xi32>
      %ne3A_2273 = arith.cmpi ne, %and3A_2270, %ne3A_2272 : vector<16xi32>
      %and3A_2274 = arith.constant 8 : i32
      %and3A_2275 = vector.broadcast %and3A_2274 : i32 to vector<16xi32>
      %and3A_2276 = arith.andi %get3A_2255, %and3A_2275 : vector<16xi32>
      %ne3A_2277 = arith.constant 0 : i32
      %ne3A_2278 = vector.broadcast %ne3A_2277 : i32 to vector<16xi32>
      %ne3A_2279 = arith.cmpi ne, %and3A_2276, %ne3A_2278 : vector<16xi32>
      %select_n3A_2280 = arith.select %ne3A_2261, %broadcast_in_dim3A_1538, %broadcast_in_dim3A : vector<16xi1>, vector<16xf32>
      %select_n3A_2281 = arith.select %ne3A_2261, %broadcast_in_dim3A_1544, %broadcast_in_dim3A_1541 : vector<16xi1>, vector<16xf32>
      %select_n3A_2282 = arith.select %ne3A_2261, %broadcast_in_dim3A_1550, %broadcast_in_dim3A_1547 : vector<16xi1>, vector<16xf32>
      %select_n3A_2283 = arith.select %ne3A_2261, %broadcast_in_dim3A_1556, %broadcast_in_dim3A_1553 : vector<16xi1>, vector<16xf32>
      %select_n3A_2284 = arith.select %ne3A_2261, %broadcast_in_dim3A_1562, %broadcast_in_dim3A_1559 : vector<16xi1>, vector<16xf32>
      %select_n3A_2285 = arith.select %ne3A_2267, %select_n3A_2281, %select_n3A_2280 : vector<16xi1>, vector<16xf32>
      %select_n3A_2286 = arith.select %ne3A_2267, %select_n3A_2283, %select_n3A_2282 : vector<16xi1>, vector<16xf32>
      %select_n3A_2287 = arith.select %ne3A_2273, %select_n3A_2286, %select_n3A_2285 : vector<16xi1>, vector<16xf32>
      %select_n3A_2288 = arith.select %ne3A_2279, %select_n3A_2284, %select_n3A_2287 : vector<16xi1>, vector<16xf32>
      %swap3A_2289 = arith.index_cast %add3A_2167 : i32 to index
      %swap3A_2290 = arith.constant 32 : index
      %swap3A_2291 = tpu.vector_load %arg10[%swap3A_2289, %swap3A_2290] {strides = array<i32>} : memref<64x200xf32, #tpu.memory_space<vmem>>, vector<1x16xf32>,
      %swap3A_2292 = vector.shape_cast %swap3A_2291 : vector<1x16xf32> to vector<16xf32>
      %swap3A_2293 = vector.shape_cast %select_n3A_2288 : vector<16xf32> to vector<1x16xf32>
      tpu.vector_store %arg10[%swap3A_2289, %swap3A_2290], %swap3A_2293 {strides = array<i32>} : memref<64x200xf32, #tpu.memory_space<vmem>>, vector<1x16xf32>,
      %get3A_2294 = arith.index_cast %add3A_2167 : i32 to index
      %get3A_2295 = arith.constant 48 : index
      %get3A_2296 = tpu.vector_load %arg8[%get3A_2294, %get3A_2295] {strides = array<i32>} : memref<64x200xi32, #tpu.memory_space<vmem>>, vector<1x16xi32>,
      %get3A_2297 = vector.shape_cast %get3A_2296 : vector<1x16xi32> to vector<16xi32>
      %and3A_2298 = arith.constant 1 : i32
      %and3A_2299 = vector.broadcast %and3A_2298 : i32 to vector<16xi32>
      %and3A_2300 = arith.andi %get3A_2297, %and3A_2299 : vector<16xi32>
      %ne3A_2301 = arith.constant 0 : i32
      %ne3A_2302 = vector.broadcast %ne3A_2301 : i32 to vector<16xi32>
      %ne3A_2303 = arith.cmpi ne, %and3A_2300, %ne3A_2302 : vector<16xi32>
      %and3A_2304 = arith.constant 2 : i32
      %and3A_2305 = vector.broadcast %and3A_2304 : i32 to vector<16xi32>
      %and3A_2306 = arith.andi %get3A_2297, %and3A_2305 : vector<16xi32>
      %ne3A_2307 = arith.constant 0 : i32
      %ne3A_2308 = vector.broadcast %ne3A_2307 : i32 to vector<16xi32>
      %ne3A_2309 = arith.cmpi ne, %and3A_2306, %ne3A_2308 : vector<16xi32>
      %and3A_2310 = arith.constant 4 : i32
      %and3A_2311 = vector.broadcast %and3A_2310 : i32 to vector<16xi32>
      %and3A_2312 = arith.andi %get3A_2297, %and3A_2311 : vector<16xi32>
      %ne3A_2313 = arith.constant 0 : i32
      %ne3A_2314 = vector.broadcast %ne3A_2313 : i32 to vector<16xi32>
      %ne3A_2315 = arith.cmpi ne, %and3A_2312, %ne3A_2314 : vector<16xi32>
      %and3A_2316 = arith.constant 8 : i32
      %and3A_2317 = vector.broadcast %and3A_2316 : i32 to vector<16xi32>
      %and3A_2318 = arith.andi %get3A_2297, %and3A_2317 : vector<16xi32>
      %ne3A_2319 = arith.constant 0 : i32
      %ne3A_2320 = vector.broadcast %ne3A_2319 : i32 to vector<16xi32>
      %ne3A_2321 = arith.cmpi ne, %and3A_2318, %ne3A_2320 : vector<16xi32>
      %select_n3A_2322 = arith.select %ne3A_2303, %broadcast_in_dim3A_1538, %broadcast_in_dim3A : vector<16xi1>, vector<16xf32>
      %select_n3A_2323 = arith.select %ne3A_2303, %broadcast_in_dim3A_1544, %broadcast_in_dim3A_1541 : vector<16xi1>, vector<16xf32>
      %select_n3A_2324 = arith.select %ne3A_2303, %broadcast_in_dim3A_1550, %broadcast_in_dim3A_1547 : vector<16xi1>, vector<16xf32>
      %select_n3A_2325 = arith.select %ne3A_2303, %broadcast_in_dim3A_1556, %broadcast_in_dim3A_1553 : vector<16xi1>, vector<16xf32>
      %select_n3A_2326 = arith.select %ne3A_2303, %broadcast_in_dim3A_1562, %broadcast_in_dim3A_1559 : vector<16xi1>, vector<16xf32>
      %select_n3A_2327 = arith.select %ne3A_2309, %select_n3A_2323, %select_n3A_2322 : vector<16xi1>, vector<16xf32>
      %select_n3A_2328 = arith.select %ne3A_2309, %select_n3A_2325, %select_n3A_2324 : vector<16xi1>, vector<16xf32>
      %select_n3A_2329 = arith.select %ne3A_2315, %select_n3A_2328, %select_n3A_2327 : vector<16xi1>, vector<16xf32>
      %select_n3A_2330 = arith.select %ne3A_2321, %select_n3A_2326, %select_n3A_2329 : vector<16xi1>, vector<16xf32>
      %swap3A_2331 = arith.index_cast %add3A_2167 : i32 to index
      %swap3A_2332 = arith.constant 48 : index
      %swap3A_2333 = tpu.vector_load %arg10[%swap3A_2331, %swap3A_2332] {strides = array<i32>} : memref<64x200xf32, #tpu.memory_space<vmem>>, vector<1x16xf32>,
      %swap3A_2334 = vector.shape_cast %swap3A_2333 : vector<1x16xf32> to vector<16xf32>
      %swap3A_2335 = vector.shape_cast %select_n3A_2330 : vector<16xf32> to vector<1x16xf32>
      tpu.vector_store %arg10[%swap3A_2331, %swap3A_2332], %swap3A_2335 {strides = array<i32>} : memref<64x200xf32, #tpu.memory_space<vmem>>, vector<1x16xf32>,
      %get3A_2336 = arith.index_cast %add3A_2167 : i32 to index
      %get3A_2337 = arith.constant 64 : index
      %get3A_2338 = tpu.vector_load %arg8[%get3A_2336, %get3A_2337] {strides = array<i32>} : memref<64x200xi32, #tpu.memory_space<vmem>>, vector<1x16xi32>,
      %get3A_2339 = vector.shape_cast %get3A_2338 : vector<1x16xi32> to vector<16xi32>
      %and3A_2340 = arith.constant 1 : i32
      %and3A_2341 = vector.broadcast %and3A_2340 : i32 to vector<16xi32>
      %and3A_2342 = arith.andi %get3A_2339, %and3A_2341 : vector<16xi32>
      %ne3A_2343 = arith.constant 0 : i32
      %ne3A_2344 = vector.broadcast %ne3A_2343 : i32 to vector<16xi32>
      %ne3A_2345 = arith.cmpi ne, %and3A_2342, %ne3A_2344 : vector<16xi32>
      %and3A_2346 = arith.constant 2 : i32
      %and3A_2347 = vector.broadcast %and3A_2346 : i32 to vector<16xi32>
      %and3A_2348 = arith.andi %get3A_2339, %and3A_2347 : vector<16xi32>
      %ne3A_2349 = arith.constant 0 : i32
      %ne3A_2350 = vector.broadcast %ne3A_2349 : i32 to vector<16xi32>
      %ne3A_2351 = arith.cmpi ne, %and3A_2348, %ne3A_2350 : vector<16xi32>
      %and3A_2352 = arith.constant 4 : i32
      %and3A_2353 = vector.broadcast %and3A_2352 : i32 to vector<16xi32>
      %and3A_2354 = arith.andi %get3A_2339, %and3A_2353 : vector<16xi32>
      %ne3A_2355 = arith.constant 0 : i32
      %ne3A_2356 = vector.broadcast %ne3A_2355 : i32 to vector<16xi32>
      %ne3A_2357 = arith.cmpi ne, %and3A_2354, %ne3A_2356 : vector<16xi32>
      %and3A_2358 = arith.constant 8 : i32
      %and3A_2359 = vector.broadcast %and3A_2358 : i32 to vector<16xi32>
      %and3A_2360 = arith.andi %get3A_2339, %and3A_2359 : vector<16xi32>
      %ne3A_2361 = arith.constant 0 : i32
      %ne3A_2362 = vector.broadcast %ne3A_2361 : i32 to vector<16xi32>
      %ne3A_2363 = arith.cmpi ne, %and3A_2360, %ne3A_2362 : vector<16xi32>
      %select_n3A_2364 = arith.select %ne3A_2345, %broadcast_in_dim3A_1538, %broadcast_in_dim3A : vector<16xi1>, vector<16xf32>
      %select_n3A_2365 = arith.select %ne3A_2345, %broadcast_in_dim3A_1544, %broadcast_in_dim3A_1541 : vector<16xi1>, vector<16xf32>
      %select_n3A_2366 = arith.select %ne3A_2345, %broadcast_in_dim3A_1550, %broadcast_in_dim3A_1547 : vector<16xi1>, vector<16xf32>
      %select_n3A_2367 = arith.select %ne3A_2345, %broadcast_in_dim3A_1556, %broadcast_in_dim3A_1553 : vector<16xi1>, vector<16xf32>
      %select_n3A_2368 = arith.select %ne3A_2345, %broadcast_in_dim3A_1562, %broadcast_in_dim3A_1559 : vector<16xi1>, vector<16xf32>
      %select_n3A_2369 = arith.select %ne3A_2351, %select_n3A_2365, %select_n3A_2364 : vector<16xi1>, vector<16xf32>
      %select_n3A_2370 = arith.select %ne3A_2351, %select_n3A_2367, %select_n3A_2366 : vector<16xi1>, vector<16xf32>
      %select_n3A_2371 = arith.select %ne3A_2357, %select_n3A_2370, %select_n3A_2369 : vector<16xi1>, vector<16xf32>
      %select_n3A_2372 = arith.select %ne3A_2363, %select_n3A_2368, %select_n3A_2371 : vector<16xi1>, vector<16xf32>
      %swap3A_2373 = arith.index_cast %add3A_2167 : i32 to index
      %swap3A_2374 = arith.constant 64 : index
      %swap3A_2375 = tpu.vector_load %arg10[%swap3A_2373, %swap3A_2374] {strides = array<i32>} : memref<64x200xf32, #tpu.memory_space<vmem>>, vector<1x16xf32>,
      %swap3A_2376 = vector.shape_cast %swap3A_2375 : vector<1x16xf32> to vector<16xf32>
      %swap3A_2377 = vector.shape_cast %select_n3A_2372 : vector<16xf32> to vector<1x16xf32>
      tpu.vector_store %arg10[%swap3A_2373, %swap3A_2374], %swap3A_2377 {strides = array<i32>} : memref<64x200xf32, #tpu.memory_space<vmem>>, vector<1x16xf32>,
      %get3A_2378 = arith.index_cast %add3A_2167 : i32 to index
      %get3A_2379 = arith.constant 80 : index
      %get3A_2380 = tpu.vector_load %arg8[%get3A_2378, %get3A_2379] {strides = array<i32>} : memref<64x200xi32, #tpu.memory_space<vmem>>, vector<1x16xi32>,
      %get3A_2381 = vector.shape_cast %get3A_2380 : vector<1x16xi32> to vector<16xi32>
      %and3A_2382 = arith.constant 1 : i32
      %and3A_2383 = vector.broadcast %and3A_2382 : i32 to vector<16xi32>
      %and3A_2384 = arith.andi %get3A_2381, %and3A_2383 : vector<16xi32>
      %ne3A_2385 = arith.constant 0 : i32
      %ne3A_2386 = vector.broadcast %ne3A_2385 : i32 to vector<16xi32>
      %ne3A_2387 = arith.cmpi ne, %and3A_2384, %ne3A_2386 : vector<16xi32>
      %and3A_2388 = arith.constant 2 : i32
      %and3A_2389 = vector.broadcast %and3A_2388 : i32 to vector<16xi32>
      %and3A_2390 = arith.andi %get3A_2381, %and3A_2389 : vector<16xi32>
      %ne3A_2391 = arith.constant 0 : i32
      %ne3A_2392 = vector.broadcast %ne3A_2391 : i32 to vector<16xi32>
      %ne3A_2393 = arith.cmpi ne, %and3A_2390, %ne3A_2392 : vector<16xi32>
      %and3A_2394 = arith.constant 4 : i32
      %and3A_2395 = vector.broadcast %and3A_2394 : i32 to vector<16xi32>
      %and3A_2396 = arith.andi %get3A_2381, %and3A_2395 : vector<16xi32>
      %ne3A_2397 = arith.constant 0 : i32
      %ne3A_2398 = vector.broadcast %ne3A_2397 : i32 to vector<16xi32>
      %ne3A_2399 = arith.cmpi ne, %and3A_2396, %ne3A_2398 : vector<16xi32>
      %and3A_2400 = arith.constant 8 : i32
      %and3A_2401 = vector.broadcast %and3A_2400 : i32 to vector<16xi32>
      %and3A_2402 = arith.andi %get3A_2381, %and3A_2401 : vector<16xi32>
      %ne3A_2403 = arith.constant 0 : i32
      %ne3A_2404 = vector.broadcast %ne3A_2403 : i32 to vector<16xi32>
      %ne3A_2405 = arith.cmpi ne, %and3A_2402, %ne3A_2404 : vector<16xi32>
      %select_n3A_2406 = arith.select %ne3A_2387, %broadcast_in_dim3A_1538, %broadcast_in_dim3A : vector<16xi1>, vector<16xf32>
      %select_n3A_2407 = arith.select %ne3A_2387, %broadcast_in_dim3A_1544, %broadcast_in_dim3A_1541 : vector<16xi1>, vector<16xf32>
      %select_n3A_2408 = arith.select %ne3A_2387, %broadcast_in_dim3A_1550, %broadcast_in_dim3A_1547 : vector<16xi1>, vector<16xf32>
      %select_n3A_2409 = arith.select %ne3A_2387, %broadcast_in_dim3A_1556, %broadcast_in_dim3A_1553 : vector<16xi1>, vector<16xf32>
      %select_n3A_2410 = arith.select %ne3A_2387, %broadcast_in_dim3A_1562, %broadcast_in_dim3A_1559 : vector<16xi1>, vector<16xf32>
      %select_n3A_2411 = arith.select %ne3A_2393, %select_n3A_2407, %select_n3A_2406 : vector<16xi1>, vector<16xf32>
      %select_n3A_2412 = arith.select %ne3A_2393, %select_n3A_2409, %select_n3A_2408 : vector<16xi1>, vector<16xf32>
      %select_n3A_2413 = arith.select %ne3A_2399, %select_n3A_2412, %select_n3A_2411 : vector<16xi1>, vector<16xf32>
      %select_n3A_2414 = arith.select %ne3A_2405, %select_n3A_2410, %select_n3A_2413 : vector<16xi1>, vector<16xf32>
      %swap3A_2415 = arith.index_cast %add3A_2167 : i32 to index
      %swap3A_2416 = arith.constant 80 : index
      %swap3A_2417 = tpu.vector_load %arg10[%swap3A_2415, %swap3A_2416] {strides = array<i32>} : memref<64x200xf32, #tpu.memory_space<vmem>>, vector<1x16xf32>,
      %swap3A_2418 = vector.shape_cast %swap3A_2417 : vector<1x16xf32> to vector<16xf32>
      %swap3A_2419 = vector.shape_cast %select_n3A_2414 : vector<16xf32> to vector<1x16xf32>
      tpu.vector_store %arg10[%swap3A_2415, %swap3A_2416], %swap3A_2419 {strides = array<i32>} : memref<64x200xf32, #tpu.memory_space<vmem>>, vector<1x16xf32>,
      %get3A_2420 = arith.index_cast %add3A_2167 : i32 to index
      %get3A_2421 = arith.constant 96 : index
      %get3A_2422 = tpu.vector_load %arg8[%get3A_2420, %get3A_2421] {strides = array<i32>} : memref<64x200xi32, #tpu.memory_space<vmem>>, vector<1x16xi32>,
      %get3A_2423 = vector.shape_cast %get3A_2422 : vector<1x16xi32> to vector<16xi32>
      %and3A_2424 = arith.constant 1 : i32
      %and3A_2425 = vector.broadcast %and3A_2424 : i32 to vector<16xi32>
      %and3A_2426 = arith.andi %get3A_2423, %and3A_2425 : vector<16xi32>
      %ne3A_2427 = arith.constant 0 : i32
      %ne3A_2428 = vector.broadcast %ne3A_2427 : i32 to vector<16xi32>
      %ne3A_2429 = arith.cmpi ne, %and3A_2426, %ne3A_2428 : vector<16xi32>
      %and3A_2430 = arith.constant 2 : i32
      %and3A_2431 = vector.broadcast %and3A_2430 : i32 to vector<16xi32>
      %and3A_2432 = arith.andi %get3A_2423, %and3A_2431 : vector<16xi32>
      %ne3A_2433 = arith.constant 0 : i32
      %ne3A_2434 = vector.broadcast %ne3A_2433 : i32 to vector<16xi32>
      %ne3A_2435 = arith.cmpi ne, %and3A_2432, %ne3A_2434 : vector<16xi32>
      %and3A_2436 = arith.constant 4 : i32
      %and3A_2437 = vector.broadcast %and3A_2436 : i32 to vector<16xi32>
      %and3A_2438 = arith.andi %get3A_2423, %and3A_2437 : vector<16xi32>
      %ne3A_2439 = arith.constant 0 : i32
      %ne3A_2440 = vector.broadcast %ne3A_2439 : i32 to vector<16xi32>
      %ne3A_2441 = arith.cmpi ne, %and3A_2438, %ne3A_2440 : vector<16xi32>
      %and3A_2442 = arith.constant 8 : i32
      %and3A_2443 = vector.broadcast %and3A_2442 : i32 to vector<16xi32>
      %and3A_2444 = arith.andi %get3A_2423, %and3A_2443 : vector<16xi32>
      %ne3A_2445 = arith.constant 0 : i32
      %ne3A_2446 = vector.broadcast %ne3A_2445 : i32 to vector<16xi32>
      %ne3A_2447 = arith.cmpi ne, %and3A_2444, %ne3A_2446 : vector<16xi32>
      %select_n3A_2448 = arith.select %ne3A_2429, %broadcast_in_dim3A_1538, %broadcast_in_dim3A : vector<16xi1>, vector<16xf32>
      %select_n3A_2449 = arith.select %ne3A_2429, %broadcast_in_dim3A_1544, %broadcast_in_dim3A_1541 : vector<16xi1>, vector<16xf32>
      %select_n3A_2450 = arith.select %ne3A_2429, %broadcast_in_dim3A_1550, %broadcast_in_dim3A_1547 : vector<16xi1>, vector<16xf32>
      %select_n3A_2451 = arith.select %ne3A_2429, %broadcast_in_dim3A_1556, %broadcast_in_dim3A_1553 : vector<16xi1>, vector<16xf32>
      %select_n3A_2452 = arith.select %ne3A_2429, %broadcast_in_dim3A_1562, %broadcast_in_dim3A_1559 : vector<16xi1>, vector<16xf32>
      %select_n3A_2453 = arith.select %ne3A_2435, %select_n3A_2449, %select_n3A_2448 : vector<16xi1>, vector<16xf32>
      %select_n3A_2454 = arith.select %ne3A_2435, %select_n3A_2451, %select_n3A_2450 : vector<16xi1>, vector<16xf32>
      %select_n3A_2455 = arith.select %ne3A_2441, %select_n3A_2454, %select_n3A_2453 : vector<16xi1>, vector<16xf32>
      %select_n3A_2456 = arith.select %ne3A_2447, %select_n3A_2452, %select_n3A_2455 : vector<16xi1>, vector<16xf32>
      %swap3A_2457 = arith.index_cast %add3A_2167 : i32 to index
      %swap3A_2458 = arith.constant 96 : index
      %swap3A_2459 = tpu.vector_load %arg10[%swap3A_2457, %swap3A_2458] {strides = array<i32>} : memref<64x200xf32, #tpu.memory_space<vmem>>, vector<1x16xf32>,
      %swap3A_2460 = vector.shape_cast %swap3A_2459 : vector<1x16xf32> to vector<16xf32>
      %swap3A_2461 = vector.shape_cast %select_n3A_2456 : vector<16xf32> to vector<1x16xf32>
      tpu.vector_store %arg10[%swap3A_2457, %swap3A_2458], %swap3A_2461 {strides = array<i32>} : memref<64x200xf32, #tpu.memory_space<vmem>>, vector<1x16xf32>,
      %get3A_2462 = arith.index_cast %add3A_2167 : i32 to index
      %get3A_2463 = arith.constant 112 : index
      %get3A_2464 = tpu.vector_load %arg8[%get3A_2462, %get3A_2463] {strides = array<i32>} : memref<64x200xi32, #tpu.memory_space<vmem>>, vector<1x16xi32>,
      %get3A_2465 = vector.shape_cast %get3A_2464 : vector<1x16xi32> to vector<16xi32>
      %and3A_2466 = arith.constant 1 : i32
      %and3A_2467 = vector.broadcast %and3A_2466 : i32 to vector<16xi32>
      %and3A_2468 = arith.andi %get3A_2465, %and3A_2467 : vector<16xi32>
      %ne3A_2469 = arith.constant 0 : i32
      %ne3A_2470 = vector.broadcast %ne3A_2469 : i32 to vector<16xi32>
      %ne3A_2471 = arith.cmpi ne, %and3A_2468, %ne3A_2470 : vector<16xi32>
      %and3A_2472 = arith.constant 2 : i32
      %and3A_2473 = vector.broadcast %and3A_2472 : i32 to vector<16xi32>
      %and3A_2474 = arith.andi %get3A_2465, %and3A_2473 : vector<16xi32>
      %ne3A_2475 = arith.constant 0 : i32
      %ne3A_2476 = vector.broadcast %ne3A_2475 : i32 to vector<16xi32>
      %ne3A_2477 = arith.cmpi ne, %and3A_2474, %ne3A_2476 : vector<16xi32>
      %and3A_2478 = arith.constant 4 : i32
      %and3A_2479 = vector.broadcast %and3A_2478 : i32 to vector<16xi32>
      %and3A_2480 = arith.andi %get3A_2465, %and3A_2479 : vector<16xi32>
      %ne3A_2481 = arith.constant 0 : i32
      %ne3A_2482 = vector.broadcast %ne3A_2481 : i32 to vector<16xi32>
      %ne3A_2483 = arith.cmpi ne, %and3A_2480, %ne3A_2482 : vector<16xi32>
      %and3A_2484 = arith.constant 8 : i32
      %and3A_2485 = vector.broadcast %and3A_2484 : i32 to vector<16xi32>
      %and3A_2486 = arith.andi %get3A_2465, %and3A_2485 : vector<16xi32>
      %ne3A_2487 = arith.constant 0 : i32
      %ne3A_2488 = vector.broadcast %ne3A_2487 : i32 to vector<16xi32>
      %ne3A_2489 = arith.cmpi ne, %and3A_2486, %ne3A_2488 : vector<16xi32>
      %select_n3A_2490 = arith.select %ne3A_2471, %broadcast_in_dim3A_1538, %broadcast_in_dim3A : vector<16xi1>, vector<16xf32>
      %select_n3A_2491 = arith.select %ne3A_2471, %broadcast_in_dim3A_1544, %broadcast_in_dim3A_1541 : vector<16xi1>, vector<16xf32>
      %select_n3A_2492 = arith.select %ne3A_2471, %broadcast_in_dim3A_1550, %broadcast_in_dim3A_1547 : vector<16xi1>, vector<16xf32>
      %select_n3A_2493 = arith.select %ne3A_2471, %broadcast_in_dim3A_1556, %broadcast_in_dim3A_1553 : vector<16xi1>, vector<16xf32>
      %select_n3A_2494 = arith.select %ne3A_2471, %broadcast_in_dim3A_1562, %broadcast_in_dim3A_1559 : vector<16xi1>, vector<16xf32>
      %select_n3A_2495 = arith.select %ne3A_2477, %select_n3A_2491, %select_n3A_2490 : vector<16xi1>, vector<16xf32>
      %select_n3A_2496 = arith.select %ne3A_2477, %select_n3A_2493, %select_n3A_2492 : vector<16xi1>, vector<16xf32>
      %select_n3A_2497 = arith.select %ne3A_2483, %select_n3A_2496, %select_n3A_2495 : vector<16xi1>, vector<16xf32>
      %select_n3A_2498 = arith.select %ne3A_2489, %select_n3A_2494, %select_n3A_2497 : vector<16xi1>, vector<16xf32>
      %swap3A_2499 = arith.index_cast %add3A_2167 : i32 to index
      %swap3A_2500 = arith.constant 112 : index
      %swap3A_2501 = tpu.vector_load %arg10[%swap3A_2499, %swap3A_2500] {strides = array<i32>} : memref<64x200xf32, #tpu.memory_space<vmem>>, vector<1x16xf32>,
      %swap3A_2502 = vector.shape_cast %swap3A_2501 : vector<1x16xf32> to vector<16xf32>
      %swap3A_2503 = vector.shape_cast %select_n3A_2498 : vector<16xf32> to vector<1x16xf32>
      tpu.vector_store %arg10[%swap3A_2499, %swap3A_2500], %swap3A_2503 {strides = array<i32>} : memref<64x200xf32, #tpu.memory_space<vmem>>, vector<1x16xf32>,
      %get3A_2504 = arith.index_cast %add3A_2167 : i32 to index
      %get3A_2505 = arith.constant 128 : index
      %get3A_2506 = tpu.vector_load %arg8[%get3A_2504, %get3A_2505] {strides = array<i32>} : memref<64x200xi32, #tpu.memory_space<vmem>>, vector<1x16xi32>,
      %get3A_2507 = vector.shape_cast %get3A_2506 : vector<1x16xi32> to vector<16xi32>
      %and3A_2508 = arith.constant 1 : i32
      %and3A_2509 = vector.broadcast %and3A_2508 : i32 to vector<16xi32>
      %and3A_2510 = arith.andi %get3A_2507, %and3A_2509 : vector<16xi32>
      %ne3A_2511 = arith.constant 0 : i32
      %ne3A_2512 = vector.broadcast %ne3A_2511 : i32 to vector<16xi32>
      %ne3A_2513 = arith.cmpi ne, %and3A_2510, %ne3A_2512 : vector<16xi32>
      %and3A_2514 = arith.constant 2 : i32
      %and3A_2515 = vector.broadcast %and3A_2514 : i32 to vector<16xi32>
      %and3A_2516 = arith.andi %get3A_2507, %and3A_2515 : vector<16xi32>
      %ne3A_2517 = arith.constant 0 : i32
      %ne3A_2518 = vector.broadcast %ne3A_2517 : i32 to vector<16xi32>
      %ne3A_2519 = arith.cmpi ne, %and3A_2516, %ne3A_2518 : vector<16xi32>
      %and3A_2520 = arith.constant 4 : i32
      %and3A_2521 = vector.broadcast %and3A_2520 : i32 to vector<16xi32>
      %and3A_2522 = arith.andi %get3A_2507, %and3A_2521 : vector<16xi32>
      %ne3A_2523 = arith.constant 0 : i32
      %ne3A_2524 = vector.broadcast %ne3A_2523 : i32 to vector<16xi32>
      %ne3A_2525 = arith.cmpi ne, %and3A_2522, %ne3A_2524 : vector<16xi32>
      %and3A_2526 = arith.constant 8 : i32
      %and3A_2527 = vector.broadcast %and3A_2526 : i32 to vector<16xi32>
      %and3A_2528 = arith.andi %get3A_2507, %and3A_2527 : vector<16xi32>
      %ne3A_2529 = arith.constant 0 : i32
      %ne3A_2530 = vector.broadcast %ne3A_2529 : i32 to vector<16xi32>
      %ne3A_2531 = arith.cmpi ne, %and3A_2528, %ne3A_2530 : vector<16xi32>
      %select_n3A_2532 = arith.select %ne3A_2513, %broadcast_in_dim3A_1538, %broadcast_in_dim3A : vector<16xi1>, vector<16xf32>
      %select_n3A_2533 = arith.select %ne3A_2513, %broadcast_in_dim3A_1544, %broadcast_in_dim3A_1541 : vector<16xi1>, vector<16xf32>
      %select_n3A_2534 = arith.select %ne3A_2513, %broadcast_in_dim3A_1550, %broadcast_in_dim3A_1547 : vector<16xi1>, vector<16xf32>
      %select_n3A_2535 = arith.select %ne3A_2513, %broadcast_in_dim3A_1556, %broadcast_in_dim3A_1553 : vector<16xi1>, vector<16xf32>
      %select_n3A_2536 = arith.select %ne3A_2513, %broadcast_in_dim3A_1562, %broadcast_in_dim3A_1559 : vector<16xi1>, vector<16xf32>
      %select_n3A_2537 = arith.select %ne3A_2519, %select_n3A_2533, %select_n3A_2532 : vector<16xi1>, vector<16xf32>
      %select_n3A_2538 = arith.select %ne3A_2519, %select_n3A_2535, %select_n3A_2534 : vector<16xi1>, vector<16xf32>
      %select_n3A_2539 = arith.select %ne3A_2525, %select_n3A_2538, %select_n3A_2537 : vector<16xi1>, vector<16xf32>
      %select_n3A_2540 = arith.select %ne3A_2531, %select_n3A_2536, %select_n3A_2539 : vector<16xi1>, vector<16xf32>
      %swap3A_2541 = arith.index_cast %add3A_2167 : i32 to index
      %swap3A_2542 = arith.constant 128 : index
      %swap3A_2543 = tpu.vector_load %arg10[%swap3A_2541, %swap3A_2542] {strides = array<i32>} : memref<64x200xf32, #tpu.memory_space<vmem>>, vector<1x16xf32>,
      %swap3A_2544 = vector.shape_cast %swap3A_2543 : vector<1x16xf32> to vector<16xf32>
      %swap3A_2545 = vector.shape_cast %select_n3A_2540 : vector<16xf32> to vector<1x16xf32>
      tpu.vector_store %arg10[%swap3A_2541, %swap3A_2542], %swap3A_2545 {strides = array<i32>} : memref<64x200xf32, #tpu.memory_space<vmem>>, vector<1x16xf32>,
      %get3A_2546 = arith.index_cast %add3A_2167 : i32 to index
      %get3A_2547 = arith.constant 144 : index
      %get3A_2548 = tpu.vector_load %arg8[%get3A_2546, %get3A_2547] {strides = array<i32>} : memref<64x200xi32, #tpu.memory_space<vmem>>, vector<1x16xi32>,
      %get3A_2549 = vector.shape_cast %get3A_2548 : vector<1x16xi32> to vector<16xi32>
      %and3A_2550 = arith.constant 1 : i32
      %and3A_2551 = vector.broadcast %and3A_2550 : i32 to vector<16xi32>
      %and3A_2552 = arith.andi %get3A_2549, %and3A_2551 : vector<16xi32>
      %ne3A_2553 = arith.constant 0 : i32
      %ne3A_2554 = vector.broadcast %ne3A_2553 : i32 to vector<16xi32>
      %ne3A_2555 = arith.cmpi ne, %and3A_2552, %ne3A_2554 : vector<16xi32>
      %and3A_2556 = arith.constant 2 : i32
      %and3A_2557 = vector.broadcast %and3A_2556 : i32 to vector<16xi32>
      %and3A_2558 = arith.andi %get3A_2549, %and3A_2557 : vector<16xi32>
      %ne3A_2559 = arith.constant 0 : i32
      %ne3A_2560 = vector.broadcast %ne3A_2559 : i32 to vector<16xi32>
      %ne3A_2561 = arith.cmpi ne, %and3A_2558, %ne3A_2560 : vector<16xi32>
      %and3A_2562 = arith.constant 4 : i32
      %and3A_2563 = vector.broadcast %and3A_2562 : i32 to vector<16xi32>
      %and3A_2564 = arith.andi %get3A_2549, %and3A_2563 : vector<16xi32>
      %ne3A_2565 = arith.constant 0 : i32
      %ne3A_2566 = vector.broadcast %ne3A_2565 : i32 to vector<16xi32>
      %ne3A_2567 = arith.cmpi ne, %and3A_2564, %ne3A_2566 : vector<16xi32>
      %and3A_2568 = arith.constant 8 : i32
      %and3A_2569 = vector.broadcast %and3A_2568 : i32 to vector<16xi32>
      %and3A_2570 = arith.andi %get3A_2549, %and3A_2569 : vector<16xi32>
      %ne3A_2571 = arith.constant 0 : i32
      %ne3A_2572 = vector.broadcast %ne3A_2571 : i32 to vector<16xi32>
      %ne3A_2573 = arith.cmpi ne, %and3A_2570, %ne3A_2572 : vector<16xi32>
      %select_n3A_2574 = arith.select %ne3A_2555, %broadcast_in_dim3A_1538, %broadcast_in_dim3A : vector<16xi1>, vector<16xf32>
      %select_n3A_2575 = arith.select %ne3A_2555, %broadcast_in_dim3A_1544, %broadcast_in_dim3A_1541 : vector<16xi1>, vector<16xf32>
      %select_n3A_2576 = arith.select %ne3A_2555, %broadcast_in_dim3A_1550, %broadcast_in_dim3A_1547 : vector<16xi1>, vector<16xf32>
      %select_n3A_2577 = arith.select %ne3A_2555, %broadcast_in_dim3A_1556, %broadcast_in_dim3A_1553 : vector<16xi1>, vector<16xf32>
      %select_n3A_2578 = arith.select %ne3A_2555, %broadcast_in_dim3A_1562, %broadcast_in_dim3A_1559 : vector<16xi1>, vector<16xf32>
      %select_n3A_2579 = arith.select %ne3A_2561, %select_n3A_2575, %select_n3A_2574 : vector<16xi1>, vector<16xf32>
      %select_n3A_2580 = arith.select %ne3A_2561, %select_n3A_2577, %select_n3A_2576 : vector<16xi1>, vector<16xf32>
      %select_n3A_2581 = arith.select %ne3A_2567, %select_n3A_2580, %select_n3A_2579 : vector<16xi1>, vector<16xf32>
      %select_n3A_2582 = arith.select %ne3A_2573, %select_n3A_2578, %select_n3A_2581 : vector<16xi1>, vector<16xf32>
      %swap3A_2583 = arith.index_cast %add3A_2167 : i32 to index
      %swap3A_2584 = arith.constant 144 : index
      %swap3A_2585 = tpu.vector_load %arg10[%swap3A_2583, %swap3A_2584] {strides = array<i32>} : memref<64x200xf32, #tpu.memory_space<vmem>>, vector<1x16xf32>,
      %swap3A_2586 = vector.shape_cast %swap3A_2585 : vector<1x16xf32> to vector<16xf32>
      %swap3A_2587 = vector.shape_cast %select_n3A_2582 : vector<16xf32> to vector<1x16xf32>
      tpu.vector_store %arg10[%swap3A_2583, %swap3A_2584], %swap3A_2587 {strides = array<i32>} : memref<64x200xf32, #tpu.memory_space<vmem>>, vector<1x16xf32>,
      %get3A_2588 = arith.index_cast %add3A_2167 : i32 to index
      %get3A_2589 = arith.constant 160 : index
      %get3A_2590 = tpu.vector_load %arg8[%get3A_2588, %get3A_2589] {strides = array<i32>} : memref<64x200xi32, #tpu.memory_space<vmem>>, vector<1x16xi32>,
      %get3A_2591 = vector.shape_cast %get3A_2590 : vector<1x16xi32> to vector<16xi32>
      %and3A_2592 = arith.constant 1 : i32
      %and3A_2593 = vector.broadcast %and3A_2592 : i32 to vector<16xi32>
      %and3A_2594 = arith.andi %get3A_2591, %and3A_2593 : vector<16xi32>
      %ne3A_2595 = arith.constant 0 : i32
      %ne3A_2596 = vector.broadcast %ne3A_2595 : i32 to vector<16xi32>
      %ne3A_2597 = arith.cmpi ne, %and3A_2594, %ne3A_2596 : vector<16xi32>
      %and3A_2598 = arith.constant 2 : i32
      %and3A_2599 = vector.broadcast %and3A_2598 : i32 to vector<16xi32>
      %and3A_2600 = arith.andi %get3A_2591, %and3A_2599 : vector<16xi32>
      %ne3A_2601 = arith.constant 0 : i32
      %ne3A_2602 = vector.broadcast %ne3A_2601 : i32 to vector<16xi32>
      %ne3A_2603 = arith.cmpi ne, %and3A_2600, %ne3A_2602 : vector<16xi32>
      %and3A_2604 = arith.constant 4 : i32
      %and3A_2605 = vector.broadcast %and3A_2604 : i32 to vector<16xi32>
      %and3A_2606 = arith.andi %get3A_2591, %and3A_2605 : vector<16xi32>
      %ne3A_2607 = arith.constant 0 : i32
      %ne3A_2608 = vector.broadcast %ne3A_2607 : i32 to vector<16xi32>
      %ne3A_2609 = arith.cmpi ne, %and3A_2606, %ne3A_2608 : vector<16xi32>
      %and3A_2610 = arith.constant 8 : i32
      %and3A_2611 = vector.broadcast %and3A_2610 : i32 to vector<16xi32>
      %and3A_2612 = arith.andi %get3A_2591, %and3A_2611 : vector<16xi32>
      %ne3A_2613 = arith.constant 0 : i32
      %ne3A_2614 = vector.broadcast %ne3A_2613 : i32 to vector<16xi32>
      %ne3A_2615 = arith.cmpi ne, %and3A_2612, %ne3A_2614 : vector<16xi32>
      %select_n3A_2616 = arith.select %ne3A_2597, %broadcast_in_dim3A_1538, %broadcast_in_dim3A : vector<16xi1>, vector<16xf32>
      %select_n3A_2617 = arith.select %ne3A_2597, %broadcast_in_dim3A_1544, %broadcast_in_dim3A_1541 : vector<16xi1>, vector<16xf32>
      %select_n3A_2618 = arith.select %ne3A_2597, %broadcast_in_dim3A_1550, %broadcast_in_dim3A_1547 : vector<16xi1>, vector<16xf32>
      %select_n3A_2619 = arith.select %ne3A_2597, %broadcast_in_dim3A_1556, %broadcast_in_dim3A_1553 : vector<16xi1>, vector<16xf32>
      %select_n3A_2620 = arith.select %ne3A_2597, %broadcast_in_dim3A_1562, %broadcast_in_dim3A_1559 : vector<16xi1>, vector<16xf32>
      %select_n3A_2621 = arith.select %ne3A_2603, %select_n3A_2617, %select_n3A_2616 : vector<16xi1>, vector<16xf32>
      %select_n3A_2622 = arith.select %ne3A_2603, %select_n3A_2619, %select_n3A_2618 : vector<16xi1>, vector<16xf32>
      %select_n3A_2623 = arith.select %ne3A_2609, %select_n3A_2622, %select_n3A_2621 : vector<16xi1>, vector<16xf32>
      %select_n3A_2624 = arith.select %ne3A_2615, %select_n3A_2620, %select_n3A_2623 : vector<16xi1>, vector<16xf32>
      %swap3A_2625 = arith.index_cast %add3A_2167 : i32 to index
      %swap3A_2626 = arith.constant 160 : index
      %swap3A_2627 = tpu.vector_load %arg10[%swap3A_2625, %swap3A_2626] {strides = array<i32>} : memref<64x200xf32, #tpu.memory_space<vmem>>, vector<1x16xf32>,
      %swap3A_2628 = vector.shape_cast %swap3A_2627 : vector<1x16xf32> to vector<16xf32>
      %swap3A_2629 = vector.shape_cast %select_n3A_2624 : vector<16xf32> to vector<1x16xf32>
      tpu.vector_store %arg10[%swap3A_2625, %swap3A_2626], %swap3A_2629 {strides = array<i32>} : memref<64x200xf32, #tpu.memory_space<vmem>>, vector<1x16xf32>,
      %get3A_2630 = arith.index_cast %add3A_2167 : i32 to index
      %get3A_2631 = arith.constant 176 : index
      %get3A_2632 = tpu.vector_load %arg8[%get3A_2630, %get3A_2631] {strides = array<i32>} : memref<64x200xi32, #tpu.memory_space<vmem>>, vector<1x16xi32>,
      %get3A_2633 = vector.shape_cast %get3A_2632 : vector<1x16xi32> to vector<16xi32>
      %and3A_2634 = arith.constant 1 : i32
      %and3A_2635 = vector.broadcast %and3A_2634 : i32 to vector<16xi32>
      %and3A_2636 = arith.andi %get3A_2633, %and3A_2635 : vector<16xi32>
      %ne3A_2637 = arith.constant 0 : i32
      %ne3A_2638 = vector.broadcast %ne3A_2637 : i32 to vector<16xi32>
      %ne3A_2639 = arith.cmpi ne, %and3A_2636, %ne3A_2638 : vector<16xi32>
      %and3A_2640 = arith.constant 2 : i32
      %and3A_2641 = vector.broadcast %and3A_2640 : i32 to vector<16xi32>
      %and3A_2642 = arith.andi %get3A_2633, %and3A_2641 : vector<16xi32>
      %ne3A_2643 = arith.constant 0 : i32
      %ne3A_2644 = vector.broadcast %ne3A_2643 : i32 to vector<16xi32>
      %ne3A_2645 = arith.cmpi ne, %and3A_2642, %ne3A_2644 : vector<16xi32>
      %and3A_2646 = arith.constant 4 : i32
      %and3A_2647 = vector.broadcast %and3A_2646 : i32 to vector<16xi32>
      %and3A_2648 = arith.andi %get3A_2633, %and3A_2647 : vector<16xi32>
      %ne3A_2649 = arith.constant 0 : i32
      %ne3A_2650 = vector.broadcast %ne3A_2649 : i32 to vector<16xi32>
      %ne3A_2651 = arith.cmpi ne, %and3A_2648, %ne3A_2650 : vector<16xi32>
      %and3A_2652 = arith.constant 8 : i32
      %and3A_2653 = vector.broadcast %and3A_2652 : i32 to vector<16xi32>
      %and3A_2654 = arith.andi %get3A_2633, %and3A_2653 : vector<16xi32>
      %ne3A_2655 = arith.constant 0 : i32
      %ne3A_2656 = vector.broadcast %ne3A_2655 : i32 to vector<16xi32>
      %ne3A_2657 = arith.cmpi ne, %and3A_2654, %ne3A_2656 : vector<16xi32>
      %select_n3A_2658 = arith.select %ne3A_2639, %broadcast_in_dim3A_1538, %broadcast_in_dim3A : vector<16xi1>, vector<16xf32>
      %select_n3A_2659 = arith.select %ne3A_2639, %broadcast_in_dim3A_1544, %broadcast_in_dim3A_1541 : vector<16xi1>, vector<16xf32>
      %select_n3A_2660 = arith.select %ne3A_2639, %broadcast_in_dim3A_1550, %broadcast_in_dim3A_1547 : vector<16xi1>, vector<16xf32>
      %select_n3A_2661 = arith.select %ne3A_2639, %broadcast_in_dim3A_1556, %broadcast_in_dim3A_1553 : vector<16xi1>, vector<16xf32>
      %select_n3A_2662 = arith.select %ne3A_2639, %broadcast_in_dim3A_1562, %broadcast_in_dim3A_1559 : vector<16xi1>, vector<16xf32>
      %select_n3A_2663 = arith.select %ne3A_2645, %select_n3A_2659, %select_n3A_2658 : vector<16xi1>, vector<16xf32>
      %select_n3A_2664 = arith.select %ne3A_2645, %select_n3A_2661, %select_n3A_2660 : vector<16xi1>, vector<16xf32>
      %select_n3A_2665 = arith.select %ne3A_2651, %select_n3A_2664, %select_n3A_2663 : vector<16xi1>, vector<16xf32>
      %select_n3A_2666 = arith.select %ne3A_2657, %select_n3A_2662, %select_n3A_2665 : vector<16xi1>, vector<16xf32>
      %swap3A_2667 = arith.index_cast %add3A_2167 : i32 to index
      %swap3A_2668 = arith.constant 176 : index
      %swap3A_2669 = tpu.vector_load %arg10[%swap3A_2667, %swap3A_2668] {strides = array<i32>} : memref<64x200xf32, #tpu.memory_space<vmem>>, vector<1x16xf32>,
      %swap3A_2670 = vector.shape_cast %swap3A_2669 : vector<1x16xf32> to vector<16xf32>
      %swap3A_2671 = vector.shape_cast %select_n3A_2666 : vector<16xf32> to vector<1x16xf32>
      tpu.vector_store %arg10[%swap3A_2667, %swap3A_2668], %swap3A_2671 {strides = array<i32>} : memref<64x200xf32, #tpu.memory_space<vmem>>, vector<1x16xf32>,
      %get3A_2672 = arith.index_cast %add3A_2167 : i32 to index
      %get3A_2673 = arith.constant 184 : index
      %get3A_2674 = tpu.vector_load %arg8[%get3A_2672, %get3A_2673] {strides = array<i32>} : memref<64x200xi32, #tpu.memory_space<vmem>>, vector<1x16xi32>,
      %get3A_2675 = vector.shape_cast %get3A_2674 : vector<1x16xi32> to vector<16xi32>
      %and3A_2676 = arith.constant 1 : i32
      %and3A_2677 = vector.broadcast %and3A_2676 : i32 to vector<16xi32>
      %and3A_2678 = arith.andi %get3A_2675, %and3A_2677 : vector<16xi32>
      %ne3A_2679 = arith.constant 0 : i32
      %ne3A_2680 = vector.broadcast %ne3A_2679 : i32 to vector<16xi32>
      %ne3A_2681 = arith.cmpi ne, %and3A_2678, %ne3A_2680 : vector<16xi32>
      %and3A_2682 = arith.constant 2 : i32
      %and3A_2683 = vector.broadcast %and3A_2682 : i32 to vector<16xi32>
      %and3A_2684 = arith.andi %get3A_2675, %and3A_2683 : vector<16xi32>
      %ne3A_2685 = arith.constant 0 : i32
      %ne3A_2686 = vector.broadcast %ne3A_2685 : i32 to vector<16xi32>
      %ne3A_2687 = arith.cmpi ne, %and3A_2684, %ne3A_2686 : vector<16xi32>
      %and3A_2688 = arith.constant 4 : i32
      %and3A_2689 = vector.broadcast %and3A_2688 : i32 to vector<16xi32>
      %and3A_2690 = arith.andi %get3A_2675, %and3A_2689 : vector<16xi32>
      %ne3A_2691 = arith.constant 0 : i32
      %ne3A_2692 = vector.broadcast %ne3A_2691 : i32 to vector<16xi32>
      %ne3A_2693 = arith.cmpi ne, %and3A_2690, %ne3A_2692 : vector<16xi32>
      %and3A_2694 = arith.constant 8 : i32
      %and3A_2695 = vector.broadcast %and3A_2694 : i32 to vector<16xi32>
      %and3A_2696 = arith.andi %get3A_2675, %and3A_2695 : vector<16xi32>
      %ne3A_2697 = arith.constant 0 : i32
      %ne3A_2698 = vector.broadcast %ne3A_2697 : i32 to vector<16xi32>
      %ne3A_2699 = arith.cmpi ne, %and3A_2696, %ne3A_2698 : vector<16xi32>
      %select_n3A_2700 = arith.select %ne3A_2681, %broadcast_in_dim3A_1538, %broadcast_in_dim3A : vector<16xi1>, vector<16xf32>
      %select_n3A_2701 = arith.select %ne3A_2681, %broadcast_in_dim3A_1544, %broadcast_in_dim3A_1541 : vector<16xi1>, vector<16xf32>
      %select_n3A_2702 = arith.select %ne3A_2681, %broadcast_in_dim3A_1550, %broadcast_in_dim3A_1547 : vector<16xi1>, vector<16xf32>
      %select_n3A_2703 = arith.select %ne3A_2681, %broadcast_in_dim3A_1556, %broadcast_in_dim3A_1553 : vector<16xi1>, vector<16xf32>
      %select_n3A_2704 = arith.select %ne3A_2681, %broadcast_in_dim3A_1562, %broadcast_in_dim3A_1559 : vector<16xi1>, vector<16xf32>
      %select_n3A_2705 = arith.select %ne3A_2687, %select_n3A_2701, %select_n3A_2700 : vector<16xi1>, vector<16xf32>
      %select_n3A_2706 = arith.select %ne3A_2687, %select_n3A_2703, %select_n3A_2702 : vector<16xi1>, vector<16xf32>
      %select_n3A_2707 = arith.select %ne3A_2693, %select_n3A_2706, %select_n3A_2705 : vector<16xi1>, vector<16xf32>
      %select_n3A_2708 = arith.select %ne3A_2699, %select_n3A_2704, %select_n3A_2707 : vector<16xi1>, vector<16xf32>
      %swap3A_2709 = arith.index_cast %add3A_2167 : i32 to index
      %swap3A_2710 = arith.constant 184 : index
      %swap3A_2711 = tpu.vector_load %arg10[%swap3A_2709, %swap3A_2710] {strides = array<i32>} : memref<64x200xf32, #tpu.memory_space<vmem>>, vector<1x16xf32>,
      %swap3A_2712 = vector.shape_cast %swap3A_2711 : vector<1x16xf32> to vector<16xf32>
      %swap3A_2713 = vector.shape_cast %select_n3A_2708 : vector<16xf32> to vector<1x16xf32>
      tpu.vector_store %arg10[%swap3A_2709, %swap3A_2710], %swap3A_2713 {strides = array<i32>} : memref<64x200xf32, #tpu.memory_space<vmem>>, vector<1x16xf32>,
    }
    %scan3A_1602 = arith.constant 32 : i32
    %add3A_1603 = arith.constant 64 : i32
    %add3A_1604 = arith.addi %mul3A_1567, %add3A_1603 : i32
    %dma_start3A_1605 = arith.constant 0 : i32
    %dma_start3A_1606 = tpu.memref_slice %arg6[%add3A_1604, %dma_start3A_1605] : memref<4096x200xf32, #tpu.memory_space<hbm>> -> memref<64x200xf32, #tpu.memory_space<hbm>>
    %dma_start3A_1607 = arith.constant 0 : i32
    %dma_start3A_1608 = tpu.memref_slice %arg6[%add3A_1604, %dma_start3A_1607] : memref<4096x200xf32, #tpu.memory_space<hbm>> -> memref<64x200xf32, #tpu.memory_space<hbm>>
    tpu.enqueue_dma source(%arg10 : memref<64x200xf32, #tpu.memory_space<vmem>>) target(%dma_start3A_1608 : memref<64x200xf32, #tpu.memory_space<hbm>>) target_semaphore(%arg17 : memref<!tpu.dma_semaphore, #tpu.memory_space<semaphore_mem>>)
    %dma_wait3A_1609 = arith.constant 0 : i32
    %dma_wait3A_1610 = tpu.memref_slice %arg6[%add3A_1588, %dma_wait3A_1609] : memref<4096x200xf32, #tpu.memory_space<hbm>> -> memref<64x200xf32, #tpu.memory_space<hbm>>
    %dma_wait3A_1611 = arith.constant 0 : i32
    %dma_wait3A_1612 = tpu.memref_slice %arg6[%add3A_1588, %dma_wait3A_1611] : memref<4096x200xf32, #tpu.memory_space<hbm>> -> memref<64x200xf32, #tpu.memory_space<hbm>>
    tpu.wait_dma2 semaphore(%arg16 : memref<!tpu.dma_semaphore, #tpu.memory_space<semaphore_mem>>) src(%arg9 : memref<64x200xf32, #tpu.memory_space<vmem>>) dst(%dma_wait3A_1612 : memref<64x200xf32, #tpu.memory_space<hbm>>)
    %dma_wait3A_1613 = arith.constant 0 : i32
    %dma_wait3A_1614 = tpu.memref_slice %arg6[%add3A_1604, %dma_wait3A_1613] : memref<4096x200xf32, #tpu.memory_space<hbm>> -> memref<64x200xf32, #tpu.memory_space<hbm>>
    %dma_wait3A_1615 = arith.constant 0 : i32
    %dma_wait3A_1616 = tpu.memref_slice %arg6[%add3A_1604, %dma_wait3A_1615] : memref<4096x200xf32, #tpu.memory_space<hbm>> -> memref<64x200xf32, #tpu.memory_space<hbm>>
    tpu.wait_dma2 semaphore(%arg17 : memref<!tpu.dma_semaphore, #tpu.memory_space<semaphore_mem>>) src(%arg10 : memref<64x200xf32, #tpu.memory_space<vmem>>) dst(%dma_wait3A_1616 : memref<64x200xf32, #tpu.memory_space<hbm>>)
    return
  }
}

module attributes {stable_mosaic.version = 14 : i64} {
  func.func @_tc_body(%arg0: i32, %arg1: memref<512x200xi32, #tpu.memory_space<vmem>>, %arg2: memref<10x128xf32, #tpu.memory_space<vmem>>, %arg3: memref<1x128xf32, #tpu.memory_space<vmem>>, %arg4: memref<1x1xf32, #tpu.memory_space<vmem>>, %arg5: memref<512x200xf32, #tpu.memory_space<vmem>>) attributes {dimension_semantics = [#tpu.dimension_semantics<arbitrary>], iteration_bounds = array<i64: 24>, scalar_prefetch = 0 : i64, scratch_operands = 0 : i64, tpu.core_type = #tpu.core_type<tc>, window_params = [{transform_indices = @transform_0, window_bounds = array<i64: 512, 200>}, {pipeline_mode = #tpu.pipeline_mode<synchronous>, transform_indices = @transform_1, window_bounds = array<i64: 10, 128>}, {pipeline_mode = #tpu.pipeline_mode<synchronous>, transform_indices = @transform_2, window_bounds = array<i64: 1, 128>}, {pipeline_mode = #tpu.pipeline_mode<synchronous>, transform_indices = @transform_3, window_bounds = array<i64: 1, 1>}, {transform_indices = @transform_4, window_bounds = array<i64: 512, 200>}]} {
    %get3A = arith.constant 0 : index
    %get3A_0 = arith.constant 0 : index
    %get3A_1 = vector.load %arg2[%get3A, %get3A_0] : memref<10x128xf32, #tpu.memory_space<vmem>>, vector<10x128xf32>
    %get3A_2 = arith.constant 0 : index
    %get3A_3 = arith.constant 0 : index
    %get3A_4 = vector.load %arg3[%get3A_2, %get3A_3] : memref<1x128xf32, #tpu.memory_space<vmem>>, vector<1x128xf32>
    %mul3A = vector.broadcast %get3A_4 : vector<1x128xf32> to vector<10x128xf32>
    %mul3A_5 = arith.mulf %get3A_1, %mul3A : vector<10x128xf32>
    %reduce_sum3A = arith.constant dense<0.000000e+00> : vector<10xf32>
    %reduce_sum3A_6 = vector.multi_reduction <add>, %mul3A_5, %reduce_sum3A [1] : vector<10x128xf32> to vector<10xf32>
    %get3A_7 = arith.constant 0 : index
    %get3A_8 = arith.constant 0 : index
    %get3A_9 = vector.load %arg4[%get3A_7, %get3A_8] : memref<1x1xf32, #tpu.memory_space<vmem>>, vector<1x1xf32>
    %get3A_10 = vector.extract %get3A_9[0, 0] : f32 from vector<1x1xf32>
    %add3A = vector.broadcast %get3A_10 : f32 to vector<10xf32>
    %add3A_11 = arith.addf %reduce_sum3A_6, %add3A : vector<10xf32>
    %slice3A = vector.extract_strided_slice %add3A_11 {offsets = [0], sizes = [1], strides = [1]} : vector<10xf32> to vector<1xf32>
    %squeeze3A = vector.extract %slice3A[0] : f32 from vector<1xf32>
    %slice3A_12 = vector.extract_strided_slice %add3A_11 {offsets = [1], sizes = [1], strides = [1]} : vector<10xf32> to vector<1xf32>
    %squeeze3A_13 = vector.extract %slice3A_12[0] : f32 from vector<1xf32>
    %slice3A_14 = vector.extract_strided_slice %add3A_11 {offsets = [2], sizes = [1], strides = [1]} : vector<10xf32> to vector<1xf32>
    %squeeze3A_15 = vector.extract %slice3A_14[0] : f32 from vector<1xf32>
    %slice3A_16 = vector.extract_strided_slice %add3A_11 {offsets = [3], sizes = [1], strides = [1]} : vector<10xf32> to vector<1xf32>
    %squeeze3A_17 = vector.extract %slice3A_16[0] : f32 from vector<1xf32>
    %slice3A_18 = vector.extract_strided_slice %add3A_11 {offsets = [4], sizes = [1], strides = [1]} : vector<10xf32> to vector<1xf32>
    %squeeze3A_19 = vector.extract %slice3A_18[0] : f32 from vector<1xf32>
    %slice3A_20 = vector.extract_strided_slice %add3A_11 {offsets = [5], sizes = [1], strides = [1]} : vector<10xf32> to vector<1xf32>
    %squeeze3A_21 = vector.extract %slice3A_20[0] : f32 from vector<1xf32>
    %slice3A_22 = vector.extract_strided_slice %add3A_11 {offsets = [6], sizes = [1], strides = [1]} : vector<10xf32> to vector<1xf32>
    %squeeze3A_23 = vector.extract %slice3A_22[0] : f32 from vector<1xf32>
    %slice3A_24 = vector.extract_strided_slice %add3A_11 {offsets = [7], sizes = [1], strides = [1]} : vector<10xf32> to vector<1xf32>
    %squeeze3A_25 = vector.extract %slice3A_24[0] : f32 from vector<1xf32>
    %slice3A_26 = vector.extract_strided_slice %add3A_11 {offsets = [8], sizes = [1], strides = [1]} : vector<10xf32> to vector<1xf32>
    %squeeze3A_27 = vector.extract %slice3A_26[0] : f32 from vector<1xf32>
    %slice3A_28 = vector.extract_strided_slice %add3A_11 {offsets = [9], sizes = [1], strides = [1]} : vector<10xf32> to vector<1xf32>
    %squeeze3A_29 = vector.extract %slice3A_28[0] : f32 from vector<1xf32>
    %get3A_30 = arith.constant 0 : index
    %get3A_31 = arith.constant 0 : index
    %get3A_32 = vector.load %arg1[%get3A_30, %get3A_31] : memref<512x200xi32, #tpu.memory_space<vmem>>, vector<512x200xi32>
    %and3A = arith.constant 1 : i32
    %and3A_33 = vector.broadcast %and3A : i32 to vector<512x200xi32>
    %and3A_34 = arith.andi %get3A_32, %and3A_33 : vector<512x200xi32>
    %ne3A = arith.constant 0 : i32
    %ne3A_35 = vector.broadcast %ne3A : i32 to vector<512x200xi32>
    %ne3A_36 = arith.cmpi ne, %and3A_34, %ne3A_35 : vector<512x200xi32>
    %and3A_37 = arith.constant 2 : i32
    %and3A_38 = vector.broadcast %and3A_37 : i32 to vector<512x200xi32>
    %and3A_39 = arith.andi %get3A_32, %and3A_38 : vector<512x200xi32>
    %ne3A_40 = arith.constant 0 : i32
    %ne3A_41 = vector.broadcast %ne3A_40 : i32 to vector<512x200xi32>
    %ne3A_42 = arith.cmpi ne, %and3A_39, %ne3A_41 : vector<512x200xi32>
    %and3A_43 = arith.constant 4 : i32
    %and3A_44 = vector.broadcast %and3A_43 : i32 to vector<512x200xi32>
    %and3A_45 = arith.andi %get3A_32, %and3A_44 : vector<512x200xi32>
    %ne3A_46 = arith.constant 0 : i32
    %ne3A_47 = vector.broadcast %ne3A_46 : i32 to vector<512x200xi32>
    %ne3A_48 = arith.cmpi ne, %and3A_45, %ne3A_47 : vector<512x200xi32>
    %and3A_49 = arith.constant 8 : i32
    %and3A_50 = vector.broadcast %and3A_49 : i32 to vector<512x200xi32>
    %and3A_51 = arith.andi %get3A_32, %and3A_50 : vector<512x200xi32>
    %ne3A_52 = arith.constant 0 : i32
    %ne3A_53 = vector.broadcast %ne3A_52 : i32 to vector<512x200xi32>
    %ne3A_54 = arith.cmpi ne, %and3A_51, %ne3A_53 : vector<512x200xi32>
    %broadcast_in_dim3A = vector.broadcast %squeeze3A_13 : f32 to vector<512x200xf32>
    %broadcast_in_dim3A_55 = vector.broadcast %squeeze3A : f32 to vector<512x200xf32>
    %select_n3A = arith.select %ne3A_36, %broadcast_in_dim3A, %broadcast_in_dim3A_55 : vector<512x200xi1>, vector<512x200xf32>
    %broadcast_in_dim3A_56 = vector.broadcast %squeeze3A_17 : f32 to vector<512x200xf32>
    %broadcast_in_dim3A_57 = vector.broadcast %squeeze3A_15 : f32 to vector<512x200xf32>
    %select_n3A_58 = arith.select %ne3A_36, %broadcast_in_dim3A_56, %broadcast_in_dim3A_57 : vector<512x200xi1>, vector<512x200xf32>
    %broadcast_in_dim3A_59 = vector.broadcast %squeeze3A_21 : f32 to vector<512x200xf32>
    %broadcast_in_dim3A_60 = vector.broadcast %squeeze3A_19 : f32 to vector<512x200xf32>
    %select_n3A_61 = arith.select %ne3A_36, %broadcast_in_dim3A_59, %broadcast_in_dim3A_60 : vector<512x200xi1>, vector<512x200xf32>
    %broadcast_in_dim3A_62 = vector.broadcast %squeeze3A_25 : f32 to vector<512x200xf32>
    %broadcast_in_dim3A_63 = vector.broadcast %squeeze3A_23 : f32 to vector<512x200xf32>
    %select_n3A_64 = arith.select %ne3A_36, %broadcast_in_dim3A_62, %broadcast_in_dim3A_63 : vector<512x200xi1>, vector<512x200xf32>
    %broadcast_in_dim3A_65 = vector.broadcast %squeeze3A_29 : f32 to vector<512x200xf32>
    %broadcast_in_dim3A_66 = vector.broadcast %squeeze3A_27 : f32 to vector<512x200xf32>
    %select_n3A_67 = arith.select %ne3A_36, %broadcast_in_dim3A_65, %broadcast_in_dim3A_66 : vector<512x200xi1>, vector<512x200xf32>
    %select_n3A_68 = arith.select %ne3A_42, %select_n3A_58, %select_n3A : vector<512x200xi1>, vector<512x200xf32>
    %select_n3A_69 = arith.select %ne3A_42, %select_n3A_64, %select_n3A_61 : vector<512x200xi1>, vector<512x200xf32>
    %select_n3A_70 = arith.select %ne3A_48, %select_n3A_69, %select_n3A_68 : vector<512x200xi1>, vector<512x200xf32>
    %select_n3A_71 = arith.select %ne3A_54, %select_n3A_67, %select_n3A_70 : vector<512x200xi1>, vector<512x200xf32>
    %swap3A = arith.constant 0 : index
    %swap3A_72 = arith.constant 0 : index
    %swap3A_73 = vector.load %arg5[%swap3A, %swap3A_72] : memref<512x200xf32, #tpu.memory_space<vmem>>, vector<512x200xf32>
    tpu.vector_store %arg5[%swap3A, %swap3A_72], %select_n3A_71 {strides = array<i32>} : memref<512x200xf32, #tpu.memory_space<vmem>>, vector<512x200xf32>,
    return
  }
  func.func @transform_0(%arg0: i32) -> (i32, i32) {
    %add3A = arith.constant 8 : i32
    %add3A_0 = arith.addi %arg0, %add3A : i32
    %c0_i32 = arith.constant 0 : i32
    %c0_i32_1 = arith.constant 0 : i32
    return %add3A_0, %c0_i32 : i32, i32
  }
  func.func @transform_1(%arg0: i32) -> (i32, i32) {
    %c0_i32 = arith.constant 0 : i32
    %c0_i32_0 = arith.constant 0 : i32
    %c0_i32_1 = arith.constant 0 : i32
    return %c0_i32, %c0_i32_0 : i32, i32
  }
  func.func @transform_2(%arg0: i32) -> (i32, i32) {
    %c0_i32 = arith.constant 0 : i32
    %c0_i32_0 = arith.constant 0 : i32
    %c0_i32_1 = arith.constant 0 : i32
    return %c0_i32, %c0_i32_0 : i32, i32
  }
  func.func @transform_3(%arg0: i32) -> (i32, i32) {
    %c0_i32 = arith.constant 0 : i32
    %c0_i32_0 = arith.constant 0 : i32
    %c0_i32_1 = arith.constant 0 : i32
    return %c0_i32, %c0_i32_0 : i32, i32
  }
  func.func @transform_4(%arg0: i32) -> (i32, i32) {
    %add3A = arith.constant 8 : i32
    %add3A_0 = arith.addi %arg0, %add3A : i32
    %c0_i32 = arith.constant 0 : i32
    %c0_i32_1 = arith.constant 0 : i32
    return %add3A_0, %c0_i32 : i32, i32
  }
}

</mosaic_0001>

<sc_bundles>
// kernel: kernel.4.cloned.1.call-start
scs
__scs_entry_jumppad:
0x0: {  	(pc) =	sbr.rel $0x88, $3  }
0x1: {  	(tag) =	ssettag $0x0;
	lr =	simm.s32 $0x1  }
0x2: {  	[smem:$0x3F9D] =	sst lr;
	_ =	strace $0xD0000000  }
0x3: {  	_ = 	snop  }
0x4: {  	_ = 	snop  }
0x5: {  	_ = 	snop  }
0x6: {  	_ = 	snop  }
0x7: {  	_ = 	snop  }
__scs_overlays_trampoline_lowered:
0x8: {  	[smem:$0x3FAC] =	sst s0  }
0x9: {  	[smem:$0x3FAD] =	sst s1  }
0xa: {  	[smem:$0x3FAE] =	sst s2  }
0xb: {  	[smem:$0x3FAF] =	sst s3  }
0xc: {  	[smem:$0x3FB0] =	sst s4  }
0xd: {  	[smem:$0x3FB1] =	sst s5  }
0xe: {  	[smem:$0x3FB2] =	sst s6  }
0xf: {  	[smem:$0x3FB3] =	sst s7  }
0x10: {  	[smem:$0x3FB4] =	sst s8  }
0x11: {  	[smem:$0x3FB5] =	sst s9;
	s0 =	simm.s32 @!p0 $0x0  }
0x12: {  	s1 =	sld [smem:$0x3F9B];
	s0 =	simm.s32 @p0 $0x1  }
0x13: {  	[smem:$0x3FB6] =	sst s0;
	s0 =	simm.s32 @!p1 $0x0  }
0x14: {  	s2 =	sld [smem:$0x3F9A];
	s0 =	simm.s32 @p1 $0x1  }
0x15: {  	[smem:$0x3FB7] =	sst s0;
	s0 =	simm.s32 @!p2 $0x0  }
0x16: {  	s3 =	sld [smem:$0x3FDB];
	s0 =	simm.s32 @p2 $0x1  }
0x17: {  	s4 =	simm.s32 $0x1BF5;
	[smem:$0x3FB9] =	sst s0  }
0x18: {  	s0 =	sld [smem:$0x3F9C];
	_ =	swait.ge [sflag:s4], $0x0  }
0x19: {  	s7 =	sld [smem:$0x3F9D]  }
0x1a: {  	s8 =	sadd.s32 $0xFFFFE003, lr  }
0x1b: {  	s9 =	sadd.s32 $0xFFFFFEF7, lr;
	s5 =	simm.s32 $0xFFFFFFFF;
	p2 =	slt.u32 s8, $0xFFFFF086  }
0x1c: {  	p1 =	slt.u32 s9, $0xF7A;
	s5 =	simm.s32 @!p2 $0x0  }
0x1d: {  	s5 =	simm.s32 @p1 $0x1;
	p0 =	seq.s32 s7, s2  }
0x1e: {  	s7 =	smul.u32 @!p0 $0xF7A, s2;
	p2 =	seq.s32 @!p0 s5, $0x0  }
0x1f: {  	s9 =	smul.u32 $0xF7A, s1;
	s8 =	simm.s32 @!p0 $0x1BF5;
	p2 =	por !p2, p0  }
0x20: {  	[sflag:s8] =	ssyncset.s32 @!p0 $0xFFFFF086;
	s6 =	sadd.s32 @!p0 s3, s7;
	s7 =	simm.s32 @!p0 $0x108  }
0x21: {  	s3 =	sadd.s32 s3, s9;
	s6 =	sadd.s32 @!p0 $0x88, s6;
	s7 =	simm.s32 @p2 $0x1082  }
0x22: {  	[simem:s7], [sflag:s8] =	dma.local @!p0 [hbm:s6], $0xF7A  }
0x23: {  	s9 =	sor.u32 $0xD0000000, s2;
	s6 =	simm.s32 $0x108;
	_ =	swait.ge @!p0 [sflag:s8], $0x0  }
0x24: {  	s3 =	sadd.s32 $0x88, s3;
	s6 =	simm.s32 @!p1 $0x1082;
	[sflag:s4] =	ssyncset.s32 $0xFFFFF086  }
0x25: {  	[simem:s6], [sflag:s4] =	dma.local [hbm:s3], $0xF7A  }
0x26: {  	[smem:$0x3F9D] =	sst s1;
	(tag) =	ssettag s2;
	_ =	strace s9  }
0x27: {  	s1 =	sld [smem:$0x3FAD]  }
0x28: {  	s2 =	sld [smem:$0x3FAE]  }
0x29: {  	s4 =	sld [smem:$0x3FB0]  }
0x2a: {  	p0 =	seq.s32 s5, $0x0;
	s5 =	sld [smem:$0x3FB1]  }
0x2b: {  	s6 =	sld [smem:$0x3FB2]  }
0x2c: {  	s7 =	sld [smem:$0x3FB3]  }
0x2d: {  	s3 =	simm.s32 $0x108;
	s8 =	sld [smem:$0x3FB4]  }
0x2e: {  	s3 =	simm.s32 @!p0 $0x1082;
	s9 =	sld [smem:$0x3FB5]  }
0x2f: {  	lr =	sadd.s32 s0, s3;
	s0 =	sld [smem:$0x3FAC]  }
0x30: {  	s3 =	sld [smem:$0x3FAF]  }
0x31: {  	[smem:$0x3FB8] =	sst s10  }
0x32: {  	s10 =	sld [smem:$0x3FB6];
	_ =	sdelay $0x3  }
0x33: {  	p0 =	seq.s32 s10, $0x1;
	s10 =	sld [smem:$0x3FB8];
	_ =	sdelay $0x3  }
0x34: {  	[smem:$0x3FB8] =	sst s10  }
0x35: {  	s10 =	sld [smem:$0x3FB7];
	_ =	sdelay $0x3  }
0x36: {  	p1 =	seq.s32 s10, $0x1;
	s10 =	sld [smem:$0x3FB8];
	_ =	sdelay $0x3  }
0x37: {  	[smem:$0x3FB8] =	sst s10  }
0x38: {  	s10 =	sld [smem:$0x3FB9]  }
0x39: {  	_ = 	snop;
	(pc) =	sbr.ind lr, $3  }
0x3a: {  	_ = 	snop  }
0x3b: {  	_ = 	snop  }
0x3c: {  	p2 =	seq.s32 s10, $0x1;
	s10 =	sld [smem:$0x3FB8]  }
0x3d: {  	_ =	shalt  }
0x3e: {  	_ =	shalt  }
0x3f: {  	_ =	shalt  }
0x40: {  	_ =	shalt  }
0x41: {  	_ =	shalt  }
0x42: {  	_ =	shalt  }
0x43: {  	_ =	shalt  }
0x44: {  	_ =	shalt  }
0x45: {  	_ =	shalt  }
0x46: {  	_ =	shalt  }
0x47: {  	_ =	shalt  }
0x48: {  	_ =	shalt  }
0x49: {  	_ =	shalt  }
0x4a: {  	_ =	shalt  }
0x4b: {  	_ =	shalt  }
0x4c: {  	_ =	shalt  }
0x4d: {  	_ =	shalt  }
0x4e: {  	_ =	shalt  }
0x4f: {  	_ =	shalt  }
0x50: {  	_ =	shalt  }
0x51: {  	_ =	shalt  }
0x52: {  	_ =	shalt  }
0x53: {  	_ =	shalt  }
0x54: {  	_ =	shalt  }
0x55: {  	_ =	shalt  }
0x56: {  	_ =	shalt  }
0x57: {  	_ =	shalt  }
0x58: {  	_ =	shalt  }
0x59: {  	_ =	shalt  }
0x5a: {  	_ =	shalt  }
0x5b: {  	_ =	shalt  }
0x5c: {  	_ =	shalt  }
0x5d: {  	_ =	shalt  }
0x5e: {  	_ =	shalt  }
0x5f: {  	_ =	shalt  }
0x60: {  	_ =	shalt  }
0x61: {  	_ =	shalt  }
0x62: {  	_ =	shalt  }
0x63: {  	_ =	shalt  }
0x64: {  	_ =	shalt  }
0x65: {  	_ =	shalt  }
0x66: {  	_ =	shalt  }
0x67: {  	_ =	shalt  }
0x68: {  	_ =	shalt  }
0x69: {  	_ =	shalt  }
0x6a: {  	_ =	shalt  }
0x6b: {  	_ =	shalt  }
0x6c: {  	_ =	shalt  }
0x6d: {  	_ =	shalt  }
0x6e: {  	_ =	shalt  }
0x6f: {  	_ =	shalt  }
0x70: {  	_ =	shalt  }
0x71: {  	_ =	shalt  }
0x72: {  	_ =	shalt  }
0x73: {  	_ =	shalt  }
0x74: {  	_ =	shalt  }
0x75: {  	_ =	shalt  }
0x76: {  	_ =	shalt  }
0x77: {  	_ =	shalt  }
0x78: {  	_ =	shalt  }
0x79: {  	_ =	shalt  }
0x7a: {  	_ =	shalt  }
0x7b: {  	_ =	shalt  }
0x7c: {  	_ =	shalt  }
0x7d: {  	_ =	shalt  }
0x7e: {  	_ =	shalt  }
0x7f: {  	_ =	shalt  }
0x80: {  	_ =	shalt  }
0x81: {  	_ =	shalt  }
0x82: {  	_ =	shalt  }
0x83: {  	_ =	shalt  }
0x84: {  	_ =	shalt  }
0x85: {  	_ =	shalt  }
0x86: {  	_ =	shalt  }
0x87: {  	_ =	shalt  }
.Lfunc_end0:
.L_simem_size_0:
called_computation_lowered:
.L_overlay_start_0:
0x88: {  	s2 =	sld [smem:$0x3FD9]  }
0x89: {  	s3 =	sld [smem:$0x3FFE];
	_ =	sdelay $0x1  }
0x8a: {  	s1 =	srdreg.scid  }
0x8b: {  	s0 =	sand.u32 $0x1, s1  }
0x8c: {  	s17 =	sshll.u32 s0, $0xA;
	s2 =	sadd.s32 s3, s2  }
0x8d: {  	s2 =	sadd.s32 s2, s17  }
0x8e: {  	[smem:$0x3FC4] =	sst s2  }
0x8f: {  	_ = 	snop  }
0x90: {  	s2 =	sld [smem:$0x3FD0];
	(tm) =	ssettm $0x1  }
0x91: {  	s18 =	sld [smem:$0x3FFB];
	_ =	sdelay $0x3  }
0x92: {  	_ =	strace s18  }
0x93: {  	s3 =	sld [smem:$0x3FFC];
	_ =	sdelay $0x3  }
0x94: {  	_ =	strace s3  }
0x95: {  	s3 =	sld [smem:$0x3FFD];
	_ =	sdelay $0x3  }
0x96: {  	_ =	strace s3  }
0x97: {  	_ =	strace $0x8FFFFFFF  }
0x98: {  	s19 =	sld [smem:$0x3FDB];
	_ =	sdelay $0x1  }
0x99: {  	s4 =	simm.s32 $_scs_section_size  }
0x9a: {  	s5 =	simm.s32 $_size__tile_overlayer_lowered;
	s6 =	simm.s32 $_tile_overlayer_lowered  }
0x9b: {  	s22 =	simm.s32 $0x1BFF;
	s21 =	sshll.u32 s6, $0x1;
	s3 =	sadd.s32 s4, s19  }
0x9c: {  	s7 =	simm.s32 $0x0;
	s20 =	sshll.u32 s5, $0x1;
	s5 =	sadd.s32 s21, s3  }
0x9d: {  	[timem:s7], [sflag:s22] =	dma.local [hbm:s5], s20  }
0x9e: {  	_ =	swait.ge [sflag:s22], s20  }
0x9f: {  	s4 =	ssub.s32 $0x0, s20;
	[sflag:s22] =	ssyncset.done $0x0  }
0xa0: {  	[sflag:s22] =	ssyncadd.s32 s4;
	_ =	sdelay $0x1  }
0xa1: {  	s23 =	simm.s32 $0x1B8B  }
0xa2: {  	_ =	swait.ge [sflag:s23], $0x1  }
0xa3: {  	[sflag:s23] =	ssyncset.done $0x0  }
0xa4: {  	s25 =	simm.s32 $0x1B8E;
	s24 =	sld [smem:$0x3FFE];
	[sflag:s23] =	ssyncadd.s32 $0xFFFFFFFF  }
0xa5: {  	s26 =	simm.s32 $execute0_lowered;
	[smem:$0x3FD2] =	sst s25  }
0xa6: {  	s5 =	sshll.u32 s26, $0x1;
	_ =	strace $0x80000046;
	[dreg:$0x1] =	wrdreg $0xFFFFFFFF  }
0xa7: {  	s28 =	simm.s32 $_size_execute0_lowered;
	s3 =	sadd.s32 s3, s5;
	[dreg:$0x0] =	wrdreg $0x0  }
0xa8: {  	s5 =	sshll.u32 s28, $0x1;
	[dreg:$0x2] =	wrdreg s3  }
0xa9: {  	[dreg:$0x3] =	wrdreg s5  }
0xaa: {  	[dreg:$0x4] =	wrdreg $0xC0  }
0xab: {  	_ =	task [dreg:s7], $0x5FFFF  }
0xac: {  	[dreg:$0x1] =	wrdreg $0xFFFFFFFF  }
0xad: {  	[dreg:$0x0] =	wrdreg $0x60  }
0xae: {  	[dreg:$0x2] =	wrdreg s24  }
0xaf: {  	[dreg:$0x3] =	wrdreg s2  }
0xb0: {  	[dreg:$0x4] =	wrdreg $0x9  }
0xb1: {  	_ =	task.clear_ibuf [dreg:s7], $0x5FFFF;
	_ =	strace $0x90000046  }
0xb2: {  	s29 =	simm.s32 $0x9;
	_ =	strace $0x80000048  }
0xb3: {  	_ =	swait.ge [sflag:s29], $0x1  }
0xb4: {  	[sflag:s29] =	ssyncadd.s32 $0xFFFFFFFF  }
0xb5: {  	_ =	strace $0x90000048  }
0xb6: {  	_ =	sfence  }
0xb7: {  	s30 =	sld [smem:$0x0];
	_ =	sdelay $0x2  }
0xb8: {  	s31 =	sshll.u32 s1, $0xD;
	s1 =	sshrl.u32 s1, $0x2  }
0xb9: {  	s3 =	sand.u32 $0x4000, s31;
	s1 =	sadd.s32 s1, s30  }
0xba: {  	s0 =	sor.u32 s3, s0;
	s1 =	sshll.u32 s1, $0x11  }
0xbb: {  	s0 =	sor.u32 s1, s0  }
0xbc: {  	s0 =	sadd.s32 $0x8F2B, s0  }
0xbd: {  	[sflag:s0] =	ssyncadd.remote.s32 $0x1  }
0xbe: {  	_ =	sfence.sel $0xFFFF  }
0xbf: {  	[dreg:$0x0] =	wrdreg $0xFFFFFFFF;
	(pc) =	sbr.abs _section_cstart, $3  }
0xc0: {  	[dreg:$0x1] =	wrdreg $0xFFFFFFFF  }
0xc1: {  	_ =	task.clear_ibuf [dreg:s7], $0x2FFFF;
	_ =	strace $0x9FFFFFFF  }
0xc2: {  	(tm) =	ssettm $0x7FFFFFFF  }
0xc3: {  	_ =	shalt  }
tec
execute0_lowered:
.L_overlay_start_1:
0x0: {  	(tag) =	ssettag $0x1  }
0x1: {  	s5 =	rddreg [dreg:$0x0]  }
0x2: {  	s9 =	rddreg [dreg:$0x1]  }
0x3: {  	s0 =	rddreg [dreg:$0x2];
	s1 =	simm.s32 $0x0  }
0x4: {  	s3 =	srdreg.scid;
	s2 =	stileid.u32;
	s12 =	simm.s32 $0x5  }
0x5: {  	s13 =	simm.s32 $0x14000;
	s14 =	simm.s32 $0x18000;
	s15 =	simm.s32 $0x1  }
0x6: {  	s16 =	simm.s32 $0x4000;
	s17 =	simm.s32 $0x8000;
	s18 =	simm.s32 $0x2  }
0x7: {  	s19 =	simm.s32 $0xC000;
	s20 =	simm.s32 $0x3;
	s21 =	simm.s32 $0x4  }
0x8: {  	s22 =	simm.s32 $0x0;
	[smem:$0x7FF] =	sst s1;
	s7 =	sadd.s32 $0xA00, s5  }
0x9: {  	s6 =	sand.u32 $0x1, s3;
	s3 =	sadd.s32 $0x80A00, s5;
	s8 =	sshll.u32 s2, $0xD  }
0xa: {  	s4 =	sadd.s32 $0x81400, s5;
	s10 =	sshll.u32 s6, $0xC;
	s6 =	ssub.s32 $0x2, s6  }
0xb: {  	s5 =	sadd.s32 $0x81200, s5;
	s8 =	sor.u32 s10, s8;
	s31 =	sshrl.u32 s6, $0x1  }
0xc: {  	_ =	strace $0x80000047;
	s11 =	sor.u32 $0x800, s8;
	s10 =	ssub.s32 s6, s31  }
0xd: {  	s6 =	sadd.s32 s7, s8;
	s8 =	sadd.s32 s9, s8;
	s7 =	sadd.s32 s7, s11  }
0xe: {  	s9 =	sadd.s32 s9, s11;
	s10 =	smax.u32 s10, $0x1;
	s11 =	simm.s32 $0x10000  }
.LBB2_1:
0xf: {  	[tilespmem:s11], [sflag:$0x5] =	stream.linear.gather [hbm4b:s3+s1], $0x4000, $0x38;
	[tilespmem:$0x18080] =	vst v63  }
0x10: {  	_ =	swait.ge [sflag:s12], $0x4000  }
0x11: {  	[sflag:s12] =	ssyncset.done $0x0  }
0x12: {  	[sflag:s12] =	ssyncadd.s32 $0xFFFFC000  }
0x13: {  	[tilespmem:s13], [sflag:$0x5] =	stream.linear.gather [hbm4b:s4+s1], $0x4000, $0x38;
	[tilespmem:$0x18080] =	vst v63  }
0x14: {  	_ =	swait.ge [sflag:s12], $0x4000  }
0x15: {  	[sflag:s12] =	ssyncset.done $0x0  }
0x16: {  	[sflag:s12] =	ssyncadd.s32 $0xFFFFC000  }
0x17: {  	[tilespmem:s14], [sflag:$0x5] =	stream.linear.gather [hbm4b:s5+s1], $0x80, $0x38;
	[tilespmem:$0x18080] =	vst v63  }
0x18: {  	_ =	swait.ge [sflag:s12], $0x80  }
0x19: {  	[sflag:s12] =	ssyncset.done $0x0  }
0x1a: {  	[sflag:s12] =	ssyncadd.s32 $0xFFFFFF80  }
0x1b: {  	v0 =	vld [tilespmem:$0x18000]  }
0x1c: {  	v1 =	vld [tilespmem:$0x10000]  }
0x1d: {  	v2 =	vld [tilespmem:$0x14000]  }
0x1e: {  	v3 =	vld [tilespmem:$0x10080]  }
0x1f: {  	v4 =	vld [tilespmem:$0x14080]  }
0x20: {  	v5 =	vld [tilespmem:$0x10100]  }
0x21: {  	v6 =	vld [tilespmem:$0x14100]  }
0x22: {  	v7 =	vld [tilespmem:$0x14180];
	v1 =	vmul.f32 v2, v1  }
0x23: {  	v2 =	vld [tilespmem:$0x10180]  }
0x24: {  	v0 =	vadd.f32 v1, v0;
	v1 =	vmul.f32 v4, v3;
	v3 =	vld [tilespmem:$0x10200]  }
0x25: {  	v4 =	vld [tilespmem:$0x14200]  }
0x26: {  	v0 =	vadd.f32 v1, v0;
	v1 =	vmul.f32 v6, v5;
	v5 =	vld [tilespmem:$0x10280]  }
0x27: {  	v6 =	vld [tilespmem:$0x14280]  }
0x28: {  	v0 =	vadd.f32 v1, v0;
	v1 =	vmul.f32 v7, v2;
	v2 =	vld [tilespmem:$0x10300]  }
0x29: {  	v7 =	vld [tilespmem:$0x14300]  }
0x2a: {  	v0 =	vadd.f32 v1, v0;
	v1 =	vmul.f32 v4, v3;
	v3 =	vld [tilespmem:$0x10380]  }
0x2b: {  	v4 =	vld [tilespmem:$0x14380]  }
0x2c: {  	v0 =	vadd.f32 v1, v0;
	v1 =	vmul.f32 v6, v5;
	v5 =	vld [tilespmem:$0x10400]  }
0x2d: {  	v6 =	vld [tilespmem:$0x14400]  }
0x2e: {  	v0 =	vadd.f32 v1, v0;
	v1 =	vmul.f32 v7, v2;
	v2 =	vld [tilespmem:$0x10480]  }
0x2f: {  	v7 =	vld [tilespmem:$0x14480]  }
0x30: {  	v0 =	vadd.f32 v1, v0;
	v1 =	vmul.f32 v4, v3;
	v3 =	vld [tilespmem:$0x10500]  }
0x31: {  	v4 =	vld [tilespmem:$0x14500]  }
0x32: {  	v0 =	vadd.f32 v1, v0;
	v1 =	vmul.f32 v6, v5;
	v5 =	vld [tilespmem:$0x10580]  }
0x33: {  	v6 =	vld [tilespmem:$0x14580]  }
0x34: {  	v0 =	vadd.f32 v1, v0;
	v1 =	vmul.f32 v7, v2;
	v2 =	vld [tilespmem:$0x10600]  }
0x35: {  	v7 =	vld [tilespmem:$0x14600]  }
0x36: {  	v0 =	vadd.f32 v1, v0;
	v1 =	vmul.f32 v4, v3;
	v3 =	vld [tilespmem:$0x10680]  }
0x37: {  	v4 =	vld [tilespmem:$0x14680]  }
0x38: {  	v0 =	vadd.f32 v1, v0;
	v1 =	vmul.f32 v6, v5;
	v5 =	vld [tilespmem:$0x10700]  }
0x39: {  	v6 =	vld [tilespmem:$0x14700]  }
0x3a: {  	v0 =	vadd.f32 v1, v0;
	v1 =	vmul.f32 v7, v2;
	v2 =	vld [tilespmem:$0x10780]  }
0x3b: {  	v7 =	vld [tilespmem:$0x14780]  }
0x3c: {  	v0 =	vadd.f32 v1, v0;
	v1 =	vmul.f32 v4, v3;
	v3 =	vld [tilespmem:$0x10800]  }
0x3d: {  	v4 =	vld [tilespmem:$0x14800]  }
0x3e: {  	v0 =	vadd.f32 v1, v0;
	v1 =	vmul.f32 v6, v5;
	v5 =	vld [tilespmem:$0x10880]  }
0x3f: {  	v6 =	vld [tilespmem:$0x14880]  }
0x40: {  	v0 =	vadd.f32 v1, v0;
	v1 =	vmul.f32 v7, v2;
	v2 =	vld [tilespmem:$0x10900]  }
0x41: {  	v7 =	vld [tilespmem:$0x14900]  }
0x42: {  	v0 =	vadd.f32 v1, v0;
	v1 =	vmul.f32 v4, v3;
	v3 =	vld [tilespmem:$0x10980]  }
0x43: {  	v4 =	vld [tilespmem:$0x14980]  }
0x44: {  	v0 =	vadd.f32 v1, v0;
	v1 =	vmul.f32 v6, v5;
	v5 =	vld [tilespmem:$0x10A00]  }
0x45: {  	v6 =	vld [tilespmem:$0x14A00]  }
0x46: {  	v0 =	vadd.f32 v1, v0;
	v1 =	vmul.f32 v7, v2;
	v2 =	vld [tilespmem:$0x10A80]  }
0x47: {  	v7 =	vld [tilespmem:$0x14A80]  }
0x48: {  	v0 =	vadd.f32 v1, v0;
	v1 =	vmul.f32 v4, v3;
	v3 =	vld [tilespmem:$0x10B00]  }
0x49: {  	v4 =	vld [tilespmem:$0x14B00]  }
0x4a: {  	v0 =	vadd.f32 v1, v0;
	v1 =	vmul.f32 v6, v5;
	v5 =	vld [tilespmem:$0x10B80]  }
0x4b: {  	v6 =	vld [tilespmem:$0x14B80]  }
0x4c: {  	v0 =	vadd.f32 v1, v0;
	v1 =	vmul.f32 v7, v2;
	v2 =	vld [tilespmem:$0x10C00]  }
0x4d: {  	v7 =	vld [tilespmem:$0x14C00]  }
0x4e: {  	v0 =	vadd.f32 v1, v0;
	v1 =	vmul.f32 v4, v3;
	v3 =	vld [tilespmem:$0x10C80]  }
0x4f: {  	v4 =	vld [tilespmem:$0x14C80]  }
0x50: {  	v0 =	vadd.f32 v1, v0;
	v1 =	vmul.f32 v6, v5;
	v5 =	vld [tilespmem:$0x10D00]  }
0x51: {  	v6 =	vld [tilespmem:$0x14D00]  }
0x52: {  	v0 =	vadd.f32 v1, v0;
	v1 =	vmul.f32 v7, v2;
	v2 =	vld [tilespmem:$0x10D80]  }
0x53: {  	v7 =	vld [tilespmem:$0x14D80]  }
0x54: {  	v0 =	vadd.f32 v1, v0;
	v1 =	vmul.f32 v4, v3;
	v3 =	vld [tilespmem:$0x10E00]  }
0x55: {  	v4 =	vld [tilespmem:$0x14E00]  }
0x56: {  	v0 =	vadd.f32 v1, v0;
	v1 =	vmul.f32 v6, v5;
	v5 =	vld [tilespmem:$0x10E80]  }
0x57: {  	v6 =	vld [tilespmem:$0x14E80]  }
0x58: {  	v0 =	vadd.f32 v1, v0;
	v1 =	vmul.f32 v7, v2;
	v2 =	vld [tilespmem:$0x10F00]  }
0x59: {  	v7 =	vld [tilespmem:$0x14F00]  }
0x5a: {  	v0 =	vadd.f32 v1, v0;
	v1 =	vmul.f32 v4, v3;
	v3 =	vld [tilespmem:$0x10F80]  }
0x5b: {  	v4 =	vld [tilespmem:$0x14F80]  }
0x5c: {  	v0 =	vadd.f32 v1, v0;
	v1 =	vmul.f32 v6, v5;
	v5 =	vld [tilespmem:$0x11000]  }
0x5d: {  	v6 =	vld [tilespmem:$0x15000]  }
0x5e: {  	v0 =	vadd.f32 v1, v0;
	v1 =	vmul.f32 v7, v2;
	v2 =	vld [tilespmem:$0x11080]  }
0x5f: {  	v7 =	vld [tilespmem:$0x15080]  }
0x60: {  	v0 =	vadd.f32 v1, v0;
	v1 =	vmul.f32 v4, v3;
	v3 =	vld [tilespmem:$0x11100]  }
0x61: {  	v4 =	vld [tilespmem:$0x15100]  }
0x62: {  	v0 =	vadd.f32 v1, v0;
	v1 =	vmul.f32 v6, v5;
	v5 =	vld [tilespmem:$0x11180]  }
0x63: {  	v6 =	vld [tilespmem:$0x15180]  }
0x64: {  	v0 =	vadd.f32 v1, v0;
	v1 =	vmul.f32 v7, v2;
	v2 =	vld [tilespmem:$0x11200]  }
0x65: {  	v7 =	vld [tilespmem:$0x15200]  }
0x66: {  	v0 =	vadd.f32 v1, v0;
	v1 =	vmul.f32 v4, v3;
	v3 =	vld [tilespmem:$0x11280]  }
0x67: {  	v4 =	vld [tilespmem:$0x15280]  }
0x68: {  	v0 =	vadd.f32 v1, v0;
	v1 =	vmul.f32 v6, v5;
	v5 =	vld [tilespmem:$0x11300]  }
0x69: {  	v6 =	vld [tilespmem:$0x15300]  }
0x6a: {  	v0 =	vadd.f32 v1, v0;
	v1 =	vmul.f32 v7, v2;
	v2 =	vld [tilespmem:$0x11380]  }
0x6b: {  	v7 =	vld [tilespmem:$0x15380]  }
0x6c: {  	v0 =	vadd.f32 v1, v0;
	v1 =	vmul.f32 v4, v3;
	v3 =	vld [tilespmem:$0x11400]  }
0x6d: {  	v4 =	vld [tilespmem:$0x15400]  }
0x6e: {  	v0 =	vadd.f32 v1, v0;
	v1 =	vmul.f32 v6, v5;
	v5 =	vld [tilespmem:$0x11480]  }
0x6f: {  	v6 =	vld [tilespmem:$0x15480]  }
0x70: {  	v0 =	vadd.f32 v1, v0;
	v1 =	vmul.f32 v7, v2;
	v2 =	vld [tilespmem:$0x11500]  }
0x71: {  	v7 =	vld [tilespmem:$0x15500]  }
0x72: {  	v0 =	vadd.f32 v1, v0;
	v1 =	vmul.f32 v4, v3;
	v3 =	vld [tilespmem:$0x11580]  }
0x73: {  	v4 =	vld [tilespmem:$0x15580]  }
0x74: {  	v0 =	vadd.f32 v1, v0;
	v1 =	vmul.f32 v6, v5;
	v5 =	vld [tilespmem:$0x11600]  }
0x75: {  	v6 =	vld [tilespmem:$0x15600]  }
0x76: {  	v0 =	vadd.f32 v1, v0;
	v1 =	vmul.f32 v7, v2;
	v2 =	vld [tilespmem:$0x11680]  }
0x77: {  	v7 =	vld [tilespmem:$0x15680]  }
0x78: {  	v0 =	vadd.f32 v1, v0;
	v1 =	vmul.f32 v4, v3;
	v3 =	vld [tilespmem:$0x11700]  }
0x79: {  	v4 =	vld [tilespmem:$0x15700]  }
0x7a: {  	v0 =	vadd.f32 v1, v0;
	v1 =	vmul.f32 v6, v5;
	v5 =	vld [tilespmem:$0x11780]  }
0x7b: {  	v6 =	vld [tilespmem:$0x15780]  }
0x7c: {  	v0 =	vadd.f32 v1, v0;
	v1 =	vmul.f32 v7, v2;
	v2 =	vld [tilespmem:$0x11800]  }
0x7d: {  	v7 =	vld [tilespmem:$0x15800]  }
0x7e: {  	v0 =	vadd.f32 v1, v0;
	v1 =	vmul.f32 v4, v3;
	v3 =	vld [tilespmem:$0x11880]  }
0x7f: {  	v4 =	vld [tilespmem:$0x15880]  }
0x80: {  	v0 =	vadd.f32 v1, v0;
	v1 =	vmul.f32 v6, v5;
	v5 =	vld [tilespmem:$0x11900]  }
0x81: {  	v6 =	vld [tilespmem:$0x15900]  }
0x82: {  	v0 =	vadd.f32 v1, v0;
	v1 =	vmul.f32 v7, v2;
	v2 =	vld [tilespmem:$0x11980]  }
0x83: {  	v7 =	vld [tilespmem:$0x15980]  }
0x84: {  	v0 =	vadd.f32 v1, v0;
	v1 =	vmul.f32 v4, v3;
	v3 =	vld [tilespmem:$0x11A00]  }
0x85: {  	v4 =	vld [tilespmem:$0x15A00]  }
0x86: {  	v0 =	vadd.f32 v1, v0;
	v1 =	vmul.f32 v6, v5;
	v5 =	vld [tilespmem:$0x11A80]  }
0x87: {  	v6 =	vld [tilespmem:$0x15A80]  }
0x88: {  	v0 =	vadd.f32 v1, v0;
	v1 =	vmul.f32 v7, v2;
	v2 =	vld [tilespmem:$0x11B00]  }
0x89: {  	v7 =	vld [tilespmem:$0x15B00]  }
0x8a: {  	v0 =	vadd.f32 v1, v0;
	v1 =	vmul.f32 v4, v3;
	v3 =	vld [tilespmem:$0x11B80]  }
0x8b: {  	v4 =	vld [tilespmem:$0x15B80]  }
0x8c: {  	v0 =	vadd.f32 v1, v0;
	v1 =	vmul.f32 v6, v5;
	v5 =	vld [tilespmem:$0x11C00]  }
0x8d: {  	v6 =	vld [tilespmem:$0x15C00]  }
0x8e: {  	v0 =	vadd.f32 v1, v0;
	v1 =	vmul.f32 v7, v2;
	v2 =	vld [tilespmem:$0x11C80]  }
0x8f: {  	v7 =	vld [tilespmem:$0x15C80]  }
0x90: {  	v0 =	vadd.f32 v1, v0;
	v1 =	vmul.f32 v4, v3;
	v3 =	vld [tilespmem:$0x11D00]  }
0x91: {  	v4 =	vld [tilespmem:$0x15D00]  }
0x92: {  	v0 =	vadd.f32 v1, v0;
	v1 =	vmul.f32 v6, v5;
	v5 =	vld [tilespmem:$0x11D80]  }
0x93: {  	v6 =	vld [tilespmem:$0x15D80]  }
0x94: {  	v0 =	vadd.f32 v1, v0;
	v1 =	vmul.f32 v7, v2;
	v2 =	vld [tilespmem:$0x11E00]  }
0x95: {  	v7 =	vld [tilespmem:$0x15E00]  }
0x96: {  	v0 =	vadd.f32 v1, v0;
	v1 =	vmul.f32 v4, v3;
	v3 =	vld [tilespmem:$0x11E80]  }
0x97: {  	v4 =	vld [tilespmem:$0x15E80]  }
0x98: {  	v0 =	vadd.f32 v1, v0;
	v1 =	vmul.f32 v6, v5;
	v5 =	vld [tilespmem:$0x11F00]  }
0x99: {  	v6 =	vld [tilespmem:$0x15F00]  }
0x9a: {  	v0 =	vadd.f32 v1, v0;
	v1 =	vmul.f32 v7, v2;
	v2 =	vld [tilespmem:$0x11F80]  }
0x9b: {  	v7 =	vld [tilespmem:$0x15F80]  }
0x9c: {  	v0 =	vadd.f32 v1, v0;
	v1 =	vmul.f32 v4, v3;
	v3 =	vld [tilespmem:$0x12000]  }
0x9d: {  	v4 =	vld [tilespmem:$0x16000]  }
0x9e: {  	v0 =	vadd.f32 v1, v0;
	v1 =	vmul.f32 v6, v5;
	v5 =	vld [tilespmem:$0x12080]  }
0x9f: {  	v6 =	vld [tilespmem:$0x16080]  }
0xa0: {  	v0 =	vadd.f32 v1, v0;
	v1 =	vmul.f32 v7, v2;
	v2 =	vld [tilespmem:$0x12100]  }
0xa1: {  	v7 =	vld [tilespmem:$0x16100]  }
0xa2: {  	v0 =	vadd.f32 v1, v0;
	v1 =	vmul.f32 v4, v3;
	v3 =	vld [tilespmem:$0x12180]  }
0xa3: {  	v4 =	vld [tilespmem:$0x16180]  }
0xa4: {  	v0 =	vadd.f32 v1, v0;
	v1 =	vmul.f32 v6, v5;
	v5 =	vld [tilespmem:$0x12200]  }
0xa5: {  	v6 =	vld [tilespmem:$0x16200]  }
0xa6: {  	v0 =	vadd.f32 v1, v0;
	v1 =	vmul.f32 v7, v2;
	v2 =	vld [tilespmem:$0x12280]  }
0xa7: {  	v7 =	vld [tilespmem:$0x16280]  }
0xa8: {  	v0 =	vadd.f32 v1, v0;
	v1 =	vmul.f32 v4, v3;
	v3 =	vld [tilespmem:$0x12300]  }
0xa9: {  	v4 =	vld [tilespmem:$0x16300]  }
0xaa: {  	v0 =	vadd.f32 v1, v0;
	v1 =	vmul.f32 v6, v5;
	v5 =	vld [tilespmem:$0x12380]  }
0xab: {  	v6 =	vld [tilespmem:$0x16380]  }
0xac: {  	v0 =	vadd.f32 v1, v0;
	v1 =	vmul.f32 v7, v2;
	v2 =	vld [tilespmem:$0x12400]  }
0xad: {  	v7 =	vld [tilespmem:$0x16400]  }
0xae: {  	v0 =	vadd.f32 v1, v0;
	v1 =	vmul.f32 v4, v3;
	v3 =	vld [tilespmem:$0x12480]  }
0xaf: {  	v4 =	vld [tilespmem:$0x16480]  }
0xb0: {  	v0 =	vadd.f32 v1, v0;
	v1 =	vmul.f32 v6, v5;
	v5 =	vld [tilespmem:$0x12500]  }
0xb1: {  	v6 =	vld [tilespmem:$0x16500]  }
0xb2: {  	v0 =	vadd.f32 v1, v0;
	v1 =	vmul.f32 v7, v2;
	v2 =	vld [tilespmem:$0x12580]  }
0xb3: {  	v7 =	vld [tilespmem:$0x16580]  }
0xb4: {  	v0 =	vadd.f32 v1, v0;
	v1 =	vmul.f32 v4, v3;
	v3 =	vld [tilespmem:$0x12600]  }
0xb5: {  	v4 =	vld [tilespmem:$0x16600]  }
0xb6: {  	v0 =	vadd.f32 v1, v0;
	v1 =	vmul.f32 v6, v5;
	v5 =	vld [tilespmem:$0x12680]  }
0xb7: {  	v6 =	vld [tilespmem:$0x16680]  }
0xb8: {  	v0 =	vadd.f32 v1, v0;
	v1 =	vmul.f32 v7, v2;
	v2 =	vld [tilespmem:$0x12700]  }
0xb9: {  	v7 =	vld [tilespmem:$0x16700]  }
0xba: {  	v0 =	vadd.f32 v1, v0;
	v1 =	vmul.f32 v4, v3;
	v3 =	vld [tilespmem:$0x12780]  }
0xbb: {  	v4 =	vld [tilespmem:$0x16780]  }
0xbc: {  	v0 =	vadd.f32 v1, v0;
	v1 =	vmul.f32 v6, v5;
	v5 =	vld [tilespmem:$0x12800]  }
0xbd: {  	v6 =	vld [tilespmem:$0x16800]  }
0xbe: {  	v0 =	vadd.f32 v1, v0;
	v1 =	vmul.f32 v7, v2;
	v2 =	vld [tilespmem:$0x12880]  }
0xbf: {  	v7 =	vld [tilespmem:$0x16880]  }
0xc0: {  	v0 =	vadd.f32 v1, v0;
	v1 =	vmul.f32 v4, v3;
	v3 =	vld [tilespmem:$0x12900]  }
0xc1: {  	v4 =	vld [tilespmem:$0x16900]  }
0xc2: {  	v0 =	vadd.f32 v1, v0;
	v1 =	vmul.f32 v6, v5;
	v5 =	vld [tilespmem:$0x12980]  }
0xc3: {  	v6 =	vld [tilespmem:$0x16980]  }
0xc4: {  	v0 =	vadd.f32 v1, v0;
	v1 =	vmul.f32 v7, v2;
	v2 =	vld [tilespmem:$0x12A00]  }
0xc5: {  	v7 =	vld [tilespmem:$0x16A00]  }
0xc6: {  	v0 =	vadd.f32 v1, v0;
	v1 =	vmul.f32 v4, v3;
	v3 =	vld [tilespmem:$0x12A80]  }
0xc7: {  	v4 =	vld [tilespmem:$0x16A80]  }
0xc8: {  	v0 =	vadd.f32 v1, v0;
	v1 =	vmul.f32 v6, v5;
	v5 =	vld [tilespmem:$0x12B00]  }
0xc9: {  	v6 =	vld [tilespmem:$0x16B00]  }
0xca: {  	v0 =	vadd.f32 v1, v0;
	v1 =	vmul.f32 v7, v2;
	v2 =	vld [tilespmem:$0x12B80]  }
0xcb: {  	v7 =	vld [tilespmem:$0x16B80]  }
0xcc: {  	v0 =	vadd.f32 v1, v0;
	v1 =	vmul.f32 v4, v3;
	v3 =	vld [tilespmem:$0x12C00]  }
0xcd: {  	v4 =	vld [tilespmem:$0x16C00]  }
0xce: {  	v0 =	vadd.f32 v1, v0;
	v1 =	vmul.f32 v6, v5;
	v5 =	vld [tilespmem:$0x12C80]  }
0xcf: {  	v6 =	vld [tilespmem:$0x16C80]  }
0xd0: {  	v0 =	vadd.f32 v1, v0;
	v1 =	vmul.f32 v7, v2;
	v2 =	vld [tilespmem:$0x12D00]  }
0xd1: {  	v7 =	vld [tilespmem:$0x16D00]  }
0xd2: {  	v0 =	vadd.f32 v1, v0;
	v1 =	vmul.f32 v4, v3;
	v3 =	vld [tilespmem:$0x12D80]  }
0xd3: {  	v4 =	vld [tilespmem:$0x16D80]  }
0xd4: {  	v0 =	vadd.f32 v1, v0;
	v1 =	vmul.f32 v6, v5;
	v5 =	vld [tilespmem:$0x12E00]  }
0xd5: {  	v6 =	vld [tilespmem:$0x16E00]  }
0xd6: {  	v0 =	vadd.f32 v1, v0;
	v1 =	vmul.f32 v7, v2;
	v2 =	vld [tilespmem:$0x12E80]  }
0xd7: {  	v7 =	vld [tilespmem:$0x16E80]  }
0xd8: {  	v0 =	vadd.f32 v1, v0;
	v1 =	vmul.f32 v4, v3;
	v3 =	vld [tilespmem:$0x12F00]  }
0xd9: {  	v4 =	vld [tilespmem:$0x16F00]  }
0xda: {  	v0 =	vadd.f32 v1, v0;
	v1 =	vmul.f32 v6, v5;
	v5 =	vld [tilespmem:$0x12F80]  }
0xdb: {  	v6 =	vld [tilespmem:$0x16F80]  }
0xdc: {  	v0 =	vadd.f32 v1, v0;
	v1 =	vmul.f32 v7, v2;
	v2 =	vld [tilespmem:$0x13000]  }
0xdd: {  	v7 =	vld [tilespmem:$0x17000]  }
0xde: {  	v0 =	vadd.f32 v1, v0;
	v1 =	vmul.f32 v4, v3;
	v3 =	vld [tilespmem:$0x13080]  }
0xdf: {  	v4 =	vld [tilespmem:$0x17080]  }
0xe0: {  	v0 =	vadd.f32 v1, v0;
	v1 =	vmul.f32 v6, v5;
	v5 =	vld [tilespmem:$0x13100]  }
0xe1: {  	v6 =	vld [tilespmem:$0x17100]  }
0xe2: {  	v0 =	vadd.f32 v1, v0;
	v1 =	vmul.f32 v7, v2;
	v2 =	vld [tilespmem:$0x13180]  }
0xe3: {  	v7 =	vld [tilespmem:$0x17180]  }
0xe4: {  	v0 =	vadd.f32 v1, v0;
	v1 =	vmul.f32 v4, v3;
	v3 =	vld [tilespmem:$0x13200]  }
0xe5: {  	v4 =	vld [tilespmem:$0x17200]  }
0xe6: {  	v0 =	vadd.f32 v1, v0;
	v1 =	vmul.f32 v6, v5;
	v5 =	vld [tilespmem:$0x13280]  }
0xe7: {  	v6 =	vld [tilespmem:$0x17280]  }
0xe8: {  	v0 =	vadd.f32 v1, v0;
	v1 =	vmul.f32 v7, v2;
	v2 =	vld [tilespmem:$0x13300]  }
0xe9: {  	v7 =	vld [tilespmem:$0x17300]  }
0xea: {  	v0 =	vadd.f32 v1, v0;
	v1 =	vmul.f32 v4, v3;
	v3 =	vld [tilespmem:$0x13380]  }
0xeb: {  	v4 =	vld [tilespmem:$0x17380]  }
0xec: {  	v0 =	vadd.f32 v1, v0;
	v1 =	vmul.f32 v6, v5;
	v5 =	vld [tilespmem:$0x13400]  }
0xed: {  	v6 =	vld [tilespmem:$0x17400]  }
0xee: {  	v0 =	vadd.f32 v1, v0;
	v1 =	vmul.f32 v7, v2;
	v2 =	vld [tilespmem:$0x13480]  }
0xef: {  	v7 =	vld [tilespmem:$0x17480]  }
0xf0: {  	v0 =	vadd.f32 v1, v0;
	v1 =	vmul.f32 v4, v3;
	v3 =	vld [tilespmem:$0x13500]  }
0xf1: {  	v4 =	vld [tilespmem:$0x17500]  }
0xf2: {  	v0 =	vadd.f32 v1, v0;
	v1 =	vmul.f32 v6, v5;
	v5 =	vld [tilespmem:$0x13580]  }
0xf3: {  	v6 =	vld [tilespmem:$0x17580]  }
0xf4: {  	v0 =	vadd.f32 v1, v0;
	v1 =	vmul.f32 v7, v2;
	v2 =	vld [tilespmem:$0x13600]  }
0xf5: {  	v7 =	vld [tilespmem:$0x17600]  }
0xf6: {  	v0 =	vadd.f32 v1, v0;
	v1 =	vmul.f32 v4, v3;
	v3 =	vld [tilespmem:$0x13680]  }
0xf7: {  	v4 =	vld [tilespmem:$0x17680]  }
0xf8: {  	v0 =	vadd.f32 v1, v0;
	v1 =	vmul.f32 v6, v5;
	v5 =	vld [tilespmem:$0x13700]  }
0xf9: {  	v6 =	vld [tilespmem:$0x17700]  }
0xfa: {  	v0 =	vadd.f32 v1, v0;
	v1 =	vmul.f32 v7, v2;
	v2 =	vld [tilespmem:$0x13780]  }
0xfb: {  	v7 =	vld [tilespmem:$0x17780]  }
0xfc: {  	v0 =	vadd.f32 v1, v0;
	v1 =	vmul.f32 v4, v3;
	v3 =	vld [tilespmem:$0x13800]  }
0xfd: {  	v4 =	vld [tilespmem:$0x17800]  }
0xfe: {  	v0 =	vadd.f32 v1, v0;
	v1 =	vmul.f32 v6, v5;
	v5 =	vld [tilespmem:$0x13880]  }
0xff: {  	v6 =	vld [tilespmem:$0x17880]  }
0x100: {  	v0 =	vadd.f32 v1, v0;
	v1 =	vmul.f32 v7, v2;
	v2 =	vld [tilespmem:$0x13900]  }
0x101: {  	v7 =	vld [tilespmem:$0x17900]  }
0x102: {  	v0 =	vadd.f32 v1, v0;
	v1 =	vmul.f32 v4, v3;
	v3 =	vld [tilespmem:$0x13980]  }
0x103: {  	v4 =	vld [tilespmem:$0x17980]  }
0x104: {  	v0 =	vadd.f32 v1, v0;
	v1 =	vmul.f32 v6, v5;
	v5 =	vld [tilespmem:$0x13A00]  }
0x105: {  	v6 =	vld [tilespmem:$0x17A00]  }
0x106: {  	v0 =	vadd.f32 v1, v0;
	v1 =	vmul.f32 v7, v2;
	v2 =	vld [tilespmem:$0x13A80]  }
0x107: {  	v7 =	vld [tilespmem:$0x17A80]  }
0x108: {  	v0 =	vadd.f32 v1, v0;
	v1 =	vmul.f32 v4, v3;
	v3 =	vld [tilespmem:$0x13B00]  }
0x109: {  	v4 =	vld [tilespmem:$0x17B00]  }
0x10a: {  	v0 =	vadd.f32 v1, v0;
	v1 =	vmul.f32 v6, v5;
	v5 =	vld [tilespmem:$0x13B80]  }
0x10b: {  	v6 =	vld [tilespmem:$0x17B80]  }
0x10c: {  	v0 =	vadd.f32 v1, v0;
	v1 =	vmul.f32 v7, v2;
	v2 =	vld [tilespmem:$0x13C00]  }
0x10d: {  	v7 =	vld [tilespmem:$0x17C00]  }
0x10e: {  	v0 =	vadd.f32 v1, v0;
	v1 =	vmul.f32 v4, v3;
	v3 =	vld [tilespmem:$0x13C80]  }
0x10f: {  	v4 =	vld [tilespmem:$0x17C80]  }
0x110: {  	v0 =	vadd.f32 v1, v0;
	v1 =	vmul.f32 v6, v5;
	v5 =	vld [tilespmem:$0x13D00]  }
0x111: {  	v6 =	vld [tilespmem:$0x17D00]  }
0x112: {  	v0 =	vadd.f32 v1, v0;
	v1 =	vmul.f32 v7, v2;
	v2 =	vld [tilespmem:$0x13D80]  }
0x113: {  	v7 =	vld [tilespmem:$0x17D80]  }
0x114: {  	v0 =	vadd.f32 v1, v0;
	v1 =	vmul.f32 v4, v3;
	v3 =	vld [tilespmem:$0x13E00]  }
0x115: {  	v4 =	vld [tilespmem:$0x17E00]  }
0x116: {  	v0 =	vadd.f32 v1, v0;
	v1 =	vmul.f32 v6, v5;
	v5 =	vld [tilespmem:$0x13E80]  }
0x117: {  	v6 =	vld [tilespmem:$0x17E80]  }
0x118: {  	v0 =	vadd.f32 v1, v0;
	v1 =	vmul.f32 v7, v2;
	v2 =	vld [tilespmem:$0x13F00]  }
0x119: {  	v7 =	vld [tilespmem:$0x17F00]  }
0x11a: {  	v0 =	vadd.f32 v1, v0;
	v1 =	vmul.f32 v4, v3;
	v3 =	vld [tilespmem:$0x13F80]  }
0x11b: {  	v4 =	vld [tilespmem:$0x17F80]  }
0x11c: {  	v0 =	vadd.f32 v1, v0;
	v1 =	vmul.f32 v6, v5;
	_ =	sdelay $0x1  }
0x11d: {  	v0 =	vadd.f32 v1, v0;
	v1 =	vmul.f32 v7, v2;
	_ =	sdelay $0x1  }
0x11e: {  	v0 =	vadd.f32 v1, v0;
	v1 =	vmul.f32 v4, v3;
	_ =	sdelay $0x1  }
0x11f: {  	v9 =	vadd.f32 v1, v0;
	_ =	sdelay $0x1  }
0x120: {  	[tilespmem:s1], [sflag:$0x1] =	stream.linear.gather [hbm4b:s6+s1], $0x4000, $0x38;
	v0 =	vbroadcast v9, $0x0;
	v1 =	vbroadcast v9, $0x1;
	[tilespmem:$0x18080] =	vst v63  }
0x121: {  	_ =	swait.ge [sflag:s15], $0x4000;
	v2 =	vbroadcast v9, $0x2;
	v3 =	vbroadcast v9, $0x3  }
0x122: {  	[sflag:s15] =	ssyncset.done $0x0;
	v4 =	vbroadcast v9, $0x4;
	v5 =	vbroadcast v9, $0x5  }
0x123: {  	s23 =	simm.s32 $0x0;
	s24 =	simm.s32 $0x0;
	[sflag:s15] =	ssyncadd.s32 $0xFFFFC000;
	v6 =	vbroadcast v9, $0x6;
	v7 =	vbroadcast v9, $0x7  }
0x124: {  	[tilespmem:s16], [sflag:$0x2] =	stream.linear.gather [hbm4b:s7+s1], $0x4000, $0x38;
	v8 =	vbroadcast v9, $0x8;
	v9 =	vbroadcast v9, $0x9;
	[tilespmem:$0x18080] =	vst v63  }
.LBB2_2:
0x125: {  	s25 =	sand.u32 $0x3800, s23;
	s26 =	sand.u32 $0x300, s24  }
0x126: {  	s25 =	sor.u32 s26, s25  }
0x127: {  	v10 =	vld [tilespmem:s25+$0x0]  }
0x128: {  	v13 =	vld [tilespmem:s25+$0x10]  }
0x129: {  	v47 =	vld [tilespmem:s25+$0x20]  }
0x12a: {  	v54 =	vld [tilespmem:s25+$0x30]  }
0x12b: {  	v63 =	vld [tilespmem:s25+$0x40]  }
0x12c: {  	v32 =	vld [tilespmem:s25+$0x50]  }
0x12d: {  	v11 =	vand.u32 $0x1, v10;
	v12 =	vand.u32 $0x2, v10  }
0x12e: {  	v46 =	vand.u32 $0x4, v13;
	v51 =	vand.u32 $0x1, v47;
	v52 =	vand.u32 $0x2, v47  }
0x12f: {  	v53 =	vand.u32 $0x4, v47;
	v61 =	vand.u32 $0x1, v54;
	v62 =	vand.u32 $0x2, v54  }
0x130: {  	v21 =	vand.u32 $0x4, v54;
	v22 =	vand.u32 $0x8, v54;
	v29 =	vand.u32 $0x1, v63  }
0x131: {  	v40 =	vld [tilespmem:s25+$0x60];
	v30 =	vand.u32 $0x2, v63;
	v31 =	vand.u32 $0x4, v63;
	v37 =	vand.u32 $0x1, v32  }
0x132: {  	v38 =	vand.u32 $0x2, v32;
	v39 =	vand.u32 $0x4, v32;
	vm0 =	veq.s32 v11, $0x0  }
0x133: {  	vm1 =	veq.s32 v12, $0x0;
	v11 =	vand.u32 $0x4, v10;
	v10 =	vand.u32 $0x8, v10  }
0x134: {  	vm12 =	veq.s32 v46, $0x0;
	vm14 =	veq.s32 v51, $0x0;
	vm15 =	veq.s32 v52, $0x0  }
0x135: {  	vm4 =	veq.s32 v53, $0x0;
	vm6 =	veq.s32 v61, $0x0;
	vm7 =	veq.s32 v62, $0x0  }
0x136: {  	vm8 =	veq.s32 v21, $0x0;
	vm9 =	veq.s32 v22, $0x0;
	v51 =	vand.u32 $0x8, v40  }
0x137: {  	vm2 =	veq.s32 v11, $0x0;
	v11 =	vsel vm0, v0, v1;
	v44 =	vsel vm0, v2, v3  }
0x138: {  	v14 =	vsel vm0, v4, v5;
	v15 =	vsel vm0, v6, v7;
	vm3 =	veq.s32 v10, $0x0  }
0x139: {  	v45 =	vsel vm0, v8, v9;
	v55 =	vsel vm14, v0, v1;
	v56 =	vsel vm14, v2, v3  }
0x13a: {  	v57 =	vsel vm14, v4, v5;
	v58 =	vsel vm14, v6, v7;
	v60 =	vsel vm14, v8, v9  }
0x13b: {  	v23 =	vsel vm6, v0, v1;
	v24 =	vsel vm6, v2, v3;
	v25 =	vsel vm6, v4, v5  }
0x13c: {  	v18 =	vsel vm6, v6, v7;
	v28 =	vsel vm6, v8, v9;
	vm14 =	veq.s32 v37, $0x0  }
0x13d: {  	v10 =	vsel vm1, v11, v44;
	v11 =	vsel vm1, v14, v15;
	v15 =	vand.u32 $0x8, v47  }
0x13e: {  	v12 =	vsel vm15, v55, v56;
	v59 =	vsel vm15, v57, v58;
	v26 =	vsel vm7, v23, v24  }
0x13f: {  	v27 =	vsel vm7, v25, v18;
	vm15 =	veq.s32 v38, $0x0;
	v41 =	vsel vm14, v0, v1  }
0x140: {  	v42 =	vsel vm14, v2, v3;
	v43 =	vsel vm14, v4, v5;
	v44 =	vsel vm14, v6, v7  }
0x141: {  	v18 =	vand.u32 $0x8, v32;
	v46 =	vsel vm14, v8, v9;
	v47 =	vand.u32 $0x1, v40  }
0x142: {  	v10 =	vsel vm2, v10, v11;
	v11 =	vand.u32 $0x1, v13;
	vm5 =	veq.s32 v15, $0x0  }
0x143: {  	v12 =	vsel vm4, v12, v59;
	vm4 =	veq.s32 v39, $0x0;
	v15 =	vsel vm15, v41, v42  }
0x144: {  	vm6 =	veq.s32 v47, $0x0;
	vm10 =	veq.s32 v11, $0x0;
	v11 =	vand.u32 $0x2, v13  }
0x145: {  	v61 =	vld [tilespmem:s25+$0x400];
	v13 =	vand.u32 $0x8, v13;
	v12 =	vsel vm5, v12, v60;
	vm5 =	veq.s32 v18, $0x0  }
0x146: {  	v52 =	vsel vm6, v0, v1;
	v53 =	vsel vm6, v2, v3;
	v54 =	vsel vm6, v4, v5  }
0x147: {  	v21 =	vsel vm6, v6, v7;
	v57 =	vsel vm6, v8, v9;
	vm11 =	veq.s32 v11, $0x0  }
0x148: {  	v11 =	vsel vm10, v0, v1;
	v48 =	vsel vm10, v2, v3;
	v16 =	vsel vm10, v4, v5  }
0x149: {  	v17 =	vsel vm10, v6, v7;
	vm13 =	veq.s32 v13, $0x0;
	v50 =	vsel vm10, v8, v9  }
0x14a: {  	v13 =	vsel vm8, v26, v27;
	vm10 =	veq.s32 v29, $0x0;
	v26 =	vand.u32 $0x1, v61  }
0x14b: {  	v27 =	vand.u32 $0x2, v61;
	v11 =	vsel vm11, v11, v48;
	v49 =	vsel vm11, v16, v17  }
0x14c: {  	vm11 =	veq.s32 v30, $0x0;
	v33 =	vsel vm10, v0, v1;
	v34 =	vsel vm10, v2, v3  }
0x14d: {  	v19 =	vsel vm10, v4, v5;
	v20 =	vsel vm10, v6, v7;
	v16 =	vand.u32 $0x8, v63  }
0x14e: {  	v38 =	vld [tilespmem:s25+$0x420];
	v36 =	vsel vm10, v8, v9;
	v13 =	vsel vm9, v13, v28;
	v48 =	vand.u32 $0x2, v40  }
0x14f: {  	vm9 =	veq.s32 v51, $0x0;
	vm14 =	veq.s32 v26, $0x0;
	v28 =	vand.u32 $0x4, v61  }
0x150: {  	v14 =	vsel vm12, v11, v49;
	v11 =	vsel vm3, v10, v45;
	vm12 =	veq.s32 v31, $0x0  }
0x151: {  	v35 =	vsel vm11, v19, v20;
	v45 =	vsel vm15, v43, v44;
	vm7 =	veq.s32 v48, $0x0  }
0x152: {  	vm15 =	veq.s32 v27, $0x0;
	v30 =	vsel vm14, v0, v1;
	v31 =	vsel vm14, v2, v3  }
0x153: {  	v32 =	vsel vm14, v4, v5;
	v47 =	vand.u32 $0x1, v38;
	v48 =	vand.u32 $0x2, v38  }
0x154: {  	v10 =	vsel vm13, v14, v50;
	v14 =	vsel vm11, v33, v34;
	vm13 =	veq.s32 v16, $0x0  }
0x155: {  	v15 =	vsel vm4, v15, v45;
	v50 =	vand.u32 $0x4, v40;
	v55 =	vsel vm7, v52, v53  }
0x156: {  	v29 =	vld [tilespmem:s25+$0x410];
	v56 =	vsel vm7, v54, v21;
	vm4 =	veq.s32 v28, $0x0;
	v33 =	vsel vm14, v6, v7  }
0x157: {  	v21 =	vand.u32 $0x8, v61;
	v18 =	vsel vm15, v30, v31;
	v53 =	vand.u32 $0x8, v38  }
0x158: {  	v14 =	vsel vm12, v14, v35;
	v15 =	vsel vm5, v15, v46;
	vm8 =	veq.s32 v50, $0x0  }
0x159: {  	v49 =	vld [tilespmem:s25+$0x70];
	v34 =	vsel vm15, v32, v33;
	vm5 =	veq.s32 v21, $0x0;
	v35 =	vsel vm14, v8, v9  }
0x15a: {  	v14 =	vsel vm13, v14, v36;
	v16 =	vsel vm8, v55, v56;
	v18 =	vsel vm4, v18, v34  }
0x15b: {  	v36 =	vand.u32 $0x1, v29;
	v37 =	vand.u32 $0x2, v29;
	v39 =	vand.u32 $0x4, v29  }
0x15c: {  	v40 =	vand.u32 $0x8, v29;
	v16 =	vsel vm9, v16, v57;
	v18 =	vsel vm5, v18, v35  }
0x15d: {  	vm6 =	veq.s32 v36, $0x0;
	vm7 =	veq.s32 v37, $0x0;
	vm8 =	veq.s32 v39, $0x0  }
0x15e: {  	vm9 =	veq.s32 v40, $0x0;
	v58 =	vand.u32 $0x1, v49;
	v59 =	vand.u32 $0x2, v49  }
0x15f: {  	v60 =	vand.u32 $0x4, v49;
	v19 =	vand.u32 $0x8, v49;
	v41 =	vsel vm6, v0, v1  }
0x160: {  	v50 =	vld [tilespmem:s25+$0x430];
	v42 =	vsel vm6, v2, v3;
	v43 =	vsel vm6, v4, v5;
	v46 =	vsel vm6, v8, v9  }
0x161: {  	v49 =	vand.u32 $0x4, v38;
	vm10 =	veq.s32 v58, $0x0;
	vm11 =	veq.s32 v59, $0x0  }
0x162: {  	vm12 =	veq.s32 v60, $0x0;
	vm13 =	veq.s32 v19, $0x0;
	v44 =	vsel vm7, v41, v42  }
0x163: {  	v62 =	vsel vm10, v0, v1;
	v63 =	vsel vm10, v2, v3;
	v22 =	vsel vm10, v4, v5  }
0x164: {  	v23 =	vsel vm10, v6, v7;
	v25 =	vsel vm10, v8, v9;
	vm10 =	veq.s32 v47, $0x0  }
0x165: {  	v55 =	vand.u32 $0x1, v50;
	v56 =	vand.u32 $0x2, v50;
	v57 =	vand.u32 $0x4, v50  }
0x166: {  	[tilespmem:s25+$0x8000] =	vst v11;
	v17 =	vsel vm11, v62, v63;
	v24 =	vsel vm11, v22, v23;
	vm11 =	veq.s32 v48, $0x0  }
0x167: {  	[tilespmem:s25+$0x8010] =	vst v10;
	v11 =	vsel vm10, v0, v1;
	v10 =	vsel vm10, v2, v3;
	v51 =	vsel vm10, v4, v5  }
0x168: {  	v52 =	vsel vm10, v6, v7;
	v54 =	vsel vm10, v8, v9;
	vm14 =	veq.s32 v55, $0x0  }
0x169: {  	[tilespmem:s25+$0x8020] =	vst v12;
	vm15 =	veq.s32 v56, $0x0;
	vm4 =	veq.s32 v57, $0x0;
	v62 =	vand.u32 $0x8, v50  }
0x16a: {  	[tilespmem:s25+$0x8030] =	vst v13;
	v17 =	vsel vm12, v17, v24;
	v24 =	vsel vm6, v6, v7;
	vm12 =	veq.s32 v49, $0x0  }
0x16b: {  	[tilespmem:s25+$0x8050] =	vst v15;
	v10 =	vsel vm11, v11, v10;
	v11 =	vsel vm11, v51, v52;
	v58 =	vsel vm14, v0, v1  }
0x16c: {  	[tilespmem:s25+$0x8040] =	vst v14;
	v59 =	vsel vm14, v2, v3;
	v60 =	vsel vm14, v4, v5;
	v61 =	vsel vm14, v6, v7  }
0x16d: {  	[tilespmem:s25+$0x8060] =	vst v16;
	vm5 =	veq.s32 v62, $0x0;
	v17 =	vsel vm13, v17, v25;
	v45 =	vsel vm7, v43, v24  }
0x16e: {  	[tilespmem:s25+$0x8400] =	vst v18;
	vm13 =	veq.s32 v53, $0x0;
	v10 =	vsel vm12, v10, v11;
	v19 =	vsel vm8, v44, v45  }
0x16f: {  	v12 =	vsel vm15, v58, v59;
	v63 =	vsel vm15, v60, v61;
	[tilespmem:s25+$0x8070] =	vst v17;
	v11 =	vsel vm9, v19, v46  }
0x170: {  	v10 =	vsel vm13, v10, v54;
	v12 =	vsel vm4, v12, v63;
	[tilespmem:s25+$0x8410] =	vst v11;
	v11 =	vsel vm14, v8, v9  }
0x171: {  	[tilespmem:s25+$0x8420] =	vst v10;
	v10 =	vsel vm5, v12, v11  }
0x172: {  	s26 =	sor.u32 $0x440, s25;
	[tilespmem:s25+$0x8430] =	vst v10  }
0x173: {  	v11 =	vld.msk [tilespmem:s26+$0x0], $0xff;
	_ =	sdelay $0x4  }
0x174: {  	v17 =	vand.u32 $0x1, v11  }
0x175: {  	v18 =	vand.u32 $0x2, v11;
	v19 =	vand.u32 $0x4, v11;
	vm6 =	veq.s32 v17, $0x0  }
0x176: {  	v11 =	vand.u32 $0x8, v11;
	vm7 =	veq.s32 v18, $0x0;
	v20 =	vsel vm6, v0, v1  }
0x177: {  	v21 =	vsel vm6, v2, v3;
	v22 =	vsel vm6, v4, v5;
	v23 =	vsel vm6, v6, v7  }
0x178: {  	vm8 =	veq.s32 v19, $0x0;
	v12 =	vsel vm7, v20, v21;
	v24 =	vsel vm7, v22, v23  }
0x179: {  	vm9 =	veq.s32 v11, $0x0;
	v11 =	vsel vm6, v8, v9;
	v12 =	vsel vm8, v12, v24  }
0x17a: {  	s30 =	sor.u32 $0x8440, s25;
	[tilespmem:s25+$0x8430] =	vst v10;
	v11 =	vsel vm9, v12, v11  }
0x17b: {  	[tilespmem:s30+$0x0] =	vst.msk $0xff, v11  }
0x17c: {  	v10 =	vld [tilespmem:s25+$0x80]  }
0x17d: {  	v26 =	vld [tilespmem:s25+$0x90]  }
0x17e: {  	v32 =	vld [tilespmem:s25+$0xA0];
	_ =	sdelay $0x1  }
0x17f: {  	v41 =	vld [tilespmem:s25+$0xB0]  }
0x180: {  	v50 =	vld [tilespmem:s25+$0xC0]  }
0x181: {  	v63 =	vld [tilespmem:s25+$0xD0];
	v11 =	vand.u32 $0x1, v10;
	v25 =	vand.u32 $0x2, v10  }
0x182: {  	v31 =	vand.u32 $0x4, v26;
	v13 =	vand.u32 $0x8, v26;
	v38 =	vand.u32 $0x1, v32  }
0x183: {  	v39 =	vand.u32 $0x2, v32;
	v40 =	vand.u32 $0x4, v32;
	v15 =	vand.u32 $0x8, v32  }
0x184: {  	v48 =	vand.u32 $0x1, v41;
	v49 =	vand.u32 $0x2, v41;
	v51 =	vand.u32 $0x4, v41  }
0x185: {  	v52 =	vand.u32 $0x8, v41;
	v60 =	vand.u32 $0x1, v50;
	v61 =	vand.u32 $0x2, v50  }
0x186: {  	v62 =	vand.u32 $0x4, v50;
	v16 =	vand.u32 $0x8, v50;
	v32 =	vand.u32 $0x4, v63  }
0x187: {  	v18 =	vand.u32 $0x8, v63;
	vm10 =	veq.s32 v11, $0x0;
	vm11 =	veq.s32 v25, $0x0  }
0x188: {  	v11 =	vand.u32 $0x4, v10;
	v10 =	vand.u32 $0x8, v10;
	vm4 =	veq.s32 v31, $0x0  }
0x189: {  	vm5 =	veq.s32 v13, $0x0;
	vm6 =	veq.s32 v38, $0x0;
	vm7 =	veq.s32 v39, $0x0  }
0x18a: {  	vm8 =	veq.s32 v40, $0x0;
	vm9 =	veq.s32 v15, $0x0;
	v31 =	vand.u32 $0x2, v63  }
0x18b: {  	vm12 =	veq.s32 v11, $0x0;
	v11 =	vsel vm10, v0, v1;
	v27 =	vsel vm10, v2, v3  }
0x18c: {  	v28 =	vsel vm10, v4, v5;
	v29 =	vsel vm10, v6, v7;
	vm13 =	veq.s32 v10, $0x0  }
0x18d: {  	v30 =	vsel vm10, v8, v9;
	v42 =	vsel vm6, v0, v1;
	v43 =	vsel vm6, v2, v3  }
0x18e: {  	v44 =	vsel vm6, v4, v5;
	v45 =	vsel vm6, v6, v7;
	v47 =	vsel vm6, v8, v9  }
0x18f: {  	vm10 =	veq.s32 v48, $0x0;
	v10 =	vsel vm11, v11, v27;
	v11 =	vsel vm11, v28, v29  }
0x190: {  	v12 =	vsel vm7, v42, v43;
	v46 =	vsel vm7, v44, v45;
	vm11 =	veq.s32 v49, $0x0  }
0x191: {  	v53 =	vsel vm10, v0, v1;
	v54 =	vsel vm10, v2, v3;
	v55 =	vsel vm10, v4, v5  }
0x192: {  	v56 =	vsel vm10, v6, v7;
	v59 =	vsel vm10, v8, v9;
	vm7 =	veq.s32 v31, $0x0  }
0x193: {  	v10 =	vsel vm12, v10, v11;
	v11 =	vand.u32 $0x1, v26;
	v12 =	vsel vm8, v12, v46  }
0x194: {  	vm12 =	veq.s32 v51, $0x0;
	v57 =	vsel vm11, v53, v54;
	v58 =	vsel vm11, v55, v56  }
0x195: {  	vm8 =	veq.s32 v32, $0x0;
	vm14 =	veq.s32 v11, $0x0;
	v11 =	vand.u32 $0x2, v26  }
0x196: {  	v12 =	vsel vm9, v12, v47;
	v13 =	vsel vm12, v57, v58;
	vm9 =	veq.s32 v18, $0x0  }
0x197: {  	vm15 =	veq.s32 v11, $0x0;
	v11 =	vsel vm14, v0, v1;
	v33 =	vsel vm14, v2, v3  }
0x198: {  	v34 =	vsel vm14, v4, v5;
	v35 =	vsel vm14, v6, v7;
	v37 =	vsel vm14, v8, v9  }
0x199: {  	v42 =	vld [tilespmem:s25+$0xF0];
	vm14 =	veq.s32 v60, $0x0;
	v11 =	vsel vm15, v11, v33;
	v36 =	vsel vm15, v34, v35  }
0x19a: {  	vm15 =	veq.s32 v61, $0x0;
	v24 =	vsel vm14, v0, v1;
	v25 =	vsel vm14, v2, v3  }
0x19b: {  	v26 =	vsel vm14, v4, v5;
	v27 =	vsel vm14, v6, v7;
	v29 =	vsel vm14, v8, v9  }
0x19c: {  	v55 =	vld [tilespmem:s25+$0x480];
	v14 =	vsel vm4, v11, v36;
	v11 =	vsel vm13, v10, v30;
	vm13 =	veq.s32 v52, $0x0  }
0x19d: {  	vm4 =	veq.s32 v62, $0x0;
	v28 =	vsel vm15, v26, v27;
	v30 =	vand.u32 $0x1, v63  }
0x19e: {  	v52 =	vand.u32 $0x1, v42;
	v53 =	vand.u32 $0x2, v42;
	v54 =	vand.u32 $0x4, v42  }
0x19f: {  	v19 =	vand.u32 $0x8, v42;
	v10 =	vsel vm5, v14, v37;
	v14 =	vsel vm15, v24, v25  }
0x1a0: {  	vm5 =	veq.s32 v16, $0x0;
	v13 =	vsel vm13, v13, v59;
	vm6 =	veq.s32 v30, $0x0  }
0x1a1: {  	vm14 =	veq.s32 v52, $0x0;
	vm15 =	veq.s32 v53, $0x0;
	v62 =	vand.u32 $0x1, v55  }
0x1a2: {  	v26 =	vand.u32 $0x2, v55;
	v27 =	vand.u32 $0x4, v55;
	v14 =	vsel vm4, v14, v28  }
0x1a3: {  	v34 =	vsel vm6, v0, v1;
	v35 =	vsel vm6, v2, v3;
	v36 =	vsel vm6, v4, v5  }
0x1a4: {  	v37 =	vsel vm6, v6, v7;
	v39 =	vsel vm6, v8, v9;
	vm4 =	veq.s32 v54, $0x0  }
0x1a5: {  	v56 =	vsel vm14, v0, v1;
	v57 =	vsel vm14, v2, v3;
	v58 =	vsel vm14, v4, v5  }
0x1a6: {  	v33 =	vld [tilespmem:s25+$0xE0];
	v59 =	vsel vm14, v6, v7;
	v61 =	vsel vm14, v8, v9;
	vm6 =	veq.s32 v62, $0x0  }
0x1a7: {  	v28 =	vand.u32 $0x8, v55;
	v14 =	vsel vm5, v14, v29;
	v15 =	vsel vm7, v34, v35  }
0x1a8: {  	v38 =	vsel vm7, v36, v37;
	v17 =	vsel vm15, v56, v57;
	v60 =	vsel vm15, v58, v59  }
0x1a9: {  	vm5 =	veq.s32 v19, $0x0;
	vm7 =	veq.s32 v26, $0x0;
	v29 =	vsel vm6, v0, v1  }
0x1aa: {  	v30 =	vsel vm6, v2, v3;
	v31 =	vsel vm6, v4, v5;
	v32 =	vsel vm6, v6, v7  }
0x1ab: {  	v63 =	vld [tilespmem:s25+$0x490];
	v15 =	vsel vm8, v15, v38;
	v40 =	vand.u32 $0x1, v33;
	v41 =	vand.u32 $0x2, v33  }
0x1ac: {  	v43 =	vand.u32 $0x4, v33;
	v44 =	vand.u32 $0x8, v33;
	v17 =	vsel vm4, v17, v60  }
0x1ad: {  	vm8 =	veq.s32 v27, $0x0;
	v33 =	vsel vm6, v8, v9;
	v18 =	vsel vm7, v29, v30  }
0x1ae: {  	v34 =	vsel vm7, v31, v32;
	v15 =	vsel vm9, v15, v39;
	vm10 =	veq.s32 v40, $0x0  }
0x1af: {  	vm11 =	veq.s32 v41, $0x0;
	vm12 =	veq.s32 v43, $0x0;
	vm13 =	veq.s32 v44, $0x0  }
0x1b0: {  	v17 =	vsel vm5, v17, v61;
	vm9 =	veq.s32 v28, $0x0;
	v35 =	vand.u32 $0x1, v63  }
0x1b1: {  	v18 =	vsel vm8, v18, v34;
	v37 =	vand.u32 $0x2, v63;
	v38 =	vand.u32 $0x4, v63  }
0x1b2: {  	v19 =	vand.u32 $0x8, v63;
	v45 =	vsel vm10, v0, v1;
	v46 =	vsel vm10, v2, v3  }
0x1b3: {  	v36 =	vld [tilespmem:s25+$0x4A0];
	v47 =	vsel vm10, v4, v5;
	v48 =	vsel vm10, v6, v7;
	v51 =	vsel vm10, v8, v9  }
0x1b4: {  	vm10 =	veq.s32 v35, $0x0;
	v18 =	vsel vm9, v18, v33;
	vm6 =	veq.s32 v19, $0x0  }
0x1b5: {  	v49 =	vsel vm11, v45, v46;
	v50 =	vsel vm11, v47, v48;
	vm11 =	veq.s32 v37, $0x0  }
0x1b6: {  	v21 =	vsel vm10, v0, v1;
	v39 =	vsel vm10, v2, v3;
	v25 =	vsel vm10, v4, v5  }
0x1b7: {  	v26 =	vsel vm10, v6, v7;
	v16 =	vsel vm12, v49, v50;
	vm12 =	veq.s32 v38, $0x0  }
0x1b8: {  	v40 =	vsel vm11, v21, v39;
	v41 =	vsel vm11, v25, v26;
	v42 =	vand.u32 $0x1, v36  }
0x1b9: {  	v43 =	vand.u32 $0x2, v36;
	v16 =	vsel vm13, v16, v51;
	vm13 =	veq.s32 v42, $0x0  }
0x1ba: {  	v46 =	vld [tilespmem:s25+$0x4B0];
	v44 =	vand.u32 $0x4, v36;
	vm14 =	veq.s32 v43, $0x0;
	v45 =	vsel vm13, v0, v1  }
0x1bb: {  	[tilespmem:s25+$0x8080] =	vst v11;
	v11 =	vsel vm13, v2, v3;
	v47 =	vsel vm13, v4, v5;
	v48 =	vsel vm13, v6, v7  }
0x1bc: {  	[tilespmem:s25+$0x8090] =	vst v10;
	vm15 =	veq.s32 v44, $0x0;
	v10 =	vsel vm14, v45, v11;
	v11 =	vsel vm14, v47, v48  }
0x1bd: {  	[tilespmem:s25+$0x80A0] =	vst v12;
	v49 =	vsel vm10, v8, v9;
	v10 =	vsel vm15, v10, v11;
	v11 =	vand.u32 $0x8, v36  }
0x1be: {  	[tilespmem:s25+$0x80B0] =	vst v13;
	v20 =	vsel vm12, v40, v41;
	vm7 =	veq.s32 v11, $0x0;
	v11 =	vsel vm13, v8, v9  }
0x1bf: {  	[tilespmem:s25+$0x80C0] =	vst v14;
	v12 =	vsel vm6, v20, v49;
	v10 =	vsel vm7, v10, v11;
	v11 =	vand.u32 $0x1, v46  }
0x1c0: {  	[tilespmem:s25+$0x80D0] =	vst v15;
	v50 =	vand.u32 $0x4, v46;
	vm8 =	veq.s32 v11, $0x0;
	v11 =	vand.u32 $0x2, v46  }
0x1c1: {  	[tilespmem:s25+$0x80F0] =	vst v17;
	v54 =	vand.u32 $0x8, v46;
	vm9 =	veq.s32 v11, $0x0;
	v11 =	vsel vm8, v0, v1  }
0x1c2: {  	[tilespmem:s25+$0x8480] =	vst v18;
	v51 =	vsel vm8, v2, v3;
	v52 =	vsel vm8, v4, v5;
	v53 =	vsel vm8, v6, v7  }
0x1c3: {  	[tilespmem:s25+$0x80E0] =	vst v16;
	vm10 =	veq.s32 v50, $0x0;
	v11 =	vsel vm9, v11, v51;
	v14 =	vsel vm9, v52, v53  }
0x1c4: {  	[tilespmem:s25+$0x8490] =	vst v12;
	vm11 =	veq.s32 v54, $0x0;
	v55 =	vsel vm8, v8, v9;
	v11 =	vsel vm10, v11, v14  }
0x1c5: {  	[tilespmem:s25+$0x84A0] =	vst v10;
	v10 =	vsel vm11, v11, v55  }
0x1c6: {  	s31 =	sor.u32 $0x4C0, s25;
	[tilespmem:s25+$0x84B0] =	vst v10  }
0x1c7: {  	v11 =	vld.msk [tilespmem:s31+$0x0], $0xff;
	_ =	sdelay $0x4  }
0x1c8: {  	v56 =	vand.u32 $0x1, v11  }
0x1c9: {  	v57 =	vand.u32 $0x2, v11;
	v58 =	vand.u32 $0x4, v11;
	vm12 =	veq.s32 v56, $0x0  }
0x1ca: {  	p0 =	sne.s32 s24, $0x1F00;
	v11 =	vand.u32 $0x8, v11;
	vm13 =	veq.s32 v57, $0x0;
	v59 =	vsel vm12, v0, v1  }
.Ltmp0:
0x1cb: {  	v60 =	vsel vm12, v2, v3;
	v61 =	vsel vm12, v4, v5;
	v62 =	vsel vm12, v6, v7;
	(pc) =	sbr.rel @p0 .LBB2_2-.Ltmp0, $4  }
0x1cc: {  	vm14 =	veq.s32 v58, $0x0;
	v12 =	vsel vm13, v59, v60;
	v63 =	vsel vm13, v61, v62  }
0x1cd: {  	vm15 =	veq.s32 v11, $0x0;
	v11 =	vsel vm12, v8, v9;
	v12 =	vsel vm14, v12, v63  }
0x1ce: {  	[tilespmem:s25+$0x84B0] =	vst v10;
	s25 =	sor.u32 $0x84C0, s25;
	v11 =	vsel vm15, v12, v11  }
0x1cf: {  	s23 =	sadd.s32 $0x200, s23;
	s24 =	sadd.s32 $0x100, s24;
	[tilespmem:s25+$0x0] =	vst.msk $0xff, v11  }
0x1d0: {  	s23 =	simm.s32 $0x0  }
0x1d1: {  	[hbm4b:s8+s23] =	stream.linear.scatter [tilespmem:s17], [sflag:$0x3], $0x4000, $0x38;
	[tilespmem:$0x18080] =	vst v63  }
0x1d2: {  	_ =	swait.ge [sflag:s18], $0x4000  }
0x1d3: {  	[sflag:s18] =	ssyncset.done $0x0  }
0x1d4: {  	s24 =	simm.s32 $0x0;
	[sflag:s18] =	ssyncadd.s32 $0xFFFFC000  }
.LBB2_4:
0x1d5: {  	s25 =	sand.u32 $0x3800, s23;
	s26 =	sand.u32 $0x300, s24  }
0x1d6: {  	s25 =	sor.u32 s26, s25  }
0x1d7: {  	v10 =	vld [tilespmem:s25+$0x4000]  }
0x1d8: {  	v13 =	vld [tilespmem:s25+$0x4010]  }
0x1d9: {  	v47 =	vld [tilespmem:s25+$0x4020]  }
0x1da: {  	v54 =	vld [tilespmem:s25+$0x4030]  }
0x1db: {  	v63 =	vld [tilespmem:s25+$0x4040]  }
0x1dc: {  	v32 =	vld [tilespmem:s25+$0x4050]  }
0x1dd: {  	v11 =	vand.u32 $0x1, v10;
	v12 =	vand.u32 $0x2, v10  }
0x1de: {  	v46 =	vand.u32 $0x4, v13;
	v51 =	vand.u32 $0x1, v47;
	v52 =	vand.u32 $0x2, v47  }
0x1df: {  	v53 =	vand.u32 $0x4, v47;
	v61 =	vand.u32 $0x1, v54;
	v62 =	vand.u32 $0x2, v54  }
0x1e0: {  	v21 =	vand.u32 $0x4, v54;
	v22 =	vand.u32 $0x8, v54;
	v29 =	vand.u32 $0x1, v63  }
0x1e1: {  	v40 =	vld [tilespmem:s25+$0x4060];
	v30 =	vand.u32 $0x2, v63;
	v31 =	vand.u32 $0x4, v63;
	v37 =	vand.u32 $0x1, v32  }
0x1e2: {  	v38 =	vand.u32 $0x2, v32;
	v39 =	vand.u32 $0x4, v32;
	vm0 =	veq.s32 v11, $0x0  }
0x1e3: {  	vm1 =	veq.s32 v12, $0x0;
	v11 =	vand.u32 $0x4, v10;
	v10 =	vand.u32 $0x8, v10  }
0x1e4: {  	vm12 =	veq.s32 v46, $0x0;
	vm14 =	veq.s32 v51, $0x0;
	vm15 =	veq.s32 v52, $0x0  }
0x1e5: {  	vm4 =	veq.s32 v53, $0x0;
	vm6 =	veq.s32 v61, $0x0;
	vm7 =	veq.s32 v62, $0x0  }
0x1e6: {  	vm8 =	veq.s32 v21, $0x0;
	vm9 =	veq.s32 v22, $0x0;
	v51 =	vand.u32 $0x8, v40  }
0x1e7: {  	vm2 =	veq.s32 v11, $0x0;
	v11 =	vsel vm0, v0, v1;
	v44 =	vsel vm0, v2, v3  }
0x1e8: {  	v14 =	vsel vm0, v4, v5;
	v15 =	vsel vm0, v6, v7;
	vm3 =	veq.s32 v10, $0x0  }
0x1e9: {  	v45 =	vsel vm0, v8, v9;
	v55 =	vsel vm14, v0, v1;
	v56 =	vsel vm14, v2, v3  }
0x1ea: {  	v57 =	vsel vm14, v4, v5;
	v58 =	vsel vm14, v6, v7;
	v60 =	vsel vm14, v8, v9  }
0x1eb: {  	v23 =	vsel vm6, v0, v1;
	v24 =	vsel vm6, v2, v3;
	v25 =	vsel vm6, v4, v5  }
0x1ec: {  	v18 =	vsel vm6, v6, v7;
	v28 =	vsel vm6, v8, v9;
	vm14 =	veq.s32 v37, $0x0  }
0x1ed: {  	v10 =	vsel vm1, v11, v44;
	v11 =	vsel vm1, v14, v15;
	v15 =	vand.u32 $0x8, v47  }
0x1ee: {  	v12 =	vsel vm15, v55, v56;
	v59 =	vsel vm15, v57, v58;
	v26 =	vsel vm7, v23, v24  }
0x1ef: {  	v27 =	vsel vm7, v25, v18;
	vm15 =	veq.s32 v38, $0x0;
	v41 =	vsel vm14, v0, v1  }
0x1f0: {  	v42 =	vsel vm14, v2, v3;
	v43 =	vsel vm14, v4, v5;
	v44 =	vsel vm14, v6, v7  }
0x1f1: {  	v18 =	vand.u32 $0x8, v32;
	v46 =	vsel vm14, v8, v9;
	v47 =	vand.u32 $0x1, v40  }
0x1f2: {  	v10 =	vsel vm2, v10, v11;
	v11 =	vand.u32 $0x1, v13;
	vm5 =	veq.s32 v15, $0x0  }
0x1f3: {  	v12 =	vsel vm4, v12, v59;
	vm4 =	veq.s32 v39, $0x0;
	v15 =	vsel vm15, v41, v42  }
0x1f4: {  	vm6 =	veq.s32 v47, $0x0;
	vm10 =	veq.s32 v11, $0x0;
	v11 =	vand.u32 $0x2, v13  }
0x1f5: {  	v61 =	vld [tilespmem:s25+$0x4400];
	v13 =	vand.u32 $0x8, v13;
	v12 =	vsel vm5, v12, v60;
	vm5 =	veq.s32 v18, $0x0  }
0x1f6: {  	v52 =	vsel vm6, v0, v1;
	v53 =	vsel vm6, v2, v3;
	v54 =	vsel vm6, v4, v5  }
0x1f7: {  	v21 =	vsel vm6, v6, v7;
	v57 =	vsel vm6, v8, v9;
	vm11 =	veq.s32 v11, $0x0  }
0x1f8: {  	v11 =	vsel vm10, v0, v1;
	v48 =	vsel vm10, v2, v3;
	v16 =	vsel vm10, v4, v5  }
0x1f9: {  	v17 =	vsel vm10, v6, v7;
	vm13 =	veq.s32 v13, $0x0;
	v50 =	vsel vm10, v8, v9  }
0x1fa: {  	v13 =	vsel vm8, v26, v27;
	vm10 =	veq.s32 v29, $0x0;
	v26 =	vand.u32 $0x1, v61  }
0x1fb: {  	v27 =	vand.u32 $0x2, v61;
	v11 =	vsel vm11, v11, v48;
	v49 =	vsel vm11, v16, v17  }
0x1fc: {  	vm11 =	veq.s32 v30, $0x0;
	v33 =	vsel vm10, v0, v1;
	v34 =	vsel vm10, v2, v3  }
0x1fd: {  	v19 =	vsel vm10, v4, v5;
	v20 =	vsel vm10, v6, v7;
	v16 =	vand.u32 $0x8, v63  }
0x1fe: {  	v38 =	vld [tilespmem:s25+$0x4420];
	v36 =	vsel vm10, v8, v9;
	v13 =	vsel vm9, v13, v28;
	v48 =	vand.u32 $0x2, v40  }
0x1ff: {  	vm9 =	veq.s32 v51, $0x0;
	vm14 =	veq.s32 v26, $0x0;
	v28 =	vand.u32 $0x4, v61  }
0x200: {  	v14 =	vsel vm12, v11, v49;
	v11 =	vsel vm3, v10, v45;
	vm12 =	veq.s32 v31, $0x0  }
0x201: {  	v35 =	vsel vm11, v19, v20;
	v45 =	vsel vm15, v43, v44;
	vm7 =	veq.s32 v48, $0x0  }
0x202: {  	vm15 =	veq.s32 v27, $0x0;
	v30 =	vsel vm14, v0, v1;
	v31 =	vsel vm14, v2, v3  }
0x203: {  	v32 =	vsel vm14, v4, v5;
	v47 =	vand.u32 $0x1, v38;
	v48 =	vand.u32 $0x2, v38  }
0x204: {  	v10 =	vsel vm13, v14, v50;
	v14 =	vsel vm11, v33, v34;
	vm13 =	veq.s32 v16, $0x0  }
0x205: {  	v15 =	vsel vm4, v15, v45;
	v50 =	vand.u32 $0x4, v40;
	v55 =	vsel vm7, v52, v53  }
0x206: {  	v29 =	vld [tilespmem:s25+$0x4410];
	v56 =	vsel vm7, v54, v21;
	vm4 =	veq.s32 v28, $0x0;
	v33 =	vsel vm14, v6, v7  }
0x207: {  	v21 =	vand.u32 $0x8, v61;
	v18 =	vsel vm15, v30, v31;
	v53 =	vand.u32 $0x8, v38  }
0x208: {  	v14 =	vsel vm12, v14, v35;
	v15 =	vsel vm5, v15, v46;
	vm8 =	veq.s32 v50, $0x0  }
0x209: {  	v49 =	vld [tilespmem:s25+$0x4070];
	v34 =	vsel vm15, v32, v33;
	vm5 =	veq.s32 v21, $0x0;
	v35 =	vsel vm14, v8, v9  }
0x20a: {  	v14 =	vsel vm13, v14, v36;
	v16 =	vsel vm8, v55, v56;
	v18 =	vsel vm4, v18, v34  }
0x20b: {  	v36 =	vand.u32 $0x1, v29;
	v37 =	vand.u32 $0x2, v29;
	v39 =	vand.u32 $0x4, v29  }
0x20c: {  	v40 =	vand.u32 $0x8, v29;
	v16 =	vsel vm9, v16, v57;
	v18 =	vsel vm5, v18, v35  }
0x20d: {  	vm6 =	veq.s32 v36, $0x0;
	vm7 =	veq.s32 v37, $0x0;
	vm8 =	veq.s32 v39, $0x0  }
0x20e: {  	vm9 =	veq.s32 v40, $0x0;
	v58 =	vand.u32 $0x1, v49;
	v59 =	vand.u32 $0x2, v49  }
0x20f: {  	v60 =	vand.u32 $0x4, v49;
	v19 =	vand.u32 $0x8, v49;
	v41 =	vsel vm6, v0, v1  }
0x210: {  	v50 =	vld [tilespmem:s25+$0x4430];
	v42 =	vsel vm6, v2, v3;
	v43 =	vsel vm6, v4, v5;
	v46 =	vsel vm6, v8, v9  }
0x211: {  	v49 =	vand.u32 $0x4, v38;
	vm10 =	veq.s32 v58, $0x0;
	vm11 =	veq.s32 v59, $0x0  }
0x212: {  	vm12 =	veq.s32 v60, $0x0;
	vm13 =	veq.s32 v19, $0x0;
	v44 =	vsel vm7, v41, v42  }
0x213: {  	v62 =	vsel vm10, v0, v1;
	v63 =	vsel vm10, v2, v3;
	v22 =	vsel vm10, v4, v5  }
0x214: {  	v23 =	vsel vm10, v6, v7;
	v25 =	vsel vm10, v8, v9;
	vm10 =	veq.s32 v47, $0x0  }
0x215: {  	v55 =	vand.u32 $0x1, v50;
	v56 =	vand.u32 $0x2, v50;
	v57 =	vand.u32 $0x4, v50  }
0x216: {  	[tilespmem:s25+$0xC000] =	vst v11;
	v17 =	vsel vm11, v62, v63;
	v24 =	vsel vm11, v22, v23;
	vm11 =	veq.s32 v48, $0x0  }
0x217: {  	[tilespmem:s25+$0xC010] =	vst v10;
	v11 =	vsel vm10, v0, v1;
	v10 =	vsel vm10, v2, v3;
	v51 =	vsel vm10, v4, v5  }
0x218: {  	v52 =	vsel vm10, v6, v7;
	v54 =	vsel vm10, v8, v9;
	vm14 =	veq.s32 v55, $0x0  }
0x219: {  	[tilespmem:s25+$0xC020] =	vst v12;
	vm15 =	veq.s32 v56, $0x0;
	vm4 =	veq.s32 v57, $0x0;
	v62 =	vand.u32 $0x8, v50  }
0x21a: {  	[tilespmem:s25+$0xC030] =	vst v13;
	v17 =	vsel vm12, v17, v24;
	v24 =	vsel vm6, v6, v7;
	vm12 =	veq.s32 v49, $0x0  }
0x21b: {  	[tilespmem:s25+$0xC050] =	vst v15;
	v10 =	vsel vm11, v11, v10;
	v11 =	vsel vm11, v51, v52;
	v58 =	vsel vm14, v0, v1  }
0x21c: {  	[tilespmem:s25+$0xC040] =	vst v14;
	v59 =	vsel vm14, v2, v3;
	v60 =	vsel vm14, v4, v5;
	v61 =	vsel vm14, v6, v7  }
0x21d: {  	[tilespmem:s25+$0xC060] =	vst v16;
	vm5 =	veq.s32 v62, $0x0;
	v17 =	vsel vm13, v17, v25;
	v45 =	vsel vm7, v43, v24  }
0x21e: {  	[tilespmem:s25+$0xC400] =	vst v18;
	vm13 =	veq.s32 v53, $0x0;
	v10 =	vsel vm12, v10, v11;
	v19 =	vsel vm8, v44, v45  }
0x21f: {  	v12 =	vsel vm15, v58, v59;
	v63 =	vsel vm15, v60, v61;
	[tilespmem:s25+$0xC070] =	vst v17;
	v11 =	vsel vm9, v19, v46  }
0x220: {  	v10 =	vsel vm13, v10, v54;
	v12 =	vsel vm4, v12, v63;
	[tilespmem:s25+$0xC410] =	vst v11;
	v11 =	vsel vm14, v8, v9  }
0x221: {  	[tilespmem:s25+$0xC420] =	vst v10;
	v10 =	vsel vm5, v12, v11  }
0x222: {  	s26 =	sor.u32 $0x4440, s25;
	[tilespmem:s25+$0xC430] =	vst v10  }
0x223: {  	v11 =	vld.msk [tilespmem:s26+$0x0], $0xff;
	_ =	sdelay $0x4  }
0x224: {  	v17 =	vand.u32 $0x1, v11  }
0x225: {  	v18 =	vand.u32 $0x2, v11;
	v19 =	vand.u32 $0x4, v11;
	vm6 =	veq.s32 v17, $0x0  }
0x226: {  	v11 =	vand.u32 $0x8, v11;
	vm7 =	veq.s32 v18, $0x0;
	v20 =	vsel vm6, v0, v1  }
0x227: {  	v21 =	vsel vm6, v2, v3;
	v22 =	vsel vm6, v4, v5;
	v23 =	vsel vm6, v6, v7  }
0x228: {  	vm8 =	veq.s32 v19, $0x0;
	v12 =	vsel vm7, v20, v21;
	v24 =	vsel vm7, v22, v23  }
0x229: {  	vm9 =	veq.s32 v11, $0x0;
	v11 =	vsel vm6, v8, v9;
	v12 =	vsel vm8, v12, v24  }
0x22a: {  	s30 =	sor.u32 $0xC440, s25;
	[tilespmem:s25+$0xC430] =	vst v10;
	v11 =	vsel vm9, v12, v11  }
0x22b: {  	[tilespmem:s30+$0x0] =	vst.msk $0xff, v11  }
0x22c: {  	v10 =	vld [tilespmem:s25+$0x4080]  }
0x22d: {  	v26 =	vld [tilespmem:s25+$0x4090]  }
0x22e: {  	v32 =	vld [tilespmem:s25+$0x40A0];
	_ =	sdelay $0x1  }
0x22f: {  	v41 =	vld [tilespmem:s25+$0x40B0]  }
0x230: {  	v50 =	vld [tilespmem:s25+$0x40C0]  }
0x231: {  	v63 =	vld [tilespmem:s25+$0x40D0];
	v11 =	vand.u32 $0x1, v10;
	v25 =	vand.u32 $0x2, v10  }
0x232: {  	v31 =	vand.u32 $0x4, v26;
	v13 =	vand.u32 $0x8, v26;
	v38 =	vand.u32 $0x1, v32  }
0x233: {  	v39 =	vand.u32 $0x2, v32;
	v40 =	vand.u32 $0x4, v32;
	v15 =	vand.u32 $0x8, v32  }
0x234: {  	v48 =	vand.u32 $0x1, v41;
	v49 =	vand.u32 $0x2, v41;
	v51 =	vand.u32 $0x4, v41  }
0x235: {  	v52 =	vand.u32 $0x8, v41;
	v60 =	vand.u32 $0x1, v50;
	v61 =	vand.u32 $0x2, v50  }
0x236: {  	v62 =	vand.u32 $0x4, v50;
	v16 =	vand.u32 $0x8, v50;
	v32 =	vand.u32 $0x4, v63  }
0x237: {  	v18 =	vand.u32 $0x8, v63;
	vm10 =	veq.s32 v11, $0x0;
	vm11 =	veq.s32 v25, $0x0  }
0x238: {  	v11 =	vand.u32 $0x4, v10;
	v10 =	vand.u32 $0x8, v10;
	vm4 =	veq.s32 v31, $0x0  }
0x239: {  	vm5 =	veq.s32 v13, $0x0;
	vm6 =	veq.s32 v38, $0x0;
	vm7 =	veq.s32 v39, $0x0  }
0x23a: {  	vm8 =	veq.s32 v40, $0x0;
	vm9 =	veq.s32 v15, $0x0;
	v31 =	vand.u32 $0x2, v63  }
0x23b: {  	vm12 =	veq.s32 v11, $0x0;
	v11 =	vsel vm10, v0, v1;
	v27 =	vsel vm10, v2, v3  }
0x23c: {  	v28 =	vsel vm10, v4, v5;
	v29 =	vsel vm10, v6, v7;
	vm13 =	veq.s32 v10, $0x0  }
0x23d: {  	v30 =	vsel vm10, v8, v9;
	v42 =	vsel vm6, v0, v1;
	v43 =	vsel vm6, v2, v3  }
0x23e: {  	v44 =	vsel vm6, v4, v5;
	v45 =	vsel vm6, v6, v7;
	v47 =	vsel vm6, v8, v9  }
0x23f: {  	vm10 =	veq.s32 v48, $0x0;
	v10 =	vsel vm11, v11, v27;
	v11 =	vsel vm11, v28, v29  }
0x240: {  	v12 =	vsel vm7, v42, v43;
	v46 =	vsel vm7, v44, v45;
	vm11 =	veq.s32 v49, $0x0  }
0x241: {  	v53 =	vsel vm10, v0, v1;
	v54 =	vsel vm10, v2, v3;
	v55 =	vsel vm10, v4, v5  }
0x242: {  	v56 =	vsel vm10, v6, v7;
	v59 =	vsel vm10, v8, v9;
	vm7 =	veq.s32 v31, $0x0  }
0x243: {  	v10 =	vsel vm12, v10, v11;
	v11 =	vand.u32 $0x1, v26;
	v12 =	vsel vm8, v12, v46  }
0x244: {  	vm12 =	veq.s32 v51, $0x0;
	v57 =	vsel vm11, v53, v54;
	v58 =	vsel vm11, v55, v56  }
0x245: {  	vm8 =	veq.s32 v32, $0x0;
	vm14 =	veq.s32 v11, $0x0;
	v11 =	vand.u32 $0x2, v26  }
0x246: {  	v12 =	vsel vm9, v12, v47;
	v13 =	vsel vm12, v57, v58;
	vm9 =	veq.s32 v18, $0x0  }
0x247: {  	vm15 =	veq.s32 v11, $0x0;
	v11 =	vsel vm14, v0, v1;
	v33 =	vsel vm14, v2, v3  }
0x248: {  	v34 =	vsel vm14, v4, v5;
	v35 =	vsel vm14, v6, v7;
	v37 =	vsel vm14, v8, v9  }
0x249: {  	v42 =	vld [tilespmem:s25+$0x40F0];
	vm14 =	veq.s32 v60, $0x0;
	v11 =	vsel vm15, v11, v33;
	v36 =	vsel vm15, v34, v35  }
0x24a: {  	vm15 =	veq.s32 v61, $0x0;
	v24 =	vsel vm14, v0, v1;
	v25 =	vsel vm14, v2, v3  }
0x24b: {  	v26 =	vsel vm14, v4, v5;
	v27 =	vsel vm14, v6, v7;
	v29 =	vsel vm14, v8, v9  }
0x24c: {  	v55 =	vld [tilespmem:s25+$0x4480];
	v14 =	vsel vm4, v11, v36;
	v11 =	vsel vm13, v10, v30;
	vm13 =	veq.s32 v52, $0x0  }
0x24d: {  	vm4 =	veq.s32 v62, $0x0;
	v28 =	vsel vm15, v26, v27;
	v30 =	vand.u32 $0x1, v63  }
0x24e: {  	v52 =	vand.u32 $0x1, v42;
	v53 =	vand.u32 $0x2, v42;
	v54 =	vand.u32 $0x4, v42  }
0x24f: {  	v19 =	vand.u32 $0x8, v42;
	v10 =	vsel vm5, v14, v37;
	v14 =	vsel vm15, v24, v25  }
0x250: {  	vm5 =	veq.s32 v16, $0x0;
	v13 =	vsel vm13, v13, v59;
	vm6 =	veq.s32 v30, $0x0  }
0x251: {  	vm14 =	veq.s32 v52, $0x0;
	vm15 =	veq.s32 v53, $0x0;
	v62 =	vand.u32 $0x1, v55  }
0x252: {  	v26 =	vand.u32 $0x2, v55;
	v27 =	vand.u32 $0x4, v55;
	v14 =	vsel vm4, v14, v28  }
0x253: {  	v34 =	vsel vm6, v0, v1;
	v35 =	vsel vm6, v2, v3;
	v36 =	vsel vm6, v4, v5  }
0x254: {  	v37 =	vsel vm6, v6, v7;
	v39 =	vsel vm6, v8, v9;
	vm4 =	veq.s32 v54, $0x0  }
0x255: {  	v56 =	vsel vm14, v0, v1;
	v57 =	vsel vm14, v2, v3;
	v58 =	vsel vm14, v4, v5  }
0x256: {  	v33 =	vld [tilespmem:s25+$0x40E0];
	v59 =	vsel vm14, v6, v7;
	v61 =	vsel vm14, v8, v9;
	vm6 =	veq.s32 v62, $0x0  }
0x257: {  	v28 =	vand.u32 $0x8, v55;
	v14 =	vsel vm5, v14, v29;
	v15 =	vsel vm7, v34, v35  }
0x258: {  	v38 =	vsel vm7, v36, v37;
	v17 =	vsel vm15, v56, v57;
	v60 =	vsel vm15, v58, v59  }
0x259: {  	vm5 =	veq.s32 v19, $0x0;
	vm7 =	veq.s32 v26, $0x0;
	v29 =	vsel vm6, v0, v1  }
0x25a: {  	v30 =	vsel vm6, v2, v3;
	v31 =	vsel vm6, v4, v5;
	v32 =	vsel vm6, v6, v7  }
0x25b: {  	v63 =	vld [tilespmem:s25+$0x4490];
	v15 =	vsel vm8, v15, v38;
	v40 =	vand.u32 $0x1, v33;
	v41 =	vand.u32 $0x2, v33  }
0x25c: {  	v43 =	vand.u32 $0x4, v33;
	v44 =	vand.u32 $0x8, v33;
	v17 =	vsel vm4, v17, v60  }
0x25d: {  	vm8 =	veq.s32 v27, $0x0;
	v33 =	vsel vm6, v8, v9;
	v18 =	vsel vm7, v29, v30  }
0x25e: {  	v34 =	vsel vm7, v31, v32;
	v15 =	vsel vm9, v15, v39;
	vm10 =	veq.s32 v40, $0x0  }
0x25f: {  	vm11 =	veq.s32 v41, $0x0;
	vm12 =	veq.s32 v43, $0x0;
	vm13 =	veq.s32 v44, $0x0  }
0x260: {  	v17 =	vsel vm5, v17, v61;
	vm9 =	veq.s32 v28, $0x0;
	v35 =	vand.u32 $0x1, v63  }
0x261: {  	v18 =	vsel vm8, v18, v34;
	v37 =	vand.u32 $0x2, v63;
	v38 =	vand.u32 $0x4, v63  }
0x262: {  	v19 =	vand.u32 $0x8, v63;
	v45 =	vsel vm10, v0, v1;
	v46 =	vsel vm10, v2, v3  }
0x263: {  	v36 =	vld [tilespmem:s25+$0x44A0];
	v47 =	vsel vm10, v4, v5;
	v48 =	vsel vm10, v6, v7;
	v51 =	vsel vm10, v8, v9  }
0x264: {  	vm10 =	veq.s32 v35, $0x0;
	v18 =	vsel vm9, v18, v33;
	vm6 =	veq.s32 v19, $0x0  }
0x265: {  	v49 =	vsel vm11, v45, v46;
	v50 =	vsel vm11, v47, v48;
	vm11 =	veq.s32 v37, $0x0  }
0x266: {  	v21 =	vsel vm10, v0, v1;
	v39 =	vsel vm10, v2, v3;
	v25 =	vsel vm10, v4, v5  }
0x267: {  	v26 =	vsel vm10, v6, v7;
	v16 =	vsel vm12, v49, v50;
	vm12 =	veq.s32 v38, $0x0  }
0x268: {  	v40 =	vsel vm11, v21, v39;
	v41 =	vsel vm11, v25, v26;
	v42 =	vand.u32 $0x1, v36  }
0x269: {  	v43 =	vand.u32 $0x2, v36;
	v16 =	vsel vm13, v16, v51;
	vm13 =	veq.s32 v42, $0x0  }
0x26a: {  	v46 =	vld [tilespmem:s25+$0x44B0];
	v44 =	vand.u32 $0x4, v36;
	vm14 =	veq.s32 v43, $0x0;
	v45 =	vsel vm13, v0, v1  }
0x26b: {  	[tilespmem:s25+$0xC080] =	vst v11;
	v11 =	vsel vm13, v2, v3;
	v47 =	vsel vm13, v4, v5;
	v48 =	vsel vm13, v6, v7  }
0x26c: {  	[tilespmem:s25+$0xC090] =	vst v10;
	vm15 =	veq.s32 v44, $0x0;
	v10 =	vsel vm14, v45, v11;
	v11 =	vsel vm14, v47, v48  }
0x26d: {  	[tilespmem:s25+$0xC0A0] =	vst v12;
	v49 =	vsel vm10, v8, v9;
	v10 =	vsel vm15, v10, v11;
	v11 =	vand.u32 $0x8, v36  }
0x26e: {  	[tilespmem:s25+$0xC0B0] =	vst v13;
	v20 =	vsel vm12, v40, v41;
	vm7 =	veq.s32 v11, $0x0;
	v11 =	vsel vm13, v8, v9  }
0x26f: {  	[tilespmem:s25+$0xC0C0] =	vst v14;
	v12 =	vsel vm6, v20, v49;
	v10 =	vsel vm7, v10, v11;
	v11 =	vand.u32 $0x1, v46  }
0x270: {  	[tilespmem:s25+$0xC0D0] =	vst v15;
	v50 =	vand.u32 $0x4, v46;
	vm8 =	veq.s32 v11, $0x0;
	v11 =	vand.u32 $0x2, v46  }
0x271: {  	[tilespmem:s25+$0xC0F0] =	vst v17;
	v54 =	vand.u32 $0x8, v46;
	vm9 =	veq.s32 v11, $0x0;
	v11 =	vsel vm8, v0, v1  }
0x272: {  	[tilespmem:s25+$0xC480] =	vst v18;
	v51 =	vsel vm8, v2, v3;
	v52 =	vsel vm8, v4, v5;
	v53 =	vsel vm8, v6, v7  }
0x273: {  	[tilespmem:s25+$0xC0E0] =	vst v16;
	vm10 =	veq.s32 v50, $0x0;
	v11 =	vsel vm9, v11, v51;
	v14 =	vsel vm9, v52, v53  }
0x274: {  	[tilespmem:s25+$0xC490] =	vst v12;
	vm11 =	veq.s32 v54, $0x0;
	v55 =	vsel vm8, v8, v9;
	v11 =	vsel vm10, v11, v14  }
0x275: {  	[tilespmem:s25+$0xC4A0] =	vst v10;
	v10 =	vsel vm11, v11, v55  }
0x276: {  	s31 =	sor.u32 $0x44C0, s25;
	[tilespmem:s25+$0xC4B0] =	vst v10  }
0x277: {  	v11 =	vld.msk [tilespmem:s31+$0x0], $0xff;
	_ =	sdelay $0x4  }
0x278: {  	v56 =	vand.u32 $0x1, v11  }
0x279: {  	v57 =	vand.u32 $0x2, v11;
	v58 =	vand.u32 $0x4, v11;
	vm12 =	veq.s32 v56, $0x0  }
0x27a: {  	p0 =	sne.s32 s24, $0x1F00;
	v11 =	vand.u32 $0x8, v11;
	vm13 =	veq.s32 v57, $0x0;
	v59 =	vsel vm12, v0, v1  }
.Ltmp1:
0x27b: {  	v60 =	vsel vm12, v2, v3;
	v61 =	vsel vm12, v4, v5;
	v62 =	vsel vm12, v6, v7;
	(pc) =	sbr.rel @p0 .LBB2_4-.Ltmp1, $4  }
0x27c: {  	vm14 =	veq.s32 v58, $0x0;
	v12 =	vsel vm13, v59, v60;
	v63 =	vsel vm13, v61, v62  }
0x27d: {  	vm15 =	veq.s32 v11, $0x0;
	v11 =	vsel vm12, v8, v9;
	v12 =	vsel vm14, v12, v63  }
0x27e: {  	[tilespmem:s25+$0xC4B0] =	vst v10;
	s25 =	sor.u32 $0xC4C0, s25;
	v11 =	vsel vm15, v12, v11  }
0x27f: {  	s23 =	sadd.s32 $0x200, s23;
	s24 =	sadd.s32 $0x100, s24;
	[tilespmem:s25+$0x0] =	vst.msk $0xff, v11  }
0x280: {  	[hbm4b:s9+s1] =	stream.linear.scatter [tilespmem:s19], [sflag:$0x4], $0x4000, $0x38;
	[tilespmem:$0x18080] =	vst v63  }
0x281: {  	s22 =	sadd.s32 $0x1, s22  }
0x282: {  	_ =	swait.ge [sflag:s20], $0x4000;
	p0 =	sne.s32 s22, s10  }
.Ltmp2:
0x283: {  	[sflag:s20] =	ssyncset.done $0x0;
	(pc) =	sbr.rel @p0 .LBB2_1-.Ltmp2, $4  }
0x284: {  	[sflag:s20] =	ssyncadd.s32 $0xFFFFC000  }
0x285: {  	_ =	swait.ge [sflag:s21], $0x4000  }
0x286: {  	[sflag:s21] =	ssyncset.done $0x0  }
0x287: {  	[sflag:s21] =	ssyncadd.s32 $0xFFFFC000  }
0x288: {  	_ =	sfence.sel $0x180000  }
0x289: {  	[bflag:$0x0] =	sbarrier.arrive $0xFFFF  }
0x28a: {  	p0 =	sne.s32 s2, $0x0;
	_ =	strace $0x90000047  }
0x28b: {  	s0 =	sadd.s32 @!p0 $0x100000, s0;
	[bflag:$0x2] =	sbarrier.arrive $0xFFFF  }
0x28c: {  	[sflag:s0] =	ssyncadd.tile.s32 @!p0 $0x1;
	_ =	shalt  }
.Lfunc_end2:
_tile_overlayer_lowered:
.L_overlay_start_2:
0x28d: {  	(tag) =	ssettag $0x2  }
0x28e: {  	s0 =	rddreg [dreg:$0x0];
	s2 =	stileid.u32  }
0x28f: {  	s1 =	rddreg [dreg:$0x1];
	p0 =	sne.s32 s2, $0x0  }
0x290: {  	s3 =	rddreg [dreg:$0x2];
	[bflag:$0x3] =	sbarrier.arrive $0xFFFF;
	s2 =	simm.s32 @!p0 $0x1C05  }
0x291: {  	[timem:s3], [sflag:s2] =	dma.local @!p0 [hbm:s0], s1  }
0x292: {  	s0 =	simm.s32 @!p0 $0x5  }
0x293: {  	_ =	swait.ge @!p0 [sflag:s0], s1  }
0x294: {  	s1 =	ssub.s32 @!p0 $0x0, s1;
	[sflag:s0] =	ssyncset.done @!p0 $0x0  }
0x295: {  	[sflag:s0] =	ssyncadd.s32 @!p0 s1  }
0x296: {  	[bflag:$0x3] =	sbarrier.arrive $0xFFFF  }
0x297: {  	_ =	shalt  }

</sc_bundles>
